<compile_context>
chip_gen: v7x
topology: tpu7x:2x2x1
jax: 0.10.2.dev20260603
libtpu: 0.0.44.dev20260713+nightly
codegen_flags: <defaults>
</compile_context>

<pallas_src>
import functools

import numpy as np
import jax
import jax.numpy as jnp
from jax import lax
from jax.experimental import pallas as pl
from jax.experimental.pallas import tpu as pltpu
from jax.experimental.pallas import tpu_sc as plsc

_F = 26
_E = 16
_B = 4096
_MLP_IN = _F * _E
_NC = 2
_NS = 16
_NW = _NC * _NS
_LPW = _B * _F // _NW
_BPW = _B // _NW
_TCH = 64
_NTCH = _LPW // _TCH
_CH = 128
_NCH = _LPW // _CH
_RW = 4096
_RG = (2600000 + _RW - 1) // _RW

_OFFSETS = np.arange(_F, dtype=np.int32) * 100000
_OFF_REP = np.tile(_OFFSETS, _LPW // _F)
_SEL = np.tile(np.eye(_E, dtype=np.float32), (_F, 1))


def _repack_body(tt_ref, o_ref):
    w = tt_ref[...]
    w3 = w.reshape(16, _RW // 16, 16)
    for e in range(16):
        o_ref[:, e * 16:(e + 1) * 16] = w3[e]


def _repack(tt):
    return pl.pallas_call(
        _repack_body,
        grid=(_RG,),
        in_specs=[pl.BlockSpec((16, _RW), lambda i: (0, i))],
        out_specs=pl.BlockSpec((_RW // 16, 256), lambda i: (i, 0)),
        out_shape=jax.ShapeDtypeStruct((162500, 256), jnp.float32),
    )(tt)


def _sc_table_body(xf_hbm, off_hbm, tp_hbm, outv_hbm,
                   idx_v, off_v, qrow_v, lane_v, gbuf_v, rows_v, sem_a, sem_b):
    wid = lax.axis_index("s") * _NC + lax.axis_index("c")
    base = wid * _LPW
    pltpu.sync_copy(xf_hbm.at[pl.ds(base, _LPW)], idx_v)
    pltpu.sync_copy(off_hbm, off_v)

    def _add(i, carry):
        s = pl.ds(i * 16, 16)
        ix = idx_v[s] + off_v[s]
        qrow_v[s] = lax.shift_right_logical(ix, 4)
        lane_v[s] = lax.bitwise_and(ix, 15)
        return carry

    lax.fori_loop(0, _LPW // 16, _add, 0)

    def _start(j, b):
        isl = pl.ds(j * _TCH, _TCH)
        @pl.when(b == 0)
        def _():
            pltpu.make_async_copy(
                tp_hbm.at[qrow_v.at[isl]], gbuf_v.at[0], sem_a).start()
        @pl.when(b != 0)
        def _():
            pltpu.make_async_copy(
                tp_hbm.at[qrow_v.at[isl]], gbuf_v.at[1], sem_b).start()

    def _wait_one(b):
        isl = pl.ds(0, _TCH)
        @pl.when(b == 0)
        def _():
            pltpu.make_async_copy(
                tp_hbm.at[qrow_v.at[isl]], gbuf_v.at[0], sem_a).wait()
        @pl.when(b != 0)
        def _():
            pltpu.make_async_copy(
                tp_hbm.at[qrow_v.at[isl]], gbuf_v.at[1], sem_b).wait()

    def _extract(j, b):
        for g in range(_TCH // 16):
            i16 = jnp.arange(16, dtype=jnp.int32) + g * 16
            m16 = lane_v[pl.ds(j * _TCH + g * 16, 16)]
            lk16 = i16 + j * _TCH
            smp16 = lax.div(lk16, 26)
            col16 = (lk16 - smp16 * 26) * 16
            b16 = jnp.full((16,), b, dtype=jnp.int32)
            for e in range(_E):
                vals = plsc.load_gather(
                    gbuf_v, [b16, i16, m16 + e * 16])
                plsc.store_scatter(rows_v, [smp16, col16 + e], vals)

    _start(0, 0)

    def _step(j, carry):
        b = lax.rem(j, 2)
        _start(j + 1, 1 - b)
        _wait_one(b)
        _extract(j, b)
        return carry

    lax.fori_loop(0, _NTCH - 1, _step, 0, unroll=False)
    _wait_one(lax.rem(_NTCH - 1, 2))
    _extract(_NTCH - 1, lax.rem(_NTCH - 1, 2))

    pltpu.sync_copy(rows_v, outv_hbm.at[pl.ds(wid * _BPW, _BPW)])


@functools.lru_cache(maxsize=1)
def _sc_table():
    return pl.kernel(
        _sc_table_body,
        out_type=jax.ShapeDtypeStruct((_B, _MLP_IN), jnp.float32),
        mesh=plsc.VectorSubcoreMesh(core_axis_name="c", subcore_axis_name="s",
                                    num_cores=_NC, num_subcores=_NS),
        scratch_types=[
            pltpu.VMEM((_LPW,), jnp.int32),
            pltpu.VMEM((_LPW,), jnp.int32),
            pltpu.VMEM((_LPW,), jnp.int32),
            pltpu.VMEM((_LPW,), jnp.int32),
            pltpu.VMEM((2, _TCH, 256), jnp.float32),
            pltpu.VMEM((_BPW, _MLP_IN), jnp.float32),
            pltpu.SemaphoreType.DMA,
            pltpu.SemaphoreType.DMA,
        ],
        compiler_params=pltpu.CompilerParams(use_tc_tiling_on_sc=True,
                                             needs_layout_passes=False),
    )


def _sc_fc_body(xf_hbm, off_hbm, fc16_hbm, outf_hbm,
                idx_v, off_v, fcrow_v, lane_v, fcr16_v, fcs_v, sem_f):
    wid = lax.axis_index("s") * _NC + lax.axis_index("c")
    base = wid * _LPW
    pltpu.sync_copy(xf_hbm.at[pl.ds(base, _LPW)], idx_v)
    pltpu.sync_copy(off_hbm, off_v)

    def _add(i, carry):
        s = pl.ds(i * 16, 16)
        ix = idx_v[s] + off_v[s]
        fcrow_v[s] = lax.shift_right_logical(ix, 4)
        lane_v[s] = lax.bitwise_and(ix, 15)
        return carry

    lax.fori_loop(0, _LPW // 16, _add, 0)

    def _start(j):
        isl = pl.ds(j * _CH, _CH)
        pltpu.make_async_copy(
            fc16_hbm.at[fcrow_v.at[isl]], fcr16_v.at[isl], sem_f).start()

    def _wait_one():
        isl = pl.ds(0, _CH)
        pltpu.make_async_copy(
            fc16_hbm.at[fcrow_v.at[isl]], fcr16_v.at[isl], sem_f).wait()

    _start(0)

    def _step(j, carry):
        _start(j + 1)
        _wait_one()
        return carry

    lax.fori_loop(0, _NCH - 1, _step, 0)
    _wait_one()

    def _sel(i, carry):
        s = pl.ds(i * 16, 16)
        rows = jnp.arange(16, dtype=jnp.int32) + i * 16
        fcs_v[s] = plsc.load_gather(fcr16_v, [rows, lane_v[s]])
        return carry

    lax.fori_loop(0, _LPW // 16, _sel, 0)

    pltpu.sync_copy(fcs_v, outf_hbm.at[pl.ds(base, _LPW)])


@functools.lru_cache(maxsize=1)
def _sc_fc():
    return pl.kernel(
        _sc_fc_body,
        out_type=jax.ShapeDtypeStruct((_B * _F,), jnp.float32),
        mesh=plsc.VectorSubcoreMesh(core_axis_name="c", subcore_axis_name="s",
                                    num_cores=_NC, num_subcores=_NS),
        scratch_types=[
            pltpu.VMEM((_LPW,), jnp.int32),
            pltpu.VMEM((_LPW,), jnp.int32),
            pltpu.VMEM((_LPW,), jnp.int32),
            pltpu.VMEM((_LPW,), jnp.int32),
            pltpu.VMEM((_LPW, _E), jnp.float32),
            pltpu.VMEM((_LPW,), jnp.float32),
            pltpu.SemaphoreType.DMA,
        ],
        compiler_params=pltpu.CompilerParams(use_tc_tiling_on_sc=False,
                                             needs_layout_passes=False),
    )


def _tc_body(v_ref, fcg_ref, sel_ref, w1_ref, b1_ref, g1_ref, be1_ref,
             w2_ref, b2_ref, g2_ref, be2_ref, w3_ref, b3_ref, bias_ref, o_ref):
    v = v_ref[...]
    s = jnp.dot(v, sel_ref[...], preferred_element_type=jnp.float32)
    inter = 0.5 * (jnp.sum(s * s, axis=1, keepdims=True)
                   - jnp.sum(v * v, axis=1, keepdims=True))
    lin = jnp.sum(fcg_ref[...], axis=1, keepdims=True) + bias_ref[0, 0]

    h = jnp.dot(v, w1_ref[...], preferred_element_type=jnp.float32) + b1_ref[...]
    m = jnp.mean(h, axis=0, keepdims=True)
    var = jnp.mean((h - m) ** 2, axis=0, keepdims=True)
    h = jnp.maximum((h - m) / jnp.sqrt(var + 1e-5) * g1_ref[...] + be1_ref[...],
                    0.0)

    h = jnp.dot(h, w2_ref[...], preferred_element_type=jnp.float32) + b2_ref[...]
    m = jnp.mean(h, axis=0, keepdims=True)
    var = jnp.mean((h - m) ** 2, axis=0, keepdims=True)
    h = jnp.maximum((h - m) / jnp.sqrt(var + 1e-5) * g2_ref[...] + be2_ref[...],
                    0.0)

    y = jnp.dot(h, w3_ref[...], preferred_element_type=jnp.float32) + b3_ref[...]
    o_ref[...] = jax.nn.sigmoid(lin + inter + y)


def kernel(x, table, fc, bias, W1, b1, g1, be1, W2, b2, g2, be2, W3, b3):
    xf = x.reshape(-1)
    off = jnp.asarray(_OFF_REP)
    tp = _repack(table.T)
    v2d = _sc_table()(xf, off, tp)
    fc_rows = _sc_fc()(xf, off, fc.reshape(-1, _E))
    fcg = fc_rows.reshape(_B, _F)
    sel = jnp.asarray(_SEL)
    out = pl.pallas_call(
        _tc_body,
        out_shape=jax.ShapeDtypeStruct((_B, 1), jnp.float32),
    )(v2d, fcg, sel,
      W1, b1.reshape(1, -1), g1.reshape(1, -1), be1.reshape(1, -1),
      W2, b2.reshape(1, -1), g2.reshape(1, -1), be2.reshape(1, -1),
      W3, b3.reshape(1, 1), bias.reshape(1, 1))
    return out[:, 0]

# --- scband reference (transcript-rebuilt; emitter-appended) ---
"""Pipeline reference for scband-deep-factorization-machine-model-33904471835617 (READ-ONLY COPY).

The authoritative reference and input builder live on the scoring server;
editing this copy changes nothing except your own understanding.
"""

import jax, jax.numpy as jnp
import numpy as np

FIELD_DIMS = [100000] * 26
EMBED_DIM = 16
B = 4096
F = len(FIELD_DIMS)
TOTAL = sum(FIELD_DIMS)
MLP_IN = F * EMBED_DIM  # 416
FC_DIMS = [64, 32]


def setup_inputs(seed: int = 0) -> dict:
    key = jax.random.key(seed)
    ks = jax.random.split(key, 16)
    x = jax.random.randint(ks[0], (B, F), 0, FIELD_DIMS[0], dtype=jnp.int32)
    table = jax.random.normal(ks[1], (TOTAL, EMBED_DIM), jnp.float32) * 0.01
    fc = jax.random.normal(ks[2], (TOTAL, 1), jnp.float32) * 0.01
    bias = jnp.zeros((1,), jnp.float32)
    W1 = jax.random.normal(ks[3], (MLP_IN, FC_DIMS[0]), jnp.float32) * 0.05
    b1 = jnp.zeros((FC_DIMS[0],), jnp.float32)
    g1 = jnp.ones((FC_DIMS[0],), jnp.float32)
    be1 = jnp.zeros((FC_DIMS[0],), jnp.float32)
    W2 = jax.random.normal(ks[4], (FC_DIMS[0], FC_DIMS[1]), jnp.float32) * 0.05
    b2 = jnp.zeros((FC_DIMS[1],), jnp.float32)
    g2 = jnp.ones((FC_DIMS[1],), jnp.float32)
    be2 = jnp.zeros((FC_DIMS[1],), jnp.float32)
    W3 = jax.random.normal(ks[5], (FC_DIMS[1], 1), jnp.float32) * 0.05
    b3 = jnp.zeros((1,), jnp.float32)
    return {"x": x, "table": table, "fc": fc, "bias": bias,
            "W1": W1, "b1": b1, "g1": g1, "be1": be1,
            "W2": W2, "b2": b2, "g2": g2, "be2": be2,
            "W3": W3, "b3": b3}


def _bn(h, g, b):
    m = jnp.mean(h, axis=0)
    v = jnp.mean((h - m) ** 2, axis=0)
    return (h - m) / jnp.sqrt(v + 1e-5) * g + b


def reference(x, table, fc, bias, W1, b1, g1, be1, W2, b2, g2, be2, W3, b3):
    offsets = jnp.asarray(np.concatenate([[0], np.cumsum(FIELD_DIMS)[:-1]]), dtype=jnp.int32)
    idx = x + offsets[None, :]
    v = jnp.take(table, idx, axis=0)  # [B, F, E]
    part1 = jnp.sum(v, axis=1) ** 2
    part2 = jnp.sum(v ** 2, axis=1)
    inter = jnp.sum(part1 - part2, axis=1) * 0.5
    lin = jnp.sum(jnp.take(fc, idx, axis=0), axis=1) + bias  # [B, 1]
    y_fm = lin[:, 0] + inter
    h = v.reshape(v.shape[0], -1)
    h = jax.nn.relu(_bn(h @ W1 + b1, g1, be1))
    h = jax.nn.relu(_bn(h @ W2 + b2, g2, be2))
    y_mlp = (h @ W3 + b3)[:, 0]
    return jax.nn.sigmoid(y_fm + y_mlp)

if __name__ == "__main__":
    import jax
    _d = setup_inputs()
    print(jax.jit(kernel)(*tuple(_d.values())))

</pallas_src>

<mosaic_0001>
#map = affine_map<(d0, d1) -> (0)>
#map1 = affine_map<(d0, d1) -> (0, 0)>
module attributes {stable_mosaic.version = 14 : i64} {
  func.func @_sc_fc_body(%arg0: i32, %arg1: i32, %arg2: memref<106496xi32, #tpu.memory_space<hbm>>, %arg3: memref<3328xi32, #tpu.memory_space<hbm>>, %arg4: memref<162500x16xf32, #tpu.memory_space<hbm>>, %arg5: memref<106496xf32, #tpu.memory_space<hbm>>, %arg6: memref<3328xi32, #tpu.memory_space<vmem>>, %arg7: memref<3328xi32, #tpu.memory_space<vmem>>, %arg8: memref<3328xi32, #tpu.memory_space<vmem>>, %arg9: memref<3328xi32, #tpu.memory_space<vmem>>, %arg10: memref<3328x16xf32, #tpu.memory_space<vmem>>, %arg11: memref<3328xf32, #tpu.memory_space<vmem>>, %arg12: memref<!tpu.dma_semaphore, #tpu.memory_space<semaphore_mem>>) attributes {dimension_semantics = [#tpu.dimension_semantics<core_parallel>, #tpu.dimension_semantics<subcore_parallel>], iteration_bounds = array<i64: 2, 16>, scalar_prefetch = 0 : i64, scratch_operands = 7 : i64, tpu.core_type = #tpu.core_type<sc_vector_subcore>, window_params = [{transform_indices = #map}, {transform_indices = #map}, {transform_indices = #map1}, {transform_indices = #map}]} {
    %mul3A = arith.constant 2 : i32
    %mul3A_0 = arith.muli %arg1, %mul3A : i32
    %add3A = arith.addi %mul3A_0, %arg0 : i32
    %mul3A_1 = arith.constant 3328 : i32
    %mul3A_2 = arith.muli %add3A, %mul3A_1 : i32
    "tpu.region"() ({
      %run_scoped3A = tpu.sem_alloc : memref<!tpu.dma_semaphore, #tpu.memory_space<semaphore_mem>>
      %dma_start3A_34 = tpu.memref_slice %arg2[%mul3A_2] : memref<106496xi32, #tpu.memory_space<hbm>> -> memref<3328xi32, #tpu.memory_space<hbm>>
      %dma_start3A_35 = tpu.memref_slice %arg2[%mul3A_2] : memref<106496xi32, #tpu.memory_space<hbm>> -> memref<3328xi32, #tpu.memory_space<hbm>>
      tpu.enqueue_dma source(%dma_start3A_35 : memref<3328xi32, #tpu.memory_space<hbm>>) target(%arg6 : memref<3328xi32, #tpu.memory_space<vmem>>) target_semaphore(%run_scoped3A : memref<!tpu.dma_semaphore, #tpu.memory_space<semaphore_mem>>)
      %dma_wait3A_36 = tpu.memref_slice %arg2[%mul3A_2] : memref<106496xi32, #tpu.memory_space<hbm>> -> memref<3328xi32, #tpu.memory_space<hbm>>
      %dma_wait3A_37 = tpu.memref_slice %arg2[%mul3A_2] : memref<106496xi32, #tpu.memory_space<hbm>> -> memref<3328xi32, #tpu.memory_space<hbm>>
      tpu.wait_dma2 semaphore(%run_scoped3A : memref<!tpu.dma_semaphore, #tpu.memory_space<semaphore_mem>>) src(%dma_wait3A_37 : memref<3328xi32, #tpu.memory_space<hbm>>) dst(%arg6 : memref<3328xi32, #tpu.memory_space<vmem>>)
      tpu.yield
    }) : () -> ()
    "tpu.region"() ({
      %run_scoped3A = tpu.sem_alloc : memref<!tpu.dma_semaphore, #tpu.memory_space<semaphore_mem>>
      tpu.enqueue_dma source(%arg3 : memref<3328xi32, #tpu.memory_space<hbm>>) target(%arg7 : memref<3328xi32, #tpu.memory_space<vmem>>) target_semaphore(%run_scoped3A : memref<!tpu.dma_semaphore, #tpu.memory_space<semaphore_mem>>)
      tpu.wait_dma2 semaphore(%run_scoped3A : memref<!tpu.dma_semaphore, #tpu.memory_space<semaphore_mem>>) src(%arg3 : memref<3328xi32, #tpu.memory_space<hbm>>) dst(%arg7 : memref<3328xi32, #tpu.memory_space<vmem>>)
      tpu.yield
    }) : () -> ()
    %scan3A = arith.constant 0 : i32
    %scan3A_3 = arith.constant 0 : i32
    %scan3A_4 = arith.constant 208 : i32
    %scan3A_5 = arith.addi %scan3A_3, %scan3A_4 : i32
    %scan3A_6 = arith.constant 1 : i32
    scf.for %scan3A_34 = %scan3A_3 to %scan3A_5 step %scan3A_6  : i32 {
      %mul3A_35 = arith.constant 16 : i32
      %mul3A_36 = arith.muli %scan3A_34, %mul3A_35 : i32
      %get3A = arith.index_cast %mul3A_36 : i32 to index
      %get3A_37 = tpu.vector_load %arg6[%get3A] {strides = array<i32>} : memref<3328xi32, #tpu.memory_space<vmem>>, vector<16xi32>,
      %get3A_38 = arith.index_cast %mul3A_36 : i32 to index
      %get3A_39 = tpu.vector_load %arg7[%get3A_38] {strides = array<i32>} : memref<3328xi32, #tpu.memory_space<vmem>>, vector<16xi32>,
      %add3A_40 = arith.addi %get3A_37, %get3A_39 : vector<16xi32>
      %shift_right_logical3A = arith.constant 4 : i32
      %shift_right_logical3A_41 = vector.broadcast %shift_right_logical3A : i32 to vector<16xi32>
      %shift_right_logical3A_42 = arith.shrui %add3A_40, %shift_right_logical3A_41 : vector<16xi32>
      %swap3A = arith.index_cast %mul3A_36 : i32 to index
      %swap3A_43 = tpu.vector_load %arg8[%swap3A] {strides = array<i32>} : memref<3328xi32, #tpu.memory_space<vmem>>, vector<16xi32>,
      tpu.vector_store %arg8[%swap3A], %shift_right_logical3A_42 {strides = array<i32>} : memref<3328xi32, #tpu.memory_space<vmem>>, vector<16xi32>,
      %and3A = arith.constant 15 : i32
      %and3A_44 = vector.broadcast %and3A : i32 to vector<16xi32>
      %and3A_45 = arith.andi %add3A_40, %and3A_44 : vector<16xi32>
      %swap3A_46 = arith.index_cast %mul3A_36 : i32 to index
      %swap3A_47 = tpu.vector_load %arg9[%swap3A_46] {strides = array<i32>} : memref<3328xi32, #tpu.memory_space<vmem>>, vector<16xi32>,
      tpu.vector_store %arg9[%swap3A_46], %and3A_45 {strides = array<i32>} : memref<3328xi32, #tpu.memory_space<vmem>>, vector<16xi32>,
    }
    %scan3A_7 = arith.constant 208 : i32
    %dma_start3A = arith.constant 0 : i32
    %dma_start3A_8 = arith.constant 0 : i32
    %dma_start3A_9 = tpu.memref_slice %arg10[%dma_start3A, %dma_start3A_8] : memref<3328x16xf32, #tpu.memory_space<vmem>> -> memref<128x16xf32, #tpu.memory_space<vmem>>
    %dma_start3A_10 = arith.constant 0 : i32
    %dma_start3A_11 = tpu.memref_slice %arg8[%dma_start3A_10] : memref<3328xi32, #tpu.memory_space<vmem>> -> memref<128xi32, #tpu.memory_space<vmem>>
    %dma_start3A_12 = arith.constant 0 : i32
    %dma_start3A_13 = arith.constant 0 : i32
    %dma_start3A_14 = tpu.memref_slice %arg4[%dma_start3A_12, %dma_start3A_13] : memref<162500x16xf32, #tpu.memory_space<hbm>> -> memref<162500x16xf32, #tpu.memory_space<hbm>>
    tpu.enqueue_indirect_dma source(%dma_start3A_14 : memref<162500x16xf32, #tpu.memory_space<hbm>>) target(%dma_start3A_9 : memref<128x16xf32, #tpu.memory_space<vmem>>) offsets(%dma_start3A_11 : memref<128xi32, #tpu.memory_space<vmem>>) semaphore(%arg12 : memref<!tpu.dma_semaphore, #tpu.memory_space<semaphore_mem>>)
    %scan3A_15 = arith.constant 0 : i32
    %scan3A_16 = arith.constant 0 : i32
    %scan3A_17 = arith.constant 25 : i32
    %scan3A_18 = arith.addi %scan3A_16, %scan3A_17 : i32
    %scan3A_19 = arith.constant 1 : i32
    scf.for %scan3A_34 = %scan3A_16 to %scan3A_18 step %scan3A_19  : i32 {
      %add3A_35 = arith.constant 1 : i32
      %add3A_36 = arith.addi %scan3A_34, %add3A_35 : i32
      %mul3A_37 = arith.constant 128 : i32
      %mul3A_38 = arith.muli %add3A_36, %mul3A_37 : i32
      %dma_start3A_39 = arith.constant 0 : i32
      %dma_start3A_40 = tpu.memref_slice %arg10[%mul3A_38, %dma_start3A_39] : memref<3328x16xf32, #tpu.memory_space<vmem>> -> memref<128x16xf32, #tpu.memory_space<vmem>>
      %dma_start3A_41 = tpu.memref_slice %arg8[%mul3A_38] : memref<3328xi32, #tpu.memory_space<vmem>> -> memref<128xi32, #tpu.memory_space<vmem>>
      %dma_start3A_42 = arith.constant 0 : i32
      %dma_start3A_43 = arith.constant 0 : i32
      %dma_start3A_44 = tpu.memref_slice %arg4[%dma_start3A_42, %dma_start3A_43] : memref<162500x16xf32, #tpu.memory_space<hbm>> -> memref<162500x16xf32, #tpu.memory_space<hbm>>
      tpu.enqueue_indirect_dma source(%dma_start3A_44 : memref<162500x16xf32, #tpu.memory_space<hbm>>) target(%dma_start3A_40 : memref<128x16xf32, #tpu.memory_space<vmem>>) offsets(%dma_start3A_41 : memref<128xi32, #tpu.memory_space<vmem>>) semaphore(%arg12 : memref<!tpu.dma_semaphore, #tpu.memory_space<semaphore_mem>>)
      %dma_wait3A_45 = arith.constant 0 : i32
      %dma_wait3A_46 = arith.constant 0 : i32
      %dma_wait3A_47 = tpu.memref_slice %arg10[%dma_wait3A_45, %dma_wait3A_46] : memref<3328x16xf32, #tpu.memory_space<vmem>> -> memref<128x16xf32, #tpu.memory_space<vmem>>
      %dma_wait3A_48 = arith.constant 0 : i32
      %dma_wait3A_49 = tpu.memref_slice %arg8[%dma_wait3A_48] : memref<3328xi32, #tpu.memory_space<vmem>> -> memref<128xi32, #tpu.memory_space<vmem>>
      %dma_wait3A_50 = arith.constant 0 : i32
      %dma_wait3A_51 = arith.constant 0 : i32
      %dma_wait3A_52 = tpu.memref_slice %arg4[%dma_wait3A_50, %dma_wait3A_51] : memref<162500x16xf32, #tpu.memory_space<hbm>> -> memref<162500x16xf32, #tpu.memory_space<hbm>>
      tpu.wait_indirect_dma semaphore(%arg12 : memref<!tpu.dma_semaphore, #tpu.memory_space<semaphore_mem>>) src(%dma_wait3A_52 : memref<162500x16xf32, #tpu.memory_space<hbm>>) dst(%dma_wait3A_47 : memref<128x16xf32, #tpu.memory_space<vmem>>)
    }
    %scan3A_20 = arith.constant 25 : i32
    %dma_wait3A = arith.constant 0 : i32
    %dma_wait3A_21 = arith.constant 0 : i32
    %dma_wait3A_22 = tpu.memref_slice %arg10[%dma_wait3A, %dma_wait3A_21] : memref<3328x16xf32, #tpu.memory_space<vmem>> -> memref<128x16xf32, #tpu.memory_space<vmem>>
    %dma_wait3A_23 = arith.constant 0 : i32
    %dma_wait3A_24 = tpu.memref_slice %arg8[%dma_wait3A_23] : memref<3328xi32, #tpu.memory_space<vmem>> -> memref<128xi32, #tpu.memory_space<vmem>>
    %dma_wait3A_25 = arith.constant 0 : i32
    %dma_wait3A_26 = arith.constant 0 : i32
    %dma_wait3A_27 = tpu.memref_slice %arg4[%dma_wait3A_25, %dma_wait3A_26] : memref<162500x16xf32, #tpu.memory_space<hbm>> -> memref<162500x16xf32, #tpu.memory_space<hbm>>
    tpu.wait_indirect_dma semaphore(%arg12 : memref<!tpu.dma_semaphore, #tpu.memory_space<semaphore_mem>>) src(%dma_wait3A_27 : memref<162500x16xf32, #tpu.memory_space<hbm>>) dst(%dma_wait3A_22 : memref<128x16xf32, #tpu.memory_space<vmem>>)
    %scan3A_28 = arith.constant 0 : i32
    %scan3A_29 = arith.constant 0 : i32
    %scan3A_30 = arith.constant 208 : i32
    %scan3A_31 = arith.addi %scan3A_29, %scan3A_30 : i32
    %scan3A_32 = arith.constant 1 : i32
    scf.for %scan3A_34 = %scan3A_29 to %scan3A_31 step %scan3A_32  : i32 {
      %mul3A_35 = arith.constant 16 : i32
      %mul3A_36 = arith.muli %scan3A_34, %mul3A_35 : i32
      %iota3A = tpu.iota {dimensions = array<i32: 0>} : vector<16xi32>
      %mul3A_37 = arith.constant 16 : i32
      %mul3A_38 = arith.muli %scan3A_34, %mul3A_37 : i32
      %add3A_39 = vector.broadcast %mul3A_38 : i32 to vector<16xi32>
      %add3A_40 = arith.addi %iota3A, %add3A_39 : vector<16xi32>
      %get3A = arith.index_cast %mul3A_36 : i32 to index
      %get3A_41 = tpu.vector_load %arg9[%get3A] {strides = array<i32>} : memref<3328xi32, #tpu.memory_space<vmem>>, vector<16xi32>,
      %gather3A = tpu.vector_load_idx %arg10[%add3A_40, %get3A_41] : memref<3328x16xf32, #tpu.memory_space<vmem>>[vector<16xi32>, vector<16xi32>], vector<16xf32>,
      %swap3A = arith.index_cast %mul3A_36 : i32 to index
      %swap3A_42 = tpu.vector_load %arg11[%swap3A] {strides = array<i32>} : memref<3328xf32, #tpu.memory_space<vmem>>, vector<16xf32>,
      tpu.vector_store %arg11[%swap3A], %gather3A {strides = array<i32>} : memref<3328xf32, #tpu.memory_space<vmem>>, vector<16xf32>,
    }
    %scan3A_33 = arith.constant 208 : i32
    "tpu.region"() ({
      %run_scoped3A = tpu.sem_alloc : memref<!tpu.dma_semaphore, #tpu.memory_space<semaphore_mem>>
      %dma_start3A_34 = tpu.memref_slice %arg5[%mul3A_2] : memref<106496xf32, #tpu.memory_space<hbm>> -> memref<3328xf32, #tpu.memory_space<hbm>>
      %dma_start3A_35 = tpu.memref_slice %arg5[%mul3A_2] : memref<106496xf32, #tpu.memory_space<hbm>> -> memref<3328xf32, #tpu.memory_space<hbm>>
      tpu.enqueue_dma source(%arg11 : memref<3328xf32, #tpu.memory_space<vmem>>) target(%dma_start3A_35 : memref<3328xf32, #tpu.memory_space<hbm>>) target_semaphore(%run_scoped3A : memref<!tpu.dma_semaphore, #tpu.memory_space<semaphore_mem>>)
      %dma_wait3A_36 = tpu.memref_slice %arg5[%mul3A_2] : memref<106496xf32, #tpu.memory_space<hbm>> -> memref<3328xf32, #tpu.memory_space<hbm>>
      %dma_wait3A_37 = tpu.memref_slice %arg5[%mul3A_2] : memref<106496xf32, #tpu.memory_space<hbm>> -> memref<3328xf32, #tpu.memory_space<hbm>>
      tpu.wait_dma2 semaphore(%run_scoped3A : memref<!tpu.dma_semaphore, #tpu.memory_space<semaphore_mem>>) src(%arg11 : memref<3328xf32, #tpu.memory_space<vmem>>) dst(%dma_wait3A_37 : memref<3328xf32, #tpu.memory_space<hbm>>)
      tpu.yield
    }) : () -> ()
    return
  }
}

#map = affine_map<(d0, d1) -> (0)>
#map1 = affine_map<(d0, d1) -> (0, 0)>
module attributes {stable_mosaic.version = 14 : i64} {
  func.func @_sc_table_body(%arg0: i32, %arg1: i32, %arg2: memref<106496xi32, #tpu.memory_space<hbm>>, %arg3: memref<3328xi32, #tpu.memory_space<hbm>>, %arg4: memref<162500x256xf32, #tpu.memory_space<hbm>>, %arg5: memref<4096x416xf32, #tpu.memory_space<hbm>>, %arg6: memref<3328xi32, #tpu.memory_space<vmem>>, %arg7: memref<3328xi32, #tpu.memory_space<vmem>>, %arg8: memref<3328xi32, #tpu.memory_space<vmem>>, %arg9: memref<3328xi32, #tpu.memory_space<vmem>>, %arg10: memref<2x64x256xf32, #tpu.memory_space<vmem>>, %arg11: memref<128x416xf32, #tpu.memory_space<vmem>>, %arg12: memref<!tpu.dma_semaphore, #tpu.memory_space<semaphore_mem>>, %arg13: memref<!tpu.dma_semaphore, #tpu.memory_space<semaphore_mem>>) attributes {dimension_semantics = [#tpu.dimension_semantics<core_parallel>, #tpu.dimension_semantics<subcore_parallel>], iteration_bounds = array<i64: 2, 16>, scalar_prefetch = 0 : i64, scratch_operands = 8 : i64, tpu.core_type = #tpu.core_type<sc_vector_subcore>, window_params = [{transform_indices = #map}, {transform_indices = #map}, {transform_indices = #map1}, {transform_indices = #map1}]} {
    %mul3A = arith.constant 2 : i32
    %mul3A_0 = arith.muli %arg1, %mul3A : i32
    %add3A = arith.addi %mul3A_0, %arg0 : i32
    %mul3A_1 = arith.constant 3328 : i32
    %mul3A_2 = arith.muli %add3A, %mul3A_1 : i32
    "tpu.region"() ({
      %run_scoped3A = tpu.sem_alloc : memref<!tpu.dma_semaphore, #tpu.memory_space<semaphore_mem>>
      %dma_start3A_558 = tpu.memref_slice %arg2[%mul3A_2] : memref<106496xi32, #tpu.memory_space<hbm>> -> memref<3328xi32, #tpu.memory_space<hbm>>
      %dma_start3A_559 = tpu.memref_slice %arg2[%mul3A_2] : memref<106496xi32, #tpu.memory_space<hbm>> -> memref<3328xi32, #tpu.memory_space<hbm>>
      tpu.enqueue_dma source(%dma_start3A_559 : memref<3328xi32, #tpu.memory_space<hbm>>) target(%arg6 : memref<3328xi32, #tpu.memory_space<vmem>>) target_semaphore(%run_scoped3A : memref<!tpu.dma_semaphore, #tpu.memory_space<semaphore_mem>>)
      %dma_wait3A = tpu.memref_slice %arg2[%mul3A_2] : memref<106496xi32, #tpu.memory_space<hbm>> -> memref<3328xi32, #tpu.memory_space<hbm>>
      %dma_wait3A_560 = tpu.memref_slice %arg2[%mul3A_2] : memref<106496xi32, #tpu.memory_space<hbm>> -> memref<3328xi32, #tpu.memory_space<hbm>>
      tpu.wait_dma2 semaphore(%run_scoped3A : memref<!tpu.dma_semaphore, #tpu.memory_space<semaphore_mem>>) src(%dma_wait3A_560 : memref<3328xi32, #tpu.memory_space<hbm>>) dst(%arg6 : memref<3328xi32, #tpu.memory_space<vmem>>)
      tpu.yield
    }) : () -> ()
    "tpu.region"() ({
      %run_scoped3A = tpu.sem_alloc : memref<!tpu.dma_semaphore, #tpu.memory_space<semaphore_mem>>
      tpu.enqueue_dma source(%arg3 : memref<3328xi32, #tpu.memory_space<hbm>>) target(%arg7 : memref<3328xi32, #tpu.memory_space<vmem>>) target_semaphore(%run_scoped3A : memref<!tpu.dma_semaphore, #tpu.memory_space<semaphore_mem>>)
      tpu.wait_dma2 semaphore(%run_scoped3A : memref<!tpu.dma_semaphore, #tpu.memory_space<semaphore_mem>>) src(%arg3 : memref<3328xi32, #tpu.memory_space<hbm>>) dst(%arg7 : memref<3328xi32, #tpu.memory_space<vmem>>)
      tpu.yield
    }) : () -> ()
    %scan3A = arith.constant 0 : i32
    %scan3A_3 = arith.constant 0 : i32
    %scan3A_4 = arith.constant 208 : i32
    %scan3A_5 = arith.addi %scan3A_3, %scan3A_4 : i32
    %scan3A_6 = arith.constant 1 : i32
    scf.for %scan3A_558 = %scan3A_3 to %scan3A_5 step %scan3A_6  : i32 {
      %mul3A_559 = arith.constant 16 : i32
      %mul3A_560 = arith.muli %scan3A_558, %mul3A_559 : i32
      %get3A_561 = arith.index_cast %mul3A_560 : i32 to index
      %get3A_562 = tpu.vector_load %arg6[%get3A_561] {strides = array<i32>} : memref<3328xi32, #tpu.memory_space<vmem>>, vector<16xi32>,
      %get3A_563 = arith.index_cast %mul3A_560 : i32 to index
      %get3A_564 = tpu.vector_load %arg7[%get3A_563] {strides = array<i32>} : memref<3328xi32, #tpu.memory_space<vmem>>, vector<16xi32>,
      %add3A_565 = arith.addi %get3A_562, %get3A_564 : vector<16xi32>
      %shift_right_logical3A = arith.constant 4 : i32
      %shift_right_logical3A_566 = vector.broadcast %shift_right_logical3A : i32 to vector<16xi32>
      %shift_right_logical3A_567 = arith.shrui %add3A_565, %shift_right_logical3A_566 : vector<16xi32>
      %swap3A = arith.index_cast %mul3A_560 : i32 to index
      %swap3A_568 = tpu.vector_load %arg8[%swap3A] {strides = array<i32>} : memref<3328xi32, #tpu.memory_space<vmem>>, vector<16xi32>,
      tpu.vector_store %arg8[%swap3A], %shift_right_logical3A_567 {strides = array<i32>} : memref<3328xi32, #tpu.memory_space<vmem>>, vector<16xi32>,
      %and3A = arith.constant 15 : i32
      %and3A_569 = vector.broadcast %and3A : i32 to vector<16xi32>
      %and3A_570 = arith.andi %add3A_565, %and3A_569 : vector<16xi32>
      %swap3A_571 = arith.index_cast %mul3A_560 : i32 to index
      %swap3A_572 = tpu.vector_load %arg9[%swap3A_571] {strides = array<i32>} : memref<3328xi32, #tpu.memory_space<vmem>>, vector<16xi32>,
      tpu.vector_store %arg9[%swap3A_571], %and3A_570 {strides = array<i32>} : memref<3328xi32, #tpu.memory_space<vmem>>, vector<16xi32>,
    }
    %scan3A_7 = arith.constant 208 : i32
    %dma_start3A = arith.constant 0 : i32
    %dma_start3A_8 = arith.constant 0 : i32
    %dma_start3A_9 = arith.constant 0 : i32
    %dma_start3A_10 = tpu.memref_slice %arg10[%dma_start3A, %dma_start3A_8, %dma_start3A_9] : memref<2x64x256xf32, #tpu.memory_space<vmem>> -> memref<1x64x256xf32, #tpu.memory_space<vmem>>
    %dma_start3A_11 = tpu.memref_squeeze %dma_start3A_10 : memref<1x64x256xf32, #tpu.memory_space<vmem>> -> memref<64x256xf32, #tpu.memory_space<vmem>>
    %dma_start3A_12 = arith.constant 0 : i32
    %dma_start3A_13 = tpu.memref_slice %arg8[%dma_start3A_12] : memref<3328xi32, #tpu.memory_space<vmem>> -> memref<64xi32, #tpu.memory_space<vmem>>
    %dma_start3A_14 = arith.constant 0 : i32
    %dma_start3A_15 = arith.constant 0 : i32
    %dma_start3A_16 = tpu.memref_slice %arg4[%dma_start3A_14, %dma_start3A_15] : memref<162500x256xf32, #tpu.memory_space<hbm>> -> memref<162500x256xf32, #tpu.memory_space<hbm>>
    tpu.enqueue_indirect_dma source(%dma_start3A_16 : memref<162500x256xf32, #tpu.memory_space<hbm>>) target(%dma_start3A_11 : memref<64x256xf32, #tpu.memory_space<vmem>>) offsets(%dma_start3A_13 : memref<64xi32, #tpu.memory_space<vmem>>) semaphore(%arg12 : memref<!tpu.dma_semaphore, #tpu.memory_space<semaphore_mem>>)
    %scan3A_17 = arith.constant 0 : i32
    %scan3A_18 = arith.constant 0 : i32
    %scan3A_19 = arith.constant 51 : i32
    %scan3A_20 = arith.addi %scan3A_18, %scan3A_19 : i32
    %scan3A_21 = arith.constant 1 : i32
    scf.for %scan3A_558 = %scan3A_18 to %scan3A_20 step %scan3A_21  : i32 {
      %rem3A_559 = arith.constant 2 : i32
      %rem3A_560 = arith.remsi %scan3A_558, %rem3A_559 : i32
      %add3A_561 = arith.constant 1 : i32
      %add3A_562 = arith.addi %scan3A_558, %add3A_561 : i32
      %sub3A_563 = arith.constant 1 : i32
      %sub3A_564 = arith.subi %sub3A_563, %rem3A_560 : i32
      %mul3A_565 = arith.constant 64 : i32
      %mul3A_566 = arith.muli %add3A_562, %mul3A_565 : i32
      %eq3A_567 = arith.constant 0 : i32
      %eq3A_568 = arith.cmpi eq, %sub3A_564, %eq3A_567 : i32
      %convert_element_type3A_569 = arith.extui %eq3A_568 : i1 to i32
      %cond3A_570 = arith.constant 0 : i32
      %cond3A_571 = arith.cmpi ne, %convert_element_type3A_569, %cond3A_570 : i32
      scf.if %cond3A_571 {
        %dma_start3A_1135 = arith.constant 0 : i32
        %dma_start3A_1136 = arith.constant 0 : i32
        %dma_start3A_1137 = arith.constant 0 : i32
        %dma_start3A_1138 = tpu.memref_slice %arg10[%dma_start3A_1135, %dma_start3A_1136, %dma_start3A_1137] : memref<2x64x256xf32, #tpu.memory_space<vmem>> -> memref<1x64x256xf32, #tpu.memory_space<vmem>>
        %dma_start3A_1139 = tpu.memref_squeeze %dma_start3A_1138 : memref<1x64x256xf32, #tpu.memory_space<vmem>> -> memref<64x256xf32, #tpu.memory_space<vmem>>
        %dma_start3A_1140 = tpu.memref_slice %arg8[%mul3A_566] : memref<3328xi32, #tpu.memory_space<vmem>> -> memref<64xi32, #tpu.memory_space<vmem>>
        %dma_start3A_1141 = arith.constant 0 : i32
        %dma_start3A_1142 = arith.constant 0 : i32
        %dma_start3A_1143 = tpu.memref_slice %arg4[%dma_start3A_1141, %dma_start3A_1142] : memref<162500x256xf32, #tpu.memory_space<hbm>> -> memref<162500x256xf32, #tpu.memory_space<hbm>>
        tpu.enqueue_indirect_dma source(%dma_start3A_1143 : memref<162500x256xf32, #tpu.memory_space<hbm>>) target(%dma_start3A_1139 : memref<64x256xf32, #tpu.memory_space<vmem>>) offsets(%dma_start3A_1140 : memref<64xi32, #tpu.memory_space<vmem>>) semaphore(%arg12 : memref<!tpu.dma_semaphore, #tpu.memory_space<semaphore_mem>>)
      } else {
      }
      %ne3A_572 = arith.constant 0 : i32
      %ne3A_573 = arith.cmpi ne, %sub3A_564, %ne3A_572 : i32
      %convert_element_type3A_574 = arith.extui %ne3A_573 : i1 to i32
      %cond3A_575 = arith.constant 0 : i32
      %cond3A_576 = arith.cmpi ne, %convert_element_type3A_574, %cond3A_575 : i32
      scf.if %cond3A_576 {
        %dma_start3A_1135 = arith.constant 1 : i32
        %dma_start3A_1136 = arith.constant 0 : i32
        %dma_start3A_1137 = arith.constant 0 : i32
        %dma_start3A_1138 = tpu.memref_slice %arg10[%dma_start3A_1135, %dma_start3A_1136, %dma_start3A_1137] : memref<2x64x256xf32, #tpu.memory_space<vmem>> -> memref<1x64x256xf32, #tpu.memory_space<vmem>>
        %dma_start3A_1139 = tpu.memref_squeeze %dma_start3A_1138 : memref<1x64x256xf32, #tpu.memory_space<vmem>> -> memref<64x256xf32, #tpu.memory_space<vmem>>
        %dma_start3A_1140 = tpu.memref_slice %arg8[%mul3A_566] : memref<3328xi32, #tpu.memory_space<vmem>> -> memref<64xi32, #tpu.memory_space<vmem>>
        %dma_start3A_1141 = arith.constant 0 : i32
        %dma_start3A_1142 = arith.constant 0 : i32
        %dma_start3A_1143 = tpu.memref_slice %arg4[%dma_start3A_1141, %dma_start3A_1142] : memref<162500x256xf32, #tpu.memory_space<hbm>> -> memref<162500x256xf32, #tpu.memory_space<hbm>>
        tpu.enqueue_indirect_dma source(%dma_start3A_1143 : memref<162500x256xf32, #tpu.memory_space<hbm>>) target(%dma_start3A_1139 : memref<64x256xf32, #tpu.memory_space<vmem>>) offsets(%dma_start3A_1140 : memref<64xi32, #tpu.memory_space<vmem>>) semaphore(%arg13 : memref<!tpu.dma_semaphore, #tpu.memory_space<semaphore_mem>>)
      } else {
      }
      %eq3A_577 = arith.constant 0 : i32
      %eq3A_578 = arith.cmpi eq, %rem3A_560, %eq3A_577 : i32
      %convert_element_type3A_579 = arith.extui %eq3A_578 : i1 to i32
      %cond3A_580 = arith.constant 0 : i32
      %cond3A_581 = arith.cmpi ne, %convert_element_type3A_579, %cond3A_580 : i32
      scf.if %cond3A_581 {
        %dma_wait3A = arith.constant 0 : i32
        %dma_wait3A_1135 = arith.constant 0 : i32
        %dma_wait3A_1136 = arith.constant 0 : i32
        %dma_wait3A_1137 = tpu.memref_slice %arg10[%dma_wait3A, %dma_wait3A_1135, %dma_wait3A_1136] : memref<2x64x256xf32, #tpu.memory_space<vmem>> -> memref<1x64x256xf32, #tpu.memory_space<vmem>>
        %dma_wait3A_1138 = tpu.memref_squeeze %dma_wait3A_1137 : memref<1x64x256xf32, #tpu.memory_space<vmem>> -> memref<64x256xf32, #tpu.memory_space<vmem>>
        %dma_wait3A_1139 = arith.constant 0 : i32
        %dma_wait3A_1140 = tpu.memref_slice %arg8[%dma_wait3A_1139] : memref<3328xi32, #tpu.memory_space<vmem>> -> memref<64xi32, #tpu.memory_space<vmem>>
        %dma_wait3A_1141 = arith.constant 0 : i32
        %dma_wait3A_1142 = arith.constant 0 : i32
        %dma_wait3A_1143 = tpu.memref_slice %arg4[%dma_wait3A_1141, %dma_wait3A_1142] : memref<162500x256xf32, #tpu.memory_space<hbm>> -> memref<162500x256xf32, #tpu.memory_space<hbm>>
        tpu.wait_indirect_dma semaphore(%arg12 : memref<!tpu.dma_semaphore, #tpu.memory_space<semaphore_mem>>) src(%dma_wait3A_1143 : memref<162500x256xf32, #tpu.memory_space<hbm>>) dst(%dma_wait3A_1138 : memref<64x256xf32, #tpu.memory_space<vmem>>)
      } else {
      }
      %ne3A_582 = arith.constant 0 : i32
      %ne3A_583 = arith.cmpi ne, %rem3A_560, %ne3A_582 : i32
      %convert_element_type3A_584 = arith.extui %ne3A_583 : i1 to i32
      %cond3A_585 = arith.constant 0 : i32
      %cond3A_586 = arith.cmpi ne, %convert_element_type3A_584, %cond3A_585 : i32
      scf.if %cond3A_586 {
        %dma_wait3A = arith.constant 1 : i32
        %dma_wait3A_1135 = arith.constant 0 : i32
        %dma_wait3A_1136 = arith.constant 0 : i32
        %dma_wait3A_1137 = tpu.memref_slice %arg10[%dma_wait3A, %dma_wait3A_1135, %dma_wait3A_1136] : memref<2x64x256xf32, #tpu.memory_space<vmem>> -> memref<1x64x256xf32, #tpu.memory_space<vmem>>
        %dma_wait3A_1138 = tpu.memref_squeeze %dma_wait3A_1137 : memref<1x64x256xf32, #tpu.memory_space<vmem>> -> memref<64x256xf32, #tpu.memory_space<vmem>>
        %dma_wait3A_1139 = arith.constant 0 : i32
        %dma_wait3A_1140 = tpu.memref_slice %arg8[%dma_wait3A_1139] : memref<3328xi32, #tpu.memory_space<vmem>> -> memref<64xi32, #tpu.memory_space<vmem>>
        %dma_wait3A_1141 = arith.constant 0 : i32
        %dma_wait3A_1142 = arith.constant 0 : i32
        %dma_wait3A_1143 = tpu.memref_slice %arg4[%dma_wait3A_1141, %dma_wait3A_1142] : memref<162500x256xf32, #tpu.memory_space<hbm>> -> memref<162500x256xf32, #tpu.memory_space<hbm>>
        tpu.wait_indirect_dma semaphore(%arg13 : memref<!tpu.dma_semaphore, #tpu.memory_space<semaphore_mem>>) src(%dma_wait3A_1143 : memref<162500x256xf32, #tpu.memory_space<hbm>>) dst(%dma_wait3A_1138 : memref<64x256xf32, #tpu.memory_space<vmem>>)
      } else {
      }
      %iota3A_587 = tpu.iota {dimensions = array<i32: 0>} : vector<16xi32>
      %add3A_588 = arith.constant 0 : i32
      %add3A_589 = vector.broadcast %add3A_588 : i32 to vector<16xi32>
      %add3A_590 = arith.addi %iota3A_587, %add3A_589 : vector<16xi32>
      %mul3A_591 = arith.constant 64 : i32
      %mul3A_592 = arith.muli %scan3A_558, %mul3A_591 : i32
      %add3A_593 = arith.constant 0 : i32
      %add3A_594 = arith.addi %mul3A_592, %add3A_593 : i32
      %get3A_595 = arith.index_cast %add3A_594 : i32 to index
      %get3A_596 = tpu.vector_load %arg9[%get3A_595] {strides = array<i32>} : memref<3328xi32, #tpu.memory_space<vmem>>, vector<16xi32>,
      %mul3A_597 = arith.constant 64 : i32
      %mul3A_598 = arith.muli %scan3A_558, %mul3A_597 : i32
      %add3A_599 = vector.broadcast %mul3A_598 : i32 to vector<16xi32>
      %add3A_600 = arith.addi %add3A_590, %add3A_599 : vector<16xi32>
      %div3A_601 = arith.constant 26 : i32
      %div3A_602 = vector.broadcast %div3A_601 : i32 to vector<16xi32>
      %div3A_603 = arith.divsi %add3A_600, %div3A_602 : vector<16xi32>
      %mul3A_604 = arith.constant 26 : i32
      %mul3A_605 = vector.broadcast %mul3A_604 : i32 to vector<16xi32>
      %mul3A_606 = arith.muli %div3A_603, %mul3A_605 : vector<16xi32>
      %sub3A_607 = arith.subi %add3A_600, %mul3A_606 : vector<16xi32>
      %mul3A_608 = arith.constant 16 : i32
      %mul3A_609 = vector.broadcast %mul3A_608 : i32 to vector<16xi32>
      %mul3A_610 = arith.muli %sub3A_607, %mul3A_609 : vector<16xi32>
      %broadcast_in_dim3A_611 = vector.broadcast %rem3A_560 : i32 to vector<16xi32>
      %add3A_612 = arith.constant 0 : i32
      %add3A_613 = vector.broadcast %add3A_612 : i32 to vector<16xi32>
      %add3A_614 = arith.addi %get3A_596, %add3A_613 : vector<16xi32>
      %gather3A_615 = tpu.vector_load_idx %arg10[%broadcast_in_dim3A_611, %add3A_590, %add3A_614] : memref<2x64x256xf32, #tpu.memory_space<vmem>>[vector<16xi32>, vector<16xi32>, vector<16xi32>], vector<16xf32>,
      %add3A_616 = arith.constant 0 : i32
      %add3A_617 = vector.broadcast %add3A_616 : i32 to vector<16xi32>
      %add3A_618 = arith.addi %mul3A_610, %add3A_617 : vector<16xi32>
      tpu.vector_store_idx %arg11[%div3A_603, %add3A_618], %gather3A_615 : memref<128x416xf32, #tpu.memory_space<vmem>>[vector<16xi32>, vector<16xi32>], vector<16xf32>,
      %add3A_619 = arith.constant 16 : i32
      %add3A_620 = vector.broadcast %add3A_619 : i32 to vector<16xi32>
      %add3A_621 = arith.addi %get3A_596, %add3A_620 : vector<16xi32>
      %gather3A_622 = tpu.vector_load_idx %arg10[%broadcast_in_dim3A_611, %add3A_590, %add3A_621] : memref<2x64x256xf32, #tpu.memory_space<vmem>>[vector<16xi32>, vector<16xi32>, vector<16xi32>], vector<16xf32>,
      %add3A_623 = arith.constant 1 : i32
      %add3A_624 = vector.broadcast %add3A_623 : i32 to vector<16xi32>
      %add3A_625 = arith.addi %mul3A_610, %add3A_624 : vector<16xi32>
      tpu.vector_store_idx %arg11[%div3A_603, %add3A_625], %gather3A_622 : memref<128x416xf32, #tpu.memory_space<vmem>>[vector<16xi32>, vector<16xi32>], vector<16xf32>,
      %add3A_626 = arith.constant 32 : i32
      %add3A_627 = vector.broadcast %add3A_626 : i32 to vector<16xi32>
      %add3A_628 = arith.addi %get3A_596, %add3A_627 : vector<16xi32>
      %gather3A_629 = tpu.vector_load_idx %arg10[%broadcast_in_dim3A_611, %add3A_590, %add3A_628] : memref<2x64x256xf32, #tpu.memory_space<vmem>>[vector<16xi32>, vector<16xi32>, vector<16xi32>], vector<16xf32>,
      %add3A_630 = arith.constant 2 : i32
      %add3A_631 = vector.broadcast %add3A_630 : i32 to vector<16xi32>
      %add3A_632 = arith.addi %mul3A_610, %add3A_631 : vector<16xi32>
      tpu.vector_store_idx %arg11[%div3A_603, %add3A_632], %gather3A_629 : memref<128x416xf32, #tpu.memory_space<vmem>>[vector<16xi32>, vector<16xi32>], vector<16xf32>,
      %add3A_633 = arith.constant 48 : i32
      %add3A_634 = vector.broadcast %add3A_633 : i32 to vector<16xi32>
      %add3A_635 = arith.addi %get3A_596, %add3A_634 : vector<16xi32>
      %gather3A_636 = tpu.vector_load_idx %arg10[%broadcast_in_dim3A_611, %add3A_590, %add3A_635] : memref<2x64x256xf32, #tpu.memory_space<vmem>>[vector<16xi32>, vector<16xi32>, vector<16xi32>], vector<16xf32>,
      %add3A_637 = arith.constant 3 : i32
      %add3A_638 = vector.broadcast %add3A_637 : i32 to vector<16xi32>
      %add3A_639 = arith.addi %mul3A_610, %add3A_638 : vector<16xi32>
      tpu.vector_store_idx %arg11[%div3A_603, %add3A_639], %gather3A_636 : memref<128x416xf32, #tpu.memory_space<vmem>>[vector<16xi32>, vector<16xi32>], vector<16xf32>,
      %add3A_640 = arith.constant 64 : i32
      %add3A_641 = vector.broadcast %add3A_640 : i32 to vector<16xi32>
      %add3A_642 = arith.addi %get3A_596, %add3A_641 : vector<16xi32>
      %gather3A_643 = tpu.vector_load_idx %arg10[%broadcast_in_dim3A_611, %add3A_590, %add3A_642] : memref<2x64x256xf32, #tpu.memory_space<vmem>>[vector<16xi32>, vector<16xi32>, vector<16xi32>], vector<16xf32>,
      %add3A_644 = arith.constant 4 : i32
      %add3A_645 = vector.broadcast %add3A_644 : i32 to vector<16xi32>
      %add3A_646 = arith.addi %mul3A_610, %add3A_645 : vector<16xi32>
      tpu.vector_store_idx %arg11[%div3A_603, %add3A_646], %gather3A_643 : memref<128x416xf32, #tpu.memory_space<vmem>>[vector<16xi32>, vector<16xi32>], vector<16xf32>,
      %add3A_647 = arith.constant 80 : i32
      %add3A_648 = vector.broadcast %add3A_647 : i32 to vector<16xi32>
      %add3A_649 = arith.addi %get3A_596, %add3A_648 : vector<16xi32>
      %gather3A_650 = tpu.vector_load_idx %arg10[%broadcast_in_dim3A_611, %add3A_590, %add3A_649] : memref<2x64x256xf32, #tpu.memory_space<vmem>>[vector<16xi32>, vector<16xi32>, vector<16xi32>], vector<16xf32>,
      %add3A_651 = arith.constant 5 : i32
      %add3A_652 = vector.broadcast %add3A_651 : i32 to vector<16xi32>
      %add3A_653 = arith.addi %mul3A_610, %add3A_652 : vector<16xi32>
      tpu.vector_store_idx %arg11[%div3A_603, %add3A_653], %gather3A_650 : memref<128x416xf32, #tpu.memory_space<vmem>>[vector<16xi32>, vector<16xi32>], vector<16xf32>,
      %add3A_654 = arith.constant 96 : i32
      %add3A_655 = vector.broadcast %add3A_654 : i32 to vector<16xi32>
      %add3A_656 = arith.addi %get3A_596, %add3A_655 : vector<16xi32>
      %gather3A_657 = tpu.vector_load_idx %arg10[%broadcast_in_dim3A_611, %add3A_590, %add3A_656] : memref<2x64x256xf32, #tpu.memory_space<vmem>>[vector<16xi32>, vector<16xi32>, vector<16xi32>], vector<16xf32>,
      %add3A_658 = arith.constant 6 : i32
      %add3A_659 = vector.broadcast %add3A_658 : i32 to vector<16xi32>
      %add3A_660 = arith.addi %mul3A_610, %add3A_659 : vector<16xi32>
      tpu.vector_store_idx %arg11[%div3A_603, %add3A_660], %gather3A_657 : memref<128x416xf32, #tpu.memory_space<vmem>>[vector<16xi32>, vector<16xi32>], vector<16xf32>,
      %add3A_661 = arith.constant 112 : i32
      %add3A_662 = vector.broadcast %add3A_661 : i32 to vector<16xi32>
      %add3A_663 = arith.addi %get3A_596, %add3A_662 : vector<16xi32>
      %gather3A_664 = tpu.vector_load_idx %arg10[%broadcast_in_dim3A_611, %add3A_590, %add3A_663] : memref<2x64x256xf32, #tpu.memory_space<vmem>>[vector<16xi32>, vector<16xi32>, vector<16xi32>], vector<16xf32>,
      %add3A_665 = arith.constant 7 : i32
      %add3A_666 = vector.broadcast %add3A_665 : i32 to vector<16xi32>
      %add3A_667 = arith.addi %mul3A_610, %add3A_666 : vector<16xi32>
      tpu.vector_store_idx %arg11[%div3A_603, %add3A_667], %gather3A_664 : memref<128x416xf32, #tpu.memory_space<vmem>>[vector<16xi32>, vector<16xi32>], vector<16xf32>,
      %add3A_668 = arith.constant 128 : i32
      %add3A_669 = vector.broadcast %add3A_668 : i32 to vector<16xi32>
      %add3A_670 = arith.addi %get3A_596, %add3A_669 : vector<16xi32>
      %gather3A_671 = tpu.vector_load_idx %arg10[%broadcast_in_dim3A_611, %add3A_590, %add3A_670] : memref<2x64x256xf32, #tpu.memory_space<vmem>>[vector<16xi32>, vector<16xi32>, vector<16xi32>], vector<16xf32>,
      %add3A_672 = arith.constant 8 : i32
      %add3A_673 = vector.broadcast %add3A_672 : i32 to vector<16xi32>
      %add3A_674 = arith.addi %mul3A_610, %add3A_673 : vector<16xi32>
      tpu.vector_store_idx %arg11[%div3A_603, %add3A_674], %gather3A_671 : memref<128x416xf32, #tpu.memory_space<vmem>>[vector<16xi32>, vector<16xi32>], vector<16xf32>,
      %add3A_675 = arith.constant 144 : i32
      %add3A_676 = vector.broadcast %add3A_675 : i32 to vector<16xi32>
      %add3A_677 = arith.addi %get3A_596, %add3A_676 : vector<16xi32>
      %gather3A_678 = tpu.vector_load_idx %arg10[%broadcast_in_dim3A_611, %add3A_590, %add3A_677] : memref<2x64x256xf32, #tpu.memory_space<vmem>>[vector<16xi32>, vector<16xi32>, vector<16xi32>], vector<16xf32>,
      %add3A_679 = arith.constant 9 : i32
      %add3A_680 = vector.broadcast %add3A_679 : i32 to vector<16xi32>
      %add3A_681 = arith.addi %mul3A_610, %add3A_680 : vector<16xi32>
      tpu.vector_store_idx %arg11[%div3A_603, %add3A_681], %gather3A_678 : memref<128x416xf32, #tpu.memory_space<vmem>>[vector<16xi32>, vector<16xi32>], vector<16xf32>,
      %add3A_682 = arith.constant 160 : i32
      %add3A_683 = vector.broadcast %add3A_682 : i32 to vector<16xi32>
      %add3A_684 = arith.addi %get3A_596, %add3A_683 : vector<16xi32>
      %gather3A_685 = tpu.vector_load_idx %arg10[%broadcast_in_dim3A_611, %add3A_590, %add3A_684] : memref<2x64x256xf32, #tpu.memory_space<vmem>>[vector<16xi32>, vector<16xi32>, vector<16xi32>], vector<16xf32>,
      %add3A_686 = arith.constant 10 : i32
      %add3A_687 = vector.broadcast %add3A_686 : i32 to vector<16xi32>
      %add3A_688 = arith.addi %mul3A_610, %add3A_687 : vector<16xi32>
      tpu.vector_store_idx %arg11[%div3A_603, %add3A_688], %gather3A_685 : memref<128x416xf32, #tpu.memory_space<vmem>>[vector<16xi32>, vector<16xi32>], vector<16xf32>,
      %add3A_689 = arith.constant 176 : i32
      %add3A_690 = vector.broadcast %add3A_689 : i32 to vector<16xi32>
      %add3A_691 = arith.addi %get3A_596, %add3A_690 : vector<16xi32>
      %gather3A_692 = tpu.vector_load_idx %arg10[%broadcast_in_dim3A_611, %add3A_590, %add3A_691] : memref<2x64x256xf32, #tpu.memory_space<vmem>>[vector<16xi32>, vector<16xi32>, vector<16xi32>], vector<16xf32>,
      %add3A_693 = arith.constant 11 : i32
      %add3A_694 = vector.broadcast %add3A_693 : i32 to vector<16xi32>
      %add3A_695 = arith.addi %mul3A_610, %add3A_694 : vector<16xi32>
      tpu.vector_store_idx %arg11[%div3A_603, %add3A_695], %gather3A_692 : memref<128x416xf32, #tpu.memory_space<vmem>>[vector<16xi32>, vector<16xi32>], vector<16xf32>,
      %add3A_696 = arith.constant 192 : i32
      %add3A_697 = vector.broadcast %add3A_696 : i32 to vector<16xi32>
      %add3A_698 = arith.addi %get3A_596, %add3A_697 : vector<16xi32>
      %gather3A_699 = tpu.vector_load_idx %arg10[%broadcast_in_dim3A_611, %add3A_590, %add3A_698] : memref<2x64x256xf32, #tpu.memory_space<vmem>>[vector<16xi32>, vector<16xi32>, vector<16xi32>], vector<16xf32>,
      %add3A_700 = arith.constant 12 : i32
      %add3A_701 = vector.broadcast %add3A_700 : i32 to vector<16xi32>
      %add3A_702 = arith.addi %mul3A_610, %add3A_701 : vector<16xi32>
      tpu.vector_store_idx %arg11[%div3A_603, %add3A_702], %gather3A_699 : memref<128x416xf32, #tpu.memory_space<vmem>>[vector<16xi32>, vector<16xi32>], vector<16xf32>,
      %add3A_703 = arith.constant 208 : i32
      %add3A_704 = vector.broadcast %add3A_703 : i32 to vector<16xi32>
      %add3A_705 = arith.addi %get3A_596, %add3A_704 : vector<16xi32>
      %gather3A_706 = tpu.vector_load_idx %arg10[%broadcast_in_dim3A_611, %add3A_590, %add3A_705] : memref<2x64x256xf32, #tpu.memory_space<vmem>>[vector<16xi32>, vector<16xi32>, vector<16xi32>], vector<16xf32>,
      %add3A_707 = arith.constant 13 : i32
      %add3A_708 = vector.broadcast %add3A_707 : i32 to vector<16xi32>
      %add3A_709 = arith.addi %mul3A_610, %add3A_708 : vector<16xi32>
      tpu.vector_store_idx %arg11[%div3A_603, %add3A_709], %gather3A_706 : memref<128x416xf32, #tpu.memory_space<vmem>>[vector<16xi32>, vector<16xi32>], vector<16xf32>,
      %add3A_710 = arith.constant 224 : i32
      %add3A_711 = vector.broadcast %add3A_710 : i32 to vector<16xi32>
      %add3A_712 = arith.addi %get3A_596, %add3A_711 : vector<16xi32>
      %gather3A_713 = tpu.vector_load_idx %arg10[%broadcast_in_dim3A_611, %add3A_590, %add3A_712] : memref<2x64x256xf32, #tpu.memory_space<vmem>>[vector<16xi32>, vector<16xi32>, vector<16xi32>], vector<16xf32>,
      %add3A_714 = arith.constant 14 : i32
      %add3A_715 = vector.broadcast %add3A_714 : i32 to vector<16xi32>
      %add3A_716 = arith.addi %mul3A_610, %add3A_715 : vector<16xi32>
      tpu.vector_store_idx %arg11[%div3A_603, %add3A_716], %gather3A_713 : memref<128x416xf32, #tpu.memory_space<vmem>>[vector<16xi32>, vector<16xi32>], vector<16xf32>,
      %add3A_717 = arith.constant 240 : i32
      %add3A_718 = vector.broadcast %add3A_717 : i32 to vector<16xi32>
      %add3A_719 = arith.addi %get3A_596, %add3A_718 : vector<16xi32>
      %gather3A_720 = tpu.vector_load_idx %arg10[%broadcast_in_dim3A_611, %add3A_590, %add3A_719] : memref<2x64x256xf32, #tpu.memory_space<vmem>>[vector<16xi32>, vector<16xi32>, vector<16xi32>], vector<16xf32>,
      %add3A_721 = arith.constant 15 : i32
      %add3A_722 = vector.broadcast %add3A_721 : i32 to vector<16xi32>
      %add3A_723 = arith.addi %mul3A_610, %add3A_722 : vector<16xi32>
      tpu.vector_store_idx %arg11[%div3A_603, %add3A_723], %gather3A_720 : memref<128x416xf32, #tpu.memory_space<vmem>>[vector<16xi32>, vector<16xi32>], vector<16xf32>,
      %iota3A_724 = tpu.iota {dimensions = array<i32: 0>} : vector<16xi32>
      %add3A_725 = arith.constant 16 : i32
      %add3A_726 = vector.broadcast %add3A_725 : i32 to vector<16xi32>
      %add3A_727 = arith.addi %iota3A_724, %add3A_726 : vector<16xi32>
      %mul3A_728 = arith.constant 64 : i32
      %mul3A_729 = arith.muli %scan3A_558, %mul3A_728 : i32
      %add3A_730 = arith.constant 16 : i32
      %add3A_731 = arith.addi %mul3A_729, %add3A_730 : i32
      %get3A_732 = arith.index_cast %add3A_731 : i32 to index
      %get3A_733 = tpu.vector_load %arg9[%get3A_732] {strides = array<i32>} : memref<3328xi32, #tpu.memory_space<vmem>>, vector<16xi32>,
      %mul3A_734 = arith.constant 64 : i32
      %mul3A_735 = arith.muli %scan3A_558, %mul3A_734 : i32
      %add3A_736 = vector.broadcast %mul3A_735 : i32 to vector<16xi32>
      %add3A_737 = arith.addi %add3A_727, %add3A_736 : vector<16xi32>
      %div3A_738 = arith.constant 26 : i32
      %div3A_739 = vector.broadcast %div3A_738 : i32 to vector<16xi32>
      %div3A_740 = arith.divsi %add3A_737, %div3A_739 : vector<16xi32>
      %mul3A_741 = arith.constant 26 : i32
      %mul3A_742 = vector.broadcast %mul3A_741 : i32 to vector<16xi32>
      %mul3A_743 = arith.muli %div3A_740, %mul3A_742 : vector<16xi32>
      %sub3A_744 = arith.subi %add3A_737, %mul3A_743 : vector<16xi32>
      %mul3A_745 = arith.constant 16 : i32
      %mul3A_746 = vector.broadcast %mul3A_745 : i32 to vector<16xi32>
      %mul3A_747 = arith.muli %sub3A_744, %mul3A_746 : vector<16xi32>
      %broadcast_in_dim3A_748 = vector.broadcast %rem3A_560 : i32 to vector<16xi32>
      %add3A_749 = arith.constant 0 : i32
      %add3A_750 = vector.broadcast %add3A_749 : i32 to vector<16xi32>
      %add3A_751 = arith.addi %get3A_733, %add3A_750 : vector<16xi32>
      %gather3A_752 = tpu.vector_load_idx %arg10[%broadcast_in_dim3A_748, %add3A_727, %add3A_751] : memref<2x64x256xf32, #tpu.memory_space<vmem>>[vector<16xi32>, vector<16xi32>, vector<16xi32>], vector<16xf32>,
      %add3A_753 = arith.constant 0 : i32
      %add3A_754 = vector.broadcast %add3A_753 : i32 to vector<16xi32>
      %add3A_755 = arith.addi %mul3A_747, %add3A_754 : vector<16xi32>
      tpu.vector_store_idx %arg11[%div3A_740, %add3A_755], %gather3A_752 : memref<128x416xf32, #tpu.memory_space<vmem>>[vector<16xi32>, vector<16xi32>], vector<16xf32>,
      %add3A_756 = arith.constant 16 : i32
      %add3A_757 = vector.broadcast %add3A_756 : i32 to vector<16xi32>
      %add3A_758 = arith.addi %get3A_733, %add3A_757 : vector<16xi32>
      %gather3A_759 = tpu.vector_load_idx %arg10[%broadcast_in_dim3A_748, %add3A_727, %add3A_758] : memref<2x64x256xf32, #tpu.memory_space<vmem>>[vector<16xi32>, vector<16xi32>, vector<16xi32>], vector<16xf32>,
      %add3A_760 = arith.constant 1 : i32
      %add3A_761 = vector.broadcast %add3A_760 : i32 to vector<16xi32>
      %add3A_762 = arith.addi %mul3A_747, %add3A_761 : vector<16xi32>
      tpu.vector_store_idx %arg11[%div3A_740, %add3A_762], %gather3A_759 : memref<128x416xf32, #tpu.memory_space<vmem>>[vector<16xi32>, vector<16xi32>], vector<16xf32>,
      %add3A_763 = arith.constant 32 : i32
      %add3A_764 = vector.broadcast %add3A_763 : i32 to vector<16xi32>
      %add3A_765 = arith.addi %get3A_733, %add3A_764 : vector<16xi32>
      %gather3A_766 = tpu.vector_load_idx %arg10[%broadcast_in_dim3A_748, %add3A_727, %add3A_765] : memref<2x64x256xf32, #tpu.memory_space<vmem>>[vector<16xi32>, vector<16xi32>, vector<16xi32>], vector<16xf32>,
      %add3A_767 = arith.constant 2 : i32
      %add3A_768 = vector.broadcast %add3A_767 : i32 to vector<16xi32>
      %add3A_769 = arith.addi %mul3A_747, %add3A_768 : vector<16xi32>
      tpu.vector_store_idx %arg11[%div3A_740, %add3A_769], %gather3A_766 : memref<128x416xf32, #tpu.memory_space<vmem>>[vector<16xi32>, vector<16xi32>], vector<16xf32>,
      %add3A_770 = arith.constant 48 : i32
      %add3A_771 = vector.broadcast %add3A_770 : i32 to vector<16xi32>
      %add3A_772 = arith.addi %get3A_733, %add3A_771 : vector<16xi32>
      %gather3A_773 = tpu.vector_load_idx %arg10[%broadcast_in_dim3A_748, %add3A_727, %add3A_772] : memref<2x64x256xf32, #tpu.memory_space<vmem>>[vector<16xi32>, vector<16xi32>, vector<16xi32>], vector<16xf32>,
      %add3A_774 = arith.constant 3 : i32
      %add3A_775 = vector.broadcast %add3A_774 : i32 to vector<16xi32>
      %add3A_776 = arith.addi %mul3A_747, %add3A_775 : vector<16xi32>
      tpu.vector_store_idx %arg11[%div3A_740, %add3A_776], %gather3A_773 : memref<128x416xf32, #tpu.memory_space<vmem>>[vector<16xi32>, vector<16xi32>], vector<16xf32>,
      %add3A_777 = arith.constant 64 : i32
      %add3A_778 = vector.broadcast %add3A_777 : i32 to vector<16xi32>
      %add3A_779 = arith.addi %get3A_733, %add3A_778 : vector<16xi32>
      %gather3A_780 = tpu.vector_load_idx %arg10[%broadcast_in_dim3A_748, %add3A_727, %add3A_779] : memref<2x64x256xf32, #tpu.memory_space<vmem>>[vector<16xi32>, vector<16xi32>, vector<16xi32>], vector<16xf32>,
      %add3A_781 = arith.constant 4 : i32
      %add3A_782 = vector.broadcast %add3A_781 : i32 to vector<16xi32>
      %add3A_783 = arith.addi %mul3A_747, %add3A_782 : vector<16xi32>
      tpu.vector_store_idx %arg11[%div3A_740, %add3A_783], %gather3A_780 : memref<128x416xf32, #tpu.memory_space<vmem>>[vector<16xi32>, vector<16xi32>], vector<16xf32>,
      %add3A_784 = arith.constant 80 : i32
      %add3A_785 = vector.broadcast %add3A_784 : i32 to vector<16xi32>
      %add3A_786 = arith.addi %get3A_733, %add3A_785 : vector<16xi32>
      %gather3A_787 = tpu.vector_load_idx %arg10[%broadcast_in_dim3A_748, %add3A_727, %add3A_786] : memref<2x64x256xf32, #tpu.memory_space<vmem>>[vector<16xi32>, vector<16xi32>, vector<16xi32>], vector<16xf32>,
      %add3A_788 = arith.constant 5 : i32
      %add3A_789 = vector.broadcast %add3A_788 : i32 to vector<16xi32>
      %add3A_790 = arith.addi %mul3A_747, %add3A_789 : vector<16xi32>
      tpu.vector_store_idx %arg11[%div3A_740, %add3A_790], %gather3A_787 : memref<128x416xf32, #tpu.memory_space<vmem>>[vector<16xi32>, vector<16xi32>], vector<16xf32>,
      %add3A_791 = arith.constant 96 : i32
      %add3A_792 = vector.broadcast %add3A_791 : i32 to vector<16xi32>
      %add3A_793 = arith.addi %get3A_733, %add3A_792 : vector<16xi32>
      %gather3A_794 = tpu.vector_load_idx %arg10[%broadcast_in_dim3A_748, %add3A_727, %add3A_793] : memref<2x64x256xf32, #tpu.memory_space<vmem>>[vector<16xi32>, vector<16xi32>, vector<16xi32>], vector<16xf32>,
      %add3A_795 = arith.constant 6 : i32
      %add3A_796 = vector.broadcast %add3A_795 : i32 to vector<16xi32>
      %add3A_797 = arith.addi %mul3A_747, %add3A_796 : vector<16xi32>
      tpu.vector_store_idx %arg11[%div3A_740, %add3A_797], %gather3A_794 : memref<128x416xf32, #tpu.memory_space<vmem>>[vector<16xi32>, vector<16xi32>], vector<16xf32>,
      %add3A_798 = arith.constant 112 : i32
      %add3A_799 = vector.broadcast %add3A_798 : i32 to vector<16xi32>
      %add3A_800 = arith.addi %get3A_733, %add3A_799 : vector<16xi32>
      %gather3A_801 = tpu.vector_load_idx %arg10[%broadcast_in_dim3A_748, %add3A_727, %add3A_800] : memref<2x64x256xf32, #tpu.memory_space<vmem>>[vector<16xi32>, vector<16xi32>, vector<16xi32>], vector<16xf32>,
      %add3A_802 = arith.constant 7 : i32
      %add3A_803 = vector.broadcast %add3A_802 : i32 to vector<16xi32>
      %add3A_804 = arith.addi %mul3A_747, %add3A_803 : vector<16xi32>
      tpu.vector_store_idx %arg11[%div3A_740, %add3A_804], %gather3A_801 : memref<128x416xf32, #tpu.memory_space<vmem>>[vector<16xi32>, vector<16xi32>], vector<16xf32>,
      %add3A_805 = arith.constant 128 : i32
      %add3A_806 = vector.broadcast %add3A_805 : i32 to vector<16xi32>
      %add3A_807 = arith.addi %get3A_733, %add3A_806 : vector<16xi32>
      %gather3A_808 = tpu.vector_load_idx %arg10[%broadcast_in_dim3A_748, %add3A_727, %add3A_807] : memref<2x64x256xf32, #tpu.memory_space<vmem>>[vector<16xi32>, vector<16xi32>, vector<16xi32>], vector<16xf32>,
      %add3A_809 = arith.constant 8 : i32
      %add3A_810 = vector.broadcast %add3A_809 : i32 to vector<16xi32>
      %add3A_811 = arith.addi %mul3A_747, %add3A_810 : vector<16xi32>
      tpu.vector_store_idx %arg11[%div3A_740, %add3A_811], %gather3A_808 : memref<128x416xf32, #tpu.memory_space<vmem>>[vector<16xi32>, vector<16xi32>], vector<16xf32>,
      %add3A_812 = arith.constant 144 : i32
      %add3A_813 = vector.broadcast %add3A_812 : i32 to vector<16xi32>
      %add3A_814 = arith.addi %get3A_733, %add3A_813 : vector<16xi32>
      %gather3A_815 = tpu.vector_load_idx %arg10[%broadcast_in_dim3A_748, %add3A_727, %add3A_814] : memref<2x64x256xf32, #tpu.memory_space<vmem>>[vector<16xi32>, vector<16xi32>, vector<16xi32>], vector<16xf32>,
      %add3A_816 = arith.constant 9 : i32
      %add3A_817 = vector.broadcast %add3A_816 : i32 to vector<16xi32>
      %add3A_818 = arith.addi %mul3A_747, %add3A_817 : vector<16xi32>
      tpu.vector_store_idx %arg11[%div3A_740, %add3A_818], %gather3A_815 : memref<128x416xf32, #tpu.memory_space<vmem>>[vector<16xi32>, vector<16xi32>], vector<16xf32>,
      %add3A_819 = arith.constant 160 : i32
      %add3A_820 = vector.broadcast %add3A_819 : i32 to vector<16xi32>
      %add3A_821 = arith.addi %get3A_733, %add3A_820 : vector<16xi32>
      %gather3A_822 = tpu.vector_load_idx %arg10[%broadcast_in_dim3A_748, %add3A_727, %add3A_821] : memref<2x64x256xf32, #tpu.memory_space<vmem>>[vector<16xi32>, vector<16xi32>, vector<16xi32>], vector<16xf32>,
      %add3A_823 = arith.constant 10 : i32
      %add3A_824 = vector.broadcast %add3A_823 : i32 to vector<16xi32>
      %add3A_825 = arith.addi %mul3A_747, %add3A_824 : vector<16xi32>
      tpu.vector_store_idx %arg11[%div3A_740, %add3A_825], %gather3A_822 : memref<128x416xf32, #tpu.memory_space<vmem>>[vector<16xi32>, vector<16xi32>], vector<16xf32>,
      %add3A_826 = arith.constant 176 : i32
      %add3A_827 = vector.broadcast %add3A_826 : i32 to vector<16xi32>
      %add3A_828 = arith.addi %get3A_733, %add3A_827 : vector<16xi32>
      %gather3A_829 = tpu.vector_load_idx %arg10[%broadcast_in_dim3A_748, %add3A_727, %add3A_828] : memref<2x64x256xf32, #tpu.memory_space<vmem>>[vector<16xi32>, vector<16xi32>, vector<16xi32>], vector<16xf32>,
      %add3A_830 = arith.constant 11 : i32
      %add3A_831 = vector.broadcast %add3A_830 : i32 to vector<16xi32>
      %add3A_832 = arith.addi %mul3A_747, %add3A_831 : vector<16xi32>
      tpu.vector_store_idx %arg11[%div3A_740, %add3A_832], %gather3A_829 : memref<128x416xf32, #tpu.memory_space<vmem>>[vector<16xi32>, vector<16xi32>], vector<16xf32>,
      %add3A_833 = arith.constant 192 : i32
      %add3A_834 = vector.broadcast %add3A_833 : i32 to vector<16xi32>
      %add3A_835 = arith.addi %get3A_733, %add3A_834 : vector<16xi32>
      %gather3A_836 = tpu.vector_load_idx %arg10[%broadcast_in_dim3A_748, %add3A_727, %add3A_835] : memref<2x64x256xf32, #tpu.memory_space<vmem>>[vector<16xi32>, vector<16xi32>, vector<16xi32>], vector<16xf32>,
      %add3A_837 = arith.constant 12 : i32
      %add3A_838 = vector.broadcast %add3A_837 : i32 to vector<16xi32>
      %add3A_839 = arith.addi %mul3A_747, %add3A_838 : vector<16xi32>
      tpu.vector_store_idx %arg11[%div3A_740, %add3A_839], %gather3A_836 : memref<128x416xf32, #tpu.memory_space<vmem>>[vector<16xi32>, vector<16xi32>], vector<16xf32>,
      %add3A_840 = arith.constant 208 : i32
      %add3A_841 = vector.broadcast %add3A_840 : i32 to vector<16xi32>
      %add3A_842 = arith.addi %get3A_733, %add3A_841 : vector<16xi32>
      %gather3A_843 = tpu.vector_load_idx %arg10[%broadcast_in_dim3A_748, %add3A_727, %add3A_842] : memref<2x64x256xf32, #tpu.memory_space<vmem>>[vector<16xi32>, vector<16xi32>, vector<16xi32>], vector<16xf32>,
      %add3A_844 = arith.constant 13 : i32
      %add3A_845 = vector.broadcast %add3A_844 : i32 to vector<16xi32>
      %add3A_846 = arith.addi %mul3A_747, %add3A_845 : vector<16xi32>
      tpu.vector_store_idx %arg11[%div3A_740, %add3A_846], %gather3A_843 : memref<128x416xf32, #tpu.memory_space<vmem>>[vector<16xi32>, vector<16xi32>], vector<16xf32>,
      %add3A_847 = arith.constant 224 : i32
      %add3A_848 = vector.broadcast %add3A_847 : i32 to vector<16xi32>
      %add3A_849 = arith.addi %get3A_733, %add3A_848 : vector<16xi32>
      %gather3A_850 = tpu.vector_load_idx %arg10[%broadcast_in_dim3A_748, %add3A_727, %add3A_849] : memref<2x64x256xf32, #tpu.memory_space<vmem>>[vector<16xi32>, vector<16xi32>, vector<16xi32>], vector<16xf32>,
      %add3A_851 = arith.constant 14 : i32
      %add3A_852 = vector.broadcast %add3A_851 : i32 to vector<16xi32>
      %add3A_853 = arith.addi %mul3A_747, %add3A_852 : vector<16xi32>
      tpu.vector_store_idx %arg11[%div3A_740, %add3A_853], %gather3A_850 : memref<128x416xf32, #tpu.memory_space<vmem>>[vector<16xi32>, vector<16xi32>], vector<16xf32>,
      %add3A_854 = arith.constant 240 : i32
      %add3A_855 = vector.broadcast %add3A_854 : i32 to vector<16xi32>
      %add3A_856 = arith.addi %get3A_733, %add3A_855 : vector<16xi32>
      %gather3A_857 = tpu.vector_load_idx %arg10[%broadcast_in_dim3A_748, %add3A_727, %add3A_856] : memref<2x64x256xf32, #tpu.memory_space<vmem>>[vector<16xi32>, vector<16xi32>, vector<16xi32>], vector<16xf32>,
      %add3A_858 = arith.constant 15 : i32
      %add3A_859 = vector.broadcast %add3A_858 : i32 to vector<16xi32>
      %add3A_860 = arith.addi %mul3A_747, %add3A_859 : vector<16xi32>
      tpu.vector_store_idx %arg11[%div3A_740, %add3A_860], %gather3A_857 : memref<128x416xf32, #tpu.memory_space<vmem>>[vector<16xi32>, vector<16xi32>], vector<16xf32>,
      %iota3A_861 = tpu.iota {dimensions = array<i32: 0>} : vector<16xi32>
      %add3A_862 = arith.constant 32 : i32
      %add3A_863 = vector.broadcast %add3A_862 : i32 to vector<16xi32>
      %add3A_864 = arith.addi %iota3A_861, %add3A_863 : vector<16xi32>
      %mul3A_865 = arith.constant 64 : i32
      %mul3A_866 = arith.muli %scan3A_558, %mul3A_865 : i32
      %add3A_867 = arith.constant 32 : i32
      %add3A_868 = arith.addi %mul3A_866, %add3A_867 : i32
      %get3A_869 = arith.index_cast %add3A_868 : i32 to index
      %get3A_870 = tpu.vector_load %arg9[%get3A_869] {strides = array<i32>} : memref<3328xi32, #tpu.memory_space<vmem>>, vector<16xi32>,
      %mul3A_871 = arith.constant 64 : i32
      %mul3A_872 = arith.muli %scan3A_558, %mul3A_871 : i32
      %add3A_873 = vector.broadcast %mul3A_872 : i32 to vector<16xi32>
      %add3A_874 = arith.addi %add3A_864, %add3A_873 : vector<16xi32>
      %div3A_875 = arith.constant 26 : i32
      %div3A_876 = vector.broadcast %div3A_875 : i32 to vector<16xi32>
      %div3A_877 = arith.divsi %add3A_874, %div3A_876 : vector<16xi32>
      %mul3A_878 = arith.constant 26 : i32
      %mul3A_879 = vector.broadcast %mul3A_878 : i32 to vector<16xi32>
      %mul3A_880 = arith.muli %div3A_877, %mul3A_879 : vector<16xi32>
      %sub3A_881 = arith.subi %add3A_874, %mul3A_880 : vector<16xi32>
      %mul3A_882 = arith.constant 16 : i32
      %mul3A_883 = vector.broadcast %mul3A_882 : i32 to vector<16xi32>
      %mul3A_884 = arith.muli %sub3A_881, %mul3A_883 : vector<16xi32>
      %broadcast_in_dim3A_885 = vector.broadcast %rem3A_560 : i32 to vector<16xi32>
      %add3A_886 = arith.constant 0 : i32
      %add3A_887 = vector.broadcast %add3A_886 : i32 to vector<16xi32>
      %add3A_888 = arith.addi %get3A_870, %add3A_887 : vector<16xi32>
      %gather3A_889 = tpu.vector_load_idx %arg10[%broadcast_in_dim3A_885, %add3A_864, %add3A_888] : memref<2x64x256xf32, #tpu.memory_space<vmem>>[vector<16xi32>, vector<16xi32>, vector<16xi32>], vector<16xf32>,
      %add3A_890 = arith.constant 0 : i32
      %add3A_891 = vector.broadcast %add3A_890 : i32 to vector<16xi32>
      %add3A_892 = arith.addi %mul3A_884, %add3A_891 : vector<16xi32>
      tpu.vector_store_idx %arg11[%div3A_877, %add3A_892], %gather3A_889 : memref<128x416xf32, #tpu.memory_space<vmem>>[vector<16xi32>, vector<16xi32>], vector<16xf32>,
      %add3A_893 = arith.constant 16 : i32
      %add3A_894 = vector.broadcast %add3A_893 : i32 to vector<16xi32>
      %add3A_895 = arith.addi %get3A_870, %add3A_894 : vector<16xi32>
      %gather3A_896 = tpu.vector_load_idx %arg10[%broadcast_in_dim3A_885, %add3A_864, %add3A_895] : memref<2x64x256xf32, #tpu.memory_space<vmem>>[vector<16xi32>, vector<16xi32>, vector<16xi32>], vector<16xf32>,
      %add3A_897 = arith.constant 1 : i32
      %add3A_898 = vector.broadcast %add3A_897 : i32 to vector<16xi32>
      %add3A_899 = arith.addi %mul3A_884, %add3A_898 : vector<16xi32>
      tpu.vector_store_idx %arg11[%div3A_877, %add3A_899], %gather3A_896 : memref<128x416xf32, #tpu.memory_space<vmem>>[vector<16xi32>, vector<16xi32>], vector<16xf32>,
      %add3A_900 = arith.constant 32 : i32
      %add3A_901 = vector.broadcast %add3A_900 : i32 to vector<16xi32>
      %add3A_902 = arith.addi %get3A_870, %add3A_901 : vector<16xi32>
      %gather3A_903 = tpu.vector_load_idx %arg10[%broadcast_in_dim3A_885, %add3A_864, %add3A_902] : memref<2x64x256xf32, #tpu.memory_space<vmem>>[vector<16xi32>, vector<16xi32>, vector<16xi32>], vector<16xf32>,
      %add3A_904 = arith.constant 2 : i32
      %add3A_905 = vector.broadcast %add3A_904 : i32 to vector<16xi32>
      %add3A_906 = arith.addi %mul3A_884, %add3A_905 : vector<16xi32>
      tpu.vector_store_idx %arg11[%div3A_877, %add3A_906], %gather3A_903 : memref<128x416xf32, #tpu.memory_space<vmem>>[vector<16xi32>, vector<16xi32>], vector<16xf32>,
      %add3A_907 = arith.constant 48 : i32
      %add3A_908 = vector.broadcast %add3A_907 : i32 to vector<16xi32>
      %add3A_909 = arith.addi %get3A_870, %add3A_908 : vector<16xi32>
      %gather3A_910 = tpu.vector_load_idx %arg10[%broadcast_in_dim3A_885, %add3A_864, %add3A_909] : memref<2x64x256xf32, #tpu.memory_space<vmem>>[vector<16xi32>, vector<16xi32>, vector<16xi32>], vector<16xf32>,
      %add3A_911 = arith.constant 3 : i32
      %add3A_912 = vector.broadcast %add3A_911 : i32 to vector<16xi32>
      %add3A_913 = arith.addi %mul3A_884, %add3A_912 : vector<16xi32>
      tpu.vector_store_idx %arg11[%div3A_877, %add3A_913], %gather3A_910 : memref<128x416xf32, #tpu.memory_space<vmem>>[vector<16xi32>, vector<16xi32>], vector<16xf32>,
      %add3A_914 = arith.constant 64 : i32
      %add3A_915 = vector.broadcast %add3A_914 : i32 to vector<16xi32>
      %add3A_916 = arith.addi %get3A_870, %add3A_915 : vector<16xi32>
      %gather3A_917 = tpu.vector_load_idx %arg10[%broadcast_in_dim3A_885, %add3A_864, %add3A_916] : memref<2x64x256xf32, #tpu.memory_space<vmem>>[vector<16xi32>, vector<16xi32>, vector<16xi32>], vector<16xf32>,
      %add3A_918 = arith.constant 4 : i32
      %add3A_919 = vector.broadcast %add3A_918 : i32 to vector<16xi32>
      %add3A_920 = arith.addi %mul3A_884, %add3A_919 : vector<16xi32>
      tpu.vector_store_idx %arg11[%div3A_877, %add3A_920], %gather3A_917 : memref<128x416xf32, #tpu.memory_space<vmem>>[vector<16xi32>, vector<16xi32>], vector<16xf32>,
      %add3A_921 = arith.constant 80 : i32
      %add3A_922 = vector.broadcast %add3A_921 : i32 to vector<16xi32>
      %add3A_923 = arith.addi %get3A_870, %add3A_922 : vector<16xi32>
      %gather3A_924 = tpu.vector_load_idx %arg10[%broadcast_in_dim3A_885, %add3A_864, %add3A_923] : memref<2x64x256xf32, #tpu.memory_space<vmem>>[vector<16xi32>, vector<16xi32>, vector<16xi32>], vector<16xf32>,
      %add3A_925 = arith.constant 5 : i32
      %add3A_926 = vector.broadcast %add3A_925 : i32 to vector<16xi32>
      %add3A_927 = arith.addi %mul3A_884, %add3A_926 : vector<16xi32>
      tpu.vector_store_idx %arg11[%div3A_877, %add3A_927], %gather3A_924 : memref<128x416xf32, #tpu.memory_space<vmem>>[vector<16xi32>, vector<16xi32>], vector<16xf32>,
      %add3A_928 = arith.constant 96 : i32
      %add3A_929 = vector.broadcast %add3A_928 : i32 to vector<16xi32>
      %add3A_930 = arith.addi %get3A_870, %add3A_929 : vector<16xi32>
      %gather3A_931 = tpu.vector_load_idx %arg10[%broadcast_in_dim3A_885, %add3A_864, %add3A_930] : memref<2x64x256xf32, #tpu.memory_space<vmem>>[vector<16xi32>, vector<16xi32>, vector<16xi32>], vector<16xf32>,
      %add3A_932 = arith.constant 6 : i32
      %add3A_933 = vector.broadcast %add3A_932 : i32 to vector<16xi32>
      %add3A_934 = arith.addi %mul3A_884, %add3A_933 : vector<16xi32>
      tpu.vector_store_idx %arg11[%div3A_877, %add3A_934], %gather3A_931 : memref<128x416xf32, #tpu.memory_space<vmem>>[vector<16xi32>, vector<16xi32>], vector<16xf32>,
      %add3A_935 = arith.constant 112 : i32
      %add3A_936 = vector.broadcast %add3A_935 : i32 to vector<16xi32>
      %add3A_937 = arith.addi %get3A_870, %add3A_936 : vector<16xi32>
      %gather3A_938 = tpu.vector_load_idx %arg10[%broadcast_in_dim3A_885, %add3A_864, %add3A_937] : memref<2x64x256xf32, #tpu.memory_space<vmem>>[vector<16xi32>, vector<16xi32>, vector<16xi32>], vector<16xf32>,
      %add3A_939 = arith.constant 7 : i32
      %add3A_940 = vector.broadcast %add3A_939 : i32 to vector<16xi32>
      %add3A_941 = arith.addi %mul3A_884, %add3A_940 : vector<16xi32>
      tpu.vector_store_idx %arg11[%div3A_877, %add3A_941], %gather3A_938 : memref<128x416xf32, #tpu.memory_space<vmem>>[vector<16xi32>, vector<16xi32>], vector<16xf32>,
      %add3A_942 = arith.constant 128 : i32
      %add3A_943 = vector.broadcast %add3A_942 : i32 to vector<16xi32>
      %add3A_944 = arith.addi %get3A_870, %add3A_943 : vector<16xi32>
      %gather3A_945 = tpu.vector_load_idx %arg10[%broadcast_in_dim3A_885, %add3A_864, %add3A_944] : memref<2x64x256xf32, #tpu.memory_space<vmem>>[vector<16xi32>, vector<16xi32>, vector<16xi32>], vector<16xf32>,
      %add3A_946 = arith.constant 8 : i32
      %add3A_947 = vector.broadcast %add3A_946 : i32 to vector<16xi32>
      %add3A_948 = arith.addi %mul3A_884, %add3A_947 : vector<16xi32>
      tpu.vector_store_idx %arg11[%div3A_877, %add3A_948], %gather3A_945 : memref<128x416xf32, #tpu.memory_space<vmem>>[vector<16xi32>, vector<16xi32>], vector<16xf32>,
      %add3A_949 = arith.constant 144 : i32
      %add3A_950 = vector.broadcast %add3A_949 : i32 to vector<16xi32>
      %add3A_951 = arith.addi %get3A_870, %add3A_950 : vector<16xi32>
      %gather3A_952 = tpu.vector_load_idx %arg10[%broadcast_in_dim3A_885, %add3A_864, %add3A_951] : memref<2x64x256xf32, #tpu.memory_space<vmem>>[vector<16xi32>, vector<16xi32>, vector<16xi32>], vector<16xf32>,
      %add3A_953 = arith.constant 9 : i32
      %add3A_954 = vector.broadcast %add3A_953 : i32 to vector<16xi32>
      %add3A_955 = arith.addi %mul3A_884, %add3A_954 : vector<16xi32>
      tpu.vector_store_idx %arg11[%div3A_877, %add3A_955], %gather3A_952 : memref<128x416xf32, #tpu.memory_space<vmem>>[vector<16xi32>, vector<16xi32>], vector<16xf32>,
      %add3A_956 = arith.constant 160 : i32
      %add3A_957 = vector.broadcast %add3A_956 : i32 to vector<16xi32>
      %add3A_958 = arith.addi %get3A_870, %add3A_957 : vector<16xi32>
      %gather3A_959 = tpu.vector_load_idx %arg10[%broadcast_in_dim3A_885, %add3A_864, %add3A_958] : memref<2x64x256xf32, #tpu.memory_space<vmem>>[vector<16xi32>, vector<16xi32>, vector<16xi32>], vector<16xf32>,
      %add3A_960 = arith.constant 10 : i32
      %add3A_961 = vector.broadcast %add3A_960 : i32 to vector<16xi32>
      %add3A_962 = arith.addi %mul3A_884, %add3A_961 : vector<16xi32>
      tpu.vector_store_idx %arg11[%div3A_877, %add3A_962], %gather3A_959 : memref<128x416xf32, #tpu.memory_space<vmem>>[vector<16xi32>, vector<16xi32>], vector<16xf32>,
      %add3A_963 = arith.constant 176 : i32
      %add3A_964 = vector.broadcast %add3A_963 : i32 to vector<16xi32>
      %add3A_965 = arith.addi %get3A_870, %add3A_964 : vector<16xi32>
      %gather3A_966 = tpu.vector_load_idx %arg10[%broadcast_in_dim3A_885, %add3A_864, %add3A_965] : memref<2x64x256xf32, #tpu.memory_space<vmem>>[vector<16xi32>, vector<16xi32>, vector<16xi32>], vector<16xf32>,
      %add3A_967 = arith.constant 11 : i32
      %add3A_968 = vector.broadcast %add3A_967 : i32 to vector<16xi32>
      %add3A_969 = arith.addi %mul3A_884, %add3A_968 : vector<16xi32>
      tpu.vector_store_idx %arg11[%div3A_877, %add3A_969], %gather3A_966 : memref<128x416xf32, #tpu.memory_space<vmem>>[vector<16xi32>, vector<16xi32>], vector<16xf32>,
      %add3A_970 = arith.constant 192 : i32
      %add3A_971 = vector.broadcast %add3A_970 : i32 to vector<16xi32>
      %add3A_972 = arith.addi %get3A_870, %add3A_971 : vector<16xi32>
      %gather3A_973 = tpu.vector_load_idx %arg10[%broadcast_in_dim3A_885, %add3A_864, %add3A_972] : memref<2x64x256xf32, #tpu.memory_space<vmem>>[vector<16xi32>, vector<16xi32>, vector<16xi32>], vector<16xf32>,
      %add3A_974 = arith.constant 12 : i32
      %add3A_975 = vector.broadcast %add3A_974 : i32 to vector<16xi32>
      %add3A_976 = arith.addi %mul3A_884, %add3A_975 : vector<16xi32>
      tpu.vector_store_idx %arg11[%div3A_877, %add3A_976], %gather3A_973 : memref<128x416xf32, #tpu.memory_space<vmem>>[vector<16xi32>, vector<16xi32>], vector<16xf32>,
      %add3A_977 = arith.constant 208 : i32
      %add3A_978 = vector.broadcast %add3A_977 : i32 to vector<16xi32>
      %add3A_979 = arith.addi %get3A_870, %add3A_978 : vector<16xi32>
      %gather3A_980 = tpu.vector_load_idx %arg10[%broadcast_in_dim3A_885, %add3A_864, %add3A_979] : memref<2x64x256xf32, #tpu.memory_space<vmem>>[vector<16xi32>, vector<16xi32>, vector<16xi32>], vector<16xf32>,
      %add3A_981 = arith.constant 13 : i32
      %add3A_982 = vector.broadcast %add3A_981 : i32 to vector<16xi32>
      %add3A_983 = arith.addi %mul3A_884, %add3A_982 : vector<16xi32>
      tpu.vector_store_idx %arg11[%div3A_877, %add3A_983], %gather3A_980 : memref<128x416xf32, #tpu.memory_space<vmem>>[vector<16xi32>, vector<16xi32>], vector<16xf32>,
      %add3A_984 = arith.constant 224 : i32
      %add3A_985 = vector.broadcast %add3A_984 : i32 to vector<16xi32>
      %add3A_986 = arith.addi %get3A_870, %add3A_985 : vector<16xi32>
      %gather3A_987 = tpu.vector_load_idx %arg10[%broadcast_in_dim3A_885, %add3A_864, %add3A_986] : memref<2x64x256xf32, #tpu.memory_space<vmem>>[vector<16xi32>, vector<16xi32>, vector<16xi32>], vector<16xf32>,
      %add3A_988 = arith.constant 14 : i32
      %add3A_989 = vector.broadcast %add3A_988 : i32 to vector<16xi32>
      %add3A_990 = arith.addi %mul3A_884, %add3A_989 : vector<16xi32>
      tpu.vector_store_idx %arg11[%div3A_877, %add3A_990], %gather3A_987 : memref<128x416xf32, #tpu.memory_space<vmem>>[vector<16xi32>, vector<16xi32>], vector<16xf32>,
      %add3A_991 = arith.constant 240 : i32
      %add3A_992 = vector.broadcast %add3A_991 : i32 to vector<16xi32>
      %add3A_993 = arith.addi %get3A_870, %add3A_992 : vector<16xi32>
      %gather3A_994 = tpu.vector_load_idx %arg10[%broadcast_in_dim3A_885, %add3A_864, %add3A_993] : memref<2x64x256xf32, #tpu.memory_space<vmem>>[vector<16xi32>, vector<16xi32>, vector<16xi32>], vector<16xf32>,
      %add3A_995 = arith.constant 15 : i32
      %add3A_996 = vector.broadcast %add3A_995 : i32 to vector<16xi32>
      %add3A_997 = arith.addi %mul3A_884, %add3A_996 : vector<16xi32>
      tpu.vector_store_idx %arg11[%div3A_877, %add3A_997], %gather3A_994 : memref<128x416xf32, #tpu.memory_space<vmem>>[vector<16xi32>, vector<16xi32>], vector<16xf32>,
      %iota3A_998 = tpu.iota {dimensions = array<i32: 0>} : vector<16xi32>
      %add3A_999 = arith.constant 48 : i32
      %add3A_1000 = vector.broadcast %add3A_999 : i32 to vector<16xi32>
      %add3A_1001 = arith.addi %iota3A_998, %add3A_1000 : vector<16xi32>
      %mul3A_1002 = arith.constant 64 : i32
      %mul3A_1003 = arith.muli %scan3A_558, %mul3A_1002 : i32
      %add3A_1004 = arith.constant 48 : i32
      %add3A_1005 = arith.addi %mul3A_1003, %add3A_1004 : i32
      %get3A_1006 = arith.index_cast %add3A_1005 : i32 to index
      %get3A_1007 = tpu.vector_load %arg9[%get3A_1006] {strides = array<i32>} : memref<3328xi32, #tpu.memory_space<vmem>>, vector<16xi32>,
      %mul3A_1008 = arith.constant 64 : i32
      %mul3A_1009 = arith.muli %scan3A_558, %mul3A_1008 : i32
      %add3A_1010 = vector.broadcast %mul3A_1009 : i32 to vector<16xi32>
      %add3A_1011 = arith.addi %add3A_1001, %add3A_1010 : vector<16xi32>
      %div3A_1012 = arith.constant 26 : i32
      %div3A_1013 = vector.broadcast %div3A_1012 : i32 to vector<16xi32>
      %div3A_1014 = arith.divsi %add3A_1011, %div3A_1013 : vector<16xi32>
      %mul3A_1015 = arith.constant 26 : i32
      %mul3A_1016 = vector.broadcast %mul3A_1015 : i32 to vector<16xi32>
      %mul3A_1017 = arith.muli %div3A_1014, %mul3A_1016 : vector<16xi32>
      %sub3A_1018 = arith.subi %add3A_1011, %mul3A_1017 : vector<16xi32>
      %mul3A_1019 = arith.constant 16 : i32
      %mul3A_1020 = vector.broadcast %mul3A_1019 : i32 to vector<16xi32>
      %mul3A_1021 = arith.muli %sub3A_1018, %mul3A_1020 : vector<16xi32>
      %broadcast_in_dim3A_1022 = vector.broadcast %rem3A_560 : i32 to vector<16xi32>
      %add3A_1023 = arith.constant 0 : i32
      %add3A_1024 = vector.broadcast %add3A_1023 : i32 to vector<16xi32>
      %add3A_1025 = arith.addi %get3A_1007, %add3A_1024 : vector<16xi32>
      %gather3A_1026 = tpu.vector_load_idx %arg10[%broadcast_in_dim3A_1022, %add3A_1001, %add3A_1025] : memref<2x64x256xf32, #tpu.memory_space<vmem>>[vector<16xi32>, vector<16xi32>, vector<16xi32>], vector<16xf32>,
      %add3A_1027 = arith.constant 0 : i32
      %add3A_1028 = vector.broadcast %add3A_1027 : i32 to vector<16xi32>
      %add3A_1029 = arith.addi %mul3A_1021, %add3A_1028 : vector<16xi32>
      tpu.vector_store_idx %arg11[%div3A_1014, %add3A_1029], %gather3A_1026 : memref<128x416xf32, #tpu.memory_space<vmem>>[vector<16xi32>, vector<16xi32>], vector<16xf32>,
      %add3A_1030 = arith.constant 16 : i32
      %add3A_1031 = vector.broadcast %add3A_1030 : i32 to vector<16xi32>
      %add3A_1032 = arith.addi %get3A_1007, %add3A_1031 : vector<16xi32>
      %gather3A_1033 = tpu.vector_load_idx %arg10[%broadcast_in_dim3A_1022, %add3A_1001, %add3A_1032] : memref<2x64x256xf32, #tpu.memory_space<vmem>>[vector<16xi32>, vector<16xi32>, vector<16xi32>], vector<16xf32>,
      %add3A_1034 = arith.constant 1 : i32
      %add3A_1035 = vector.broadcast %add3A_1034 : i32 to vector<16xi32>
      %add3A_1036 = arith.addi %mul3A_1021, %add3A_1035 : vector<16xi32>
      tpu.vector_store_idx %arg11[%div3A_1014, %add3A_1036], %gather3A_1033 : memref<128x416xf32, #tpu.memory_space<vmem>>[vector<16xi32>, vector<16xi32>], vector<16xf32>,
      %add3A_1037 = arith.constant 32 : i32
      %add3A_1038 = vector.broadcast %add3A_1037 : i32 to vector<16xi32>
      %add3A_1039 = arith.addi %get3A_1007, %add3A_1038 : vector<16xi32>
      %gather3A_1040 = tpu.vector_load_idx %arg10[%broadcast_in_dim3A_1022, %add3A_1001, %add3A_1039] : memref<2x64x256xf32, #tpu.memory_space<vmem>>[vector<16xi32>, vector<16xi32>, vector<16xi32>], vector<16xf32>,
      %add3A_1041 = arith.constant 2 : i32
      %add3A_1042 = vector.broadcast %add3A_1041 : i32 to vector<16xi32>
      %add3A_1043 = arith.addi %mul3A_1021, %add3A_1042 : vector<16xi32>
      tpu.vector_store_idx %arg11[%div3A_1014, %add3A_1043], %gather3A_1040 : memref<128x416xf32, #tpu.memory_space<vmem>>[vector<16xi32>, vector<16xi32>], vector<16xf32>,
      %add3A_1044 = arith.constant 48 : i32
      %add3A_1045 = vector.broadcast %add3A_1044 : i32 to vector<16xi32>
      %add3A_1046 = arith.addi %get3A_1007, %add3A_1045 : vector<16xi32>
      %gather3A_1047 = tpu.vector_load_idx %arg10[%broadcast_in_dim3A_1022, %add3A_1001, %add3A_1046] : memref<2x64x256xf32, #tpu.memory_space<vmem>>[vector<16xi32>, vector<16xi32>, vector<16xi32>], vector<16xf32>,
      %add3A_1048 = arith.constant 3 : i32
      %add3A_1049 = vector.broadcast %add3A_1048 : i32 to vector<16xi32>
      %add3A_1050 = arith.addi %mul3A_1021, %add3A_1049 : vector<16xi32>
      tpu.vector_store_idx %arg11[%div3A_1014, %add3A_1050], %gather3A_1047 : memref<128x416xf32, #tpu.memory_space<vmem>>[vector<16xi32>, vector<16xi32>], vector<16xf32>,
      %add3A_1051 = arith.constant 64 : i32
      %add3A_1052 = vector.broadcast %add3A_1051 : i32 to vector<16xi32>
      %add3A_1053 = arith.addi %get3A_1007, %add3A_1052 : vector<16xi32>
      %gather3A_1054 = tpu.vector_load_idx %arg10[%broadcast_in_dim3A_1022, %add3A_1001, %add3A_1053] : memref<2x64x256xf32, #tpu.memory_space<vmem>>[vector<16xi32>, vector<16xi32>, vector<16xi32>], vector<16xf32>,
      %add3A_1055 = arith.constant 4 : i32
      %add3A_1056 = vector.broadcast %add3A_1055 : i32 to vector<16xi32>
      %add3A_1057 = arith.addi %mul3A_1021, %add3A_1056 : vector<16xi32>
      tpu.vector_store_idx %arg11[%div3A_1014, %add3A_1057], %gather3A_1054 : memref<128x416xf32, #tpu.memory_space<vmem>>[vector<16xi32>, vector<16xi32>], vector<16xf32>,
      %add3A_1058 = arith.constant 80 : i32
      %add3A_1059 = vector.broadcast %add3A_1058 : i32 to vector<16xi32>
      %add3A_1060 = arith.addi %get3A_1007, %add3A_1059 : vector<16xi32>
      %gather3A_1061 = tpu.vector_load_idx %arg10[%broadcast_in_dim3A_1022, %add3A_1001, %add3A_1060] : memref<2x64x256xf32, #tpu.memory_space<vmem>>[vector<16xi32>, vector<16xi32>, vector<16xi32>], vector<16xf32>,
      %add3A_1062 = arith.constant 5 : i32
      %add3A_1063 = vector.broadcast %add3A_1062 : i32 to vector<16xi32>
      %add3A_1064 = arith.addi %mul3A_1021, %add3A_1063 : vector<16xi32>
      tpu.vector_store_idx %arg11[%div3A_1014, %add3A_1064], %gather3A_1061 : memref<128x416xf32, #tpu.memory_space<vmem>>[vector<16xi32>, vector<16xi32>], vector<16xf32>,
      %add3A_1065 = arith.constant 96 : i32
      %add3A_1066 = vector.broadcast %add3A_1065 : i32 to vector<16xi32>
      %add3A_1067 = arith.addi %get3A_1007, %add3A_1066 : vector<16xi32>
      %gather3A_1068 = tpu.vector_load_idx %arg10[%broadcast_in_dim3A_1022, %add3A_1001, %add3A_1067] : memref<2x64x256xf32, #tpu.memory_space<vmem>>[vector<16xi32>, vector<16xi32>, vector<16xi32>], vector<16xf32>,
      %add3A_1069 = arith.constant 6 : i32
      %add3A_1070 = vector.broadcast %add3A_1069 : i32 to vector<16xi32>
      %add3A_1071 = arith.addi %mul3A_1021, %add3A_1070 : vector<16xi32>
      tpu.vector_store_idx %arg11[%div3A_1014, %add3A_1071], %gather3A_1068 : memref<128x416xf32, #tpu.memory_space<vmem>>[vector<16xi32>, vector<16xi32>], vector<16xf32>,
      %add3A_1072 = arith.constant 112 : i32
      %add3A_1073 = vector.broadcast %add3A_1072 : i32 to vector<16xi32>
      %add3A_1074 = arith.addi %get3A_1007, %add3A_1073 : vector<16xi32>
      %gather3A_1075 = tpu.vector_load_idx %arg10[%broadcast_in_dim3A_1022, %add3A_1001, %add3A_1074] : memref<2x64x256xf32, #tpu.memory_space<vmem>>[vector<16xi32>, vector<16xi32>, vector<16xi32>], vector<16xf32>,
      %add3A_1076 = arith.constant 7 : i32
      %add3A_1077 = vector.broadcast %add3A_1076 : i32 to vector<16xi32>
      %add3A_1078 = arith.addi %mul3A_1021, %add3A_1077 : vector<16xi32>
      tpu.vector_store_idx %arg11[%div3A_1014, %add3A_1078], %gather3A_1075 : memref<128x416xf32, #tpu.memory_space<vmem>>[vector<16xi32>, vector<16xi32>], vector<16xf32>,
      %add3A_1079 = arith.constant 128 : i32
      %add3A_1080 = vector.broadcast %add3A_1079 : i32 to vector<16xi32>
      %add3A_1081 = arith.addi %get3A_1007, %add3A_1080 : vector<16xi32>
      %gather3A_1082 = tpu.vector_load_idx %arg10[%broadcast_in_dim3A_1022, %add3A_1001, %add3A_1081] : memref<2x64x256xf32, #tpu.memory_space<vmem>>[vector<16xi32>, vector<16xi32>, vector<16xi32>], vector<16xf32>,
      %add3A_1083 = arith.constant 8 : i32
      %add3A_1084 = vector.broadcast %add3A_1083 : i32 to vector<16xi32>
      %add3A_1085 = arith.addi %mul3A_1021, %add3A_1084 : vector<16xi32>
      tpu.vector_store_idx %arg11[%div3A_1014, %add3A_1085], %gather3A_1082 : memref<128x416xf32, #tpu.memory_space<vmem>>[vector<16xi32>, vector<16xi32>], vector<16xf32>,
      %add3A_1086 = arith.constant 144 : i32
      %add3A_1087 = vector.broadcast %add3A_1086 : i32 to vector<16xi32>
      %add3A_1088 = arith.addi %get3A_1007, %add3A_1087 : vector<16xi32>
      %gather3A_1089 = tpu.vector_load_idx %arg10[%broadcast_in_dim3A_1022, %add3A_1001, %add3A_1088] : memref<2x64x256xf32, #tpu.memory_space<vmem>>[vector<16xi32>, vector<16xi32>, vector<16xi32>], vector<16xf32>,
      %add3A_1090 = arith.constant 9 : i32
      %add3A_1091 = vector.broadcast %add3A_1090 : i32 to vector<16xi32>
      %add3A_1092 = arith.addi %mul3A_1021, %add3A_1091 : vector<16xi32>
      tpu.vector_store_idx %arg11[%div3A_1014, %add3A_1092], %gather3A_1089 : memref<128x416xf32, #tpu.memory_space<vmem>>[vector<16xi32>, vector<16xi32>], vector<16xf32>,
      %add3A_1093 = arith.constant 160 : i32
      %add3A_1094 = vector.broadcast %add3A_1093 : i32 to vector<16xi32>
      %add3A_1095 = arith.addi %get3A_1007, %add3A_1094 : vector<16xi32>
      %gather3A_1096 = tpu.vector_load_idx %arg10[%broadcast_in_dim3A_1022, %add3A_1001, %add3A_1095] : memref<2x64x256xf32, #tpu.memory_space<vmem>>[vector<16xi32>, vector<16xi32>, vector<16xi32>], vector<16xf32>,
      %add3A_1097 = arith.constant 10 : i32
      %add3A_1098 = vector.broadcast %add3A_1097 : i32 to vector<16xi32>
      %add3A_1099 = arith.addi %mul3A_1021, %add3A_1098 : vector<16xi32>
      tpu.vector_store_idx %arg11[%div3A_1014, %add3A_1099], %gather3A_1096 : memref<128x416xf32, #tpu.memory_space<vmem>>[vector<16xi32>, vector<16xi32>], vector<16xf32>,
      %add3A_1100 = arith.constant 176 : i32
      %add3A_1101 = vector.broadcast %add3A_1100 : i32 to vector<16xi32>
      %add3A_1102 = arith.addi %get3A_1007, %add3A_1101 : vector<16xi32>
      %gather3A_1103 = tpu.vector_load_idx %arg10[%broadcast_in_dim3A_1022, %add3A_1001, %add3A_1102] : memref<2x64x256xf32, #tpu.memory_space<vmem>>[vector<16xi32>, vector<16xi32>, vector<16xi32>], vector<16xf32>,
      %add3A_1104 = arith.constant 11 : i32
      %add3A_1105 = vector.broadcast %add3A_1104 : i32 to vector<16xi32>
      %add3A_1106 = arith.addi %mul3A_1021, %add3A_1105 : vector<16xi32>
      tpu.vector_store_idx %arg11[%div3A_1014, %add3A_1106], %gather3A_1103 : memref<128x416xf32, #tpu.memory_space<vmem>>[vector<16xi32>, vector<16xi32>], vector<16xf32>,
      %add3A_1107 = arith.constant 192 : i32
      %add3A_1108 = vector.broadcast %add3A_1107 : i32 to vector<16xi32>
      %add3A_1109 = arith.addi %get3A_1007, %add3A_1108 : vector<16xi32>
      %gather3A_1110 = tpu.vector_load_idx %arg10[%broadcast_in_dim3A_1022, %add3A_1001, %add3A_1109] : memref<2x64x256xf32, #tpu.memory_space<vmem>>[vector<16xi32>, vector<16xi32>, vector<16xi32>], vector<16xf32>,
      %add3A_1111 = arith.constant 12 : i32
      %add3A_1112 = vector.broadcast %add3A_1111 : i32 to vector<16xi32>
      %add3A_1113 = arith.addi %mul3A_1021, %add3A_1112 : vector<16xi32>
      tpu.vector_store_idx %arg11[%div3A_1014, %add3A_1113], %gather3A_1110 : memref<128x416xf32, #tpu.memory_space<vmem>>[vector<16xi32>, vector<16xi32>], vector<16xf32>,
      %add3A_1114 = arith.constant 208 : i32
      %add3A_1115 = vector.broadcast %add3A_1114 : i32 to vector<16xi32>
      %add3A_1116 = arith.addi %get3A_1007, %add3A_1115 : vector<16xi32>
      %gather3A_1117 = tpu.vector_load_idx %arg10[%broadcast_in_dim3A_1022, %add3A_1001, %add3A_1116] : memref<2x64x256xf32, #tpu.memory_space<vmem>>[vector<16xi32>, vector<16xi32>, vector<16xi32>], vector<16xf32>,
      %add3A_1118 = arith.constant 13 : i32
      %add3A_1119 = vector.broadcast %add3A_1118 : i32 to vector<16xi32>
      %add3A_1120 = arith.addi %mul3A_1021, %add3A_1119 : vector<16xi32>
      tpu.vector_store_idx %arg11[%div3A_1014, %add3A_1120], %gather3A_1117 : memref<128x416xf32, #tpu.memory_space<vmem>>[vector<16xi32>, vector<16xi32>], vector<16xf32>,
      %add3A_1121 = arith.constant 224 : i32
      %add3A_1122 = vector.broadcast %add3A_1121 : i32 to vector<16xi32>
      %add3A_1123 = arith.addi %get3A_1007, %add3A_1122 : vector<16xi32>
      %gather3A_1124 = tpu.vector_load_idx %arg10[%broadcast_in_dim3A_1022, %add3A_1001, %add3A_1123] : memref<2x64x256xf32, #tpu.memory_space<vmem>>[vector<16xi32>, vector<16xi32>, vector<16xi32>], vector<16xf32>,
      %add3A_1125 = arith.constant 14 : i32
      %add3A_1126 = vector.broadcast %add3A_1125 : i32 to vector<16xi32>
      %add3A_1127 = arith.addi %mul3A_1021, %add3A_1126 : vector<16xi32>
      tpu.vector_store_idx %arg11[%div3A_1014, %add3A_1127], %gather3A_1124 : memref<128x416xf32, #tpu.memory_space<vmem>>[vector<16xi32>, vector<16xi32>], vector<16xf32>,
      %add3A_1128 = arith.constant 240 : i32
      %add3A_1129 = vector.broadcast %add3A_1128 : i32 to vector<16xi32>
      %add3A_1130 = arith.addi %get3A_1007, %add3A_1129 : vector<16xi32>
      %gather3A_1131 = tpu.vector_load_idx %arg10[%broadcast_in_dim3A_1022, %add3A_1001, %add3A_1130] : memref<2x64x256xf32, #tpu.memory_space<vmem>>[vector<16xi32>, vector<16xi32>, vector<16xi32>], vector<16xf32>,
      %add3A_1132 = arith.constant 15 : i32
      %add3A_1133 = vector.broadcast %add3A_1132 : i32 to vector<16xi32>
      %add3A_1134 = arith.addi %mul3A_1021, %add3A_1133 : vector<16xi32>
      tpu.vector_store_idx %arg11[%div3A_1014, %add3A_1134], %gather3A_1131 : memref<128x416xf32, #tpu.memory_space<vmem>>[vector<16xi32>, vector<16xi32>], vector<16xf32>,
    }
    %scan3A_22 = arith.constant 51 : i32
    %rem3A = arith.constant 51 : i32
    %rem3A_23 = arith.constant 2 : i32
    %rem3A_24 = arith.remsi %rem3A, %rem3A_23 : i32
    %eq3A = arith.constant 0 : i32
    %eq3A_25 = arith.cmpi eq, %rem3A_24, %eq3A : i32
    %convert_element_type3A = arith.extui %eq3A_25 : i1 to i32
    %cond3A = arith.constant 0 : i32
    %cond3A_26 = arith.cmpi ne, %convert_element_type3A, %cond3A : i32
    scf.if %cond3A_26 {
      %dma_wait3A = arith.constant 0 : i32
      %dma_wait3A_558 = arith.constant 0 : i32
      %dma_wait3A_559 = arith.constant 0 : i32
      %dma_wait3A_560 = tpu.memref_slice %arg10[%dma_wait3A, %dma_wait3A_558, %dma_wait3A_559] : memref<2x64x256xf32, #tpu.memory_space<vmem>> -> memref<1x64x256xf32, #tpu.memory_space<vmem>>
      %dma_wait3A_561 = tpu.memref_squeeze %dma_wait3A_560 : memref<1x64x256xf32, #tpu.memory_space<vmem>> -> memref<64x256xf32, #tpu.memory_space<vmem>>
      %dma_wait3A_562 = arith.constant 0 : i32
      %dma_wait3A_563 = tpu.memref_slice %arg8[%dma_wait3A_562] : memref<3328xi32, #tpu.memory_space<vmem>> -> memref<64xi32, #tpu.memory_space<vmem>>
      %dma_wait3A_564 = arith.constant 0 : i32
      %dma_wait3A_565 = arith.constant 0 : i32
      %dma_wait3A_566 = tpu.memref_slice %arg4[%dma_wait3A_564, %dma_wait3A_565] : memref<162500x256xf32, #tpu.memory_space<hbm>> -> memref<162500x256xf32, #tpu.memory_space<hbm>>
      tpu.wait_indirect_dma semaphore(%arg12 : memref<!tpu.dma_semaphore, #tpu.memory_space<semaphore_mem>>) src(%dma_wait3A_566 : memref<162500x256xf32, #tpu.memory_space<hbm>>) dst(%dma_wait3A_561 : memref<64x256xf32, #tpu.memory_space<vmem>>)
    } else {
    }
    %ne3A = arith.constant 0 : i32
    %ne3A_27 = arith.cmpi ne, %rem3A_24, %ne3A : i32
    %convert_element_type3A_28 = arith.extui %ne3A_27 : i1 to i32
    %cond3A_29 = arith.constant 0 : i32
    %cond3A_30 = arith.cmpi ne, %convert_element_type3A_28, %cond3A_29 : i32
    scf.if %cond3A_30 {
      %dma_wait3A = arith.constant 1 : i32
      %dma_wait3A_558 = arith.constant 0 : i32
      %dma_wait3A_559 = arith.constant 0 : i32
      %dma_wait3A_560 = tpu.memref_slice %arg10[%dma_wait3A, %dma_wait3A_558, %dma_wait3A_559] : memref<2x64x256xf32, #tpu.memory_space<vmem>> -> memref<1x64x256xf32, #tpu.memory_space<vmem>>
      %dma_wait3A_561 = tpu.memref_squeeze %dma_wait3A_560 : memref<1x64x256xf32, #tpu.memory_space<vmem>> -> memref<64x256xf32, #tpu.memory_space<vmem>>
      %dma_wait3A_562 = arith.constant 0 : i32
      %dma_wait3A_563 = tpu.memref_slice %arg8[%dma_wait3A_562] : memref<3328xi32, #tpu.memory_space<vmem>> -> memref<64xi32, #tpu.memory_space<vmem>>
      %dma_wait3A_564 = arith.constant 0 : i32
      %dma_wait3A_565 = arith.constant 0 : i32
      %dma_wait3A_566 = tpu.memref_slice %arg4[%dma_wait3A_564, %dma_wait3A_565] : memref<162500x256xf32, #tpu.memory_space<hbm>> -> memref<162500x256xf32, #tpu.memory_space<hbm>>
      tpu.wait_indirect_dma semaphore(%arg13 : memref<!tpu.dma_semaphore, #tpu.memory_space<semaphore_mem>>) src(%dma_wait3A_566 : memref<162500x256xf32, #tpu.memory_space<hbm>>) dst(%dma_wait3A_561 : memref<64x256xf32, #tpu.memory_space<vmem>>)
    } else {
    }
    %rem3A_31 = arith.constant 51 : i32
    %rem3A_32 = arith.constant 2 : i32
    %rem3A_33 = arith.remsi %rem3A_31, %rem3A_32 : i32
    %iota3A = tpu.iota {dimensions = array<i32: 0>} : vector<16xi32>
    %add3A_34 = arith.constant 0 : i32
    %add3A_35 = vector.broadcast %add3A_34 : i32 to vector<16xi32>
    %add3A_36 = arith.addi %iota3A, %add3A_35 : vector<16xi32>
    %get3A = arith.constant 3264 : index
    %get3A_37 = tpu.vector_load %arg9[%get3A] {strides = array<i32>} : memref<3328xi32, #tpu.memory_space<vmem>>, vector<16xi32>,
    %add3A_38 = arith.constant 3264 : i32
    %add3A_39 = vector.broadcast %add3A_38 : i32 to vector<16xi32>
    %add3A_40 = arith.addi %add3A_36, %add3A_39 : vector<16xi32>
    %div3A = arith.constant 26 : i32
    %div3A_41 = vector.broadcast %div3A : i32 to vector<16xi32>
    %div3A_42 = arith.divsi %add3A_40, %div3A_41 : vector<16xi32>
    %mul3A_43 = arith.constant 26 : i32
    %mul3A_44 = vector.broadcast %mul3A_43 : i32 to vector<16xi32>
    %mul3A_45 = arith.muli %div3A_42, %mul3A_44 : vector<16xi32>
    %sub3A = arith.subi %add3A_40, %mul3A_45 : vector<16xi32>
    %mul3A_46 = arith.constant 16 : i32
    %mul3A_47 = vector.broadcast %mul3A_46 : i32 to vector<16xi32>
    %mul3A_48 = arith.muli %sub3A, %mul3A_47 : vector<16xi32>
    %broadcast_in_dim3A = vector.broadcast %rem3A_33 : i32 to vector<16xi32>
    %add3A_49 = arith.constant 0 : i32
    %add3A_50 = vector.broadcast %add3A_49 : i32 to vector<16xi32>
    %add3A_51 = arith.addi %get3A_37, %add3A_50 : vector<16xi32>
    %gather3A = tpu.vector_load_idx %arg10[%broadcast_in_dim3A, %add3A_36, %add3A_51] : memref<2x64x256xf32, #tpu.memory_space<vmem>>[vector<16xi32>, vector<16xi32>, vector<16xi32>], vector<16xf32>,
    %add3A_52 = arith.constant 0 : i32
    %add3A_53 = vector.broadcast %add3A_52 : i32 to vector<16xi32>
    %add3A_54 = arith.addi %mul3A_48, %add3A_53 : vector<16xi32>
    tpu.vector_store_idx %arg11[%div3A_42, %add3A_54], %gather3A : memref<128x416xf32, #tpu.memory_space<vmem>>[vector<16xi32>, vector<16xi32>], vector<16xf32>,
    %add3A_55 = arith.constant 16 : i32
    %add3A_56 = vector.broadcast %add3A_55 : i32 to vector<16xi32>
    %add3A_57 = arith.addi %get3A_37, %add3A_56 : vector<16xi32>
    %gather3A_58 = tpu.vector_load_idx %arg10[%broadcast_in_dim3A, %add3A_36, %add3A_57] : memref<2x64x256xf32, #tpu.memory_space<vmem>>[vector<16xi32>, vector<16xi32>, vector<16xi32>], vector<16xf32>,
    %add3A_59 = arith.constant 1 : i32
    %add3A_60 = vector.broadcast %add3A_59 : i32 to vector<16xi32>
    %add3A_61 = arith.addi %mul3A_48, %add3A_60 : vector<16xi32>
    tpu.vector_store_idx %arg11[%div3A_42, %add3A_61], %gather3A_58 : memref<128x416xf32, #tpu.memory_space<vmem>>[vector<16xi32>, vector<16xi32>], vector<16xf32>,
    %add3A_62 = arith.constant 32 : i32
    %add3A_63 = vector.broadcast %add3A_62 : i32 to vector<16xi32>
    %add3A_64 = arith.addi %get3A_37, %add3A_63 : vector<16xi32>
    %gather3A_65 = tpu.vector_load_idx %arg10[%broadcast_in_dim3A, %add3A_36, %add3A_64] : memref<2x64x256xf32, #tpu.memory_space<vmem>>[vector<16xi32>, vector<16xi32>, vector<16xi32>], vector<16xf32>,
    %add3A_66 = arith.constant 2 : i32
    %add3A_67 = vector.broadcast %add3A_66 : i32 to vector<16xi32>
    %add3A_68 = arith.addi %mul3A_48, %add3A_67 : vector<16xi32>
    tpu.vector_store_idx %arg11[%div3A_42, %add3A_68], %gather3A_65 : memref<128x416xf32, #tpu.memory_space<vmem>>[vector<16xi32>, vector<16xi32>], vector<16xf32>,
    %add3A_69 = arith.constant 48 : i32
    %add3A_70 = vector.broadcast %add3A_69 : i32 to vector<16xi32>
    %add3A_71 = arith.addi %get3A_37, %add3A_70 : vector<16xi32>
    %gather3A_72 = tpu.vector_load_idx %arg10[%broadcast_in_dim3A, %add3A_36, %add3A_71] : memref<2x64x256xf32, #tpu.memory_space<vmem>>[vector<16xi32>, vector<16xi32>, vector<16xi32>], vector<16xf32>,
    %add3A_73 = arith.constant 3 : i32
    %add3A_74 = vector.broadcast %add3A_73 : i32 to vector<16xi32>
    %add3A_75 = arith.addi %mul3A_48, %add3A_74 : vector<16xi32>
    tpu.vector_store_idx %arg11[%div3A_42, %add3A_75], %gather3A_72 : memref<128x416xf32, #tpu.memory_space<vmem>>[vector<16xi32>, vector<16xi32>], vector<16xf32>,
    %add3A_76 = arith.constant 64 : i32
    %add3A_77 = vector.broadcast %add3A_76 : i32 to vector<16xi32>
    %add3A_78 = arith.addi %get3A_37, %add3A_77 : vector<16xi32>
    %gather3A_79 = tpu.vector_load_idx %arg10[%broadcast_in_dim3A, %add3A_36, %add3A_78] : memref<2x64x256xf32, #tpu.memory_space<vmem>>[vector<16xi32>, vector<16xi32>, vector<16xi32>], vector<16xf32>,
    %add3A_80 = arith.constant 4 : i32
    %add3A_81 = vector.broadcast %add3A_80 : i32 to vector<16xi32>
    %add3A_82 = arith.addi %mul3A_48, %add3A_81 : vector<16xi32>
    tpu.vector_store_idx %arg11[%div3A_42, %add3A_82], %gather3A_79 : memref<128x416xf32, #tpu.memory_space<vmem>>[vector<16xi32>, vector<16xi32>], vector<16xf32>,
    %add3A_83 = arith.constant 80 : i32
    %add3A_84 = vector.broadcast %add3A_83 : i32 to vector<16xi32>
    %add3A_85 = arith.addi %get3A_37, %add3A_84 : vector<16xi32>
    %gather3A_86 = tpu.vector_load_idx %arg10[%broadcast_in_dim3A, %add3A_36, %add3A_85] : memref<2x64x256xf32, #tpu.memory_space<vmem>>[vector<16xi32>, vector<16xi32>, vector<16xi32>], vector<16xf32>,
    %add3A_87 = arith.constant 5 : i32
    %add3A_88 = vector.broadcast %add3A_87 : i32 to vector<16xi32>
    %add3A_89 = arith.addi %mul3A_48, %add3A_88 : vector<16xi32>
    tpu.vector_store_idx %arg11[%div3A_42, %add3A_89], %gather3A_86 : memref<128x416xf32, #tpu.memory_space<vmem>>[vector<16xi32>, vector<16xi32>], vector<16xf32>,
    %add3A_90 = arith.constant 96 : i32
    %add3A_91 = vector.broadcast %add3A_90 : i32 to vector<16xi32>
    %add3A_92 = arith.addi %get3A_37, %add3A_91 : vector<16xi32>
    %gather3A_93 = tpu.vector_load_idx %arg10[%broadcast_in_dim3A, %add3A_36, %add3A_92] : memref<2x64x256xf32, #tpu.memory_space<vmem>>[vector<16xi32>, vector<16xi32>, vector<16xi32>], vector<16xf32>,
    %add3A_94 = arith.constant 6 : i32
    %add3A_95 = vector.broadcast %add3A_94 : i32 to vector<16xi32>
    %add3A_96 = arith.addi %mul3A_48, %add3A_95 : vector<16xi32>
    tpu.vector_store_idx %arg11[%div3A_42, %add3A_96], %gather3A_93 : memref<128x416xf32, #tpu.memory_space<vmem>>[vector<16xi32>, vector<16xi32>], vector<16xf32>,
    %add3A_97 = arith.constant 112 : i32
    %add3A_98 = vector.broadcast %add3A_97 : i32 to vector<16xi32>
    %add3A_99 = arith.addi %get3A_37, %add3A_98 : vector<16xi32>
    %gather3A_100 = tpu.vector_load_idx %arg10[%broadcast_in_dim3A, %add3A_36, %add3A_99] : memref<2x64x256xf32, #tpu.memory_space<vmem>>[vector<16xi32>, vector<16xi32>, vector<16xi32>], vector<16xf32>,
    %add3A_101 = arith.constant 7 : i32
    %add3A_102 = vector.broadcast %add3A_101 : i32 to vector<16xi32>
    %add3A_103 = arith.addi %mul3A_48, %add3A_102 : vector<16xi32>
    tpu.vector_store_idx %arg11[%div3A_42, %add3A_103], %gather3A_100 : memref<128x416xf32, #tpu.memory_space<vmem>>[vector<16xi32>, vector<16xi32>], vector<16xf32>,
    %add3A_104 = arith.constant 128 : i32
    %add3A_105 = vector.broadcast %add3A_104 : i32 to vector<16xi32>
    %add3A_106 = arith.addi %get3A_37, %add3A_105 : vector<16xi32>
    %gather3A_107 = tpu.vector_load_idx %arg10[%broadcast_in_dim3A, %add3A_36, %add3A_106] : memref<2x64x256xf32, #tpu.memory_space<vmem>>[vector<16xi32>, vector<16xi32>, vector<16xi32>], vector<16xf32>,
    %add3A_108 = arith.constant 8 : i32
    %add3A_109 = vector.broadcast %add3A_108 : i32 to vector<16xi32>
    %add3A_110 = arith.addi %mul3A_48, %add3A_109 : vector<16xi32>
    tpu.vector_store_idx %arg11[%div3A_42, %add3A_110], %gather3A_107 : memref<128x416xf32, #tpu.memory_space<vmem>>[vector<16xi32>, vector<16xi32>], vector<16xf32>,
    %add3A_111 = arith.constant 144 : i32
    %add3A_112 = vector.broadcast %add3A_111 : i32 to vector<16xi32>
    %add3A_113 = arith.addi %get3A_37, %add3A_112 : vector<16xi32>
    %gather3A_114 = tpu.vector_load_idx %arg10[%broadcast_in_dim3A, %add3A_36, %add3A_113] : memref<2x64x256xf32, #tpu.memory_space<vmem>>[vector<16xi32>, vector<16xi32>, vector<16xi32>], vector<16xf32>,
    %add3A_115 = arith.constant 9 : i32
    %add3A_116 = vector.broadcast %add3A_115 : i32 to vector<16xi32>
    %add3A_117 = arith.addi %mul3A_48, %add3A_116 : vector<16xi32>
    tpu.vector_store_idx %arg11[%div3A_42, %add3A_117], %gather3A_114 : memref<128x416xf32, #tpu.memory_space<vmem>>[vector<16xi32>, vector<16xi32>], vector<16xf32>,
    %add3A_118 = arith.constant 160 : i32
    %add3A_119 = vector.broadcast %add3A_118 : i32 to vector<16xi32>
    %add3A_120 = arith.addi %get3A_37, %add3A_119 : vector<16xi32>
    %gather3A_121 = tpu.vector_load_idx %arg10[%broadcast_in_dim3A, %add3A_36, %add3A_120] : memref<2x64x256xf32, #tpu.memory_space<vmem>>[vector<16xi32>, vector<16xi32>, vector<16xi32>], vector<16xf32>,
    %add3A_122 = arith.constant 10 : i32
    %add3A_123 = vector.broadcast %add3A_122 : i32 to vector<16xi32>
    %add3A_124 = arith.addi %mul3A_48, %add3A_123 : vector<16xi32>
    tpu.vector_store_idx %arg11[%div3A_42, %add3A_124], %gather3A_121 : memref<128x416xf32, #tpu.memory_space<vmem>>[vector<16xi32>, vector<16xi32>], vector<16xf32>,
    %add3A_125 = arith.constant 176 : i32
    %add3A_126 = vector.broadcast %add3A_125 : i32 to vector<16xi32>
    %add3A_127 = arith.addi %get3A_37, %add3A_126 : vector<16xi32>
    %gather3A_128 = tpu.vector_load_idx %arg10[%broadcast_in_dim3A, %add3A_36, %add3A_127] : memref<2x64x256xf32, #tpu.memory_space<vmem>>[vector<16xi32>, vector<16xi32>, vector<16xi32>], vector<16xf32>,
    %add3A_129 = arith.constant 11 : i32
    %add3A_130 = vector.broadcast %add3A_129 : i32 to vector<16xi32>
    %add3A_131 = arith.addi %mul3A_48, %add3A_130 : vector<16xi32>
    tpu.vector_store_idx %arg11[%div3A_42, %add3A_131], %gather3A_128 : memref<128x416xf32, #tpu.memory_space<vmem>>[vector<16xi32>, vector<16xi32>], vector<16xf32>,
    %add3A_132 = arith.constant 192 : i32
    %add3A_133 = vector.broadcast %add3A_132 : i32 to vector<16xi32>
    %add3A_134 = arith.addi %get3A_37, %add3A_133 : vector<16xi32>
    %gather3A_135 = tpu.vector_load_idx %arg10[%broadcast_in_dim3A, %add3A_36, %add3A_134] : memref<2x64x256xf32, #tpu.memory_space<vmem>>[vector<16xi32>, vector<16xi32>, vector<16xi32>], vector<16xf32>,
    %add3A_136 = arith.constant 12 : i32
    %add3A_137 = vector.broadcast %add3A_136 : i32 to vector<16xi32>
    %add3A_138 = arith.addi %mul3A_48, %add3A_137 : vector<16xi32>
    tpu.vector_store_idx %arg11[%div3A_42, %add3A_138], %gather3A_135 : memref<128x416xf32, #tpu.memory_space<vmem>>[vector<16xi32>, vector<16xi32>], vector<16xf32>,
    %add3A_139 = arith.constant 208 : i32
    %add3A_140 = vector.broadcast %add3A_139 : i32 to vector<16xi32>
    %add3A_141 = arith.addi %get3A_37, %add3A_140 : vector<16xi32>
    %gather3A_142 = tpu.vector_load_idx %arg10[%broadcast_in_dim3A, %add3A_36, %add3A_141] : memref<2x64x256xf32, #tpu.memory_space<vmem>>[vector<16xi32>, vector<16xi32>, vector<16xi32>], vector<16xf32>,
    %add3A_143 = arith.constant 13 : i32
    %add3A_144 = vector.broadcast %add3A_143 : i32 to vector<16xi32>
    %add3A_145 = arith.addi %mul3A_48, %add3A_144 : vector<16xi32>
    tpu.vector_store_idx %arg11[%div3A_42, %add3A_145], %gather3A_142 : memref<128x416xf32, #tpu.memory_space<vmem>>[vector<16xi32>, vector<16xi32>], vector<16xf32>,
    %add3A_146 = arith.constant 224 : i32
    %add3A_147 = vector.broadcast %add3A_146 : i32 to vector<16xi32>
    %add3A_148 = arith.addi %get3A_37, %add3A_147 : vector<16xi32>
    %gather3A_149 = tpu.vector_load_idx %arg10[%broadcast_in_dim3A, %add3A_36, %add3A_148] : memref<2x64x256xf32, #tpu.memory_space<vmem>>[vector<16xi32>, vector<16xi32>, vector<16xi32>], vector<16xf32>,
    %add3A_150 = arith.constant 14 : i32
    %add3A_151 = vector.broadcast %add3A_150 : i32 to vector<16xi32>
    %add3A_152 = arith.addi %mul3A_48, %add3A_151 : vector<16xi32>
    tpu.vector_store_idx %arg11[%div3A_42, %add3A_152], %gather3A_149 : memref<128x416xf32, #tpu.memory_space<vmem>>[vector<16xi32>, vector<16xi32>], vector<16xf32>,
    %add3A_153 = arith.constant 240 : i32
    %add3A_154 = vector.broadcast %add3A_153 : i32 to vector<16xi32>
    %add3A_155 = arith.addi %get3A_37, %add3A_154 : vector<16xi32>
    %gather3A_156 = tpu.vector_load_idx %arg10[%broadcast_in_dim3A, %add3A_36, %add3A_155] : memref<2x64x256xf32, #tpu.memory_space<vmem>>[vector<16xi32>, vector<16xi32>, vector<16xi32>], vector<16xf32>,
    %add3A_157 = arith.constant 15 : i32
    %add3A_158 = vector.broadcast %add3A_157 : i32 to vector<16xi32>
    %add3A_159 = arith.addi %mul3A_48, %add3A_158 : vector<16xi32>
    tpu.vector_store_idx %arg11[%div3A_42, %add3A_159], %gather3A_156 : memref<128x416xf32, #tpu.memory_space<vmem>>[vector<16xi32>, vector<16xi32>], vector<16xf32>,
    %iota3A_160 = tpu.iota {dimensions = array<i32: 0>} : vector<16xi32>
    %add3A_161 = arith.constant 16 : i32
    %add3A_162 = vector.broadcast %add3A_161 : i32 to vector<16xi32>
    %add3A_163 = arith.addi %iota3A_160, %add3A_162 : vector<16xi32>
    %get3A_164 = arith.constant 3280 : index
    %get3A_165 = tpu.vector_load %arg9[%get3A_164] {strides = array<i32>} : memref<3328xi32, #tpu.memory_space<vmem>>, vector<16xi32>,
    %add3A_166 = arith.constant 3264 : i32
    %add3A_167 = vector.broadcast %add3A_166 : i32 to vector<16xi32>
    %add3A_168 = arith.addi %add3A_163, %add3A_167 : vector<16xi32>
    %div3A_169 = arith.constant 26 : i32
    %div3A_170 = vector.broadcast %div3A_169 : i32 to vector<16xi32>
    %div3A_171 = arith.divsi %add3A_168, %div3A_170 : vector<16xi32>
    %mul3A_172 = arith.constant 26 : i32
    %mul3A_173 = vector.broadcast %mul3A_172 : i32 to vector<16xi32>
    %mul3A_174 = arith.muli %div3A_171, %mul3A_173 : vector<16xi32>
    %sub3A_175 = arith.subi %add3A_168, %mul3A_174 : vector<16xi32>
    %mul3A_176 = arith.constant 16 : i32
    %mul3A_177 = vector.broadcast %mul3A_176 : i32 to vector<16xi32>
    %mul3A_178 = arith.muli %sub3A_175, %mul3A_177 : vector<16xi32>
    %broadcast_in_dim3A_179 = vector.broadcast %rem3A_33 : i32 to vector<16xi32>
    %add3A_180 = arith.constant 0 : i32
    %add3A_181 = vector.broadcast %add3A_180 : i32 to vector<16xi32>
    %add3A_182 = arith.addi %get3A_165, %add3A_181 : vector<16xi32>
    %gather3A_183 = tpu.vector_load_idx %arg10[%broadcast_in_dim3A_179, %add3A_163, %add3A_182] : memref<2x64x256xf32, #tpu.memory_space<vmem>>[vector<16xi32>, vector<16xi32>, vector<16xi32>], vector<16xf32>,
    %add3A_184 = arith.constant 0 : i32
    %add3A_185 = vector.broadcast %add3A_184 : i32 to vector<16xi32>
    %add3A_186 = arith.addi %mul3A_178, %add3A_185 : vector<16xi32>
    tpu.vector_store_idx %arg11[%div3A_171, %add3A_186], %gather3A_183 : memref<128x416xf32, #tpu.memory_space<vmem>>[vector<16xi32>, vector<16xi32>], vector<16xf32>,
    %add3A_187 = arith.constant 16 : i32
    %add3A_188 = vector.broadcast %add3A_187 : i32 to vector<16xi32>
    %add3A_189 = arith.addi %get3A_165, %add3A_188 : vector<16xi32>
    %gather3A_190 = tpu.vector_load_idx %arg10[%broadcast_in_dim3A_179, %add3A_163, %add3A_189] : memref<2x64x256xf32, #tpu.memory_space<vmem>>[vector<16xi32>, vector<16xi32>, vector<16xi32>], vector<16xf32>,
    %add3A_191 = arith.constant 1 : i32
    %add3A_192 = vector.broadcast %add3A_191 : i32 to vector<16xi32>
    %add3A_193 = arith.addi %mul3A_178, %add3A_192 : vector<16xi32>
    tpu.vector_store_idx %arg11[%div3A_171, %add3A_193], %gather3A_190 : memref<128x416xf32, #tpu.memory_space<vmem>>[vector<16xi32>, vector<16xi32>], vector<16xf32>,
    %add3A_194 = arith.constant 32 : i32
    %add3A_195 = vector.broadcast %add3A_194 : i32 to vector<16xi32>
    %add3A_196 = arith.addi %get3A_165, %add3A_195 : vector<16xi32>
    %gather3A_197 = tpu.vector_load_idx %arg10[%broadcast_in_dim3A_179, %add3A_163, %add3A_196] : memref<2x64x256xf32, #tpu.memory_space<vmem>>[vector<16xi32>, vector<16xi32>, vector<16xi32>], vector<16xf32>,
    %add3A_198 = arith.constant 2 : i32
    %add3A_199 = vector.broadcast %add3A_198 : i32 to vector<16xi32>
    %add3A_200 = arith.addi %mul3A_178, %add3A_199 : vector<16xi32>
    tpu.vector_store_idx %arg11[%div3A_171, %add3A_200], %gather3A_197 : memref<128x416xf32, #tpu.memory_space<vmem>>[vector<16xi32>, vector<16xi32>], vector<16xf32>,
    %add3A_201 = arith.constant 48 : i32
    %add3A_202 = vector.broadcast %add3A_201 : i32 to vector<16xi32>
    %add3A_203 = arith.addi %get3A_165, %add3A_202 : vector<16xi32>
    %gather3A_204 = tpu.vector_load_idx %arg10[%broadcast_in_dim3A_179, %add3A_163, %add3A_203] : memref<2x64x256xf32, #tpu.memory_space<vmem>>[vector<16xi32>, vector<16xi32>, vector<16xi32>], vector<16xf32>,
    %add3A_205 = arith.constant 3 : i32
    %add3A_206 = vector.broadcast %add3A_205 : i32 to vector<16xi32>
    %add3A_207 = arith.addi %mul3A_178, %add3A_206 : vector<16xi32>
    tpu.vector_store_idx %arg11[%div3A_171, %add3A_207], %gather3A_204 : memref<128x416xf32, #tpu.memory_space<vmem>>[vector<16xi32>, vector<16xi32>], vector<16xf32>,
    %add3A_208 = arith.constant 64 : i32
    %add3A_209 = vector.broadcast %add3A_208 : i32 to vector<16xi32>
    %add3A_210 = arith.addi %get3A_165, %add3A_209 : vector<16xi32>
    %gather3A_211 = tpu.vector_load_idx %arg10[%broadcast_in_dim3A_179, %add3A_163, %add3A_210] : memref<2x64x256xf32, #tpu.memory_space<vmem>>[vector<16xi32>, vector<16xi32>, vector<16xi32>], vector<16xf32>,
    %add3A_212 = arith.constant 4 : i32
    %add3A_213 = vector.broadcast %add3A_212 : i32 to vector<16xi32>
    %add3A_214 = arith.addi %mul3A_178, %add3A_213 : vector<16xi32>
    tpu.vector_store_idx %arg11[%div3A_171, %add3A_214], %gather3A_211 : memref<128x416xf32, #tpu.memory_space<vmem>>[vector<16xi32>, vector<16xi32>], vector<16xf32>,
    %add3A_215 = arith.constant 80 : i32
    %add3A_216 = vector.broadcast %add3A_215 : i32 to vector<16xi32>
    %add3A_217 = arith.addi %get3A_165, %add3A_216 : vector<16xi32>
    %gather3A_218 = tpu.vector_load_idx %arg10[%broadcast_in_dim3A_179, %add3A_163, %add3A_217] : memref<2x64x256xf32, #tpu.memory_space<vmem>>[vector<16xi32>, vector<16xi32>, vector<16xi32>], vector<16xf32>,
    %add3A_219 = arith.constant 5 : i32
    %add3A_220 = vector.broadcast %add3A_219 : i32 to vector<16xi32>
    %add3A_221 = arith.addi %mul3A_178, %add3A_220 : vector<16xi32>
    tpu.vector_store_idx %arg11[%div3A_171, %add3A_221], %gather3A_218 : memref<128x416xf32, #tpu.memory_space<vmem>>[vector<16xi32>, vector<16xi32>], vector<16xf32>,
    %add3A_222 = arith.constant 96 : i32
    %add3A_223 = vector.broadcast %add3A_222 : i32 to vector<16xi32>
    %add3A_224 = arith.addi %get3A_165, %add3A_223 : vector<16xi32>
    %gather3A_225 = tpu.vector_load_idx %arg10[%broadcast_in_dim3A_179, %add3A_163, %add3A_224] : memref<2x64x256xf32, #tpu.memory_space<vmem>>[vector<16xi32>, vector<16xi32>, vector<16xi32>], vector<16xf32>,
    %add3A_226 = arith.constant 6 : i32
    %add3A_227 = vector.broadcast %add3A_226 : i32 to vector<16xi32>
    %add3A_228 = arith.addi %mul3A_178, %add3A_227 : vector<16xi32>
    tpu.vector_store_idx %arg11[%div3A_171, %add3A_228], %gather3A_225 : memref<128x416xf32, #tpu.memory_space<vmem>>[vector<16xi32>, vector<16xi32>], vector<16xf32>,
    %add3A_229 = arith.constant 112 : i32
    %add3A_230 = vector.broadcast %add3A_229 : i32 to vector<16xi32>
    %add3A_231 = arith.addi %get3A_165, %add3A_230 : vector<16xi32>
    %gather3A_232 = tpu.vector_load_idx %arg10[%broadcast_in_dim3A_179, %add3A_163, %add3A_231] : memref<2x64x256xf32, #tpu.memory_space<vmem>>[vector<16xi32>, vector<16xi32>, vector<16xi32>], vector<16xf32>,
    %add3A_233 = arith.constant 7 : i32
    %add3A_234 = vector.broadcast %add3A_233 : i32 to vector<16xi32>
    %add3A_235 = arith.addi %mul3A_178, %add3A_234 : vector<16xi32>
    tpu.vector_store_idx %arg11[%div3A_171, %add3A_235], %gather3A_232 : memref<128x416xf32, #tpu.memory_space<vmem>>[vector<16xi32>, vector<16xi32>], vector<16xf32>,
    %add3A_236 = arith.constant 128 : i32
    %add3A_237 = vector.broadcast %add3A_236 : i32 to vector<16xi32>
    %add3A_238 = arith.addi %get3A_165, %add3A_237 : vector<16xi32>
    %gather3A_239 = tpu.vector_load_idx %arg10[%broadcast_in_dim3A_179, %add3A_163, %add3A_238] : memref<2x64x256xf32, #tpu.memory_space<vmem>>[vector<16xi32>, vector<16xi32>, vector<16xi32>], vector<16xf32>,
    %add3A_240 = arith.constant 8 : i32
    %add3A_241 = vector.broadcast %add3A_240 : i32 to vector<16xi32>
    %add3A_242 = arith.addi %mul3A_178, %add3A_241 : vector<16xi32>
    tpu.vector_store_idx %arg11[%div3A_171, %add3A_242], %gather3A_239 : memref<128x416xf32, #tpu.memory_space<vmem>>[vector<16xi32>, vector<16xi32>], vector<16xf32>,
    %add3A_243 = arith.constant 144 : i32
    %add3A_244 = vector.broadcast %add3A_243 : i32 to vector<16xi32>
    %add3A_245 = arith.addi %get3A_165, %add3A_244 : vector<16xi32>
    %gather3A_246 = tpu.vector_load_idx %arg10[%broadcast_in_dim3A_179, %add3A_163, %add3A_245] : memref<2x64x256xf32, #tpu.memory_space<vmem>>[vector<16xi32>, vector<16xi32>, vector<16xi32>], vector<16xf32>,
    %add3A_247 = arith.constant 9 : i32
    %add3A_248 = vector.broadcast %add3A_247 : i32 to vector<16xi32>
    %add3A_249 = arith.addi %mul3A_178, %add3A_248 : vector<16xi32>
    tpu.vector_store_idx %arg11[%div3A_171, %add3A_249], %gather3A_246 : memref<128x416xf32, #tpu.memory_space<vmem>>[vector<16xi32>, vector<16xi32>], vector<16xf32>,
    %add3A_250 = arith.constant 160 : i32
    %add3A_251 = vector.broadcast %add3A_250 : i32 to vector<16xi32>
    %add3A_252 = arith.addi %get3A_165, %add3A_251 : vector<16xi32>
    %gather3A_253 = tpu.vector_load_idx %arg10[%broadcast_in_dim3A_179, %add3A_163, %add3A_252] : memref<2x64x256xf32, #tpu.memory_space<vmem>>[vector<16xi32>, vector<16xi32>, vector<16xi32>], vector<16xf32>,
    %add3A_254 = arith.constant 10 : i32
    %add3A_255 = vector.broadcast %add3A_254 : i32 to vector<16xi32>
    %add3A_256 = arith.addi %mul3A_178, %add3A_255 : vector<16xi32>
    tpu.vector_store_idx %arg11[%div3A_171, %add3A_256], %gather3A_253 : memref<128x416xf32, #tpu.memory_space<vmem>>[vector<16xi32>, vector<16xi32>], vector<16xf32>,
    %add3A_257 = arith.constant 176 : i32
    %add3A_258 = vector.broadcast %add3A_257 : i32 to vector<16xi32>
    %add3A_259 = arith.addi %get3A_165, %add3A_258 : vector<16xi32>
    %gather3A_260 = tpu.vector_load_idx %arg10[%broadcast_in_dim3A_179, %add3A_163, %add3A_259] : memref<2x64x256xf32, #tpu.memory_space<vmem>>[vector<16xi32>, vector<16xi32>, vector<16xi32>], vector<16xf32>,
    %add3A_261 = arith.constant 11 : i32
    %add3A_262 = vector.broadcast %add3A_261 : i32 to vector<16xi32>
    %add3A_263 = arith.addi %mul3A_178, %add3A_262 : vector<16xi32>
    tpu.vector_store_idx %arg11[%div3A_171, %add3A_263], %gather3A_260 : memref<128x416xf32, #tpu.memory_space<vmem>>[vector<16xi32>, vector<16xi32>], vector<16xf32>,
    %add3A_264 = arith.constant 192 : i32
    %add3A_265 = vector.broadcast %add3A_264 : i32 to vector<16xi32>
    %add3A_266 = arith.addi %get3A_165, %add3A_265 : vector<16xi32>
    %gather3A_267 = tpu.vector_load_idx %arg10[%broadcast_in_dim3A_179, %add3A_163, %add3A_266] : memref<2x64x256xf32, #tpu.memory_space<vmem>>[vector<16xi32>, vector<16xi32>, vector<16xi32>], vector<16xf32>,
    %add3A_268 = arith.constant 12 : i32
    %add3A_269 = vector.broadcast %add3A_268 : i32 to vector<16xi32>
    %add3A_270 = arith.addi %mul3A_178, %add3A_269 : vector<16xi32>
    tpu.vector_store_idx %arg11[%div3A_171, %add3A_270], %gather3A_267 : memref<128x416xf32, #tpu.memory_space<vmem>>[vector<16xi32>, vector<16xi32>], vector<16xf32>,
    %add3A_271 = arith.constant 208 : i32
    %add3A_272 = vector.broadcast %add3A_271 : i32 to vector<16xi32>
    %add3A_273 = arith.addi %get3A_165, %add3A_272 : vector<16xi32>
    %gather3A_274 = tpu.vector_load_idx %arg10[%broadcast_in_dim3A_179, %add3A_163, %add3A_273] : memref<2x64x256xf32, #tpu.memory_space<vmem>>[vector<16xi32>, vector<16xi32>, vector<16xi32>], vector<16xf32>,
    %add3A_275 = arith.constant 13 : i32
    %add3A_276 = vector.broadcast %add3A_275 : i32 to vector<16xi32>
    %add3A_277 = arith.addi %mul3A_178, %add3A_276 : vector<16xi32>
    tpu.vector_store_idx %arg11[%div3A_171, %add3A_277], %gather3A_274 : memref<128x416xf32, #tpu.memory_space<vmem>>[vector<16xi32>, vector<16xi32>], vector<16xf32>,
    %add3A_278 = arith.constant 224 : i32
    %add3A_279 = vector.broadcast %add3A_278 : i32 to vector<16xi32>
    %add3A_280 = arith.addi %get3A_165, %add3A_279 : vector<16xi32>
    %gather3A_281 = tpu.vector_load_idx %arg10[%broadcast_in_dim3A_179, %add3A_163, %add3A_280] : memref<2x64x256xf32, #tpu.memory_space<vmem>>[vector<16xi32>, vector<16xi32>, vector<16xi32>], vector<16xf32>,
    %add3A_282 = arith.constant 14 : i32
    %add3A_283 = vector.broadcast %add3A_282 : i32 to vector<16xi32>
    %add3A_284 = arith.addi %mul3A_178, %add3A_283 : vector<16xi32>
    tpu.vector_store_idx %arg11[%div3A_171, %add3A_284], %gather3A_281 : memref<128x416xf32, #tpu.memory_space<vmem>>[vector<16xi32>, vector<16xi32>], vector<16xf32>,
    %add3A_285 = arith.constant 240 : i32
    %add3A_286 = vector.broadcast %add3A_285 : i32 to vector<16xi32>
    %add3A_287 = arith.addi %get3A_165, %add3A_286 : vector<16xi32>
    %gather3A_288 = tpu.vector_load_idx %arg10[%broadcast_in_dim3A_179, %add3A_163, %add3A_287] : memref<2x64x256xf32, #tpu.memory_space<vmem>>[vector<16xi32>, vector<16xi32>, vector<16xi32>], vector<16xf32>,
    %add3A_289 = arith.constant 15 : i32
    %add3A_290 = vector.broadcast %add3A_289 : i32 to vector<16xi32>
    %add3A_291 = arith.addi %mul3A_178, %add3A_290 : vector<16xi32>
    tpu.vector_store_idx %arg11[%div3A_171, %add3A_291], %gather3A_288 : memref<128x416xf32, #tpu.memory_space<vmem>>[vector<16xi32>, vector<16xi32>], vector<16xf32>,
    %iota3A_292 = tpu.iota {dimensions = array<i32: 0>} : vector<16xi32>
    %add3A_293 = arith.constant 32 : i32
    %add3A_294 = vector.broadcast %add3A_293 : i32 to vector<16xi32>
    %add3A_295 = arith.addi %iota3A_292, %add3A_294 : vector<16xi32>
    %get3A_296 = arith.constant 3296 : index
    %get3A_297 = tpu.vector_load %arg9[%get3A_296] {strides = array<i32>} : memref<3328xi32, #tpu.memory_space<vmem>>, vector<16xi32>,
    %add3A_298 = arith.constant 3264 : i32
    %add3A_299 = vector.broadcast %add3A_298 : i32 to vector<16xi32>
    %add3A_300 = arith.addi %add3A_295, %add3A_299 : vector<16xi32>
    %div3A_301 = arith.constant 26 : i32
    %div3A_302 = vector.broadcast %div3A_301 : i32 to vector<16xi32>
    %div3A_303 = arith.divsi %add3A_300, %div3A_302 : vector<16xi32>
    %mul3A_304 = arith.constant 26 : i32
    %mul3A_305 = vector.broadcast %mul3A_304 : i32 to vector<16xi32>
    %mul3A_306 = arith.muli %div3A_303, %mul3A_305 : vector<16xi32>
    %sub3A_307 = arith.subi %add3A_300, %mul3A_306 : vector<16xi32>
    %mul3A_308 = arith.constant 16 : i32
    %mul3A_309 = vector.broadcast %mul3A_308 : i32 to vector<16xi32>
    %mul3A_310 = arith.muli %sub3A_307, %mul3A_309 : vector<16xi32>
    %broadcast_in_dim3A_311 = vector.broadcast %rem3A_33 : i32 to vector<16xi32>
    %add3A_312 = arith.constant 0 : i32
    %add3A_313 = vector.broadcast %add3A_312 : i32 to vector<16xi32>
    %add3A_314 = arith.addi %get3A_297, %add3A_313 : vector<16xi32>
    %gather3A_315 = tpu.vector_load_idx %arg10[%broadcast_in_dim3A_311, %add3A_295, %add3A_314] : memref<2x64x256xf32, #tpu.memory_space<vmem>>[vector<16xi32>, vector<16xi32>, vector<16xi32>], vector<16xf32>,
    %add3A_316 = arith.constant 0 : i32
    %add3A_317 = vector.broadcast %add3A_316 : i32 to vector<16xi32>
    %add3A_318 = arith.addi %mul3A_310, %add3A_317 : vector<16xi32>
    tpu.vector_store_idx %arg11[%div3A_303, %add3A_318], %gather3A_315 : memref<128x416xf32, #tpu.memory_space<vmem>>[vector<16xi32>, vector<16xi32>], vector<16xf32>,
    %add3A_319 = arith.constant 16 : i32
    %add3A_320 = vector.broadcast %add3A_319 : i32 to vector<16xi32>
    %add3A_321 = arith.addi %get3A_297, %add3A_320 : vector<16xi32>
    %gather3A_322 = tpu.vector_load_idx %arg10[%broadcast_in_dim3A_311, %add3A_295, %add3A_321] : memref<2x64x256xf32, #tpu.memory_space<vmem>>[vector<16xi32>, vector<16xi32>, vector<16xi32>], vector<16xf32>,
    %add3A_323 = arith.constant 1 : i32
    %add3A_324 = vector.broadcast %add3A_323 : i32 to vector<16xi32>
    %add3A_325 = arith.addi %mul3A_310, %add3A_324 : vector<16xi32>
    tpu.vector_store_idx %arg11[%div3A_303, %add3A_325], %gather3A_322 : memref<128x416xf32, #tpu.memory_space<vmem>>[vector<16xi32>, vector<16xi32>], vector<16xf32>,
    %add3A_326 = arith.constant 32 : i32
    %add3A_327 = vector.broadcast %add3A_326 : i32 to vector<16xi32>
    %add3A_328 = arith.addi %get3A_297, %add3A_327 : vector<16xi32>
    %gather3A_329 = tpu.vector_load_idx %arg10[%broadcast_in_dim3A_311, %add3A_295, %add3A_328] : memref<2x64x256xf32, #tpu.memory_space<vmem>>[vector<16xi32>, vector<16xi32>, vector<16xi32>], vector<16xf32>,
    %add3A_330 = arith.constant 2 : i32
    %add3A_331 = vector.broadcast %add3A_330 : i32 to vector<16xi32>
    %add3A_332 = arith.addi %mul3A_310, %add3A_331 : vector<16xi32>
    tpu.vector_store_idx %arg11[%div3A_303, %add3A_332], %gather3A_329 : memref<128x416xf32, #tpu.memory_space<vmem>>[vector<16xi32>, vector<16xi32>], vector<16xf32>,
    %add3A_333 = arith.constant 48 : i32
    %add3A_334 = vector.broadcast %add3A_333 : i32 to vector<16xi32>
    %add3A_335 = arith.addi %get3A_297, %add3A_334 : vector<16xi32>
    %gather3A_336 = tpu.vector_load_idx %arg10[%broadcast_in_dim3A_311, %add3A_295, %add3A_335] : memref<2x64x256xf32, #tpu.memory_space<vmem>>[vector<16xi32>, vector<16xi32>, vector<16xi32>], vector<16xf32>,
    %add3A_337 = arith.constant 3 : i32
    %add3A_338 = vector.broadcast %add3A_337 : i32 to vector<16xi32>
    %add3A_339 = arith.addi %mul3A_310, %add3A_338 : vector<16xi32>
    tpu.vector_store_idx %arg11[%div3A_303, %add3A_339], %gather3A_336 : memref<128x416xf32, #tpu.memory_space<vmem>>[vector<16xi32>, vector<16xi32>], vector<16xf32>,
    %add3A_340 = arith.constant 64 : i32
    %add3A_341 = vector.broadcast %add3A_340 : i32 to vector<16xi32>
    %add3A_342 = arith.addi %get3A_297, %add3A_341 : vector<16xi32>
    %gather3A_343 = tpu.vector_load_idx %arg10[%broadcast_in_dim3A_311, %add3A_295, %add3A_342] : memref<2x64x256xf32, #tpu.memory_space<vmem>>[vector<16xi32>, vector<16xi32>, vector<16xi32>], vector<16xf32>,
    %add3A_344 = arith.constant 4 : i32
    %add3A_345 = vector.broadcast %add3A_344 : i32 to vector<16xi32>
    %add3A_346 = arith.addi %mul3A_310, %add3A_345 : vector<16xi32>
    tpu.vector_store_idx %arg11[%div3A_303, %add3A_346], %gather3A_343 : memref<128x416xf32, #tpu.memory_space<vmem>>[vector<16xi32>, vector<16xi32>], vector<16xf32>,
    %add3A_347 = arith.constant 80 : i32
    %add3A_348 = vector.broadcast %add3A_347 : i32 to vector<16xi32>
    %add3A_349 = arith.addi %get3A_297, %add3A_348 : vector<16xi32>
    %gather3A_350 = tpu.vector_load_idx %arg10[%broadcast_in_dim3A_311, %add3A_295, %add3A_349] : memref<2x64x256xf32, #tpu.memory_space<vmem>>[vector<16xi32>, vector<16xi32>, vector<16xi32>], vector<16xf32>,
    %add3A_351 = arith.constant 5 : i32
    %add3A_352 = vector.broadcast %add3A_351 : i32 to vector<16xi32>
    %add3A_353 = arith.addi %mul3A_310, %add3A_352 : vector<16xi32>
    tpu.vector_store_idx %arg11[%div3A_303, %add3A_353], %gather3A_350 : memref<128x416xf32, #tpu.memory_space<vmem>>[vector<16xi32>, vector<16xi32>], vector<16xf32>,
    %add3A_354 = arith.constant 96 : i32
    %add3A_355 = vector.broadcast %add3A_354 : i32 to vector<16xi32>
    %add3A_356 = arith.addi %get3A_297, %add3A_355 : vector<16xi32>
    %gather3A_357 = tpu.vector_load_idx %arg10[%broadcast_in_dim3A_311, %add3A_295, %add3A_356] : memref<2x64x256xf32, #tpu.memory_space<vmem>>[vector<16xi32>, vector<16xi32>, vector<16xi32>], vector<16xf32>,
    %add3A_358 = arith.constant 6 : i32
    %add3A_359 = vector.broadcast %add3A_358 : i32 to vector<16xi32>
    %add3A_360 = arith.addi %mul3A_310, %add3A_359 : vector<16xi32>
    tpu.vector_store_idx %arg11[%div3A_303, %add3A_360], %gather3A_357 : memref<128x416xf32, #tpu.memory_space<vmem>>[vector<16xi32>, vector<16xi32>], vector<16xf32>,
    %add3A_361 = arith.constant 112 : i32
    %add3A_362 = vector.broadcast %add3A_361 : i32 to vector<16xi32>
    %add3A_363 = arith.addi %get3A_297, %add3A_362 : vector<16xi32>
    %gather3A_364 = tpu.vector_load_idx %arg10[%broadcast_in_dim3A_311, %add3A_295, %add3A_363] : memref<2x64x256xf32, #tpu.memory_space<vmem>>[vector<16xi32>, vector<16xi32>, vector<16xi32>], vector<16xf32>,
    %add3A_365 = arith.constant 7 : i32
    %add3A_366 = vector.broadcast %add3A_365 : i32 to vector<16xi32>
    %add3A_367 = arith.addi %mul3A_310, %add3A_366 : vector<16xi32>
    tpu.vector_store_idx %arg11[%div3A_303, %add3A_367], %gather3A_364 : memref<128x416xf32, #tpu.memory_space<vmem>>[vector<16xi32>, vector<16xi32>], vector<16xf32>,
    %add3A_368 = arith.constant 128 : i32
    %add3A_369 = vector.broadcast %add3A_368 : i32 to vector<16xi32>
    %add3A_370 = arith.addi %get3A_297, %add3A_369 : vector<16xi32>
    %gather3A_371 = tpu.vector_load_idx %arg10[%broadcast_in_dim3A_311, %add3A_295, %add3A_370] : memref<2x64x256xf32, #tpu.memory_space<vmem>>[vector<16xi32>, vector<16xi32>, vector<16xi32>], vector<16xf32>,
    %add3A_372 = arith.constant 8 : i32
    %add3A_373 = vector.broadcast %add3A_372 : i32 to vector<16xi32>
    %add3A_374 = arith.addi %mul3A_310, %add3A_373 : vector<16xi32>
    tpu.vector_store_idx %arg11[%div3A_303, %add3A_374], %gather3A_371 : memref<128x416xf32, #tpu.memory_space<vmem>>[vector<16xi32>, vector<16xi32>], vector<16xf32>,
    %add3A_375 = arith.constant 144 : i32
    %add3A_376 = vector.broadcast %add3A_375 : i32 to vector<16xi32>
    %add3A_377 = arith.addi %get3A_297, %add3A_376 : vector<16xi32>
    %gather3A_378 = tpu.vector_load_idx %arg10[%broadcast_in_dim3A_311, %add3A_295, %add3A_377] : memref<2x64x256xf32, #tpu.memory_space<vmem>>[vector<16xi32>, vector<16xi32>, vector<16xi32>], vector<16xf32>,
    %add3A_379 = arith.constant 9 : i32
    %add3A_380 = vector.broadcast %add3A_379 : i32 to vector<16xi32>
    %add3A_381 = arith.addi %mul3A_310, %add3A_380 : vector<16xi32>
    tpu.vector_store_idx %arg11[%div3A_303, %add3A_381], %gather3A_378 : memref<128x416xf32, #tpu.memory_space<vmem>>[vector<16xi32>, vector<16xi32>], vector<16xf32>,
    %add3A_382 = arith.constant 160 : i32
    %add3A_383 = vector.broadcast %add3A_382 : i32 to vector<16xi32>
    %add3A_384 = arith.addi %get3A_297, %add3A_383 : vector<16xi32>
    %gather3A_385 = tpu.vector_load_idx %arg10[%broadcast_in_dim3A_311, %add3A_295, %add3A_384] : memref<2x64x256xf32, #tpu.memory_space<vmem>>[vector<16xi32>, vector<16xi32>, vector<16xi32>], vector<16xf32>,
    %add3A_386 = arith.constant 10 : i32
    %add3A_387 = vector.broadcast %add3A_386 : i32 to vector<16xi32>
    %add3A_388 = arith.addi %mul3A_310, %add3A_387 : vector<16xi32>
    tpu.vector_store_idx %arg11[%div3A_303, %add3A_388], %gather3A_385 : memref<128x416xf32, #tpu.memory_space<vmem>>[vector<16xi32>, vector<16xi32>], vector<16xf32>,
    %add3A_389 = arith.constant 176 : i32
    %add3A_390 = vector.broadcast %add3A_389 : i32 to vector<16xi32>
    %add3A_391 = arith.addi %get3A_297, %add3A_390 : vector<16xi32>
    %gather3A_392 = tpu.vector_load_idx %arg10[%broadcast_in_dim3A_311, %add3A_295, %add3A_391] : memref<2x64x256xf32, #tpu.memory_space<vmem>>[vector<16xi32>, vector<16xi32>, vector<16xi32>], vector<16xf32>,
    %add3A_393 = arith.constant 11 : i32
    %add3A_394 = vector.broadcast %add3A_393 : i32 to vector<16xi32>
    %add3A_395 = arith.addi %mul3A_310, %add3A_394 : vector<16xi32>
    tpu.vector_store_idx %arg11[%div3A_303, %add3A_395], %gather3A_392 : memref<128x416xf32, #tpu.memory_space<vmem>>[vector<16xi32>, vector<16xi32>], vector<16xf32>,
    %add3A_396 = arith.constant 192 : i32
    %add3A_397 = vector.broadcast %add3A_396 : i32 to vector<16xi32>
    %add3A_398 = arith.addi %get3A_297, %add3A_397 : vector<16xi32>
    %gather3A_399 = tpu.vector_load_idx %arg10[%broadcast_in_dim3A_311, %add3A_295, %add3A_398] : memref<2x64x256xf32, #tpu.memory_space<vmem>>[vector<16xi32>, vector<16xi32>, vector<16xi32>], vector<16xf32>,
    %add3A_400 = arith.constant 12 : i32
    %add3A_401 = vector.broadcast %add3A_400 : i32 to vector<16xi32>
    %add3A_402 = arith.addi %mul3A_310, %add3A_401 : vector<16xi32>
    tpu.vector_store_idx %arg11[%div3A_303, %add3A_402], %gather3A_399 : memref<128x416xf32, #tpu.memory_space<vmem>>[vector<16xi32>, vector<16xi32>], vector<16xf32>,
    %add3A_403 = arith.constant 208 : i32
    %add3A_404 = vector.broadcast %add3A_403 : i32 to vector<16xi32>
    %add3A_405 = arith.addi %get3A_297, %add3A_404 : vector<16xi32>
    %gather3A_406 = tpu.vector_load_idx %arg10[%broadcast_in_dim3A_311, %add3A_295, %add3A_405] : memref<2x64x256xf32, #tpu.memory_space<vmem>>[vector<16xi32>, vector<16xi32>, vector<16xi32>], vector<16xf32>,
    %add3A_407 = arith.constant 13 : i32
    %add3A_408 = vector.broadcast %add3A_407 : i32 to vector<16xi32>
    %add3A_409 = arith.addi %mul3A_310, %add3A_408 : vector<16xi32>
    tpu.vector_store_idx %arg11[%div3A_303, %add3A_409], %gather3A_406 : memref<128x416xf32, #tpu.memory_space<vmem>>[vector<16xi32>, vector<16xi32>], vector<16xf32>,
    %add3A_410 = arith.constant 224 : i32
    %add3A_411 = vector.broadcast %add3A_410 : i32 to vector<16xi32>
    %add3A_412 = arith.addi %get3A_297, %add3A_411 : vector<16xi32>
    %gather3A_413 = tpu.vector_load_idx %arg10[%broadcast_in_dim3A_311, %add3A_295, %add3A_412] : memref<2x64x256xf32, #tpu.memory_space<vmem>>[vector<16xi32>, vector<16xi32>, vector<16xi32>], vector<16xf32>,
    %add3A_414 = arith.constant 14 : i32
    %add3A_415 = vector.broadcast %add3A_414 : i32 to vector<16xi32>
    %add3A_416 = arith.addi %mul3A_310, %add3A_415 : vector<16xi32>
    tpu.vector_store_idx %arg11[%div3A_303, %add3A_416], %gather3A_413 : memref<128x416xf32, #tpu.memory_space<vmem>>[vector<16xi32>, vector<16xi32>], vector<16xf32>,
    %add3A_417 = arith.constant 240 : i32
    %add3A_418 = vector.broadcast %add3A_417 : i32 to vector<16xi32>
    %add3A_419 = arith.addi %get3A_297, %add3A_418 : vector<16xi32>
    %gather3A_420 = tpu.vector_load_idx %arg10[%broadcast_in_dim3A_311, %add3A_295, %add3A_419] : memref<2x64x256xf32, #tpu.memory_space<vmem>>[vector<16xi32>, vector<16xi32>, vector<16xi32>], vector<16xf32>,
    %add3A_421 = arith.constant 15 : i32
    %add3A_422 = vector.broadcast %add3A_421 : i32 to vector<16xi32>
    %add3A_423 = arith.addi %mul3A_310, %add3A_422 : vector<16xi32>
    tpu.vector_store_idx %arg11[%div3A_303, %add3A_423], %gather3A_420 : memref<128x416xf32, #tpu.memory_space<vmem>>[vector<16xi32>, vector<16xi32>], vector<16xf32>,
    %iota3A_424 = tpu.iota {dimensions = array<i32: 0>} : vector<16xi32>
    %add3A_425 = arith.constant 48 : i32
    %add3A_426 = vector.broadcast %add3A_425 : i32 to vector<16xi32>
    %add3A_427 = arith.addi %iota3A_424, %add3A_426 : vector<16xi32>
    %get3A_428 = arith.constant 3312 : index
    %get3A_429 = tpu.vector_load %arg9[%get3A_428] {strides = array<i32>} : memref<3328xi32, #tpu.memory_space<vmem>>, vector<16xi32>,
    %add3A_430 = arith.constant 3264 : i32
    %add3A_431 = vector.broadcast %add3A_430 : i32 to vector<16xi32>
    %add3A_432 = arith.addi %add3A_427, %add3A_431 : vector<16xi32>
    %div3A_433 = arith.constant 26 : i32
    %div3A_434 = vector.broadcast %div3A_433 : i32 to vector<16xi32>
    %div3A_435 = arith.divsi %add3A_432, %div3A_434 : vector<16xi32>
    %mul3A_436 = arith.constant 26 : i32
    %mul3A_437 = vector.broadcast %mul3A_436 : i32 to vector<16xi32>
    %mul3A_438 = arith.muli %div3A_435, %mul3A_437 : vector<16xi32>
    %sub3A_439 = arith.subi %add3A_432, %mul3A_438 : vector<16xi32>
    %mul3A_440 = arith.constant 16 : i32
    %mul3A_441 = vector.broadcast %mul3A_440 : i32 to vector<16xi32>
    %mul3A_442 = arith.muli %sub3A_439, %mul3A_441 : vector<16xi32>
    %broadcast_in_dim3A_443 = vector.broadcast %rem3A_33 : i32 to vector<16xi32>
    %add3A_444 = arith.constant 0 : i32
    %add3A_445 = vector.broadcast %add3A_444 : i32 to vector<16xi32>
    %add3A_446 = arith.addi %get3A_429, %add3A_445 : vector<16xi32>
    %gather3A_447 = tpu.vector_load_idx %arg10[%broadcast_in_dim3A_443, %add3A_427, %add3A_446] : memref<2x64x256xf32, #tpu.memory_space<vmem>>[vector<16xi32>, vector<16xi32>, vector<16xi32>], vector<16xf32>,
    %add3A_448 = arith.constant 0 : i32
    %add3A_449 = vector.broadcast %add3A_448 : i32 to vector<16xi32>
    %add3A_450 = arith.addi %mul3A_442, %add3A_449 : vector<16xi32>
    tpu.vector_store_idx %arg11[%div3A_435, %add3A_450], %gather3A_447 : memref<128x416xf32, #tpu.memory_space<vmem>>[vector<16xi32>, vector<16xi32>], vector<16xf32>,
    %add3A_451 = arith.constant 16 : i32
    %add3A_452 = vector.broadcast %add3A_451 : i32 to vector<16xi32>
    %add3A_453 = arith.addi %get3A_429, %add3A_452 : vector<16xi32>
    %gather3A_454 = tpu.vector_load_idx %arg10[%broadcast_in_dim3A_443, %add3A_427, %add3A_453] : memref<2x64x256xf32, #tpu.memory_space<vmem>>[vector<16xi32>, vector<16xi32>, vector<16xi32>], vector<16xf32>,
    %add3A_455 = arith.constant 1 : i32
    %add3A_456 = vector.broadcast %add3A_455 : i32 to vector<16xi32>
    %add3A_457 = arith.addi %mul3A_442, %add3A_456 : vector<16xi32>
    tpu.vector_store_idx %arg11[%div3A_435, %add3A_457], %gather3A_454 : memref<128x416xf32, #tpu.memory_space<vmem>>[vector<16xi32>, vector<16xi32>], vector<16xf32>,
    %add3A_458 = arith.constant 32 : i32
    %add3A_459 = vector.broadcast %add3A_458 : i32 to vector<16xi32>
    %add3A_460 = arith.addi %get3A_429, %add3A_459 : vector<16xi32>
    %gather3A_461 = tpu.vector_load_idx %arg10[%broadcast_in_dim3A_443, %add3A_427, %add3A_460] : memref<2x64x256xf32, #tpu.memory_space<vmem>>[vector<16xi32>, vector<16xi32>, vector<16xi32>], vector<16xf32>,
    %add3A_462 = arith.constant 2 : i32
    %add3A_463 = vector.broadcast %add3A_462 : i32 to vector<16xi32>
    %add3A_464 = arith.addi %mul3A_442, %add3A_463 : vector<16xi32>
    tpu.vector_store_idx %arg11[%div3A_435, %add3A_464], %gather3A_461 : memref<128x416xf32, #tpu.memory_space<vmem>>[vector<16xi32>, vector<16xi32>], vector<16xf32>,
    %add3A_465 = arith.constant 48 : i32
    %add3A_466 = vector.broadcast %add3A_465 : i32 to vector<16xi32>
    %add3A_467 = arith.addi %get3A_429, %add3A_466 : vector<16xi32>
    %gather3A_468 = tpu.vector_load_idx %arg10[%broadcast_in_dim3A_443, %add3A_427, %add3A_467] : memref<2x64x256xf32, #tpu.memory_space<vmem>>[vector<16xi32>, vector<16xi32>, vector<16xi32>], vector<16xf32>,
    %add3A_469 = arith.constant 3 : i32
    %add3A_470 = vector.broadcast %add3A_469 : i32 to vector<16xi32>
    %add3A_471 = arith.addi %mul3A_442, %add3A_470 : vector<16xi32>
    tpu.vector_store_idx %arg11[%div3A_435, %add3A_471], %gather3A_468 : memref<128x416xf32, #tpu.memory_space<vmem>>[vector<16xi32>, vector<16xi32>], vector<16xf32>,
    %add3A_472 = arith.constant 64 : i32
    %add3A_473 = vector.broadcast %add3A_472 : i32 to vector<16xi32>
    %add3A_474 = arith.addi %get3A_429, %add3A_473 : vector<16xi32>
    %gather3A_475 = tpu.vector_load_idx %arg10[%broadcast_in_dim3A_443, %add3A_427, %add3A_474] : memref<2x64x256xf32, #tpu.memory_space<vmem>>[vector<16xi32>, vector<16xi32>, vector<16xi32>], vector<16xf32>,
    %add3A_476 = arith.constant 4 : i32
    %add3A_477 = vector.broadcast %add3A_476 : i32 to vector<16xi32>
    %add3A_478 = arith.addi %mul3A_442, %add3A_477 : vector<16xi32>
    tpu.vector_store_idx %arg11[%div3A_435, %add3A_478], %gather3A_475 : memref<128x416xf32, #tpu.memory_space<vmem>>[vector<16xi32>, vector<16xi32>], vector<16xf32>,
    %add3A_479 = arith.constant 80 : i32
    %add3A_480 = vector.broadcast %add3A_479 : i32 to vector<16xi32>
    %add3A_481 = arith.addi %get3A_429, %add3A_480 : vector<16xi32>
    %gather3A_482 = tpu.vector_load_idx %arg10[%broadcast_in_dim3A_443, %add3A_427, %add3A_481] : memref<2x64x256xf32, #tpu.memory_space<vmem>>[vector<16xi32>, vector<16xi32>, vector<16xi32>], vector<16xf32>,
    %add3A_483 = arith.constant 5 : i32
    %add3A_484 = vector.broadcast %add3A_483 : i32 to vector<16xi32>
    %add3A_485 = arith.addi %mul3A_442, %add3A_484 : vector<16xi32>
    tpu.vector_store_idx %arg11[%div3A_435, %add3A_485], %gather3A_482 : memref<128x416xf32, #tpu.memory_space<vmem>>[vector<16xi32>, vector<16xi32>], vector<16xf32>,
    %add3A_486 = arith.constant 96 : i32
    %add3A_487 = vector.broadcast %add3A_486 : i32 to vector<16xi32>
    %add3A_488 = arith.addi %get3A_429, %add3A_487 : vector<16xi32>
    %gather3A_489 = tpu.vector_load_idx %arg10[%broadcast_in_dim3A_443, %add3A_427, %add3A_488] : memref<2x64x256xf32, #tpu.memory_space<vmem>>[vector<16xi32>, vector<16xi32>, vector<16xi32>], vector<16xf32>,
    %add3A_490 = arith.constant 6 : i32
    %add3A_491 = vector.broadcast %add3A_490 : i32 to vector<16xi32>
    %add3A_492 = arith.addi %mul3A_442, %add3A_491 : vector<16xi32>
    tpu.vector_store_idx %arg11[%div3A_435, %add3A_492], %gather3A_489 : memref<128x416xf32, #tpu.memory_space<vmem>>[vector<16xi32>, vector<16xi32>], vector<16xf32>,
    %add3A_493 = arith.constant 112 : i32
    %add3A_494 = vector.broadcast %add3A_493 : i32 to vector<16xi32>
    %add3A_495 = arith.addi %get3A_429, %add3A_494 : vector<16xi32>
    %gather3A_496 = tpu.vector_load_idx %arg10[%broadcast_in_dim3A_443, %add3A_427, %add3A_495] : memref<2x64x256xf32, #tpu.memory_space<vmem>>[vector<16xi32>, vector<16xi32>, vector<16xi32>], vector<16xf32>,
    %add3A_497 = arith.constant 7 : i32
    %add3A_498 = vector.broadcast %add3A_497 : i32 to vector<16xi32>
    %add3A_499 = arith.addi %mul3A_442, %add3A_498 : vector<16xi32>
    tpu.vector_store_idx %arg11[%div3A_435, %add3A_499], %gather3A_496 : memref<128x416xf32, #tpu.memory_space<vmem>>[vector<16xi32>, vector<16xi32>], vector<16xf32>,
    %add3A_500 = arith.constant 128 : i32
    %add3A_501 = vector.broadcast %add3A_500 : i32 to vector<16xi32>
    %add3A_502 = arith.addi %get3A_429, %add3A_501 : vector<16xi32>
    %gather3A_503 = tpu.vector_load_idx %arg10[%broadcast_in_dim3A_443, %add3A_427, %add3A_502] : memref<2x64x256xf32, #tpu.memory_space<vmem>>[vector<16xi32>, vector<16xi32>, vector<16xi32>], vector<16xf32>,
    %add3A_504 = arith.constant 8 : i32
    %add3A_505 = vector.broadcast %add3A_504 : i32 to vector<16xi32>
    %add3A_506 = arith.addi %mul3A_442, %add3A_505 : vector<16xi32>
    tpu.vector_store_idx %arg11[%div3A_435, %add3A_506], %gather3A_503 : memref<128x416xf32, #tpu.memory_space<vmem>>[vector<16xi32>, vector<16xi32>], vector<16xf32>,
    %add3A_507 = arith.constant 144 : i32
    %add3A_508 = vector.broadcast %add3A_507 : i32 to vector<16xi32>
    %add3A_509 = arith.addi %get3A_429, %add3A_508 : vector<16xi32>
    %gather3A_510 = tpu.vector_load_idx %arg10[%broadcast_in_dim3A_443, %add3A_427, %add3A_509] : memref<2x64x256xf32, #tpu.memory_space<vmem>>[vector<16xi32>, vector<16xi32>, vector<16xi32>], vector<16xf32>,
    %add3A_511 = arith.constant 9 : i32
    %add3A_512 = vector.broadcast %add3A_511 : i32 to vector<16xi32>
    %add3A_513 = arith.addi %mul3A_442, %add3A_512 : vector<16xi32>
    tpu.vector_store_idx %arg11[%div3A_435, %add3A_513], %gather3A_510 : memref<128x416xf32, #tpu.memory_space<vmem>>[vector<16xi32>, vector<16xi32>], vector<16xf32>,
    %add3A_514 = arith.constant 160 : i32
    %add3A_515 = vector.broadcast %add3A_514 : i32 to vector<16xi32>
    %add3A_516 = arith.addi %get3A_429, %add3A_515 : vector<16xi32>
    %gather3A_517 = tpu.vector_load_idx %arg10[%broadcast_in_dim3A_443, %add3A_427, %add3A_516] : memref<2x64x256xf32, #tpu.memory_space<vmem>>[vector<16xi32>, vector<16xi32>, vector<16xi32>], vector<16xf32>,
    %add3A_518 = arith.constant 10 : i32
    %add3A_519 = vector.broadcast %add3A_518 : i32 to vector<16xi32>
    %add3A_520 = arith.addi %mul3A_442, %add3A_519 : vector<16xi32>
    tpu.vector_store_idx %arg11[%div3A_435, %add3A_520], %gather3A_517 : memref<128x416xf32, #tpu.memory_space<vmem>>[vector<16xi32>, vector<16xi32>], vector<16xf32>,
    %add3A_521 = arith.constant 176 : i32
    %add3A_522 = vector.broadcast %add3A_521 : i32 to vector<16xi32>
    %add3A_523 = arith.addi %get3A_429, %add3A_522 : vector<16xi32>
    %gather3A_524 = tpu.vector_load_idx %arg10[%broadcast_in_dim3A_443, %add3A_427, %add3A_523] : memref<2x64x256xf32, #tpu.memory_space<vmem>>[vector<16xi32>, vector<16xi32>, vector<16xi32>], vector<16xf32>,
    %add3A_525 = arith.constant 11 : i32
    %add3A_526 = vector.broadcast %add3A_525 : i32 to vector<16xi32>
    %add3A_527 = arith.addi %mul3A_442, %add3A_526 : vector<16xi32>
    tpu.vector_store_idx %arg11[%div3A_435, %add3A_527], %gather3A_524 : memref<128x416xf32, #tpu.memory_space<vmem>>[vector<16xi32>, vector<16xi32>], vector<16xf32>,
    %add3A_528 = arith.constant 192 : i32
    %add3A_529 = vector.broadcast %add3A_528 : i32 to vector<16xi32>
    %add3A_530 = arith.addi %get3A_429, %add3A_529 : vector<16xi32>
    %gather3A_531 = tpu.vector_load_idx %arg10[%broadcast_in_dim3A_443, %add3A_427, %add3A_530] : memref<2x64x256xf32, #tpu.memory_space<vmem>>[vector<16xi32>, vector<16xi32>, vector<16xi32>], vector<16xf32>,
    %add3A_532 = arith.constant 12 : i32
    %add3A_533 = vector.broadcast %add3A_532 : i32 to vector<16xi32>
    %add3A_534 = arith.addi %mul3A_442, %add3A_533 : vector<16xi32>
    tpu.vector_store_idx %arg11[%div3A_435, %add3A_534], %gather3A_531 : memref<128x416xf32, #tpu.memory_space<vmem>>[vector<16xi32>, vector<16xi32>], vector<16xf32>,
    %add3A_535 = arith.constant 208 : i32
    %add3A_536 = vector.broadcast %add3A_535 : i32 to vector<16xi32>
    %add3A_537 = arith.addi %get3A_429, %add3A_536 : vector<16xi32>
    %gather3A_538 = tpu.vector_load_idx %arg10[%broadcast_in_dim3A_443, %add3A_427, %add3A_537] : memref<2x64x256xf32, #tpu.memory_space<vmem>>[vector<16xi32>, vector<16xi32>, vector<16xi32>], vector<16xf32>,
    %add3A_539 = arith.constant 13 : i32
    %add3A_540 = vector.broadcast %add3A_539 : i32 to vector<16xi32>
    %add3A_541 = arith.addi %mul3A_442, %add3A_540 : vector<16xi32>
    tpu.vector_store_idx %arg11[%div3A_435, %add3A_541], %gather3A_538 : memref<128x416xf32, #tpu.memory_space<vmem>>[vector<16xi32>, vector<16xi32>], vector<16xf32>,
    %add3A_542 = arith.constant 224 : i32
    %add3A_543 = vector.broadcast %add3A_542 : i32 to vector<16xi32>
    %add3A_544 = arith.addi %get3A_429, %add3A_543 : vector<16xi32>
    %gather3A_545 = tpu.vector_load_idx %arg10[%broadcast_in_dim3A_443, %add3A_427, %add3A_544] : memref<2x64x256xf32, #tpu.memory_space<vmem>>[vector<16xi32>, vector<16xi32>, vector<16xi32>], vector<16xf32>,
    %add3A_546 = arith.constant 14 : i32
    %add3A_547 = vector.broadcast %add3A_546 : i32 to vector<16xi32>
    %add3A_548 = arith.addi %mul3A_442, %add3A_547 : vector<16xi32>
    tpu.vector_store_idx %arg11[%div3A_435, %add3A_548], %gather3A_545 : memref<128x416xf32, #tpu.memory_space<vmem>>[vector<16xi32>, vector<16xi32>], vector<16xf32>,
    %add3A_549 = arith.constant 240 : i32
    %add3A_550 = vector.broadcast %add3A_549 : i32 to vector<16xi32>
    %add3A_551 = arith.addi %get3A_429, %add3A_550 : vector<16xi32>
    %gather3A_552 = tpu.vector_load_idx %arg10[%broadcast_in_dim3A_443, %add3A_427, %add3A_551] : memref<2x64x256xf32, #tpu.memory_space<vmem>>[vector<16xi32>, vector<16xi32>, vector<16xi32>], vector<16xf32>,
    %add3A_553 = arith.constant 15 : i32
    %add3A_554 = vector.broadcast %add3A_553 : i32 to vector<16xi32>
    %add3A_555 = arith.addi %mul3A_442, %add3A_554 : vector<16xi32>
    tpu.vector_store_idx %arg11[%div3A_435, %add3A_555], %gather3A_552 : memref<128x416xf32, #tpu.memory_space<vmem>>[vector<16xi32>, vector<16xi32>], vector<16xf32>,
    %mul3A_556 = arith.constant 128 : i32
    %mul3A_557 = arith.muli %add3A, %mul3A_556 : i32
    "tpu.region"() ({
      %run_scoped3A = tpu.sem_alloc : memref<!tpu.dma_semaphore, #tpu.memory_space<semaphore_mem>>
      %dma_start3A_558 = arith.constant 0 : i32
      %dma_start3A_559 = tpu.memref_slice %arg5[%mul3A_557, %dma_start3A_558] : memref<4096x416xf32, #tpu.memory_space<hbm>> -> memref<128x416xf32, #tpu.memory_space<hbm>>
      %dma_start3A_560 = arith.constant 0 : i32
      %dma_start3A_561 = tpu.memref_slice %arg5[%mul3A_557, %dma_start3A_560] : memref<4096x416xf32, #tpu.memory_space<hbm>> -> memref<128x416xf32, #tpu.memory_space<hbm>>
      tpu.enqueue_dma source(%arg11 : memref<128x416xf32, #tpu.memory_space<vmem>>) target(%dma_start3A_561 : memref<128x416xf32, #tpu.memory_space<hbm>>) target_semaphore(%run_scoped3A : memref<!tpu.dma_semaphore, #tpu.memory_space<semaphore_mem>>)
      %dma_wait3A = arith.constant 0 : i32
      %dma_wait3A_562 = tpu.memref_slice %arg5[%mul3A_557, %dma_wait3A] : memref<4096x416xf32, #tpu.memory_space<hbm>> -> memref<128x416xf32, #tpu.memory_space<hbm>>
      %dma_wait3A_563 = arith.constant 0 : i32
      %dma_wait3A_564 = tpu.memref_slice %arg5[%mul3A_557, %dma_wait3A_563] : memref<4096x416xf32, #tpu.memory_space<hbm>> -> memref<128x416xf32, #tpu.memory_space<hbm>>
      tpu.wait_dma2 semaphore(%run_scoped3A : memref<!tpu.dma_semaphore, #tpu.memory_space<semaphore_mem>>) src(%arg11 : memref<128x416xf32, #tpu.memory_space<vmem>>) dst(%dma_wait3A_564 : memref<128x416xf32, #tpu.memory_space<hbm>>)
      tpu.yield
    }) : () -> ()
    return
  }
}

module attributes {stable_mosaic.version = 14 : i64} {
  func.func @_repack_body(%arg0: i32, %arg1: memref<16x4096xf32, #tpu.memory_space<vmem>>, %arg2: memref<256x256xf32, #tpu.memory_space<vmem>>) attributes {dimension_semantics = [#tpu.dimension_semantics<arbitrary>], iteration_bounds = array<i64: 635>, scalar_prefetch = 0 : i64, scratch_operands = 0 : i64, tpu.core_type = #tpu.core_type<tc>, window_params = [{transform_indices = @transform_0, window_bounds = array<i64: 16, 4096>}, {transform_indices = @transform_1, window_bounds = array<i64: 256, 256>}]} {
    %get3A = arith.constant 0 : index
    %get3A_0 = arith.constant 0 : index
    %get3A_1 = vector.load %arg1[%get3A, %get3A_0] : memref<16x4096xf32, #tpu.memory_space<vmem>>, vector<16x4096xf32>
    %reshape3A = vector.shape_cast %get3A_1 : vector<16x4096xf32> to vector<16x256x16xf32>
    %slice3A = vector.extract_strided_slice %reshape3A {offsets = [0, 0, 0], sizes = [1, 256, 16], strides = [1, 1, 1]} : vector<16x256x16xf32> to vector<1x256x16xf32>
    %squeeze3A = vector.shape_cast %slice3A : vector<1x256x16xf32> to vector<256x16xf32>
    %swap3A = arith.constant 0 : index
    %swap3A_2 = arith.constant 0 : index
    %swap3A_3 = vector.load %arg2[%swap3A, %swap3A_2] : memref<256x256xf32, #tpu.memory_space<vmem>>, vector<256x16xf32>
    tpu.vector_store %arg2[%swap3A, %swap3A_2], %squeeze3A {strides = array<i32>} : memref<256x256xf32, #tpu.memory_space<vmem>>, vector<256x16xf32>,
    %slice3A_4 = vector.extract_strided_slice %reshape3A {offsets = [1, 0, 0], sizes = [1, 256, 16], strides = [1, 1, 1]} : vector<16x256x16xf32> to vector<1x256x16xf32>
    %squeeze3A_5 = vector.shape_cast %slice3A_4 : vector<1x256x16xf32> to vector<256x16xf32>
    %swap3A_6 = arith.constant 0 : index
    %swap3A_7 = arith.constant 16 : index
    %swap3A_8 = vector.load %arg2[%swap3A_6, %swap3A_7] : memref<256x256xf32, #tpu.memory_space<vmem>>, vector<256x16xf32>
    tpu.vector_store %arg2[%swap3A_6, %swap3A_7], %squeeze3A_5 {strides = array<i32>} : memref<256x256xf32, #tpu.memory_space<vmem>>, vector<256x16xf32>,
    %slice3A_9 = vector.extract_strided_slice %reshape3A {offsets = [2, 0, 0], sizes = [1, 256, 16], strides = [1, 1, 1]} : vector<16x256x16xf32> to vector<1x256x16xf32>
    %squeeze3A_10 = vector.shape_cast %slice3A_9 : vector<1x256x16xf32> to vector<256x16xf32>
    %swap3A_11 = arith.constant 0 : index
    %swap3A_12 = arith.constant 32 : index
    %swap3A_13 = vector.load %arg2[%swap3A_11, %swap3A_12] : memref<256x256xf32, #tpu.memory_space<vmem>>, vector<256x16xf32>
    tpu.vector_store %arg2[%swap3A_11, %swap3A_12], %squeeze3A_10 {strides = array<i32>} : memref<256x256xf32, #tpu.memory_space<vmem>>, vector<256x16xf32>,
    %slice3A_14 = vector.extract_strided_slice %reshape3A {offsets = [3, 0, 0], sizes = [1, 256, 16], strides = [1, 1, 1]} : vector<16x256x16xf32> to vector<1x256x16xf32>
    %squeeze3A_15 = vector.shape_cast %slice3A_14 : vector<1x256x16xf32> to vector<256x16xf32>
    %swap3A_16 = arith.constant 0 : index
    %swap3A_17 = arith.constant 48 : index
    %swap3A_18 = vector.load %arg2[%swap3A_16, %swap3A_17] : memref<256x256xf32, #tpu.memory_space<vmem>>, vector<256x16xf32>
    tpu.vector_store %arg2[%swap3A_16, %swap3A_17], %squeeze3A_15 {strides = array<i32>} : memref<256x256xf32, #tpu.memory_space<vmem>>, vector<256x16xf32>,
    %slice3A_19 = vector.extract_strided_slice %reshape3A {offsets = [4, 0, 0], sizes = [1, 256, 16], strides = [1, 1, 1]} : vector<16x256x16xf32> to vector<1x256x16xf32>
    %squeeze3A_20 = vector.shape_cast %slice3A_19 : vector<1x256x16xf32> to vector<256x16xf32>
    %swap3A_21 = arith.constant 0 : index
    %swap3A_22 = arith.constant 64 : index
    %swap3A_23 = vector.load %arg2[%swap3A_21, %swap3A_22] : memref<256x256xf32, #tpu.memory_space<vmem>>, vector<256x16xf32>
    tpu.vector_store %arg2[%swap3A_21, %swap3A_22], %squeeze3A_20 {strides = array<i32>} : memref<256x256xf32, #tpu.memory_space<vmem>>, vector<256x16xf32>,
    %slice3A_24 = vector.extract_strided_slice %reshape3A {offsets = [5, 0, 0], sizes = [1, 256, 16], strides = [1, 1, 1]} : vector<16x256x16xf32> to vector<1x256x16xf32>
    %squeeze3A_25 = vector.shape_cast %slice3A_24 : vector<1x256x16xf32> to vector<256x16xf32>
    %swap3A_26 = arith.constant 0 : index
    %swap3A_27 = arith.constant 80 : index
    %swap3A_28 = vector.load %arg2[%swap3A_26, %swap3A_27] : memref<256x256xf32, #tpu.memory_space<vmem>>, vector<256x16xf32>
    tpu.vector_store %arg2[%swap3A_26, %swap3A_27], %squeeze3A_25 {strides = array<i32>} : memref<256x256xf32, #tpu.memory_space<vmem>>, vector<256x16xf32>,
    %slice3A_29 = vector.extract_strided_slice %reshape3A {offsets = [6, 0, 0], sizes = [1, 256, 16], strides = [1, 1, 1]} : vector<16x256x16xf32> to vector<1x256x16xf32>
    %squeeze3A_30 = vector.shape_cast %slice3A_29 : vector<1x256x16xf32> to vector<256x16xf32>
    %swap3A_31 = arith.constant 0 : index
    %swap3A_32 = arith.constant 96 : index
    %swap3A_33 = vector.load %arg2[%swap3A_31, %swap3A_32] : memref<256x256xf32, #tpu.memory_space<vmem>>, vector<256x16xf32>
    tpu.vector_store %arg2[%swap3A_31, %swap3A_32], %squeeze3A_30 {strides = array<i32>} : memref<256x256xf32, #tpu.memory_space<vmem>>, vector<256x16xf32>,
    %slice3A_34 = vector.extract_strided_slice %reshape3A {offsets = [7, 0, 0], sizes = [1, 256, 16], strides = [1, 1, 1]} : vector<16x256x16xf32> to vector<1x256x16xf32>
    %squeeze3A_35 = vector.shape_cast %slice3A_34 : vector<1x256x16xf32> to vector<256x16xf32>
    %swap3A_36 = arith.constant 0 : index
    %swap3A_37 = arith.constant 112 : index
    %swap3A_38 = vector.load %arg2[%swap3A_36, %swap3A_37] : memref<256x256xf32, #tpu.memory_space<vmem>>, vector<256x16xf32>
    tpu.vector_store %arg2[%swap3A_36, %swap3A_37], %squeeze3A_35 {strides = array<i32>} : memref<256x256xf32, #tpu.memory_space<vmem>>, vector<256x16xf32>,
    %slice3A_39 = vector.extract_strided_slice %reshape3A {offsets = [8, 0, 0], sizes = [1, 256, 16], strides = [1, 1, 1]} : vector<16x256x16xf32> to vector<1x256x16xf32>
    %squeeze3A_40 = vector.shape_cast %slice3A_39 : vector<1x256x16xf32> to vector<256x16xf32>
    %swap3A_41 = arith.constant 0 : index
    %swap3A_42 = arith.constant 128 : index
    %swap3A_43 = vector.load %arg2[%swap3A_41, %swap3A_42] : memref<256x256xf32, #tpu.memory_space<vmem>>, vector<256x16xf32>
    tpu.vector_store %arg2[%swap3A_41, %swap3A_42], %squeeze3A_40 {strides = array<i32>} : memref<256x256xf32, #tpu.memory_space<vmem>>, vector<256x16xf32>,
    %slice3A_44 = vector.extract_strided_slice %reshape3A {offsets = [9, 0, 0], sizes = [1, 256, 16], strides = [1, 1, 1]} : vector<16x256x16xf32> to vector<1x256x16xf32>
    %squeeze3A_45 = vector.shape_cast %slice3A_44 : vector<1x256x16xf32> to vector<256x16xf32>
    %swap3A_46 = arith.constant 0 : index
    %swap3A_47 = arith.constant 144 : index
    %swap3A_48 = vector.load %arg2[%swap3A_46, %swap3A_47] : memref<256x256xf32, #tpu.memory_space<vmem>>, vector<256x16xf32>
    tpu.vector_store %arg2[%swap3A_46, %swap3A_47], %squeeze3A_45 {strides = array<i32>} : memref<256x256xf32, #tpu.memory_space<vmem>>, vector<256x16xf32>,
    %slice3A_49 = vector.extract_strided_slice %reshape3A {offsets = [10, 0, 0], sizes = [1, 256, 16], strides = [1, 1, 1]} : vector<16x256x16xf32> to vector<1x256x16xf32>
    %squeeze3A_50 = vector.shape_cast %slice3A_49 : vector<1x256x16xf32> to vector<256x16xf32>
    %swap3A_51 = arith.constant 0 : index
    %swap3A_52 = arith.constant 160 : index
    %swap3A_53 = vector.load %arg2[%swap3A_51, %swap3A_52] : memref<256x256xf32, #tpu.memory_space<vmem>>, vector<256x16xf32>
    tpu.vector_store %arg2[%swap3A_51, %swap3A_52], %squeeze3A_50 {strides = array<i32>} : memref<256x256xf32, #tpu.memory_space<vmem>>, vector<256x16xf32>,
    %slice3A_54 = vector.extract_strided_slice %reshape3A {offsets = [11, 0, 0], sizes = [1, 256, 16], strides = [1, 1, 1]} : vector<16x256x16xf32> to vector<1x256x16xf32>
    %squeeze3A_55 = vector.shape_cast %slice3A_54 : vector<1x256x16xf32> to vector<256x16xf32>
    %swap3A_56 = arith.constant 0 : index
    %swap3A_57 = arith.constant 176 : index
    %swap3A_58 = vector.load %arg2[%swap3A_56, %swap3A_57] : memref<256x256xf32, #tpu.memory_space<vmem>>, vector<256x16xf32>
    tpu.vector_store %arg2[%swap3A_56, %swap3A_57], %squeeze3A_55 {strides = array<i32>} : memref<256x256xf32, #tpu.memory_space<vmem>>, vector<256x16xf32>,
    %slice3A_59 = vector.extract_strided_slice %reshape3A {offsets = [12, 0, 0], sizes = [1, 256, 16], strides = [1, 1, 1]} : vector<16x256x16xf32> to vector<1x256x16xf32>
    %squeeze3A_60 = vector.shape_cast %slice3A_59 : vector<1x256x16xf32> to vector<256x16xf32>
    %swap3A_61 = arith.constant 0 : index
    %swap3A_62 = arith.constant 192 : index
    %swap3A_63 = vector.load %arg2[%swap3A_61, %swap3A_62] : memref<256x256xf32, #tpu.memory_space<vmem>>, vector<256x16xf32>
    tpu.vector_store %arg2[%swap3A_61, %swap3A_62], %squeeze3A_60 {strides = array<i32>} : memref<256x256xf32, #tpu.memory_space<vmem>>, vector<256x16xf32>,
    %slice3A_64 = vector.extract_strided_slice %reshape3A {offsets = [13, 0, 0], sizes = [1, 256, 16], strides = [1, 1, 1]} : vector<16x256x16xf32> to vector<1x256x16xf32>
    %squeeze3A_65 = vector.shape_cast %slice3A_64 : vector<1x256x16xf32> to vector<256x16xf32>
    %swap3A_66 = arith.constant 0 : index
    %swap3A_67 = arith.constant 208 : index
    %swap3A_68 = vector.load %arg2[%swap3A_66, %swap3A_67] : memref<256x256xf32, #tpu.memory_space<vmem>>, vector<256x16xf32>
    tpu.vector_store %arg2[%swap3A_66, %swap3A_67], %squeeze3A_65 {strides = array<i32>} : memref<256x256xf32, #tpu.memory_space<vmem>>, vector<256x16xf32>,
    %slice3A_69 = vector.extract_strided_slice %reshape3A {offsets = [14, 0, 0], sizes = [1, 256, 16], strides = [1, 1, 1]} : vector<16x256x16xf32> to vector<1x256x16xf32>
    %squeeze3A_70 = vector.shape_cast %slice3A_69 : vector<1x256x16xf32> to vector<256x16xf32>
    %swap3A_71 = arith.constant 0 : index
    %swap3A_72 = arith.constant 224 : index
    %swap3A_73 = vector.load %arg2[%swap3A_71, %swap3A_72] : memref<256x256xf32, #tpu.memory_space<vmem>>, vector<256x16xf32>
    tpu.vector_store %arg2[%swap3A_71, %swap3A_72], %squeeze3A_70 {strides = array<i32>} : memref<256x256xf32, #tpu.memory_space<vmem>>, vector<256x16xf32>,
    %slice3A_74 = vector.extract_strided_slice %reshape3A {offsets = [15, 0, 0], sizes = [1, 256, 16], strides = [1, 1, 1]} : vector<16x256x16xf32> to vector<1x256x16xf32>
    %squeeze3A_75 = vector.shape_cast %slice3A_74 : vector<1x256x16xf32> to vector<256x16xf32>
    %swap3A_76 = arith.constant 0 : index
    %swap3A_77 = arith.constant 240 : index
    %swap3A_78 = vector.load %arg2[%swap3A_76, %swap3A_77] : memref<256x256xf32, #tpu.memory_space<vmem>>, vector<256x16xf32>
    tpu.vector_store %arg2[%swap3A_76, %swap3A_77], %squeeze3A_75 {strides = array<i32>} : memref<256x256xf32, #tpu.memory_space<vmem>>, vector<256x16xf32>,
    return
  }
  func.func @transform_0(%arg0: i32) -> (i32, i32) {
    %c0_i32 = arith.constant 0 : i32
    %c0_i32_0 = arith.constant 0 : i32
    return %c0_i32, %arg0 : i32, i32
  }
  func.func @transform_1(%arg0: i32) -> (i32, i32) {
    %c0_i32 = arith.constant 0 : i32
    %c0_i32_0 = arith.constant 0 : i32
    return %arg0, %c0_i32 : i32, i32
  }
}

module attributes {stable_mosaic.version = 14 : i64} {
  func.func @_tc_body(%arg0: memref<4096x416xf32, #tpu.memory_space<vmem>>, %arg1: memref<4096x26xf32, #tpu.memory_space<vmem>>, %arg2: memref<416x16xf32, #tpu.memory_space<vmem>>, %arg3: memref<416x64xf32, #tpu.memory_space<vmem>>, %arg4: memref<1x64xf32, #tpu.memory_space<vmem>>, %arg5: memref<1x64xf32, #tpu.memory_space<vmem>>, %arg6: memref<1x64xf32, #tpu.memory_space<vmem>>, %arg7: memref<64x32xf32, #tpu.memory_space<vmem>>, %arg8: memref<1x32xf32, #tpu.memory_space<vmem>>, %arg9: memref<1x32xf32, #tpu.memory_space<vmem>>, %arg10: memref<1x32xf32, #tpu.memory_space<vmem>>, %arg11: memref<32x1xf32, #tpu.memory_space<vmem>>, %arg12: memref<1x1xf32, #tpu.memory_space<vmem>>, %arg13: memref<1x1xf32, #tpu.memory_space<vmem>>, %arg14: memref<4096x1xf32, #tpu.memory_space<vmem>>) attributes {dimension_semantics = [], scalar_prefetch = 0 : i64, scratch_operands = 0 : i64, tpu.core_type = #tpu.core_type<tc>} {
    %get3A = arith.constant 0 : index
    %get3A_0 = arith.constant 0 : index
    %get3A_1 = vector.load %arg0[%get3A, %get3A_0] : memref<4096x416xf32, #tpu.memory_space<vmem>>, vector<4096x416xf32>
    %get3A_2 = arith.constant 0 : index
    %get3A_3 = arith.constant 0 : index
    %get3A_4 = vector.load %arg2[%get3A_2, %get3A_3] : memref<416x16xf32, #tpu.memory_space<vmem>>, vector<416x16xf32>
    %dot_general3A = arith.constant dense<0.000000e+00> : vector<4096x16xf32>
    %dot_general3A_5 = tpu.matmul %get3A_1, %get3A_4, %dot_general3A {dimension_numbers = #tpu.dot_dimension_numbers<[1], [0], [0], [1], [0, 0, 1, 1], [], []>, transpose_lhs_hint = false} : vector<4096x416xf32>, vector<416x16xf32>, vector<4096x16xf32> -> vector<4096x16xf32>
    %mul3A = arith.mulf %dot_general3A_5, %dot_general3A_5 : vector<4096x16xf32>
    %reduce_sum3A = arith.constant dense<0.000000e+00> : vector<4096xf32>
    %reduce_sum3A_6 = vector.multi_reduction <add>, %mul3A, %reduce_sum3A [1] : vector<4096x16xf32> to vector<4096xf32>
    %broadcast_in_dim3A = vector.shape_cast %reduce_sum3A_6 : vector<4096xf32> to vector<4096x1xf32>
    %mul3A_7 = arith.mulf %get3A_1, %get3A_1 : vector<4096x416xf32>
    %reduce_sum3A_8 = arith.constant dense<0.000000e+00> : vector<4096xf32>
    %reduce_sum3A_9 = vector.multi_reduction <add>, %mul3A_7, %reduce_sum3A_8 [1] : vector<4096x416xf32> to vector<4096xf32>
    %broadcast_in_dim3A_10 = vector.shape_cast %reduce_sum3A_9 : vector<4096xf32> to vector<4096x1xf32>
    %sub3A = arith.subf %broadcast_in_dim3A, %broadcast_in_dim3A_10 : vector<4096x1xf32>
    %mul3A_11 = arith.constant 5.000000e-01 : f32
    %mul3A_12 = vector.broadcast %mul3A_11 : f32 to vector<4096x1xf32>
    %mul3A_13 = arith.mulf %mul3A_12, %sub3A : vector<4096x1xf32>
    %get3A_14 = arith.constant 0 : index
    %get3A_15 = arith.constant 0 : index
    %get3A_16 = vector.load %arg1[%get3A_14, %get3A_15] : memref<4096x26xf32, #tpu.memory_space<vmem>>, vector<4096x26xf32>
    %reduce_sum3A_17 = arith.constant dense<0.000000e+00> : vector<4096xf32>
    %reduce_sum3A_18 = vector.multi_reduction <add>, %get3A_16, %reduce_sum3A_17 [1] : vector<4096x26xf32> to vector<4096xf32>
    %broadcast_in_dim3A_19 = vector.shape_cast %reduce_sum3A_18 : vector<4096xf32> to vector<4096x1xf32>
    %get3A_20 = arith.constant 0 : index
    %get3A_21 = arith.constant 0 : index
    %get3A_22 = vector.load %arg13[%get3A_20, %get3A_21] : memref<1x1xf32, #tpu.memory_space<vmem>>, vector<1x1xf32>
    %get3A_23 = vector.extract %get3A_22[0, 0] : f32 from vector<1x1xf32>
    %add3A = vector.broadcast %get3A_23 : f32 to vector<4096x1xf32>
    %add3A_24 = arith.addf %broadcast_in_dim3A_19, %add3A : vector<4096x1xf32>
    %get3A_25 = arith.constant 0 : index
    %get3A_26 = arith.constant 0 : index
    %get3A_27 = vector.load %arg3[%get3A_25, %get3A_26] : memref<416x64xf32, #tpu.memory_space<vmem>>, vector<416x64xf32>
    %dot_general3A_28 = arith.constant dense<0.000000e+00> : vector<4096x64xf32>
    %dot_general3A_29 = tpu.matmul %get3A_1, %get3A_27, %dot_general3A_28 {dimension_numbers = #tpu.dot_dimension_numbers<[1], [0], [0], [1], [0, 0, 1, 1], [], []>, transpose_lhs_hint = false} : vector<4096x416xf32>, vector<416x64xf32>, vector<4096x64xf32> -> vector<4096x64xf32>
    %get3A_30 = arith.constant 0 : index
    %get3A_31 = arith.constant 0 : index
    %get3A_32 = vector.load %arg4[%get3A_30, %get3A_31] : memref<1x64xf32, #tpu.memory_space<vmem>>, vector<1x64xf32>
    %add3A_33 = vector.broadcast %get3A_32 : vector<1x64xf32> to vector<4096x64xf32>
    %add3A_34 = arith.addf %dot_general3A_29, %add3A_33 : vector<4096x64xf32>
    %reduce_sum3A_35 = arith.constant dense<0.000000e+00> : vector<64xf32>
    %reduce_sum3A_36 = vector.multi_reduction <add>, %add3A_34, %reduce_sum3A_35 [0] : vector<4096x64xf32> to vector<64xf32>
    %broadcast_in_dim3A_37 = vector.shape_cast %reduce_sum3A_36 : vector<64xf32> to vector<1x64xf32>
    %div3A = arith.constant 4.096000e+03 : f32
    %div3A_38 = vector.broadcast %div3A : f32 to vector<1x64xf32>
    %div3A_39 = arith.divf %broadcast_in_dim3A_37, %div3A_38 : vector<1x64xf32>
    %sub3A_40 = vector.broadcast %div3A_39 : vector<1x64xf32> to vector<4096x64xf32>
    %sub3A_41 = arith.subf %add3A_34, %sub3A_40 : vector<4096x64xf32>
    %integer_pow3A = arith.mulf %sub3A_41, %sub3A_41 : vector<4096x64xf32>
    %reduce_sum3A_42 = arith.constant dense<0.000000e+00> : vector<64xf32>
    %reduce_sum3A_43 = vector.multi_reduction <add>, %integer_pow3A, %reduce_sum3A_42 [0] : vector<4096x64xf32> to vector<64xf32>
    %broadcast_in_dim3A_44 = vector.shape_cast %reduce_sum3A_43 : vector<64xf32> to vector<1x64xf32>
    %div3A_45 = arith.constant 4.096000e+03 : f32
    %div3A_46 = vector.broadcast %div3A_45 : f32 to vector<1x64xf32>
    %div3A_47 = arith.divf %broadcast_in_dim3A_44, %div3A_46 : vector<1x64xf32>
    %sub3A_48 = vector.broadcast %div3A_39 : vector<1x64xf32> to vector<4096x64xf32>
    %sub3A_49 = arith.subf %add3A_34, %sub3A_48 : vector<4096x64xf32>
    %add3A_50 = arith.constant 9.99999974E-6 : f32
    %add3A_51 = vector.broadcast %add3A_50 : f32 to vector<1x64xf32>
    %add3A_52 = arith.addf %div3A_47, %add3A_51 : vector<1x64xf32>
    %sqrt3A = math.sqrt %add3A_52 : vector<1x64xf32>
    %div3A_53 = vector.broadcast %sqrt3A : vector<1x64xf32> to vector<4096x64xf32>
    %div3A_54 = arith.divf %sub3A_49, %div3A_53 : vector<4096x64xf32>
    %get3A_55 = arith.constant 0 : index
    %get3A_56 = arith.constant 0 : index
    %get3A_57 = vector.load %arg5[%get3A_55, %get3A_56] : memref<1x64xf32, #tpu.memory_space<vmem>>, vector<1x64xf32>
    %mul3A_58 = vector.broadcast %get3A_57 : vector<1x64xf32> to vector<4096x64xf32>
    %mul3A_59 = arith.mulf %div3A_54, %mul3A_58 : vector<4096x64xf32>
    %get3A_60 = arith.constant 0 : index
    %get3A_61 = arith.constant 0 : index
    %get3A_62 = vector.load %arg6[%get3A_60, %get3A_61] : memref<1x64xf32, #tpu.memory_space<vmem>>, vector<1x64xf32>
    %add3A_63 = vector.broadcast %get3A_62 : vector<1x64xf32> to vector<4096x64xf32>
    %add3A_64 = arith.addf %mul3A_59, %add3A_63 : vector<4096x64xf32>
    %max3A = arith.constant 0.000000e+00 : f32
    %max3A_65 = vector.broadcast %max3A : f32 to vector<4096x64xf32>
    %max3A_66 = arith.maximumf %add3A_64, %max3A_65 : vector<4096x64xf32>
    %get3A_67 = arith.constant 0 : index
    %get3A_68 = arith.constant 0 : index
    %get3A_69 = vector.load %arg7[%get3A_67, %get3A_68] : memref<64x32xf32, #tpu.memory_space<vmem>>, vector<64x32xf32>
    %dot_general3A_70 = arith.constant dense<0.000000e+00> : vector<4096x32xf32>
    %dot_general3A_71 = tpu.matmul %max3A_66, %get3A_69, %dot_general3A_70 {dimension_numbers = #tpu.dot_dimension_numbers<[1], [0], [0], [1], [0, 0, 1, 1], [], []>, transpose_lhs_hint = false} : vector<4096x64xf32>, vector<64x32xf32>, vector<4096x32xf32> -> vector<4096x32xf32>
    %get3A_72 = arith.constant 0 : index
    %get3A_73 = arith.constant 0 : index
    %get3A_74 = vector.load %arg8[%get3A_72, %get3A_73] : memref<1x32xf32, #tpu.memory_space<vmem>>, vector<1x32xf32>
    %add3A_75 = vector.broadcast %get3A_74 : vector<1x32xf32> to vector<4096x32xf32>
    %add3A_76 = arith.addf %dot_general3A_71, %add3A_75 : vector<4096x32xf32>
    %reduce_sum3A_77 = arith.constant dense<0.000000e+00> : vector<32xf32>
    %reduce_sum3A_78 = vector.multi_reduction <add>, %add3A_76, %reduce_sum3A_77 [0] : vector<4096x32xf32> to vector<32xf32>
    %broadcast_in_dim3A_79 = vector.shape_cast %reduce_sum3A_78 : vector<32xf32> to vector<1x32xf32>
    %div3A_80 = arith.constant 4.096000e+03 : f32
    %div3A_81 = vector.broadcast %div3A_80 : f32 to vector<1x32xf32>
    %div3A_82 = arith.divf %broadcast_in_dim3A_79, %div3A_81 : vector<1x32xf32>
    %sub3A_83 = vector.broadcast %div3A_82 : vector<1x32xf32> to vector<4096x32xf32>
    %sub3A_84 = arith.subf %add3A_76, %sub3A_83 : vector<4096x32xf32>
    %integer_pow3A_85 = arith.mulf %sub3A_84, %sub3A_84 : vector<4096x32xf32>
    %reduce_sum3A_86 = arith.constant dense<0.000000e+00> : vector<32xf32>
    %reduce_sum3A_87 = vector.multi_reduction <add>, %integer_pow3A_85, %reduce_sum3A_86 [0] : vector<4096x32xf32> to vector<32xf32>
    %broadcast_in_dim3A_88 = vector.shape_cast %reduce_sum3A_87 : vector<32xf32> to vector<1x32xf32>
    %div3A_89 = arith.constant 4.096000e+03 : f32
    %div3A_90 = vector.broadcast %div3A_89 : f32 to vector<1x32xf32>
    %div3A_91 = arith.divf %broadcast_in_dim3A_88, %div3A_90 : vector<1x32xf32>
    %sub3A_92 = vector.broadcast %div3A_82 : vector<1x32xf32> to vector<4096x32xf32>
    %sub3A_93 = arith.subf %add3A_76, %sub3A_92 : vector<4096x32xf32>
    %add3A_94 = arith.constant 9.99999974E-6 : f32
    %add3A_95 = vector.broadcast %add3A_94 : f32 to vector<1x32xf32>
    %add3A_96 = arith.addf %div3A_91, %add3A_95 : vector<1x32xf32>
    %sqrt3A_97 = math.sqrt %add3A_96 : vector<1x32xf32>
    %div3A_98 = vector.broadcast %sqrt3A_97 : vector<1x32xf32> to vector<4096x32xf32>
    %div3A_99 = arith.divf %sub3A_93, %div3A_98 : vector<4096x32xf32>
    %get3A_100 = arith.constant 0 : index
    %get3A_101 = arith.constant 0 : index
    %get3A_102 = vector.load %arg9[%get3A_100, %get3A_101] : memref<1x32xf32, #tpu.memory_space<vmem>>, vector<1x32xf32>
    %mul3A_103 = vector.broadcast %get3A_102 : vector<1x32xf32> to vector<4096x32xf32>
    %mul3A_104 = arith.mulf %div3A_99, %mul3A_103 : vector<4096x32xf32>
    %get3A_105 = arith.constant 0 : index
    %get3A_106 = arith.constant 0 : index
    %get3A_107 = vector.load %arg10[%get3A_105, %get3A_106] : memref<1x32xf32, #tpu.memory_space<vmem>>, vector<1x32xf32>
    %add3A_108 = vector.broadcast %get3A_107 : vector<1x32xf32> to vector<4096x32xf32>
    %add3A_109 = arith.addf %mul3A_104, %add3A_108 : vector<4096x32xf32>
    %max3A_110 = arith.constant 0.000000e+00 : f32
    %max3A_111 = vector.broadcast %max3A_110 : f32 to vector<4096x32xf32>
    %max3A_112 = arith.maximumf %add3A_109, %max3A_111 : vector<4096x32xf32>
    %get3A_113 = arith.constant 0 : index
    %get3A_114 = arith.constant 0 : index
    %get3A_115 = vector.load %arg11[%get3A_113, %get3A_114] : memref<32x1xf32, #tpu.memory_space<vmem>>, vector<32x1xf32>
    %dot_general3A_116 = arith.constant dense<0.000000e+00> : vector<4096x1xf32>
    %dot_general3A_117 = tpu.matmul %max3A_112, %get3A_115, %dot_general3A_116 {dimension_numbers = #tpu.dot_dimension_numbers<[1], [0], [0], [1], [0, 0, 1, 1], [], []>, transpose_lhs_hint = false} : vector<4096x32xf32>, vector<32x1xf32>, vector<4096x1xf32> -> vector<4096x1xf32>
    %get3A_118 = arith.constant 0 : index
    %get3A_119 = arith.constant 0 : index
    %get3A_120 = vector.load %arg12[%get3A_118, %get3A_119] : memref<1x1xf32, #tpu.memory_space<vmem>>, vector<1x1xf32>
    %add3A_121 = vector.broadcast %get3A_120 : vector<1x1xf32> to vector<4096x1xf32>
    %add3A_122 = arith.addf %dot_general3A_117, %add3A_121 : vector<4096x1xf32>
    %add3A_123 = arith.addf %add3A_24, %mul3A_13 : vector<4096x1xf32>
    %add3A_124 = arith.addf %add3A_123, %add3A_122 : vector<4096x1xf32>
    %logistic3A = arith.negf %add3A_124 : vector<4096x1xf32>
    %logistic3A_125 = math.exp %logistic3A : vector<4096x1xf32>
    %logistic3A_126 = arith.constant 1.000000e+00 : f32
    %logistic3A_127 = vector.broadcast %logistic3A_126 : f32 to vector<4096x1xf32>
    %logistic3A_128 = arith.addf %logistic3A_127, %logistic3A_125 : vector<4096x1xf32>
    %logistic3A_129 = arith.divf %logistic3A_127, %logistic3A_128 : vector<4096x1xf32>
    %swap3A = arith.constant 0 : index
    %swap3A_130 = arith.constant 0 : index
    %swap3A_131 = vector.load %arg14[%swap3A, %swap3A_130] : memref<4096x1xf32, #tpu.memory_space<vmem>>, vector<4096x1xf32>
    tpu.vector_store %arg14[%swap3A, %swap3A_130], %logistic3A_129 {strides = array<i32>} : memref<4096x1xf32, #tpu.memory_space<vmem>>, vector<4096x1xf32>,
    return
  }
}

</mosaic_0001>

<sc_bundles>
// kernel: kernel.6.cloned.1.call-start
scs
__scs_entry_jumppad:
0x0: {  	(pc) =	sbr.rel $0x88, $3  }
0x1: {  	(tag) =	ssettag $0x0;
	lr =	simm.s32 $0x1  }
0x2: {  	[smem:$0x3F93] =	sst lr;
	_ =	strace $0xD0000000  }
0x3: {  	_ = 	snop  }
0x4: {  	_ = 	snop  }
0x5: {  	_ = 	snop  }
0x6: {  	_ = 	snop  }
0x7: {  	_ = 	snop  }
__scs_overlays_trampoline_lowered:
0x8: {  	[smem:$0x3FA2] =	sst s0  }
0x9: {  	[smem:$0x3FA3] =	sst s1  }
0xa: {  	[smem:$0x3FA4] =	sst s2  }
0xb: {  	[smem:$0x3FA5] =	sst s3  }
0xc: {  	[smem:$0x3FA6] =	sst s4  }
0xd: {  	[smem:$0x3FA7] =	sst s5  }
0xe: {  	[smem:$0x3FA8] =	sst s6  }
0xf: {  	[smem:$0x3FA9] =	sst s7  }
0x10: {  	[smem:$0x3FAA] =	sst s8  }
0x11: {  	[smem:$0x3FAB] =	sst s9;
	s0 =	simm.s32 @!p0 $0x0  }
0x12: {  	s1 =	sld [smem:$0x3F91];
	s0 =	simm.s32 @p0 $0x1  }
0x13: {  	[smem:$0x3FAC] =	sst s0;
	s0 =	simm.s32 @!p1 $0x0  }
0x14: {  	s2 =	sld [smem:$0x3F90];
	s0 =	simm.s32 @p1 $0x1  }
0x15: {  	[smem:$0x3FAD] =	sst s0;
	s0 =	simm.s32 @!p2 $0x0  }
0x16: {  	s3 =	sld [smem:$0x3FDB];
	s0 =	simm.s32 @p2 $0x1  }
0x17: {  	s4 =	simm.s32 $0x1BF5;
	[smem:$0x3FAF] =	sst s0  }
0x18: {  	s0 =	sld [smem:$0x3F92];
	_ =	swait.ge [sflag:s4], $0x0  }
0x19: {  	s7 =	sld [smem:$0x3F93]  }
0x1a: {  	s8 =	sadd.s32 $0xFFFFE003, lr  }
0x1b: {  	s9 =	sadd.s32 $0xFFFFFEF7, lr;
	s5 =	simm.s32 $0xFFFFFFFF;
	p2 =	slt.u32 s8, $0xFFFFF086  }
0x1c: {  	p1 =	slt.u32 s9, $0xF7A;
	s5 =	simm.s32 @!p2 $0x0  }
0x1d: {  	s5 =	simm.s32 @p1 $0x1;
	p0 =	seq.s32 s7, s2  }
0x1e: {  	s7 =	smul.u32 @!p0 $0xF7A, s2;
	p2 =	seq.s32 @!p0 s5, $0x0  }
0x1f: {  	s9 =	smul.u32 $0xF7A, s1;
	s8 =	simm.s32 @!p0 $0x1BF5;
	p2 =	por !p2, p0  }
0x20: {  	[sflag:s8] =	ssyncset.s32 @!p0 $0xFFFFF086;
	s6 =	sadd.s32 @!p0 s3, s7;
	s7 =	simm.s32 @!p0 $0x108  }
0x21: {  	s3 =	sadd.s32 s3, s9;
	s6 =	sadd.s32 @!p0 $0x88, s6;
	s7 =	simm.s32 @p2 $0x1082  }
0x22: {  	[simem:s7], [sflag:s8] =	dma.local @!p0 [hbm:s6], $0xF7A  }
0x23: {  	s9 =	sor.u32 $0xD0000000, s2;
	s6 =	simm.s32 $0x108;
	_ =	swait.ge @!p0 [sflag:s8], $0x0  }
0x24: {  	s3 =	sadd.s32 $0x88, s3;
	s6 =	simm.s32 @!p1 $0x1082;
	[sflag:s4] =	ssyncset.s32 $0xFFFFF086  }
0x25: {  	[simem:s6], [sflag:s4] =	dma.local [hbm:s3], $0xF7A  }
0x26: {  	[smem:$0x3F93] =	sst s1;
	(tag) =	ssettag s2;
	_ =	strace s9  }
0x27: {  	s1 =	sld [smem:$0x3FA3]  }
0x28: {  	s2 =	sld [smem:$0x3FA4]  }
0x29: {  	s4 =	sld [smem:$0x3FA6]  }
0x2a: {  	p0 =	seq.s32 s5, $0x0;
	s5 =	sld [smem:$0x3FA7]  }
0x2b: {  	s6 =	sld [smem:$0x3FA8]  }
0x2c: {  	s7 =	sld [smem:$0x3FA9]  }
0x2d: {  	s3 =	simm.s32 $0x108;
	s8 =	sld [smem:$0x3FAA]  }
0x2e: {  	s3 =	simm.s32 @!p0 $0x1082;
	s9 =	sld [smem:$0x3FAB]  }
0x2f: {  	lr =	sadd.s32 s0, s3;
	s0 =	sld [smem:$0x3FA2]  }
0x30: {  	s3 =	sld [smem:$0x3FA5]  }
0x31: {  	[smem:$0x3FAE] =	sst s10  }
0x32: {  	s10 =	sld [smem:$0x3FAC];
	_ =	sdelay $0x3  }
0x33: {  	p0 =	seq.s32 s10, $0x1;
	s10 =	sld [smem:$0x3FAE];
	_ =	sdelay $0x3  }
0x34: {  	[smem:$0x3FAE] =	sst s10  }
0x35: {  	s10 =	sld [smem:$0x3FAD];
	_ =	sdelay $0x3  }
0x36: {  	p1 =	seq.s32 s10, $0x1;
	s10 =	sld [smem:$0x3FAE];
	_ =	sdelay $0x3  }
0x37: {  	[smem:$0x3FAE] =	sst s10  }
0x38: {  	s10 =	sld [smem:$0x3FAF]  }
0x39: {  	_ = 	snop;
	(pc) =	sbr.ind lr, $3  }
0x3a: {  	_ = 	snop  }
0x3b: {  	_ = 	snop  }
0x3c: {  	p2 =	seq.s32 s10, $0x1;
	s10 =	sld [smem:$0x3FAE]  }
0x3d: {  	_ =	shalt  }
0x3e: {  	_ =	shalt  }
0x3f: {  	_ =	shalt  }
0x40: {  	_ =	shalt  }
0x41: {  	_ =	shalt  }
0x42: {  	_ =	shalt  }
0x43: {  	_ =	shalt  }
0x44: {  	_ =	shalt  }
0x45: {  	_ =	shalt  }
0x46: {  	_ =	shalt  }
0x47: {  	_ =	shalt  }
0x48: {  	_ =	shalt  }
0x49: {  	_ =	shalt  }
0x4a: {  	_ =	shalt  }
0x4b: {  	_ =	shalt  }
0x4c: {  	_ =	shalt  }
0x4d: {  	_ =	shalt  }
0x4e: {  	_ =	shalt  }
0x4f: {  	_ =	shalt  }
0x50: {  	_ =	shalt  }
0x51: {  	_ =	shalt  }
0x52: {  	_ =	shalt  }
0x53: {  	_ =	shalt  }
0x54: {  	_ =	shalt  }
0x55: {  	_ =	shalt  }
0x56: {  	_ =	shalt  }
0x57: {  	_ =	shalt  }
0x58: {  	_ =	shalt  }
0x59: {  	_ =	shalt  }
0x5a: {  	_ =	shalt  }
0x5b: {  	_ =	shalt  }
0x5c: {  	_ =	shalt  }
0x5d: {  	_ =	shalt  }
0x5e: {  	_ =	shalt  }
0x5f: {  	_ =	shalt  }
0x60: {  	_ =	shalt  }
0x61: {  	_ =	shalt  }
0x62: {  	_ =	shalt  }
0x63: {  	_ =	shalt  }
0x64: {  	_ =	shalt  }
0x65: {  	_ =	shalt  }
0x66: {  	_ =	shalt  }
0x67: {  	_ =	shalt  }
0x68: {  	_ =	shalt  }
0x69: {  	_ =	shalt  }
0x6a: {  	_ =	shalt  }
0x6b: {  	_ =	shalt  }
0x6c: {  	_ =	shalt  }
0x6d: {  	_ =	shalt  }
0x6e: {  	_ =	shalt  }
0x6f: {  	_ =	shalt  }
0x70: {  	_ =	shalt  }
0x71: {  	_ =	shalt  }
0x72: {  	_ =	shalt  }
0x73: {  	_ =	shalt  }
0x74: {  	_ =	shalt  }
0x75: {  	_ =	shalt  }
0x76: {  	_ =	shalt  }
0x77: {  	_ =	shalt  }
0x78: {  	_ =	shalt  }
0x79: {  	_ =	shalt  }
0x7a: {  	_ =	shalt  }
0x7b: {  	_ =	shalt  }
0x7c: {  	_ =	shalt  }
0x7d: {  	_ =	shalt  }
0x7e: {  	_ =	shalt  }
0x7f: {  	_ =	shalt  }
0x80: {  	_ =	shalt  }
0x81: {  	_ =	shalt  }
0x82: {  	_ =	shalt  }
0x83: {  	_ =	shalt  }
0x84: {  	_ =	shalt  }
0x85: {  	_ =	shalt  }
0x86: {  	_ =	shalt  }
0x87: {  	_ =	shalt  }
.Lfunc_end0:
.L_simem_size_0:
called_computation_lowered:
.L_overlay_start_0:
0x88: {  	s2 =	sld [smem:$0x3FD9]  }
0x89: {  	s3 =	sld [smem:$0x3FFE];
	_ =	sdelay $0x1  }
0x8a: {  	s1 =	srdreg.scid  }
0x8b: {  	s0 =	sand.u32 $0x1, s1  }
0x8c: {  	s17 =	sshll.u32 s0, $0xA;
	s2 =	sadd.s32 s3, s2  }
0x8d: {  	s2 =	sadd.s32 s2, s17  }
0x8e: {  	[smem:$0x3FBA] =	sst s2  }
0x8f: {  	_ = 	snop  }
0x90: {  	s18 =	sld [smem:$0x3FD0];
	(tm) =	ssettm $0x1  }
0x91: {  	s19 =	sld [smem:$0x3FFB];
	_ =	sdelay $0x3  }
0x92: {  	_ =	strace s19  }
0x93: {  	s2 =	sld [smem:$0x3FFC];
	_ =	sdelay $0x3  }
0x94: {  	_ =	strace s2  }
0x95: {  	s2 =	sld [smem:$0x3FFD];
	_ =	sdelay $0x3  }
0x96: {  	_ =	strace s2  }
0x97: {  	_ =	strace $0x8FFFFFFF  }
0x98: {  	s20 =	sld [smem:$0x3FDB];
	_ =	sdelay $0x1  }
0x99: {  	s4 =	simm.s32 $_scs_section_size  }
0x9a: {  	s5 =	simm.s32 $_size__tile_overlayer_lowered;
	s6 =	simm.s32 $_tile_overlayer_lowered  }
0x9b: {  	s7 =	simm.s32 $0x1BFF;
	s21 =	sshll.u32 s6, $0x1;
	s4 =	sadd.s32 s4, s20  }
0x9c: {  	s22 =	simm.s32 $0x0;
	s5 =	sshll.u32 s5, $0x1;
	s6 =	sadd.s32 s21, s4  }
0x9d: {  	[timem:s22], [sflag:s7] =	dma.local [hbm:s6], s5  }
0x9e: {  	_ =	swait.ge [sflag:s7], s5  }
0x9f: {  	s5 =	ssub.s32 $0x0, s5;
	[sflag:s7] =	ssyncset.done $0x0  }
0xa0: {  	[sflag:s7] =	ssyncadd.s32 s5;
	_ =	sdelay $0x1  }
0xa1: {  	s23 =	simm.s32 $0x1B8B  }
0xa2: {  	_ =	swait.ge [sflag:s23], $0x1  }
0xa3: {  	[sflag:s23] =	ssyncset.done $0x0  }
0xa4: {  	[sflag:s23] =	ssyncadd.s32 $0xFFFFFFFF  }
0xa5: {  	s5 =	sld [smem:$0x0]  }
0xa6: {  	s6 =	sand.u32 $0xFFFFFFFE, s1  }
0xa7: {  	p0 =	sne.s32 s1, s6  }
0xa8: {  	s6 =	sshll.u32 @p0 s6, $0xE  }
0xa9: {  	s6 =	sadd.s32 @p0 $0x11B8D, s6;
	s7 =	sshll.u32 @p0 s5, $0x11  }
0xaa: {  	s6 =	sor.u32 @p0 s7, s6  }
0xab: {  	[sflag:s6] =	ssyncadd.remote.s32 @p0 $0x1;
	_ =	sdelay $0x1  }
0xac: {  	s6 =	simm.s32 @p0 $0x1B8D  }
0xad: {  	_ =	swait.eq @p0 [sflag:s6], $0x1  }
0xae: {  	[sflag:s6] =	ssyncadd.s32 @p0 $0xFFFFFFFF  }
0xaf: {  	s7 =	sshll.u32 @!p0 s1, $0xE  }
0xb0: {  	s7 =	sor.u32 @!p0 $0x4000, s7;
	s6 =	simm.s32 @!p0 $0x1B8D  }
0xb1: {  	s5 =	sshll.u32 @!p0 s5, $0x11;
	s7 =	sadd.s32 @!p0 $0x11B8D, s7;
	_ =	swait.eq @!p0 [sflag:s6], $0x1  }
0xb2: {  	s5 =	sor.u32 @!p0 s5, s7;
	[sflag:s6] =	ssyncadd.s32 @!p0 $0xFFFFFFFF  }
0xb3: {  	s25 =	simm.s32 $0x1B8E;
	s24 =	sld [smem:$0x3FFE];
	[sflag:s5] =	ssyncadd.remote.s32 @!p0 $0x1  }
0xb4: {  	s26 =	simm.s32 $execute0_lowered;
	[smem:$0x3FD2] =	sst s25  }
0xb5: {  	s6 =	sshll.u32 s26, $0x1;
	_ =	strace $0x80000049;
	[dreg:$0x1] =	wrdreg $0xFFFFFFFF  }
0xb6: {  	s28 =	simm.s32 $_size_execute0_lowered;
	s4 =	sadd.s32 s4, s6;
	[dreg:$0x0] =	wrdreg $0x0  }
0xb7: {  	s6 =	sshll.u32 s28, $0x1;
	[dreg:$0x2] =	wrdreg s4  }
0xb8: {  	[dreg:$0x3] =	wrdreg s6  }
0xb9: {  	[dreg:$0x4] =	wrdreg $0xC0  }
0xba: {  	_ =	task [dreg:s22], $0x5FFFF  }
0xbb: {  	[dreg:$0x1] =	wrdreg $0xFFFFFFFF  }
0xbc: {  	[dreg:$0x0] =	wrdreg $0x60  }
0xbd: {  	[dreg:$0x2] =	wrdreg s24  }
0xbe: {  	[dreg:$0x3] =	wrdreg s18  }
0xbf: {  	[dreg:$0x4] =	wrdreg $0x9  }
0xc0: {  	_ =	task.clear_ibuf [dreg:s22], $0x5FFFF;
	_ =	strace $0x90000049  }
0xc1: {  	s29 =	simm.s32 $0x9;
	_ =	strace $0x8000004B  }
0xc2: {  	_ =	swait.ge [sflag:s29], $0x1  }
0xc3: {  	[sflag:s29] =	ssyncadd.s32 $0xFFFFFFFF  }
0xc4: {  	_ =	strace $0x9000004B  }
0xc5: {  	_ =	sfence  }
0xc6: {  	s30 =	sld [smem:$0x0];
	_ =	sdelay $0x2  }
0xc7: {  	s31 =	sshll.u32 s1, $0xD;
	s1 =	sshrl.u32 s1, $0x2  }
0xc8: {  	s4 =	sand.u32 $0x4000, s31;
	s1 =	sadd.s32 s1, s30  }
0xc9: {  	s0 =	sor.u32 s4, s0;
	s1 =	sshll.u32 s1, $0x11  }
0xca: {  	s0 =	sor.u32 s1, s0  }
0xcb: {  	s0 =	sadd.s32 $0x8F2B, s0  }
0xcc: {  	[sflag:s0] =	ssyncadd.remote.s32 $0x1  }
0xcd: {  	_ =	sfence.sel $0xFFFF  }
0xce: {  	[dreg:$0x0] =	wrdreg $0xFFFFFFFF;
	(pc) =	sbr.abs _section_cstart, $3  }
0xcf: {  	[dreg:$0x1] =	wrdreg $0xFFFFFFFF  }
0xd0: {  	_ =	task.clear_ibuf [dreg:s22], $0x2FFFF;
	_ =	strace $0x9FFFFFFF  }
0xd1: {  	(tm) =	ssettm $0x7FFFFFFF  }
tec
execute0_lowered:
.L_overlay_start_1:
0x0: {  	(tag) =	ssettag $0x1  }
0x1: {  	v0 =	vimm.s32 $0x4B80;
	vm6 =	vcmask $0x300  }
0x2: {  	vm7 =	vcmask $0x704;
	v0 =	vsel vm6, $0x4000, v0  }
0x3: {  	vm8 =	vcmask $0xB08;
	v1 =	vsel vm7, $0x4080, v0  }
0x4: {  	vm9 =	vcmask $0xF0C;
	v1 =	vsel vm8, $0x4100, v1  }
0x5: {  	vm10 =	vcmask $0x1310;
	v3 =	vsel vm9, $0x4180, v1  }
0x6: {  	vm5 =	vcmask $0x1714;
	v3 =	vsel vm10, $0x4200, v3  }
0x7: {  	vm4 =	vcmask $0x1B18;
	v3 =	vsel vm5, $0x4280, v3  }
0x8: {  	vm3 =	vcmask $0x1F1C;
	v3 =	vsel vm4, $0x4300, v3  }
0x9: {  	vm2 =	vcmask $0x2320;
	v4 =	vimm.s32 $0xF330;
	v3 =	vsel vm3, $0x4380, v3  }
0xa: {  	vm1 =	vcmask $0x2724;
	v4 =	vsel vm6, $0xF6E0, v4;
	v3 =	vsel vm2, $0x4800, v3  }
0xb: {  	v5 =	vimm.s32 $0xF331;
	v4 =	vsel vm7, $0xF6F0, v4;
	v3 =	vsel vm1, $0x4880, v3  }
0xc: {  	v5 =	vsel vm6, $0xF6E1, v5;
	[tilespmem:$0x1F6C0] =	vst v3;
	v3 =	vsel vm8, $0xFA80, v4  }
0xd: {  	v6 =	vimm.s32 $0xF332;
	[tilespmem:$0x1F6A0] =	vst v3;
	v3 =	vsel vm7, $0xF6F1, v5  }
0xe: {  	v7 =	vimm.s32 $0xF333;
	[tilespmem:$0x1F6B0] =	vst v3;
	v3 =	vsel vm6, $0xF6E2, v6  }
0xf: {  	v8 =	vimm.s32 $0xF334;
	[tilespmem:$0x1F6D0] =	vst v3;
	v3 =	vsel vm6, $0xF6E3, v7  }
0x10: {  	v9 =	vimm.s32 $0xF335;
	[tilespmem:$0x1F6E0] =	vst v3;
	v3 =	vsel vm6, $0xF6E4, v8  }
0x11: {  	v10 =	vimm.s32 $0xF336;
	[tilespmem:$0x1F6F0] =	vst v3;
	v3 =	vsel vm6, $0xF6E5, v9  }
0x12: {  	v11 =	vimm.s32 $0xF337;
	[tilespmem:$0x1F700] =	vst v3;
	v3 =	vsel vm6, $0xF6E6, v10  }
0x13: {  	v12 =	vimm.s32 $0x4F80;
	[tilespmem:$0x1F710] =	vst v3;
	v3 =	vsel vm6, $0xF6E7, v11  }
0x14: {  	v13 =	vimm.s32 $0xF338;
	[tilespmem:$0x1F720] =	vst v3;
	v3 =	vsel vm6, $0x4400, v12  }
0x15: {  	v14 =	vimm.s32 $0xF339;
	[tilespmem:$0x1F730] =	vst v3;
	v3 =	vsel vm6, $0xF6E8, v13  }
0x16: {  	v15 =	vimm.s32 $0xF33A;
	[tilespmem:$0x1F740] =	vst v3;
	v3 =	vsel vm6, $0xF6E9, v14  }
0x17: {  	v16 =	vimm.s32 $0xF33B;
	[tilespmem:$0x1F750] =	vst v3;
	v3 =	vsel vm6, $0xF6EA, v15  }
0x18: {  	v17 =	vimm.s32 $0xF33C;
	[tilespmem:$0x1F760] =	vst v3;
	v3 =	vsel vm6, $0xF6EB, v16  }
0x19: {  	v18 =	vimm.s32 $0xF33D;
	[tilespmem:$0x1F770] =	vst v3;
	v3 =	vsel vm6, $0xF6EC, v17  }
0x1a: {  	v19 =	vimm.s32 $0xF33E;
	[tilespmem:$0x1F780] =	vst v3;
	v3 =	vsel vm6, $0xF6ED, v18  }
0x1b: {  	v20 =	vimm.s32 $0xF33F;
	[tilespmem:$0x1F790] =	vst v3;
	v3 =	vsel vm6, $0xF6EE, v19  }
0x1c: {  	v21 =	vimm.s32 $0x5B80;
	[tilespmem:$0x1F7A0] =	vst v3;
	v3 =	vsel vm6, $0xF6EF, v20  }
0x1d: {  	v22 =	vimm.s32 $0xFB30;
	[tilespmem:$0x1F7B0] =	vst v3;
	v3 =	vsel vm6, $0x5000, v21  }
0x1e: {  	v23 =	vimm.s32 $0xFB31;
	[tilespmem:$0x1F7C0] =	vst v3;
	v3 =	vsel vm6, $0xF340, v22  }
0x1f: {  	v24 =	vimm.s32 $0xFB32;
	[tilespmem:$0x1F7D0] =	vst v3;
	v3 =	vsel vm6, $0xF341, v23  }
0x20: {  	v25 =	vimm.s32 $0xFB33;
	[tilespmem:$0x1F7E0] =	vst v3;
	v3 =	vsel vm6, $0xF342, v24  }
0x21: {  	v26 =	vimm.s32 $0xFB34;
	[tilespmem:$0x1F7F0] =	vst v3;
	v3 =	vsel vm6, $0xF343, v25  }
0x22: {  	v27 =	vimm.s32 $0xFB35;
	[tilespmem:$0x1F800] =	vst v3;
	v3 =	vsel vm6, $0xF344, v26  }
0x23: {  	v28 =	vimm.s32 $0xFB36;
	[tilespmem:$0x1F810] =	vst v3;
	v3 =	vsel vm6, $0xF345, v27  }
0x24: {  	v29 =	vimm.s32 $0xFB37;
	[tilespmem:$0x1F820] =	vst v3;
	v3 =	vsel vm6, $0xF346, v28  }
0x25: {  	v30 =	vimm.s32 $0x5F80;
	[tilespmem:$0x1F830] =	vst v3;
	v3 =	vsel vm6, $0xF347, v29  }
0x26: {  	v31 =	vimm.s32 $0xFB38;
	[tilespmem:$0x1F840] =	vst v3;
	v3 =	vsel vm6, $0x5400, v30  }
0x27: {  	v32 =	vimm.s32 $0xFB39;
	[tilespmem:$0x1F850] =	vst v3;
	v3 =	vsel vm6, $0xF348, v31  }
0x28: {  	v33 =	vimm.s32 $0xFB3A;
	[tilespmem:$0x1F860] =	vst v3;
	v3 =	vsel vm6, $0xF349, v32  }
0x29: {  	v34 =	vimm.s32 $0xFB3B;
	[tilespmem:$0x1F870] =	vst v3;
	v3 =	vsel vm6, $0xF34A, v33  }
0x2a: {  	v35 =	vimm.s32 $0xFB3C;
	[tilespmem:$0x1F880] =	vst v3;
	v3 =	vsel vm6, $0xF34B, v34  }
0x2b: {  	v36 =	vimm.s32 $0xFB3D;
	[tilespmem:$0x1F890] =	vst v3;
	v3 =	vsel vm6, $0xF34C, v35  }
0x2c: {  	v37 =	vimm.s32 $0xFB3E;
	[tilespmem:$0x1F8A0] =	vst v3;
	v3 =	vsel vm6, $0xF34D, v36  }
0x2d: {  	v38 =	vimm.s32 $0xFB3F;
	[tilespmem:$0x1F8B0] =	vst v3;
	v3 =	vsel vm6, $0xF34E, v37  }
0x2e: {  	v39 =	vimm.s32 $0x6B80;
	[tilespmem:$0x1F8C0] =	vst v3;
	v3 =	vsel vm6, $0xF34F, v38  }
0x2f: {  	v40 =	vimm.s32 $0xF790;
	[tilespmem:$0x1F8D0] =	vst v3;
	v3 =	vsel vm6, $0x6000, v39  }
0x30: {  	v41 =	vimm.s32 $0xF791;
	[tilespmem:$0x1F8E0] =	vst v3;
	v3 =	vsel vm6, $0xFB40, v40  }
0x31: {  	v42 =	vimm.s32 $0xF792;
	[tilespmem:$0x1F8F0] =	vst v3;
	v3 =	vsel vm6, $0xFB41, v41  }
0x32: {  	v43 =	vimm.s32 $0xF793;
	[tilespmem:$0x1F900] =	vst v3;
	v3 =	vsel vm6, $0xFB42, v42  }
0x33: {  	v44 =	vimm.s32 $0xF794;
	[tilespmem:$0x1F910] =	vst v3;
	v3 =	vsel vm6, $0xFB43, v43  }
0x34: {  	v45 =	vimm.s32 $0xF795;
	[tilespmem:$0x1F920] =	vst v3;
	v3 =	vsel vm6, $0xFB44, v44  }
0x35: {  	v46 =	vimm.s32 $0xF796;
	[tilespmem:$0x1F930] =	vst v3;
	v3 =	vsel vm6, $0xFB45, v45  }
0x36: {  	v47 =	vimm.s32 $0xF797;
	[tilespmem:$0x1F940] =	vst v3;
	v3 =	vsel vm6, $0xFB46, v46  }
0x37: {  	v48 =	vimm.s32 $0x6F80;
	[tilespmem:$0x1F950] =	vst v3;
	v3 =	vsel vm6, $0xFB47, v47  }
0x38: {  	v49 =	vimm.s32 $0xF798;
	[tilespmem:$0x1F960] =	vst v3;
	v3 =	vsel vm6, $0x6400, v48  }
0x39: {  	v50 =	vimm.s32 $0xF799;
	[tilespmem:$0x1F970] =	vst v3;
	v3 =	vsel vm6, $0xFB48, v49  }
0x3a: {  	v51 =	vimm.s32 $0xF79A;
	[tilespmem:$0x1F980] =	vst v3;
	v3 =	vsel vm6, $0xFB49, v50  }
0x3b: {  	v52 =	vimm.s32 $0xF79B;
	[tilespmem:$0x1F990] =	vst v3;
	v3 =	vsel vm6, $0xFB4A, v51  }
0x3c: {  	v53 =	vimm.s32 $0xF79C;
	[tilespmem:$0x1F9A0] =	vst v3;
	v3 =	vsel vm6, $0xFB4B, v52  }
0x3d: {  	v54 =	vimm.s32 $0xF79D;
	[tilespmem:$0x1F9B0] =	vst v3;
	v3 =	vsel vm6, $0xFB4C, v53  }
0x3e: {  	v55 =	vimm.s32 $0xF79E;
	[tilespmem:$0x1F9C0] =	vst v3;
	v3 =	vsel vm6, $0xFB4D, v54  }
0x3f: {  	v56 =	vimm.s32 $0xF79F;
	[tilespmem:$0x1F9D0] =	vst v3;
	v3 =	vsel vm6, $0xFB4E, v55  }
0x40: {  	v57 =	vimm.s32 $0x7B80;
	[tilespmem:$0x1F9E0] =	vst v3;
	v3 =	vsel vm6, $0xFB4F, v56  }
0x41: {  	v58 =	vimm.s32 $0xFF90;
	[tilespmem:$0x1F9F0] =	vst v3;
	v3 =	vsel vm6, $0x7000, v57  }
0x42: {  	v59 =	vimm.s32 $0xFF91;
	[tilespmem:$0x1FA00] =	vst v3;
	v3 =	vsel vm6, $0xF7A0, v58  }
0x43: {  	v60 =	vimm.s32 $0xFF92;
	[tilespmem:$0x1FA10] =	vst v3;
	v3 =	vsel vm6, $0xF7A1, v59  }
0x44: {  	v61 =	vimm.s32 $0xFF93;
	[tilespmem:$0x1FA20] =	vst v3;
	v3 =	vsel vm6, $0xF7A2, v60  }
0x45: {  	v62 =	vimm.s32 $0xFF94;
	[tilespmem:$0x1FA30] =	vst v3;
	v3 =	vsel vm6, $0xF7A3, v61  }
0x46: {  	[tilespmem:$0x1FA40] =	vst v3;
	v3 =	vsel vm6, $0xF7A4, v62  }
0x47: {  	[tilespmem:$0x1FA50] =	vst v3;
	v3 =	vimm.s32 $0xFF96  }
0x48: {  	v4 =	vimm.s32 $0xFF97;
	v3 =	vsel vm6, $0xF7A6, v3  }
0x49: {  	v63 =	vimm.s32 $0xFF95;
	[tilespmem:$0x1FA70] =	vst v3;
	v3 =	vsel vm6, $0xF7A7, v4  }
0x4a: {  	v5 =	vsel vm6, $0xF7A5, v63;
	[tilespmem:$0x1FA80] =	vst v3;
	v3 =	vimm.s32 $0x7F80  }
0x4b: {  	[tilespmem:$0x1FA60] =	vst v5;
	v4 =	vimm.s32 $0xFF98;
	v3 =	vsel vm6, $0x7400, v3  }
0x4c: {  	v5 =	vimm.s32 $0xFF99;
	[tilespmem:$0x1FA90] =	vst v3;
	v3 =	vsel vm6, $0xF7A8, v4  }
0x4d: {  	[tilespmem:$0x1FAA0] =	vst v3;
	v3 =	vsel vm6, $0xF7A9, v5  }
0x4e: {  	[tilespmem:$0x1FAB0] =	vst v3;
	v3 =	vimm.s32 $0xFF9A  }
0x4f: {  	v4 =	vimm.s32 $0xFF9B;
	v3 =	vsel vm6, $0xF7AA, v3  }
0x50: {  	v5 =	vimm.s32 $0xFF9C;
	[tilespmem:$0x1FAC0] =	vst v3;
	v3 =	vsel vm6, $0xF7AB, v4  }
0x51: {  	[tilespmem:$0x1FAD0] =	vst v3;
	v3 =	vsel vm6, $0xF7AC, v5  }
0x52: {  	v5 =	vimm.s32 $0xFF9F;
	[tilespmem:$0x1FAE0] =	vst v3;
	v3 =	vimm.s32 $0xFF9D  }
0x53: {  	v6 =	vsel vm6, $0xF7AD, v3;
	v3 =	vsel vm6, $0xF7AF, v5;
	v5 =	vld [tilespmem:$0x1FA40];
	_ =	sdelay $0x4  }
0x54: {  	v5 =	vsel vm7, $0xF7B3, v5  }
0x55: {  	[tilespmem:$0x1FB00] =	vst v5;
	v5 =	vld [tilespmem:$0x1FA50];
	_ =	sdelay $0x4  }
0x56: {  	v5 =	vsel vm7, $0xF7B4, v5  }
0x57: {  	[tilespmem:$0x1FB10] =	vst v5;
	v5 =	vld [tilespmem:$0x1FA60];
	_ =	sdelay $0x4  }
0x58: {  	v5 =	vsel vm7, $0xF7B5, v5  }
0x59: {  	[tilespmem:$0x1FB20] =	vst v5;
	v5 =	vld [tilespmem:$0x1FA70];
	_ =	sdelay $0x4  }
0x5a: {  	v5 =	vsel vm7, $0xF7B6, v5  }
0x5b: {  	[tilespmem:$0x1FB30] =	vst v5;
	v5 =	vld [tilespmem:$0x1FA80];
	_ =	sdelay $0x4  }
0x5c: {  	v5 =	vsel vm7, $0xF7B7, v5  }
0x5d: {  	[tilespmem:$0x1FB40] =	vst v5;
	v5 =	vld [tilespmem:$0x1FA90];
	_ =	sdelay $0x4  }
0x5e: {  	v5 =	vsel vm7, $0x7480, v5  }
0x5f: {  	[tilespmem:$0x1FB50] =	vst v5;
	v5 =	vld [tilespmem:$0x1FAA0];
	_ =	sdelay $0x4  }
0x60: {  	v5 =	vsel vm7, $0xF7B8, v5  }
0x61: {  	[tilespmem:$0x1FB60] =	vst v5;
	v5 =	vld [tilespmem:$0x1FAB0];
	_ =	sdelay $0x4  }
0x62: {  	v5 =	vsel vm7, $0xF7B9, v5  }
0x63: {  	[tilespmem:$0x1FB70] =	vst v5;
	v5 =	vld [tilespmem:$0x1FAC0];
	_ =	sdelay $0x4  }
0x64: {  	v5 =	vsel vm7, $0xF7BA, v5  }
0x65: {  	[tilespmem:$0x1FB80] =	vst v5;
	v5 =	vld [tilespmem:$0x1FAD0];
	_ =	sdelay $0x4  }
0x66: {  	v5 =	vsel vm7, $0xF7BB, v5  }
0x67: {  	[tilespmem:$0x1FB90] =	vst v5;
	v5 =	vld [tilespmem:$0x1FAE0];
	_ =	sdelay $0x4  }
0x68: {  	[tilespmem:$0x1FAF0] =	vst v3;
	v5 =	vsel vm7, $0xF7BC, v5  }
0x69: {  	[tilespmem:$0x1FBA0] =	vst v5;
	v5 =	vld [tilespmem:$0x1FAF0];
	_ =	sdelay $0x4  }
0x6a: {  	v5 =	vsel vm7, $0xF7BF, v5  }
0x6b: {  	[tilespmem:$0x1FBB0] =	vst v5;
	v5 =	vld [tilespmem:$0x1FB00];
	_ =	sdelay $0x4  }
0x6c: {  	v5 =	vsel vm8, $0xF7C3, v5  }
0x6d: {  	[tilespmem:$0x1FBC0] =	vst v5;
	v5 =	vld [tilespmem:$0x1FB10];
	_ =	sdelay $0x4  }
0x6e: {  	v5 =	vsel vm8, $0xF7C4, v5  }
0x6f: {  	[tilespmem:$0x1FBD0] =	vst v5;
	v5 =	vld [tilespmem:$0x1FB20];
	_ =	sdelay $0x4  }
0x70: {  	v5 =	vsel vm8, $0xF7C5, v5  }
0x71: {  	[tilespmem:$0x1FBE0] =	vst v5;
	v5 =	vld [tilespmem:$0x1FB30];
	_ =	sdelay $0x4  }
0x72: {  	v5 =	vsel vm8, $0xF7C6, v5  }
0x73: {  	[tilespmem:$0x1FBF0] =	vst v5;
	v5 =	vld [tilespmem:$0x1FB40];
	_ =	sdelay $0x4  }
0x74: {  	v5 =	vsel vm8, $0xF7C7, v5  }
0x75: {  	[tilespmem:$0x1FC00] =	vst v5;
	v5 =	vld [tilespmem:$0x1FB50];
	_ =	sdelay $0x4  }
0x76: {  	v5 =	vsel vm8, $0x7500, v5  }
0x77: {  	[tilespmem:$0x1FC10] =	vst v5;
	v5 =	vld [tilespmem:$0x1FB60];
	_ =	sdelay $0x4  }
0x78: {  	v5 =	vsel vm8, $0xF7C8, v5  }
0x79: {  	[tilespmem:$0x1FC20] =	vst v5;
	v5 =	vld [tilespmem:$0x1FB70];
	_ =	sdelay $0x4  }
0x7a: {  	v5 =	vsel vm8, $0xF7C9, v5  }
0x7b: {  	[tilespmem:$0x1FC30] =	vst v5;
	v5 =	vld [tilespmem:$0x1FB80];
	_ =	sdelay $0x4  }
0x7c: {  	v5 =	vsel vm8, $0xF7CA, v5  }
0x7d: {  	[tilespmem:$0x1FC40] =	vst v5;
	v5 =	vld [tilespmem:$0x1FB90];
	_ =	sdelay $0x4  }
0x7e: {  	v5 =	vsel vm8, $0xF7CB, v5  }
0x7f: {  	[tilespmem:$0x1FC50] =	vst v5;
	v5 =	vld [tilespmem:$0x1FBA0];
	_ =	sdelay $0x4  }
0x80: {  	v5 =	vsel vm8, $0xF7CC, v5  }
0x81: {  	[tilespmem:$0x1FC60] =	vst v5;
	v5 =	vld [tilespmem:$0x1FBB0];
	_ =	sdelay $0x4  }
0x82: {  	v5 =	vsel vm8, $0xF7CF, v5  }
0x83: {  	[tilespmem:$0x1FC70] =	vst v5;
	v5 =	vld [tilespmem:$0x1FBC0]  }
0x84: {  	v9 =	vld [tilespmem:$0x1F6D0]  }
0x85: {  	v10 =	vld [tilespmem:$0x1F6E0]  }
0x86: {  	v11 =	vld [tilespmem:$0x1F6F0]  }
0x87: {  	vm0 =	vmmov $0xffff;
	v12 =	vld [tilespmem:$0x1F700]  }
0x88: {  	vm12 =	vcmask $0x2F2C;
	v0 =	vlaneseq.u32;
	v13 =	vld [tilespmem:$0x1F710];
	v5 =	vsel vm9, $0xF7D3, v5  }
0x89: {  	vm13 =	vcmask $0x3330;
	vm14 =	vcmask $0x3734;
	v2 =	vshrl.u32 v0, $0x3;
	[tilespmem:$0x1FC80] =	vst v5;
	v5 =	vld [tilespmem:$0x1FBD0]  }
0x8a: {  	vm15 =	vcmask $0x3B38;
	v1 =	vmul.u32 $0x8, v2;
	v9 =	vsel vm7, $0xF6F2, v9;
	v14 =	vld [tilespmem:$0x1F720]  }
0x8b: {  	v10 =	vsel vm7, $0xF6F3, v10;
	v9 =	vsel vm8, $0xFA82, v9;
	v11 =	vsel vm7, $0xF6F4, v11  }
0x8c: {  	v15 =	vld [tilespmem:$0x1F730];
	v10 =	vsel vm8, $0xFA83, v10;
	v9 =	vsel vm9, $0xFA92, v9;
	v12 =	vsel vm7, $0xF6F5, v12  }
0x8d: {  	v16 =	vld [tilespmem:$0x1F740];
	v11 =	vsel vm8, $0xFA84, v11;
	v10 =	vsel vm9, $0xFA93, v10;
	v9 =	vsel vm10, $0xFAA2, v9  }
0x8e: {  	v17 =	vld [tilespmem:$0x1F750];
	v13 =	vsel vm7, $0xF6F6, v13;
	v12 =	vsel vm8, $0xFA85, v12;
	v5 =	vsel vm9, $0xF7D4, v5  }
0x8f: {  	v11 =	vsel vm9, $0xFA94, v11;
	v10 =	vsel vm10, $0xFAA3, v10;
	v14 =	vsel vm7, $0xF6F7, v14;
	[tilespmem:$0x1FC90] =	vst v5;
	v5 =	vld [tilespmem:$0x1FBE0]  }
0x90: {  	v18 =	vld [tilespmem:$0x1F760];
	v13 =	vsel vm8, $0xFA86, v13;
	v12 =	vsel vm9, $0xFA95, v12;
	v11 =	vsel vm10, $0xFAA4, v11  }
0x91: {  	v19 =	vld [tilespmem:$0x1F770];
	v15 =	vsel vm7, $0x4480, v15;
	v14 =	vsel vm8, $0xFA87, v14;
	v13 =	vsel vm9, $0xFA96, v13  }
0x92: {  	v12 =	vsel vm10, $0xFAA5, v12;
	v16 =	vsel vm7, $0xF6F8, v16;
	v15 =	vsel vm8, $0x4500, v15  }
0x93: {  	v20 =	vld [tilespmem:$0x1F780];
	v14 =	vsel vm9, $0xFA97, v14;
	v13 =	vsel vm10, $0xFAA6, v13;
	v17 =	vsel vm7, $0xF6F9, v17  }
0x94: {  	v21 =	vld [tilespmem:$0x1F790];
	v16 =	vsel vm8, $0xFA88, v16;
	v15 =	vsel vm9, $0x4580, v15;
	v5 =	vsel vm9, $0xF7D5, v5  }
0x95: {  	v14 =	vsel vm10, $0xFAA7, v14;
	v18 =	vsel vm7, $0xF6FA, v18;
	v17 =	vsel vm8, $0xFA89, v17;
	[tilespmem:$0x1FCA0] =	vst v5;
	v5 =	vld [tilespmem:$0x1FBF0]  }
0x96: {  	v22 =	vld [tilespmem:$0x1F7A0];
	v16 =	vsel vm9, $0xFA98, v16;
	v15 =	vsel vm10, $0x4600, v15;
	v19 =	vsel vm7, $0xF6FB, v19  }
0x97: {  	v23 =	vld [tilespmem:$0x1F7B0];
	v18 =	vsel vm8, $0xFA8A, v18;
	v17 =	vsel vm9, $0xFA99, v17;
	v16 =	vsel vm10, $0xFAA8, v16  }
0x98: {  	v24 =	vld [tilespmem:$0x1F7C0];
	v20 =	vsel vm7, $0xF6FC, v20;
	v19 =	vsel vm8, $0xFA8B, v19;
	v18 =	vsel vm9, $0xFA9A, v18  }
0x99: {  	v25 =	vld [tilespmem:$0x1F7D0];
	v17 =	vsel vm10, $0xFAA9, v17;
	v21 =	vsel vm7, $0xF6FD, v21;
	v20 =	vsel vm8, $0xFA8C, v20  }
0x9a: {  	v26 =	vld [tilespmem:$0x1F7E0];
	v19 =	vsel vm9, $0xFA9B, v19;
	v18 =	vsel vm10, $0xFAAA, v18;
	v5 =	vsel vm9, $0xF7D6, v5  }
0x9b: {  	v22 =	vsel vm7, $0xF6FE, v22;
	v21 =	vsel vm8, $0xFA8D, v21;
	v20 =	vsel vm9, $0xFA9C, v20;
	[tilespmem:$0x1FCB0] =	vst v5;
	v5 =	vld [tilespmem:$0x1FC00]  }
0x9c: {  	v19 =	vsel vm10, $0xFAAB, v19;
	v23 =	vsel vm7, $0xF6FF, v23;
	v22 =	vsel vm8, $0xFA8E, v22  }
0x9d: {  	v27 =	vld [tilespmem:$0x1F7F0];
	v21 =	vsel vm9, $0xFA9D, v21;
	v20 =	vsel vm10, $0xFAAC, v20;
	v24 =	vsel vm7, $0x5080, v24  }
0x9e: {  	v23 =	vsel vm8, $0xFA8F, v23;
	v22 =	vsel vm9, $0xFA9E, v22;
	v21 =	vsel vm10, $0xFAAD, v21;
	v32 =	vld [tilespmem:$0x1F800]  }
0x9f: {  	v25 =	vsel vm7, $0xF350, v25;
	v24 =	vsel vm8, $0x5100, v24;
	v23 =	vsel vm9, $0xFA9F, v23;
	v33 =	vld [tilespmem:$0x1F810]  }
0xa0: {  	v22 =	vsel vm10, $0xFAAE, v22;
	v26 =	vsel vm7, $0xF351, v26;
	v34 =	vld [tilespmem:$0x1F820];
	v5 =	vsel vm9, $0xF7D7, v5  }
0xa1: {  	v25 =	vsel vm8, $0xF360, v25;
	v24 =	vsel vm9, $0x5180, v24;
	v23 =	vsel vm10, $0xFAAF, v23;
	[tilespmem:$0x1FCC0] =	vst v5;
	v5 =	vld [tilespmem:$0x1FC10]  }
0xa2: {  	v27 =	vsel vm7, $0xF352, v27;
	v26 =	vsel vm8, $0xF361, v26;
	v25 =	vsel vm9, $0xF370, v25;
	v35 =	vld [tilespmem:$0x1F830]  }
0xa3: {  	v24 =	vsel vm10, $0x5200, v24;
	v27 =	vsel vm8, $0xF362, v27;
	v26 =	vsel vm9, $0xF371, v26  }
0xa4: {  	v25 =	vsel vm10, $0xF700, v25;
	v27 =	vsel vm9, $0xF372, v27;
	v26 =	vsel vm10, $0xF701, v26;
	v36 =	vld [tilespmem:$0x1F840]  }
0xa5: {  	v27 =	vsel vm10, $0xF702, v27;
	v28 =	vsel vm7, $0xF353, v32;
	v37 =	vld [tilespmem:$0x1F850];
	v29 =	vsel vm7, $0xF354, v33  }
0xa6: {  	v38 =	vld [tilespmem:$0x1F860];
	v28 =	vsel vm8, $0xF363, v28;
	v30 =	vsel vm7, $0xF355, v34;
	v5 =	vsel vm9, $0x7580, v5  }
0xa7: {  	v29 =	vsel vm8, $0xF364, v29;
	v28 =	vsel vm9, $0xF373, v28;
	v31 =	vsel vm7, $0xF356, v35;
	[tilespmem:$0x1FCD0] =	vst v5;
	v5 =	vld [tilespmem:$0x1FC20]  }
0xa8: {  	v39 =	vld [tilespmem:$0x1F870];
	v30 =	vsel vm8, $0xF365, v30;
	v29 =	vsel vm9, $0xF374, v29;
	v28 =	vsel vm10, $0xF703, v28  }
0xa9: {  	v40 =	vld [tilespmem:$0x1F880];
	v32 =	vsel vm7, $0xF357, v36;
	v31 =	vsel vm8, $0xF366, v31;
	v30 =	vsel vm9, $0xF375, v30  }
0xaa: {  	v29 =	vsel vm10, $0xF704, v29;
	v33 =	vsel vm7, $0x5480, v37;
	v32 =	vsel vm8, $0xF367, v32  }
0xab: {  	v41 =	vld [tilespmem:$0x1F890];
	v31 =	vsel vm9, $0xF376, v31;
	v30 =	vsel vm10, $0xF705, v30;
	v34 =	vsel vm7, $0xF358, v38  }
0xac: {  	v42 =	vld [tilespmem:$0x1F8A0];
	v33 =	vsel vm8, $0x5500, v33;
	v32 =	vsel vm9, $0xF377, v32;
	v5 =	vsel vm9, $0xF7D8, v5  }
0xad: {  	v31 =	vsel vm10, $0xF706, v31;
	v35 =	vsel vm7, $0xF359, v39;
	v34 =	vsel vm8, $0xF368, v34;
	[tilespmem:$0x1FCE0] =	vst v5;
	v5 =	vld [tilespmem:$0x1FC30]  }
0xae: {  	v43 =	vld [tilespmem:$0x1F8B0];
	v33 =	vsel vm9, $0x5580, v33;
	v32 =	vsel vm10, $0xF707, v32;
	v36 =	vsel vm7, $0xF35A, v40  }
0xaf: {  	v44 =	vld [tilespmem:$0x1F8C0];
	v35 =	vsel vm8, $0xF369, v35;
	v34 =	vsel vm9, $0xF378, v34;
	v33 =	vsel vm10, $0x5600, v33  }
0xb0: {  	v45 =	vld [tilespmem:$0x1F8D0];
	v37 =	vsel vm7, $0xF35B, v41;
	v36 =	vsel vm8, $0xF36A, v36;
	v35 =	vsel vm9, $0xF379, v35  }
0xb1: {  	v46 =	vld [tilespmem:$0x1F8E0];
	v34 =	vsel vm10, $0xF708, v34;
	v38 =	vsel vm7, $0xF35C, v42;
	v37 =	vsel vm8, $0xF36B, v37  }
0xb2: {  	v47 =	vld [tilespmem:$0x1F8F0];
	v36 =	vsel vm9, $0xF37A, v36;
	v35 =	vsel vm10, $0xF709, v35;
	v5 =	vsel vm9, $0xF7D9, v5  }
0xb3: {  	v39 =	vsel vm7, $0xF35D, v43;
	v38 =	vsel vm8, $0xF36C, v38;
	v37 =	vsel vm9, $0xF37B, v37;
	[tilespmem:$0x1FCF0] =	vst v5;
	v5 =	vld [tilespmem:$0x1FC40]  }
0xb4: {  	v36 =	vsel vm10, $0xF70A, v36;
	v40 =	vsel vm7, $0xF35E, v44;
	v39 =	vsel vm8, $0xF36D, v39  }
0xb5: {  	v48 =	vld [tilespmem:$0x1F900];
	v38 =	vsel vm9, $0xF37C, v38;
	v37 =	vsel vm10, $0xF70B, v37;
	v41 =	vsel vm7, $0xF35F, v45  }
0xb6: {  	v49 =	vld [tilespmem:$0x1F910];
	v40 =	vsel vm8, $0xF36E, v40;
	v39 =	vsel vm9, $0xF37D, v39;
	v38 =	vsel vm10, $0xF70C, v38  }
0xb7: {  	v50 =	vld [tilespmem:$0x1F920];
	v42 =	vsel vm7, $0x6080, v46;
	v41 =	vsel vm8, $0xF36F, v41;
	v40 =	vsel vm9, $0xF37E, v40  }
0xb8: {  	v51 =	vld [tilespmem:$0x1F930];
	v39 =	vsel vm10, $0xF70D, v39;
	v43 =	vsel vm7, $0xFB50, v47;
	v5 =	vsel vm9, $0xF7DA, v5  }
0xb9: {  	v42 =	vsel vm8, $0x6100, v42;
	v41 =	vsel vm9, $0xF37F, v41;
	v40 =	vsel vm10, $0xF70E, v40;
	[tilespmem:$0x1FD00] =	vst v5;
	v5 =	vld [tilespmem:$0x1FC50]  }
0xba: {  	v52 =	vld [tilespmem:$0x1F940];
	v44 =	vsel vm7, $0xFB51, v48;
	v43 =	vsel vm8, $0xFB60, v43;
	v42 =	vsel vm9, $0x6180, v42  }
0xbb: {  	v53 =	vld [tilespmem:$0x1F950];
	v41 =	vsel vm10, $0xF70F, v41;
	v45 =	vsel vm7, $0xFB52, v49;
	v44 =	vsel vm8, $0xFB61, v44  }
0xbc: {  	v54 =	vld [tilespmem:$0x1F960];
	v43 =	vsel vm9, $0xFB70, v43;
	v42 =	vsel vm10, $0x6200, v42;
	v4 =	vimm.s32 $0xFF9E  }
0xbd: {  	v46 =	vsel vm7, $0xFB53, v50;
	v45 =	vsel vm8, $0xFB62, v45;
	v7 =	vsel vm6, $0xF7AE, v4;
	v4 =	vld [tilespmem:$0x1F6B0]  }
0xbe: {  	v44 =	vsel vm9, $0xFB71, v44;
	v43 =	vsel vm10, $0xFF00, v43;
	v3 =	vld [tilespmem:$0x1F6A0];
	v5 =	vsel vm9, $0xF7DB, v5  }
0xbf: {  	v47 =	vsel vm7, $0xFB54, v51;
	v46 =	vsel vm8, $0xFB63, v46;
	v45 =	vsel vm9, $0xFB72, v45;
	[tilespmem:$0x1FD10] =	vst v5;
	v5 =	vld [tilespmem:$0x1FC60]  }
0xc0: {  	v44 =	vsel vm10, $0xFF01, v44;
	v48 =	vsel vm7, $0xFB55, v52;
	v47 =	vsel vm8, $0xFB64, v47  }
0xc1: {  	v46 =	vsel vm9, $0xFB73, v46;
	v45 =	vsel vm10, $0xFF02, v45;
	v49 =	vsel vm7, $0xFB56, v53  }
0xc2: {  	v48 =	vsel vm8, $0xFB65, v48;
	v47 =	vsel vm9, $0xFB74, v47;
	v46 =	vsel vm10, $0xFF03, v46  }
0xc3: {  	v50 =	vsel vm7, $0xFB57, v54;
	v49 =	vsel vm8, $0xFB66, v49;
	v7 =	vsel vm7, $0xF7BE, v7  }
0xc4: {  	v4 =	vsel vm8, $0xFA81, v4;
	v3 =	vsel vm9, $0xFA90, v3;
	v5 =	vsel vm9, $0xF7DC, v5  }
0xc5: {  	vm6 =	vcmask $0x2B28;
	v4 =	vsel vm9, $0xFA91, v4;
	v3 =	vsel vm10, $0xFAA0, v3;
	[tilespmem:$0x1FD20] =	vst v5;
	v5 =	vld [tilespmem:$0x1FC70]  }
0xc6: {  	v7 =	vsel vm8, $0xF7CE, v7;
	v4 =	vsel vm10, $0xFAA1, v4;
	v3 =	vsel vm5, $0xFAB0, v3  }
0xc7: {  	v6 =	vsel vm7, $0xF7BD, v6;
	v4 =	vsel vm5, $0xFAB1, v4;
	v3 =	vsel vm4, $0xFAC0, v3  }
0xc8: {  	v7 =	vsel vm9, $0xF7DE, v7;
	v4 =	vsel vm4, $0xFAC1, v4;
	v3 =	vsel vm3, $0xFAD0, v3  }
0xc9: {  	v6 =	vsel vm8, $0xF7CD, v6;
	v4 =	vsel vm3, $0xFAD1, v4;
	v3 =	vsel vm2, $0xFAE0, v3  }
0xca: {  	v4 =	vsel vm2, $0xFAE1, v4;
	v3 =	vsel vm1, $0xFAF0, v3;
	v5 =	vsel vm9, $0xF7DF, v5  }
0xcb: {  	v4 =	vsel vm1, $0xFAF1, v4;
	v3 =	vsel vm6, $0xFE80, v3;
	v5 =	vsel vm10, $0xF7EF, v5  }
0xcc: {  	v55 =	vld [tilespmem:$0x1F970];
	v6 =	vsel vm9, $0xF7DD, v6;
	v4 =	vsel vm6, $0xFE81, v4;
	[tilespmem:$0x1FFF0] =	vst v5;
	v5 =	vsel vm12, $0xFE90, v3  }
0xcd: {  	v6 =	vsel vm10, $0xF7ED, v6;
	v4 =	vsel vm12, $0xFE91, v4;
	v5 =	vsel vm13, $0xF300, v5  }
0xce: {  	[tilespmem:$0x1FFD0] =	vst v6;
	v6 =	vsel vm10, $0xF7EE, v7;
	v4 =	vsel vm13, $0xF301, v4;
	v5 =	vsel vm14, $0xF310, v5  }
0xcf: {  	[tilespmem:$0x1FFE0] =	vst v6;
	v6 =	vsel vm5, $0xFAB2, v9;
	v4 =	vsel vm14, $0xF311, v4;
	v5 =	vsel vm15, $0xF320, v5  }
0xd0: {  	v48 =	vsel vm9, $0xFB75, v48;
	v4 =	vsel vm15, $0xF321, v4;
	[tilespmem:$0x1FD30] =	vst v5;
	v5 =	vsel vm4, $0xFAC2, v6  }
0xd1: {  	v47 =	vsel vm10, $0xFF04, v47;
	v51 =	vsel vm7, $0x6480, v55;
	[tilespmem:$0x1FD40] =	vst v4;
	v4 =	vsel vm3, $0xFAD2, v5  }
0xd2: {  	v50 =	vsel vm8, $0xFB67, v50;
	v5 =	vsel vm5, $0xFAB3, v10;
	v4 =	vsel vm2, $0xFAE2, v4  }
0xd3: {  	v49 =	vsel vm9, $0xFB76, v49;
	v5 =	vsel vm4, $0xFAC3, v5;
	v4 =	vsel vm1, $0xFAF2, v4  }
0xd4: {  	v6 =	vsel vm5, $0xFAB4, v11;
	v5 =	vsel vm3, $0xFAD3, v5;
	v4 =	vsel vm6, $0xFE82, v4  }
0xd5: {  	v56 =	vld [tilespmem:$0x1F980];
	v6 =	vsel vm4, $0xFAC4, v6;
	v5 =	vsel vm2, $0xFAE3, v5;
	v4 =	vsel vm12, $0xFE92, v4  }
0xd6: {  	v6 =	vsel vm3, $0xFAD4, v6;
	v5 =	vsel vm1, $0xFAF3, v5;
	v4 =	vsel vm13, $0xF302, v4  }
0xd7: {  	v6 =	vsel vm2, $0xFAE4, v6;
	v5 =	vsel vm6, $0xFE83, v5;
	v4 =	vsel vm14, $0xF312, v4  }
0xd8: {  	v6 =	vsel vm1, $0xFAF4, v6;
	v5 =	vsel vm12, $0xFE93, v5;
	v4 =	vsel vm15, $0xF322, v4  }
0xd9: {  	v57 =	vld [tilespmem:$0x1F990];
	v48 =	vsel vm10, $0xFF05, v48;
	v6 =	vsel vm6, $0xFE84, v6;
	[tilespmem:$0x1FD50] =	vst v4;
	v4 =	vsel vm13, $0xF303, v5  }
0xda: {  	v52 =	vsel vm7, $0xFB58, v56;
	v5 =	vsel vm12, $0xFE94, v6;
	v4 =	vsel vm14, $0xF313, v4  }
0xdb: {  	v51 =	vsel vm8, $0x6500, v51;
	v5 =	vsel vm13, $0xF304, v5;
	v4 =	vsel vm15, $0xF323, v4  }
0xdc: {  	v50 =	vsel vm9, $0xFB77, v50;
	v6 =	vsel vm5, $0xFAB5, v12;
	[tilespmem:$0x1FD60] =	vst v4;
	v4 =	vsel vm14, $0xF314, v5  }
0xdd: {  	v49 =	vsel vm10, $0xFF06, v49;
	v5 =	vsel vm4, $0xFAC5, v6;
	v4 =	vsel vm15, $0xF324, v4  }
0xde: {  	v53 =	vsel vm7, $0xFB59, v57;
	v52 =	vsel vm8, $0xFB68, v52;
	[tilespmem:$0x1FD70] =	vst v4;
	v4 =	vsel vm3, $0xFAD5, v5  }
0xdf: {  	v51 =	vsel vm9, $0x6580, v51;
	v5 =	vsel vm5, $0xFAB6, v13;
	v4 =	vsel vm2, $0xFAE5, v4  }
0xe0: {  	v50 =	vsel vm10, $0xFF07, v50;
	v5 =	vsel vm4, $0xFAC6, v5;
	v4 =	vsel vm1, $0xFAF5, v4  }
0xe1: {  	v58 =	vld [tilespmem:$0x1F9A0];
	v6 =	vsel vm5, $0xFAB7, v14;
	v5 =	vsel vm3, $0xFAD6, v5;
	v4 =	vsel vm6, $0xFE85, v4  }
0xe2: {  	v6 =	vsel vm4, $0xFAC7, v6;
	v5 =	vsel vm2, $0xFAE6, v5;
	v4 =	vsel vm12, $0xFE95, v4  }
0xe3: {  	v6 =	vsel vm3, $0xFAD7, v6;
	v5 =	vsel vm1, $0xFAF6, v5;
	v4 =	vsel vm13, $0xF305, v4  }
0xe4: {  	v6 =	vsel vm2, $0xFAE7, v6;
	v5 =	vsel vm6, $0xFE86, v5;
	v4 =	vsel vm14, $0xF315, v4  }
0xe5: {  	v59 =	vld [tilespmem:$0x1F9B0];
	v6 =	vsel vm1, $0xFAF7, v6;
	v5 =	vsel vm12, $0xFE96, v5;
	v4 =	vsel vm15, $0xF325, v4  }
0xe6: {  	v63 =	vld [tilespmem:$0x1F9F0];
	v54 =	vsel vm7, $0xFB5A, v58;
	v6 =	vsel vm6, $0xFE87, v6;
	[tilespmem:$0x1FD80] =	vst v4;
	v4 =	vsel vm13, $0xF306, v5  }
0xe7: {  	v53 =	vsel vm8, $0xFB69, v53;
	v5 =	vsel vm12, $0xFE97, v6;
	v4 =	vsel vm14, $0xF316, v4  }
0xe8: {  	v52 =	vsel vm9, $0xFB78, v52;
	v5 =	vsel vm13, $0xF307, v5;
	v4 =	vsel vm15, $0xF326, v4  }
0xe9: {  	v51 =	vsel vm10, $0x6600, v51;
	v6 =	vsel vm5, $0x4680, v15;
	[tilespmem:$0x1FD90] =	vst v4;
	v4 =	vsel vm14, $0xF317, v5  }
0xea: {  	v55 =	vsel vm7, $0xFB5B, v59;
	v5 =	vsel vm4, $0x4700, v6;
	v4 =	vsel vm15, $0xF327, v4  }
0xeb: {  	v59 =	vsel vm7, $0xFB5F, v63;
	v54 =	vsel vm8, $0xFB6A, v54;
	[tilespmem:$0x1FDA0] =	vst v4;
	v4 =	vsel vm3, $0x4780, v5  }
0xec: {  	v53 =	vsel vm9, $0xFB79, v53;
	v5 =	vsel vm5, $0xFAB8, v16;
	v4 =	vsel vm2, $0x4C00, v4  }
0xed: {  	v52 =	vsel vm10, $0xFF08, v52;
	v5 =	vsel vm4, $0xFAC8, v5;
	v4 =	vsel vm1, $0x4C80, v4  }
0xee: {  	v60 =	vld [tilespmem:$0x1F9C0];
	v6 =	vsel vm5, $0xFAB9, v17;
	v5 =	vsel vm3, $0xFAD8, v5;
	v4 =	vsel vm6, $0x4D00, v4  }
0xef: {  	v6 =	vsel vm4, $0xFAC9, v6;
	v5 =	vsel vm2, $0xFAE8, v5;
	v4 =	vsel vm12, $0x4D80, v4  }
0xf0: {  	v6 =	vsel vm3, $0xFAD9, v6;
	v5 =	vsel vm1, $0xFAF8, v5;
	v4 =	vsel vm13, $0x4E00, v4  }
0xf1: {  	v6 =	vsel vm2, $0xFAE9, v6;
	v5 =	vsel vm6, $0xFE88, v5;
	v4 =	vsel vm14, $0x4E80, v4  }
0xf2: {  	v6 =	vsel vm1, $0xFAF9, v6;
	v5 =	vsel vm12, $0xFE98, v5;
	v4 =	vsel vm15, $0x4F00, v4  }
0xf3: {  	v61 =	vld [tilespmem:$0x1F9D0];
	v56 =	vsel vm7, $0xFB5C, v60;
	v6 =	vsel vm6, $0xFE89, v6;
	[tilespmem:$0x1FDB0] =	vst v4;
	v4 =	vsel vm13, $0xF308, v5  }
0xf4: {  	v63 =	vld [tilespmem:$0x1FA30];
	v55 =	vsel vm8, $0xFB6B, v55;
	v5 =	vsel vm12, $0xFE99, v6;
	v4 =	vsel vm14, $0xF318, v4  }
0xf5: {  	v59 =	vsel vm8, $0xFB6F, v59;
	v5 =	vsel vm13, $0xF309, v5;
	v4 =	vsel vm15, $0xF328, v4  }
0xf6: {  	v54 =	vsel vm9, $0xFB7A, v54;
	v6 =	vsel vm5, $0xFABA, v18;
	[tilespmem:$0x1FDC0] =	vst v4;
	v4 =	vsel vm14, $0xF319, v5  }
0xf7: {  	v53 =	vsel vm10, $0xFF09, v53;
	v5 =	vsel vm4, $0xFACA, v6;
	v4 =	vsel vm15, $0xF329, v4  }
0xf8: {  	v57 =	vsel vm7, $0xFB5D, v61;
	v56 =	vsel vm8, $0xFB6C, v56;
	[tilespmem:$0x1FDD0] =	vst v4;
	v4 =	vsel vm3, $0xFADA, v5  }
0xf9: {  	v63 =	vsel vm7, $0xF7B2, v63;
	v5 =	vsel vm5, $0xFABB, v19;
	v4 =	vsel vm2, $0xFAEA, v4  }
0xfa: {  	v63 =	vsel vm8, $0xF7C2, v63;
	v5 =	vsel vm4, $0xFACB, v5;
	v4 =	vsel vm1, $0xFAFA, v4  }
0xfb: {  	v6 =	vsel vm5, $0xFABC, v20;
	v5 =	vsel vm3, $0xFADB, v5;
	v4 =	vsel vm6, $0xFE8A, v4  }
0xfc: {  	v6 =	vsel vm4, $0xFACC, v6;
	v5 =	vsel vm2, $0xFAEB, v5;
	v4 =	vsel vm12, $0xFE9A, v4  }
0xfd: {  	v6 =	vsel vm3, $0xFADC, v6;
	v5 =	vsel vm1, $0xFAFB, v5;
	v4 =	vsel vm13, $0xF30A, v4  }
0xfe: {  	v6 =	vsel vm2, $0xFAEC, v6;
	v5 =	vsel vm6, $0xFE8B, v5;
	v4 =	vsel vm14, $0xF31A, v4  }
0xff: {  	v6 =	vsel vm1, $0xFAFC, v6;
	v5 =	vsel vm12, $0xFE9B, v5;
	v4 =	vsel vm15, $0xF32A, v4  }
0x100: {  	v62 =	vld [tilespmem:$0x1F9E0];
	v63 =	vsel vm9, $0xF7D2, v63;
	v6 =	vsel vm6, $0xFE8C, v6;
	[tilespmem:$0x1FDE0] =	vst v4;
	v4 =	vsel vm13, $0xF30B, v5  }
0x101: {  	v63 =	vsel vm10, $0xF7E2, v63;
	v5 =	vsel vm12, $0xFE9C, v6;
	v4 =	vsel vm14, $0xF31B, v4  }
0x102: {  	v55 =	vsel vm9, $0xFB7B, v55;
	[tilespmem:$0x1FF10] =	vst v63;
	v63 =	vld [tilespmem:$0x1FC80];
	v5 =	vsel vm13, $0xF30C, v5;
	v4 =	vsel vm15, $0xF32B, v4  }
0x103: {  	v59 =	vsel vm9, $0xFB7F, v59;
	v6 =	vsel vm5, $0xFABD, v21;
	[tilespmem:$0x1FDF0] =	vst v4;
	v4 =	vsel vm14, $0xF31C, v5  }
0x104: {  	v54 =	vsel vm10, $0xFF0A, v54;
	v5 =	vsel vm4, $0xFACD, v6;
	v4 =	vsel vm15, $0xF32C, v4  }
0x105: {  	v58 =	vsel vm7, $0xFB5E, v62;
	v57 =	vsel vm8, $0xFB6D, v57;
	[tilespmem:$0x1FE00] =	vst v4;
	v4 =	vsel vm3, $0xFADD, v5  }
0x106: {  	v56 =	vsel vm9, $0xFB7C, v56;
	v5 =	vsel vm5, $0xFABE, v22;
	v4 =	vsel vm2, $0xFAED, v4  }
0x107: {  	v63 =	vsel vm10, $0xF7E3, v63;
	v5 =	vsel vm4, $0xFACE, v5;
	v4 =	vsel vm1, $0xFAFD, v4  }
0x108: {  	[tilespmem:$0x1FF20] =	vst v63;
	v63 =	vld [tilespmem:$0x1FC90];
	v6 =	vsel vm5, $0xFABF, v23;
	v5 =	vsel vm3, $0xFADE, v5;
	v4 =	vsel vm6, $0xFE8D, v4  }
0x109: {  	v6 =	vsel vm4, $0xFACF, v6;
	v5 =	vsel vm2, $0xFAEE, v5;
	v4 =	vsel vm12, $0xFE9D, v4  }
0x10a: {  	v6 =	vsel vm3, $0xFADF, v6;
	v5 =	vsel vm1, $0xFAFE, v5;
	v4 =	vsel vm13, $0xF30D, v4  }
0x10b: {  	v6 =	vsel vm2, $0xFAEF, v6;
	v5 =	vsel vm6, $0xFE8E, v5;
	v4 =	vsel vm14, $0xF31D, v4  }
0x10c: {  	v6 =	vsel vm1, $0xFAFF, v6;
	v5 =	vsel vm12, $0xFE9E, v5;
	v4 =	vsel vm15, $0xF32D, v4  }
0x10d: {  	v63 =	vsel vm10, $0xF7E4, v63;
	v6 =	vsel vm6, $0xFE8F, v6;
	[tilespmem:$0x1FE10] =	vst v4;
	v4 =	vsel vm13, $0xF30E, v5  }
0x10e: {  	v55 =	vsel vm10, $0xFF0B, v55;
	[tilespmem:$0x1FF30] =	vst v63;
	v63 =	vld [tilespmem:$0x1FCA0];
	v5 =	vsel vm12, $0xFE9F, v6;
	v4 =	vsel vm14, $0xF31E, v4  }
0x10f: {  	v59 =	vsel vm10, $0xFF0F, v59;
	v5 =	vsel vm13, $0xF30F, v5;
	v4 =	vsel vm15, $0xF32E, v4  }
0x110: {  	v58 =	vsel vm8, $0xFB6E, v58;
	v6 =	vsel vm5, $0x5280, v24;
	[tilespmem:$0x1FE20] =	vst v4;
	v4 =	vsel vm14, $0xF31F, v5  }
0x111: {  	v57 =	vsel vm9, $0xFB7D, v57;
	v5 =	vsel vm4, $0x5300, v6;
	v4 =	vsel vm15, $0xF32F, v4  }
0x112: {  	v56 =	vsel vm10, $0xFF0C, v56;
	[tilespmem:$0x1FE30] =	vst v4;
	v4 =	vsel vm3, $0x5380, v5;
	v5 =	vsel vm5, $0xF710, v25  }
0x113: {  	v63 =	vsel vm10, $0xF7E5, v63;
	v4 =	vsel vm2, $0x5800, v4;
	v5 =	vsel vm4, $0xF720, v5  }
0x114: {  	v6 =	vsel vm5, $0xF711, v26;
	v4 =	vsel vm1, $0x5880, v4;
	v5 =	vsel vm3, $0xF730, v5  }
0x115: {  	[tilespmem:$0x1FF40] =	vst v63;
	v63 =	vld [tilespmem:$0x1FCB0];
	v6 =	vsel vm4, $0xF721, v6;
	v4 =	vsel vm6, $0x5900, v4;
	v5 =	vsel vm2, $0xF740, v5  }
0x116: {  	v6 =	vsel vm3, $0xF731, v6;
	v4 =	vsel vm12, $0x5980, v4;
	v5 =	vsel vm1, $0xF750, v5  }
0x117: {  	v6 =	vsel vm2, $0xF741, v6;
	v4 =	vsel vm13, $0x5A00, v4;
	v5 =	vsel vm6, $0xF760, v5  }
0x118: {  	v60 =	vld [tilespmem:$0x1FA00];
	v6 =	vsel vm1, $0xF751, v6;
	v4 =	vsel vm14, $0x5A80, v4;
	v5 =	vsel vm12, $0xF770, v5  }
0x119: {  	v61 =	vld [tilespmem:$0x1FA10];
	v6 =	vsel vm6, $0xF761, v6;
	v21 =	vsel vm15, $0x5B00, v4;
	v4 =	vsel vm13, $0xFB00, v5  }
0x11a: {  	v63 =	vsel vm10, $0xF7E6, v63;
	v5 =	vsel vm12, $0xF771, v6;
	v4 =	vsel vm14, $0xFB10, v4  }
0x11b: {  	v58 =	vsel vm9, $0xFB7E, v58;
	[tilespmem:$0x1FF50] =	vst v63;
	v63 =	vld [tilespmem:$0x1FCC0];
	v5 =	vsel vm13, $0xFB01, v5;
	v4 =	vsel vm15, $0xFB20, v4  }
0x11c: {  	v57 =	vsel vm10, $0xFF0D, v57;
	v6 =	vsel vm5, $0xF712, v27;
	[tilespmem:$0x1FE40] =	vst v4;
	v4 =	vsel vm14, $0xFB11, v5  }
0x11d: {  	v60 =	vsel vm7, $0x7080, v60;
	v5 =	vsel vm4, $0xF722, v6;
	v4 =	vsel vm15, $0xFB21, v4  }
0x11e: {  	v58 =	vsel vm10, $0xFF0E, v58;
	v61 =	vsel vm7, $0xF7B0, v61;
	[tilespmem:$0x1FE50] =	vst v4;
	v4 =	vsel vm3, $0xF732, v5  }
0x11f: {  	v60 =	vsel vm8, $0x7100, v60;
	v5 =	vsel vm5, $0xF713, v28;
	v4 =	vsel vm2, $0xF742, v4  }
0x120: {  	v63 =	vsel vm10, $0xF7E7, v63;
	v5 =	vsel vm4, $0xF723, v5;
	v4 =	vsel vm1, $0xF752, v4  }
0x121: {  	v62 =	vld [tilespmem:$0x1FA20];
	v6 =	vsel vm5, $0xF714, v29;
	v5 =	vsel vm3, $0xF733, v5;
	v4 =	vsel vm6, $0xF762, v4  }
0x122: {  	[tilespmem:$0x1FF60] =	vst v63;
	v63 =	vld [tilespmem:$0x1FCD0];
	v6 =	vsel vm4, $0xF724, v6;
	v5 =	vsel vm2, $0xF743, v5;
	v4 =	vsel vm12, $0xF772, v4  }
0x123: {  	v6 =	vsel vm3, $0xF734, v6;
	v5 =	vsel vm1, $0xF753, v5;
	v4 =	vsel vm13, $0xFB02, v4  }
0x124: {  	v6 =	vsel vm2, $0xF744, v6;
	v5 =	vsel vm6, $0xF763, v5;
	v4 =	vsel vm14, $0xFB12, v4  }
0x125: {  	v6 =	vsel vm1, $0xF754, v6;
	v5 =	vsel vm12, $0xF773, v5;
	v4 =	vsel vm15, $0xFB22, v4  }
0x126: {  	v62 =	vsel vm7, $0xF7B1, v62;
	v6 =	vsel vm6, $0xF764, v6;
	[tilespmem:$0x1FE60] =	vst v4;
	v4 =	vsel vm13, $0xFB03, v5  }
0x127: {  	v63 =	vsel vm10, $0x7600, v63;
	v5 =	vsel vm12, $0xF774, v6;
	v4 =	vsel vm14, $0xFB13, v4  }
0x128: {  	v61 =	vsel vm8, $0xF7C0, v61;
	[tilespmem:$0x1FF70] =	vst v63;
	v63 =	vld [tilespmem:$0x1FCE0];
	v5 =	vsel vm13, $0xFB04, v5;
	v4 =	vsel vm15, $0xFB23, v4  }
0x129: {  	v60 =	vsel vm9, $0x7180, v60;
	v6 =	vsel vm5, $0xF715, v30;
	[tilespmem:$0x1FE70] =	vst v4;
	v4 =	vsel vm14, $0xFB14, v5  }
0x12a: {  	v62 =	vsel vm8, $0xF7C1, v62;
	v5 =	vsel vm4, $0xF725, v6;
	v4 =	vsel vm15, $0xFB24, v4  }
0x12b: {  	v61 =	vsel vm9, $0xF7D0, v61;
	v60 =	vsel vm10, $0x7200, v60;
	[tilespmem:$0x1FE80] =	vst v4;
	v4 =	vsel vm3, $0xF735, v5  }
0x12c: {  	v62 =	vsel vm9, $0xF7D1, v62;
	v5 =	vsel vm5, $0xF716, v31;
	v4 =	vsel vm2, $0xF745, v4  }
0x12d: {  	v63 =	vsel vm10, $0xF7E8, v63;
	v5 =	vsel vm4, $0xF726, v5;
	v4 =	vsel vm1, $0xF755, v4  }
0x12e: {  	v6 =	vsel vm5, $0xF717, v32;
	v5 =	vsel vm3, $0xF736, v5;
	v4 =	vsel vm6, $0xF765, v4  }
0x12f: {  	[tilespmem:$0x1FF80] =	vst v63;
	v63 =	vld [tilespmem:$0x1FCF0];
	v6 =	vsel vm4, $0xF727, v6;
	v5 =	vsel vm2, $0xF746, v5;
	v4 =	vsel vm12, $0xF775, v4  }
0x130: {  	v8 =	vld [tilespmem:$0x1F6C0];
	v6 =	vsel vm3, $0xF737, v6;
	v5 =	vsel vm1, $0xF756, v5;
	v4 =	vsel vm13, $0xFB05, v4  }
0x131: {  	v6 =	vsel vm2, $0xF747, v6;
	v5 =	vsel vm6, $0xF766, v5;
	v4 =	vsel vm14, $0xFB15, v4  }
0x132: {  	v6 =	vsel vm1, $0xF757, v6;
	v5 =	vsel vm12, $0xF776, v5;
	v4 =	vsel vm15, $0xFB25, v4  }
0x133: {  	v61 =	vsel vm10, $0xF7E0, v61;
	v6 =	vsel vm6, $0xF767, v6;
	[tilespmem:$0x1FE90] =	vst v4;
	v4 =	vsel vm13, $0xFB06, v5  }
0x134: {  	v7 =	vld [tilespmem:$0x1FF80];
	v63 =	vsel vm10, $0xF7E9, v63;
	v5 =	vsel vm12, $0xF777, v6;
	v4 =	vsel vm14, $0xFB16, v4  }
0x135: {  	v8 =	vsel vm6, $0x4900, v8;
	[tilespmem:$0x1FF90] =	vst v63;
	v63 =	vld [tilespmem:$0x1FD00];
	v5 =	vsel vm13, $0xFB07, v5;
	v4 =	vsel vm15, $0xFB26, v4  }
0x136: {  	v8 =	vsel vm12, $0x4980, v8;
	v6 =	vsel vm5, $0x5680, v33;
	[tilespmem:$0x1FEA0] =	vst v4;
	v4 =	vsel vm14, $0xFB17, v5  }
0x137: {  	v8 =	vsel vm13, $0x4A00, v8;
	v5 =	vsel vm4, $0x5700, v6;
	v4 =	vsel vm15, $0xFB27, v4  }
0x138: {  	v62 =	vsel vm10, $0xF7E1, v62;
	v8 =	vsel vm14, $0x4A80, v8;
	[tilespmem:$0x1FEB0] =	vst v4;
	v4 =	vsel vm3, $0x5780, v5  }
0x139: {  	v7 =	vsel vm5, $0xF7F8, v7;
	v5 =	vsel vm5, $0xF718, v34;
	v4 =	vsel vm2, $0x5C00, v4  }
0x13a: {  	v63 =	vsel vm10, $0xF7EA, v63;
	v5 =	vsel vm4, $0xF728, v5;
	v4 =	vsel vm1, $0x5C80, v4  }
0x13b: {  	v6 =	vsel vm5, $0xF719, v35;
	v5 =	vsel vm3, $0xF738, v5;
	v4 =	vsel vm6, $0x5D00, v4  }
0x13c: {  	v6 =	vsel vm4, $0xF729, v6;
	v5 =	vsel vm2, $0xF748, v5;
	v4 =	vsel vm12, $0x5D80, v4  }
0x13d: {  	v6 =	vsel vm3, $0xF739, v6;
	v5 =	vsel vm1, $0xF758, v5;
	v4 =	vsel vm13, $0x5E00, v4  }
0x13e: {  	v6 =	vsel vm2, $0xF749, v6;
	v5 =	vsel vm6, $0xF768, v5;
	v4 =	vsel vm14, $0x5E80, v4  }
0x13f: {  	[tilespmem:$0x1FFA0] =	vst v63;
	v63 =	vld [tilespmem:$0x1FD10];
	v6 =	vsel vm1, $0xF759, v6;
	v5 =	vsel vm12, $0xF778, v5;
	v4 =	vsel vm15, $0x5F00, v4  }
0x140: {  	v7 =	vsel vm4, $0xFB88, v7;
	v9 =	vld [tilespmem:$0x1FFA0];
	v6 =	vsel vm6, $0xF769, v6;
	[tilespmem:$0x1FEC0] =	vst v4;
	v4 =	vsel vm13, $0xFB08, v5  }
0x141: {  	v7 =	vsel vm3, $0xFB98, v7;
	v5 =	vsel vm12, $0xF779, v6;
	v4 =	vsel vm14, $0xFB18, v4  }
0x142: {  	v7 =	vsel vm2, $0xFBA8, v7;
	v5 =	vsel vm13, $0xFB09, v5;
	v4 =	vsel vm15, $0xFB28, v4  }
0x143: {  	v7 =	vsel vm1, $0xFBB8, v7;
	v6 =	vsel vm5, $0xF71A, v36;
	[tilespmem:$0x1FED0] =	vst v4;
	v4 =	vsel vm14, $0xFB19, v5  }
0x144: {  	v7 =	vsel vm6, $0xFBC8, v7;
	v5 =	vsel vm4, $0xF72A, v6;
	v4 =	vsel vm15, $0xFB29, v4  }
0x145: {  	v63 =	vsel vm10, $0xF7EB, v63;
	v9 =	vsel vm5, $0xF7FA, v9;
	[tilespmem:$0x1FEE0] =	vst v4;
	v4 =	vsel vm3, $0xF73A, v5  }
0x146: {  	v9 =	vsel vm4, $0xFB8A, v9;
	v5 =	vsel vm5, $0xF71B, v37;
	v4 =	vsel vm2, $0xF74A, v4  }
0x147: {  	v9 =	vsel vm3, $0xFB9A, v9;
	v5 =	vsel vm4, $0xF72B, v5;
	v4 =	vsel vm1, $0xF75A, v4  }
0x148: {  	v6 =	vsel vm5, $0xF71C, v38;
	v5 =	vsel vm3, $0xF73B, v5;
	v4 =	vsel vm6, $0xF76A, v4  }
0x149: {  	v6 =	vsel vm4, $0xF72C, v6;
	v5 =	vsel vm2, $0xF74B, v5;
	v4 =	vsel vm12, $0xF77A, v4  }
0x14a: {  	v6 =	vsel vm3, $0xF73C, v6;
	v5 =	vsel vm1, $0xF75B, v5;
	v4 =	vsel vm13, $0xFB0A, v4  }
0x14b: {  	v6 =	vsel vm2, $0xF74C, v6;
	v5 =	vsel vm6, $0xF76B, v5;
	v4 =	vsel vm14, $0xFB1A, v4  }
0x14c: {  	v6 =	vsel vm1, $0xF75C, v6;
	v5 =	vsel vm12, $0xF77B, v5;
	v4 =	vsel vm15, $0xFB2A, v4  }
0x14d: {  	v9 =	vsel vm2, $0xFBAA, v9;
	v6 =	vsel vm6, $0xF76C, v6;
	[tilespmem:$0x1FEF0] =	vst v4;
	v4 =	vsel vm13, $0xFB0B, v5  }
0x14e: {  	v9 =	vsel vm1, $0xFBBA, v9;
	v5 =	vsel vm12, $0xF77C, v6;
	v4 =	vsel vm14, $0xFB1B, v4  }
0x14f: {  	v6 =	vsel vm5, $0xF71D, v39;
	v5 =	vsel vm13, $0xFB0C, v5;
	v4 =	vsel vm15, $0xFB2B, v4  }
0x150: {  	v3 =	vsel vm15, $0x4B00, v8;
	[tilespmem:$0x1FF00] =	vst v4;
	v4 =	vsel vm14, $0xFB1C, v5;
	v5 =	vsel vm4, $0xF72D, v6  }
0x151: {  	v35 =	vsel vm15, $0xFB2C, v4;
	v4 =	vsel vm3, $0xF73D, v5;
	v5 =	vsel vm5, $0xF71E, v40  }
0x152: {  	v6 =	vsel vm5, $0xF71F, v41;
	v4 =	vsel vm2, $0xF74D, v4;
	v5 =	vsel vm4, $0xF72E, v5  }
0x153: {  	v6 =	vsel vm4, $0xF72F, v6;
	v4 =	vsel vm1, $0xF75D, v4;
	v5 =	vsel vm3, $0xF73E, v5  }
0x154: {  	v6 =	vsel vm3, $0xF73F, v6;
	v4 =	vsel vm6, $0xF76D, v4;
	v5 =	vsel vm2, $0xF74E, v5  }
0x155: {  	v6 =	vsel vm2, $0xF74F, v6;
	v4 =	vsel vm12, $0xF77D, v4;
	v5 =	vsel vm1, $0xF75E, v5  }
0x156: {  	v6 =	vsel vm1, $0xF75F, v6;
	v4 =	vsel vm13, $0xFB0D, v4;
	v5 =	vsel vm6, $0xF76E, v5  }
0x157: {  	v6 =	vsel vm6, $0xF76F, v6;
	v4 =	vsel vm14, $0xFB1D, v4;
	v5 =	vsel vm12, $0xF77E, v5  }
0x158: {  	v36 =	vsel vm15, $0xFB2D, v4;
	v4 =	vsel vm13, $0xFB0E, v5;
	v5 =	vsel vm12, $0xF77F, v6  }
0x159: {  	v6 =	vsel vm5, $0x6280, v42;
	v4 =	vsel vm14, $0xFB1E, v4;
	v5 =	vsel vm13, $0xFB0F, v5  }
0x15a: {  	v37 =	vsel vm15, $0xFB2E, v4;
	v4 =	vsel vm14, $0xFB1F, v5;
	v5 =	vsel vm4, $0x6300, v6  }
0x15b: {  	v38 =	vsel vm15, $0xFB2F, v4;
	v4 =	vsel vm3, $0x6380, v5;
	v5 =	vsel vm5, $0xFF10, v43  }
0x15c: {  	v6 =	vsel vm5, $0xFF11, v44;
	v4 =	vsel vm2, $0x6800, v4;
	v5 =	vsel vm4, $0xF380, v5  }
0x15d: {  	v6 =	vsel vm4, $0xF381, v6;
	v4 =	vsel vm1, $0x6880, v4;
	v5 =	vsel vm3, $0xF390, v5  }
0x15e: {  	v6 =	vsel vm3, $0xF391, v6;
	v4 =	vsel vm6, $0x6900, v4;
	v5 =	vsel vm2, $0xF3A0, v5  }
0x15f: {  	v6 =	vsel vm2, $0xF3A1, v6;
	v4 =	vsel vm12, $0x6980, v4;
	v5 =	vsel vm1, $0xF3B0, v5  }
0x160: {  	v6 =	vsel vm1, $0xF3B1, v6;
	v4 =	vsel vm13, $0x6A00, v4;
	v5 =	vsel vm6, $0xF3C0, v5  }
0x161: {  	v6 =	vsel vm6, $0xF3C1, v6;
	v4 =	vsel vm14, $0x6A80, v4;
	v5 =	vsel vm12, $0xF3D0, v5  }
0x162: {  	v39 =	vsel vm15, $0x6B00, v4;
	v4 =	vsel vm13, $0xF3E0, v5;
	v5 =	vsel vm12, $0xF3D1, v6  }
0x163: {  	v6 =	vsel vm5, $0xFF12, v45;
	v4 =	vsel vm14, $0xF3F0, v4;
	v5 =	vsel vm13, $0xF3E1, v5  }
0x164: {  	v40 =	vsel vm15, $0xF780, v4;
	v4 =	vsel vm14, $0xF3F1, v5;
	v5 =	vsel vm4, $0xF382, v6  }
0x165: {  	v41 =	vsel vm15, $0xF781, v4;
	v4 =	vsel vm3, $0xF392, v5;
	v5 =	vsel vm5, $0xFF13, v46  }
0x166: {  	v6 =	vsel vm5, $0xFF14, v47;
	v4 =	vsel vm2, $0xF3A2, v4;
	v5 =	vsel vm4, $0xF383, v5  }
0x167: {  	v6 =	vsel vm4, $0xF384, v6;
	v4 =	vsel vm1, $0xF3B2, v4;
	v5 =	vsel vm3, $0xF393, v5  }
0x168: {  	v6 =	vsel vm3, $0xF394, v6;
	v4 =	vsel vm6, $0xF3C2, v4;
	v5 =	vsel vm2, $0xF3A3, v5  }
0x169: {  	v6 =	vsel vm2, $0xF3A4, v6;
	v4 =	vsel vm12, $0xF3D2, v4;
	v5 =	vsel vm1, $0xF3B3, v5  }
0x16a: {  	v6 =	vsel vm1, $0xF3B4, v6;
	v4 =	vsel vm13, $0xF3E2, v4;
	v5 =	vsel vm6, $0xF3C3, v5  }
0x16b: {  	v6 =	vsel vm6, $0xF3C4, v6;
	v4 =	vsel vm14, $0xF3F2, v4;
	v5 =	vsel vm12, $0xF3D3, v5  }
0x16c: {  	v42 =	vsel vm15, $0xF782, v4;
	v4 =	vsel vm13, $0xF3E3, v5;
	v5 =	vsel vm12, $0xF3D4, v6  }
0x16d: {  	v6 =	vsel vm5, $0xFF15, v48;
	v4 =	vsel vm14, $0xF3F3, v4;
	v5 =	vsel vm13, $0xF3E4, v5  }
0x16e: {  	v43 =	vsel vm15, $0xF783, v4;
	v4 =	vsel vm14, $0xF3F4, v5;
	v5 =	vsel vm4, $0xF385, v6  }
0x16f: {  	v44 =	vsel vm15, $0xF784, v4;
	v4 =	vsel vm3, $0xF395, v5;
	v5 =	vsel vm5, $0xFF16, v49  }
0x170: {  	v6 =	vsel vm5, $0xFF17, v50;
	v4 =	vsel vm2, $0xF3A5, v4;
	v5 =	vsel vm4, $0xF386, v5  }
0x171: {  	v6 =	vsel vm4, $0xF387, v6;
	v4 =	vsel vm1, $0xF3B5, v4;
	v5 =	vsel vm3, $0xF396, v5  }
0x172: {  	v6 =	vsel vm3, $0xF397, v6;
	v4 =	vsel vm6, $0xF3C5, v4;
	v5 =	vsel vm2, $0xF3A6, v5  }
0x173: {  	v6 =	vsel vm2, $0xF3A7, v6;
	v4 =	vsel vm12, $0xF3D5, v4;
	v5 =	vsel vm1, $0xF3B6, v5  }
0x174: {  	v6 =	vsel vm1, $0xF3B7, v6;
	v4 =	vsel vm13, $0xF3E5, v4;
	v5 =	vsel vm6, $0xF3C6, v5  }
0x175: {  	v6 =	vsel vm6, $0xF3C7, v6;
	v4 =	vsel vm14, $0xF3F5, v4;
	v5 =	vsel vm12, $0xF3D6, v5  }
0x176: {  	v45 =	vsel vm15, $0xF785, v4;
	v4 =	vsel vm13, $0xF3E6, v5;
	v5 =	vsel vm12, $0xF3D7, v6  }
0x177: {  	v6 =	vsel vm5, $0x6680, v51;
	v4 =	vsel vm14, $0xF3F6, v4;
	v5 =	vsel vm13, $0xF3E7, v5  }
0x178: {  	v46 =	vsel vm15, $0xF786, v4;
	v4 =	vsel vm14, $0xF3F7, v5;
	v5 =	vsel vm4, $0x6700, v6  }
0x179: {  	v47 =	vsel vm15, $0xF787, v4;
	v4 =	vsel vm3, $0x6780, v5;
	v5 =	vsel vm5, $0xFF18, v52  }
0x17a: {  	v6 =	vsel vm5, $0xFF19, v53;
	v4 =	vsel vm2, $0x6C00, v4;
	v5 =	vsel vm4, $0xF388, v5  }
0x17b: {  	v6 =	vsel vm4, $0xF389, v6;
	v4 =	vsel vm1, $0x6C80, v4;
	v5 =	vsel vm3, $0xF398, v5  }
0x17c: {  	v6 =	vsel vm3, $0xF399, v6;
	v4 =	vsel vm6, $0x6D00, v4;
	v5 =	vsel vm2, $0xF3A8, v5  }
0x17d: {  	v6 =	vsel vm2, $0xF3A9, v6;
	v4 =	vsel vm12, $0x6D80, v4;
	v5 =	vsel vm1, $0xF3B8, v5  }
0x17e: {  	v6 =	vsel vm1, $0xF3B9, v6;
	v4 =	vsel vm13, $0x6E00, v4;
	v5 =	vsel vm6, $0xF3C8, v5  }
0x17f: {  	v6 =	vsel vm6, $0xF3C9, v6;
	v4 =	vsel vm14, $0x6E80, v4;
	v5 =	vsel vm12, $0xF3D8, v5  }
0x180: {  	v48 =	vsel vm15, $0x6F00, v4;
	v4 =	vsel vm13, $0xF3E8, v5;
	v5 =	vsel vm12, $0xF3D9, v6  }
0x181: {  	v6 =	vsel vm5, $0xFF1A, v54;
	v4 =	vsel vm14, $0xF3F8, v4;
	v5 =	vsel vm13, $0xF3E9, v5  }
0x182: {  	v49 =	vsel vm15, $0xF788, v4;
	v4 =	vsel vm14, $0xF3F9, v5;
	v5 =	vsel vm4, $0xF38A, v6  }
0x183: {  	v50 =	vsel vm15, $0xF789, v4;
	v4 =	vsel vm3, $0xF39A, v5;
	v5 =	vsel vm5, $0xFF1B, v55  }
0x184: {  	v6 =	vsel vm5, $0xFF1C, v56;
	v4 =	vsel vm2, $0xF3AA, v4;
	v5 =	vsel vm4, $0xF38B, v5  }
0x185: {  	v6 =	vsel vm4, $0xF38C, v6;
	v4 =	vsel vm1, $0xF3BA, v4;
	v5 =	vsel vm3, $0xF39B, v5  }
0x186: {  	v6 =	vsel vm3, $0xF39C, v6;
	v4 =	vsel vm6, $0xF3CA, v4;
	v5 =	vsel vm2, $0xF3AB, v5  }
0x187: {  	v6 =	vsel vm2, $0xF3AC, v6;
	v4 =	vsel vm12, $0xF3DA, v4;
	v5 =	vsel vm1, $0xF3BB, v5  }
0x188: {  	v6 =	vsel vm1, $0xF3BC, v6;
	v4 =	vsel vm13, $0xF3EA, v4;
	v5 =	vsel vm6, $0xF3CB, v5  }
0x189: {  	v6 =	vsel vm6, $0xF3CC, v6;
	v4 =	vsel vm14, $0xF3FA, v4;
	v5 =	vsel vm12, $0xF3DB, v5  }
0x18a: {  	v51 =	vsel vm15, $0xF78A, v4;
	v4 =	vsel vm13, $0xF3EB, v5;
	v5 =	vsel vm12, $0xF3DC, v6  }
0x18b: {  	v6 =	vsel vm5, $0xFF1D, v57;
	v4 =	vsel vm14, $0xF3FB, v4;
	v5 =	vsel vm13, $0xF3EC, v5  }
0x18c: {  	v52 =	vsel vm15, $0xF78B, v4;
	v4 =	vsel vm14, $0xF3FC, v5;
	v5 =	vsel vm4, $0xF38D, v6  }
0x18d: {  	v53 =	vsel vm15, $0xF78C, v4;
	v4 =	vsel vm3, $0xF39D, v5;
	v5 =	vsel vm5, $0xFF1E, v58  }
0x18e: {  	v6 =	vsel vm5, $0xFF1F, v59;
	v4 =	vsel vm2, $0xF3AD, v4;
	v5 =	vsel vm4, $0xF38E, v5  }
0x18f: {  	v6 =	vsel vm4, $0xF38F, v6;
	v4 =	vsel vm1, $0xF3BD, v4;
	v5 =	vsel vm3, $0xF39E, v5  }
0x190: {  	v6 =	vsel vm3, $0xF39F, v6;
	v4 =	vsel vm6, $0xF3CD, v4;
	v5 =	vsel vm2, $0xF3AE, v5  }
0x191: {  	v6 =	vsel vm2, $0xF3AF, v6;
	v4 =	vsel vm12, $0xF3DD, v4;
	v5 =	vsel vm1, $0xF3BE, v5  }
0x192: {  	v6 =	vsel vm1, $0xF3BF, v6;
	v4 =	vsel vm13, $0xF3ED, v4;
	v5 =	vsel vm6, $0xF3CE, v5  }
0x193: {  	v6 =	vsel vm6, $0xF3CF, v6;
	v4 =	vsel vm14, $0xF3FD, v4;
	v5 =	vsel vm12, $0xF3DE, v5  }
0x194: {  	v54 =	vsel vm15, $0xF78D, v4;
	v4 =	vsel vm13, $0xF3EE, v5;
	v5 =	vsel vm12, $0xF3DF, v6  }
0x195: {  	v6 =	vsel vm5, $0x7280, v60;
	v4 =	vsel vm14, $0xF3FE, v4;
	v5 =	vsel vm13, $0xF3EF, v5  }
0x196: {  	v55 =	vsel vm15, $0xF78E, v4;
	v4 =	vsel vm14, $0xF3FF, v5;
	v5 =	vsel vm4, $0x7300, v6  }
0x197: {  	v56 =	vsel vm15, $0xF78F, v4;
	v4 =	vsel vm3, $0x7380, v5;
	v5 =	vsel vm5, $0xF7F0, v61  }
0x198: {  	v6 =	vsel vm5, $0xF7F1, v62;
	v4 =	vsel vm2, $0x7800, v4;
	v5 =	vsel vm4, $0xFB80, v5  }
0x199: {  	v6 =	vsel vm4, $0xFB81, v6;
	v4 =	vsel vm1, $0x7880, v4;
	v5 =	vsel vm3, $0xFB90, v5  }
0x19a: {  	[tilespmem:$0x1FFB0] =	vst v63;
	v63 =	vld [tilespmem:$0x1FD20];
	v6 =	vsel vm3, $0xFB91, v6;
	v4 =	vsel vm6, $0x7900, v4;
	v5 =	vsel vm2, $0xFBA0, v5  }
0x19b: {  	v6 =	vsel vm2, $0xFBA1, v6;
	v4 =	vsel vm12, $0x7980, v4;
	v5 =	vsel vm1, $0xFBB0, v5  }
0x19c: {  	v8 =	vld [tilespmem:$0x1FF90];
	v6 =	vsel vm1, $0xFBB1, v6;
	v4 =	vsel vm13, $0x7A00, v4;
	v5 =	vsel vm6, $0xFBC0, v5  }
0x19d: {  	v6 =	vsel vm6, $0xFBC1, v6;
	v4 =	vsel vm14, $0x7A80, v4;
	v5 =	vsel vm12, $0xFBD0, v5  }
0x19e: {  	v57 =	vsel vm15, $0x7B00, v4;
	v4 =	vsel vm13, $0xFBE0, v5;
	v5 =	vsel vm12, $0xFBD1, v6;
	v6 =	vld [tilespmem:$0x1FF10]  }
0x19f: {  	v7 =	vsel vm12, $0xFBD8, v7;
	v63 =	vsel vm10, $0xF7EC, v63;
	v9 =	vsel vm6, $0xFBCA, v9  }
0x1a0: {  	v2 =	vmul.u32 $0x800, v2;
	v7 =	vsel vm13, $0xFBE8, v7;
	[tilespmem:$0x1FFC0] =	vst v63;
	v9 =	vsel vm12, $0xFBDA, v9  }
0x1a1: {  	v7 =	vsel vm14, $0xFBF8, v7;
	v9 =	vsel vm13, $0xFBEA, v9;
	v11 =	vld [tilespmem:$0x1FFC0];
	v8 =	vsel vm5, $0xF7F9, v8  }
0x1a2: {  	v7 =	vsel vm15, $0xFF88, v7;
	v9 =	vsel vm14, $0xFBFA, v9;
	v10 =	vld [tilespmem:$0x1FFB0];
	v8 =	vsel vm4, $0xFB89, v8  }
0x1a3: {  	v4 =	vsel vm14, $0xFBF0, v4;
	v5 =	vsel vm13, $0xFBE1, v5;
	v6 =	vsel vm5, $0xF7F2, v6  }
0x1a4: {  	v58 =	vsel vm15, $0xFF80, v4;
	v4 =	vsel vm14, $0xFBF1, v5;
	v5 =	vsel vm4, $0xFB82, v6  }
0x1a5: {  	v8 =	vsel vm3, $0xFB99, v8;
	v59 =	vsel vm15, $0xFF81, v4;
	v4 =	vsel vm3, $0xFB92, v5;
	v5 =	vld [tilespmem:$0x1FF20]  }
0x1a6: {  	v9 =	vsel vm15, $0xFF8A, v9;
	v8 =	vsel vm2, $0xFBA9, v8;
	v11 =	vsel vm5, $0xF7FC, v11;
	v6 =	vld [tilespmem:$0x1FF30]  }
0x1a7: {  	v8 =	vsel vm1, $0xFBB9, v8;
	v10 =	vsel vm5, $0xF7FB, v10;
	v11 =	vsel vm4, $0xFB8C, v11  }
0x1a8: {  	v8 =	vsel vm6, $0xFBC9, v8;
	v10 =	vsel vm4, $0xFB8B, v10;
	v11 =	vsel vm3, $0xFB9C, v11  }
0x1a9: {  	v8 =	vsel vm12, $0xFBD9, v8;
	v10 =	vsel vm3, $0xFB9B, v10;
	v11 =	vsel vm2, $0xFBAC, v11  }
0x1aa: {  	v10 =	vsel vm2, $0xFBAB, v10;
	v11 =	vsel vm1, $0xFBBC, v11;
	v5 =	vsel vm5, $0xF7F3, v5  }
0x1ab: {  	v4 =	vsel vm2, $0xFBA2, v4;
	v6 =	vsel vm5, $0xF7F4, v6;
	v5 =	vsel vm4, $0xFB83, v5  }
0x1ac: {  	v4 =	vsel vm1, $0xFBB2, v4;
	v6 =	vsel vm4, $0xFB84, v6;
	v5 =	vsel vm3, $0xFB93, v5  }
0x1ad: {  	v4 =	vsel vm6, $0xFBC2, v4;
	v6 =	vsel vm3, $0xFB94, v6;
	v5 =	vsel vm2, $0xFBA3, v5  }
0x1ae: {  	v4 =	vsel vm12, $0xFBD2, v4;
	v6 =	vsel vm2, $0xFBA4, v6;
	v5 =	vsel vm1, $0xFBB3, v5  }
0x1af: {  	v4 =	vsel vm13, $0xFBE2, v4;
	v6 =	vsel vm1, $0xFBB4, v6;
	v5 =	vsel vm6, $0xFBC3, v5  }
0x1b0: {  	v12 =	vld [tilespmem:$0x1FFD0];
	v4 =	vsel vm14, $0xFBF2, v4;
	v6 =	vsel vm6, $0xFBC4, v6;
	v5 =	vsel vm12, $0xFBD3, v5  }
0x1b1: {  	v60 =	vsel vm15, $0xFF82, v4;
	v4 =	vsel vm13, $0xFBE3, v5;
	v5 =	vsel vm12, $0xFBD4, v6;
	v6 =	vld [tilespmem:$0x1FF40]  }
0x1b2: {  	v8 =	vsel vm13, $0xFBE9, v8;
	v10 =	vsel vm1, $0xFBBB, v10;
	v11 =	vsel vm6, $0xFBCC, v11  }
0x1b3: {  	v8 =	vsel vm14, $0xFBF9, v8;
	v10 =	vsel vm6, $0xFBCB, v10;
	v11 =	vsel vm12, $0xFBDC, v11  }
0x1b4: {  	v8 =	vsel vm15, $0xFF89, v8;
	v10 =	vsel vm12, $0xFBDB, v10;
	v11 =	vsel vm13, $0xFBEC, v11  }
0x1b5: {  	v10 =	vsel vm13, $0xFBEB, v10;
	v11 =	vsel vm14, $0xFBFC, v11;
	v12 =	vsel vm5, $0xF7FD, v12;
	v13 =	vld [tilespmem:$0x1FFE0]  }
0x1b6: {  	v14 =	vld [tilespmem:$0x1FFF0];
	v4 =	vsel vm14, $0xFBF3, v4;
	v5 =	vsel vm13, $0xFBE4, v5;
	v6 =	vsel vm5, $0xF7F5, v6  }
0x1b7: {  	v61 =	vsel vm15, $0xFF83, v4;
	v4 =	vsel vm14, $0xFBF4, v5;
	v5 =	vsel vm4, $0xFB85, v6  }
0x1b8: {  	v12 =	vsel vm4, $0xFB8D, v12;
	v62 =	vsel vm15, $0xFF84, v4;
	v4 =	vsel vm3, $0xFB95, v5;
	v5 =	vld [tilespmem:$0x1FF50]  }
0x1b9: {  	v10 =	vsel vm14, $0xFBFB, v10;
	v11 =	vsel vm15, $0xFF8C, v11;
	v12 =	vsel vm3, $0xFB9D, v12;
	v6 =	vld [tilespmem:$0x1FF60]  }
0x1ba: {  	v10 =	vsel vm15, $0xFF8B, v10;
	v12 =	vsel vm2, $0xFBAD, v12;
	v13 =	vsel vm5, $0xF7FE, v13  }
0x1bb: {  	v14 =	vsel vm5, $0xF7FF, v14;
	v12 =	vsel vm1, $0xFBBD, v12;
	v13 =	vsel vm4, $0xFB8E, v13  }
0x1bc: {  	v14 =	vsel vm4, $0xFB8F, v14;
	v12 =	vsel vm6, $0xFBCD, v12;
	v13 =	vsel vm3, $0xFB9E, v13  }
0x1bd: {  	v14 =	vsel vm3, $0xFB9F, v14;
	v13 =	vsel vm2, $0xFBAE, v13;
	v5 =	vsel vm5, $0xF7F6, v5  }
0x1be: {  	v4 =	vsel vm2, $0xFBA5, v4;
	v6 =	vsel vm5, $0xF7F7, v6;
	v5 =	vsel vm4, $0xFB86, v5  }
0x1bf: {  	v4 =	vsel vm1, $0xFBB5, v4;
	v6 =	vsel vm4, $0xFB87, v6;
	v5 =	vsel vm3, $0xFB96, v5  }
0x1c0: {  	v4 =	vsel vm6, $0xFBC5, v4;
	v6 =	vsel vm3, $0xFB97, v6;
	v5 =	vsel vm2, $0xFBA6, v5  }
0x1c1: {  	v4 =	vsel vm12, $0xFBD5, v4;
	v6 =	vsel vm2, $0xFBA7, v6;
	v5 =	vsel vm1, $0xFBB6, v5  }
0x1c2: {  	v4 =	vsel vm13, $0xFBE5, v4;
	v6 =	vsel vm1, $0xFBB7, v6;
	v5 =	vsel vm6, $0xFBC6, v5  }
0x1c3: {  	v4 =	vsel vm14, $0xFBF5, v4;
	v6 =	vsel vm6, $0xFBC7, v6;
	v5 =	vsel vm12, $0xFBD6, v5  }
0x1c4: {  	v63 =	vsel vm15, $0xFF85, v4;
	v4 =	vsel vm13, $0xFBE6, v5;
	v5 =	vsel vm12, $0xFBD7, v6;
	v6 =	vld [tilespmem:$0x1FF70]  }
0x1c5: {  	v12 =	vsel vm12, $0xFBDD, v12;
	v14 =	vsel vm2, $0xFBAF, v14;
	v13 =	vsel vm1, $0xFBBE, v13  }
0x1c6: {  	v12 =	vsel vm13, $0xFBED, v12;
	v14 =	vsel vm1, $0xFBBF, v14;
	v13 =	vsel vm6, $0xFBCE, v13  }
0x1c7: {  	s1 =	srdreg.scid;
	s5 =	rddreg [dreg:$0x0];
	v15 =	vsel vm14, $0xFBFD, v12;
	v12 =	vsel vm12, $0xFBDE, v13;
	v13 =	vsel vm6, $0xFBCF, v14  }
0x1c8: {  	s0 =	stileid.u32;
	s2 =	rddreg [dreg:$0x1];
	s3 =	simm.s32 $0x0;
	v14 =	vsel vm13, $0xFBEE, v12;
	v13 =	vsel vm12, $0xFBDF, v13;
	v12 =	vand.u32 $0x7, v0  }
0x1c9: {  	s10 =	simm.s32 $0x3400;
	s11 =	simm.s32 $0x3C00;
	s12 =	simm.s32 $0x4400;
	v16 =	vsel vm14, $0xFBFE, v14;
	v17 =	vsel vm13, $0xFBEF, v13;
	v6 =	vsel vm5, $0x7680, v6  }
0x1ca: {  	s13 =	simm.s32 $0x4C00;
	s14 =	simm.s32 $0x5400;
	s15 =	simm.s32 $0x5C00;
	v13 =	vmul.u32 $0x80, v12;
	v14 =	vsel vm15, $0xFF8D, v15;
	v6 =	vsel vm4, $0x7700, v6  }
0x1cb: {  	s16 =	simm.s32 $0x6400;
	s17 =	simm.s32 $0x6C00;
	s18 =	simm.s32 $0xB400;
	v15 =	vsel vm15, $0xFF8E, v16;
	v16 =	vsel vm14, $0xFBFF, v17;
	v6 =	vsel vm3, $0x7780, v6  }
0x1cc: {  	s19 =	simm.s32 $0x2;
	s4 =	sand.u32 $0x1, s1;
	s31 =	sshll.u32 s0, $0x1;
	v17 =	vor.u32 $0x8, v0;
	v16 =	vsel vm15, $0xFF8F, v16;
	v6 =	vsel vm2, $0x7C00, v6  }
0x1cd: {  	s20 =	simm.s32 $0x0;
	s1 =	rddreg [dreg:$0x2];
	s6 =	sor.u32 s4, s31;
	v18 =	vor.u32 $0x400, v13;
	v20 =	vor.u32 $0x1000, v2;
	v6 =	vsel vm1, $0x7C80, v6  }
0x1ce: {  	[smem:$0x7FF] =	sst s3;
	s8 =	ssub.s32 $0x2, s4;
	s7 =	smul.u32 $0x1A0, s6;
	v19 =	vor.u32 $0x10, v0;
	v23 =	vor.u32 $0x2000, v2;
	v6 =	vsel vm6, $0x7D00, v6  }
0x1cf: {  	s4 =	sadd.s32 $0x57600, s5;
	s6 =	sshll.u32 s6, $0xD;
	s9 =	sshrl.u32 s8, $0x1;
	v22 =	vor.u32 $0x20, v0;
	v24 =	vor.u32 $0x30, v0;
	v6 =	vsel vm12, $0x7D80, v6  }
0x1d0: {  	s6 =	sadd.s32 s6, s5;
	s8 =	ssub.s32 s8, s9;
	s7 =	sadd.s32 s7, s5;
	v25 =	vor.u32 $0x3000, v2;
	v5 =	vsel vm13, $0xFBE7, v5;
	v6 =	vsel vm13, $0x7E00, v6  }
0x1d1: {  	s9 =	simm.s32 $0xD00;
	s6 =	sadd.s32 $0x54D000, s6;
	s5 =	sadd.s32 $0x1600, s7;
	v4 =	vsel vm14, $0xFBF6, v4;
	v5 =	vsel vm14, $0xFBF7, v5;
	v6 =	vsel vm14, $0x7E80, v6  }
0x1d2: {  	s7 =	smax.u32 s8, $0x1;
	s8 =	simm.s32 $0x3;
	_ =	strace $0x8000004A;
	v4 =	vsel vm15, $0xFF86, v4;
	v5 =	vsel vm15, $0xFF87, v5;
	v6 =	vsel vm15, $0x7F00, v6  }
.LBB2_1:
0x1d3: {  	[tilespmem:s3], [sflag:$0x3] =	stream.linear.gather [hbm4b:s5+s3], $0xD00, $0x38;
	[tilespmem:$0x1B400] =	vst v63  }
0x1d4: {  	_ =	swait.ge [sflag:s8], $0xD00  }
0x1d5: {  	[sflag:s8] =	ssyncset.done $0x0  }
0x1d6: {  	[sflag:s8] =	ssyncadd.s32 $0xFFFFF300  }
0x1d7: {  	[tilespmem:s9], [sflag:$0x3] =	stream.linear.gather [hbm4b:s2+s3], $0xD00, $0x38;
	[tilespmem:$0x1B400] =	vst v63  }
0x1d8: {  	_ =	swait.ge [sflag:s8], $0xD00  }
0x1d9: {  	[sflag:s8] =	ssyncset.done $0x0  }
0x1da: {  	s21 =	simm.s32 $0x0;
	[sflag:s8] =	ssyncadd.s32 $0xFFFFF300  }
0x1db: {  	v26 =	vld [tilespmem:s21+$0x0]  }
0x1dc: {  	v27 =	vld [tilespmem:s21+$0xD00];
	_ =	sdelay $0x1  }
0x1dd: {  	s22 =	simm.s32 $0x40  }
.LBB2_2:
0x1de: {  	p0 =	sne.s32 s22, $0x33C0  }
.Ltmp0:
0x1df: {  	s23 =	sshra.s32 s22, $0x2;
	(pc) =	sbr.rel @p0 .LBB2_2-.Ltmp0, $4  }
0x1e0: {  	s22 =	sadd.s32 $0x40, s22;
	v28 =	vadd.s32 v26, v27;
	v26 =	vld [tilespmem:s23+$0x0]  }
0x1e1: {  	v27 =	vld [tilespmem:s23+$0xD00];
	v29 =	vshrl.u32 v28, $0x4;
	v28 =	vand.u32 $0xF, v28  }
0x1e2: {  	[tilespmem:s21+$0x2700] =	vst v28  }
0x1e3: {  	[tilespmem:s21+$0x1A00] =	vst v29;
	s21 =	smov.u32 s23  }
0x1e4: {  	_ =	sdelay $0x1  }
0x1e5: {  	v26 =	vadd.s32 v26, v27  }
0x1e6: {  	v27 =	vand.u32 $0xF, v26  }
0x1e7: {  	v26 =	vshrl.u32 v26, $0x4;
	[tilespmem:s21+$0x2700] =	vst v27  }
0x1e8: {  	[tilespmem:s21+$0x1A00] =	vst v26  }
0x1e9: {  	v26 =	vld [tilespmem:$0x1A00];
	_ =	sdelay $0x4  }
0x1ea: {  	v27 =	vshll.u32 v26, $0x1  }
0x1eb: {  	v26 =	vand.u32 $0x7, v26;
	v27 =	vand.u32 $0xFFFFFFF0, v27  }
0x1ec: {  	v26 =	vor.u32 v26, v27  }
0x1ed: {  	v27 =	vperm.xlane v26, v12;
	_ =	sdelay $0x1  }
0x1ee: {  	v26 =	vperm.xlane v26, v17;
	v27 =	vadd.s32 v1, v27;
	_ =	sdelay $0x1  }
0x1ef: {  	v26 =	vadd.s32 v1, v26;
	_ =	sdelay $0x1  }
0x1f0: {  	s21 =	simm.s32 $0x0  }
0x1f1: {  	[tilespmem:s10], [sflag:$0x1] =	stream.indirect_vreg.gather [hbm4b:s4+s21], $0x80, v27, vm0, $0xb8;
	[tilespmem:$0x1B400] =	vst v63  }
0x1f2: {  	_ = 	snop  }
0x1f3: {  	[tilespmem:s11], [sflag:$0x1] =	stream.indirect_vreg.gather [hbm4b:s4+s21], $0x80, v26, vm0, $0xb8;
	[tilespmem:$0x1B400] =	vst v63  }
0x1f4: {  	v26 =	vld [tilespmem:$0x1A10];
	_ =	sdelay $0x4  }
0x1f5: {  	v27 =	vshll.u32 v26, $0x1  }
0x1f6: {  	v26 =	vand.u32 $0x7, v26;
	v27 =	vand.u32 $0xFFFFFFF0, v27  }
0x1f7: {  	v26 =	vor.u32 v26, v27  }
0x1f8: {  	v27 =	vperm.xlane v26, v12;
	_ =	sdelay $0x1  }
0x1f9: {  	v26 =	vperm.xlane v26, v17;
	v27 =	vadd.s32 v1, v27;
	_ =	sdelay $0x1  }
0x1fa: {  	v26 =	vadd.s32 v1, v26;
	_ =	sdelay $0x2  }
0x1fb: {  	[tilespmem:s12], [sflag:$0x1] =	stream.indirect_vreg.gather [hbm4b:s4+s21], $0x80, v27, vm0, $0xb8;
	[tilespmem:$0x1B400] =	vst v63  }
0x1fc: {  	_ = 	snop  }
0x1fd: {  	[tilespmem:s13], [sflag:$0x1] =	stream.indirect_vreg.gather [hbm4b:s4+s21], $0x80, v26, vm0, $0xb8;
	[tilespmem:$0x1B400] =	vst v63  }
0x1fe: {  	v26 =	vld [tilespmem:$0x1A20];
	_ =	sdelay $0x4  }
0x1ff: {  	v27 =	vshll.u32 v26, $0x1  }
0x200: {  	v26 =	vand.u32 $0x7, v26;
	v27 =	vand.u32 $0xFFFFFFF0, v27  }
0x201: {  	v26 =	vor.u32 v26, v27  }
0x202: {  	v27 =	vperm.xlane v26, v12;
	_ =	sdelay $0x1  }
0x203: {  	v26 =	vperm.xlane v26, v17;
	v27 =	vadd.s32 v1, v27;
	_ =	sdelay $0x1  }
0x204: {  	v26 =	vadd.s32 v1, v26;
	_ =	sdelay $0x2  }
0x205: {  	[tilespmem:s14], [sflag:$0x1] =	stream.indirect_vreg.gather [hbm4b:s4+s21], $0x80, v27, vm0, $0xb8;
	[tilespmem:$0x1B400] =	vst v63  }
0x206: {  	_ = 	snop  }
0x207: {  	[tilespmem:s15], [sflag:$0x1] =	stream.indirect_vreg.gather [hbm4b:s4+s21], $0x80, v26, vm0, $0xb8;
	[tilespmem:$0x1B400] =	vst v63  }
0x208: {  	v26 =	vld [tilespmem:$0x1A30];
	_ =	sdelay $0x4  }
0x209: {  	v27 =	vshll.u32 v26, $0x1  }
0x20a: {  	v26 =	vand.u32 $0x7, v26;
	v27 =	vand.u32 $0xFFFFFFF0, v27  }
0x20b: {  	v26 =	vor.u32 v26, v27  }
0x20c: {  	v27 =	vperm.xlane v26, v12;
	_ =	sdelay $0x1  }
0x20d: {  	v26 =	vperm.xlane v26, v17;
	v27 =	vadd.s32 v1, v27;
	_ =	sdelay $0x1  }
0x20e: {  	v26 =	vadd.s32 v1, v26;
	_ =	sdelay $0x2  }
0x20f: {  	[tilespmem:s16], [sflag:$0x1] =	stream.indirect_vreg.gather [hbm4b:s4+s21], $0x80, v27, vm0, $0xb8;
	[tilespmem:$0x1B400] =	vst v63  }
0x210: {  	s22 =	simm.s32 $0x1A70;
	s23 =	simm.s32 $0x2720;
	s24 =	simm.s32 $0x0  }
0x211: {  	[tilespmem:s17], [sflag:$0x1] =	stream.indirect_vreg.gather [hbm4b:s4+s21], $0x80, v26, vm0, $0xb8;
	[tilespmem:$0x1B400] =	vst v63  }
.LBB2_4:
0x212: {  	v26 =	vld [tilespmem:s22+$0xFFFFFFD0];
	_ =	sdelay $0x4  }
0x213: {  	s25 =	sand.u32 $0x1, s24;
	v27 =	vshll.u32 v26, $0x1  }
0x214: {  	p0 =	seq.s32 s25, $0x1;
	v26 =	vand.u32 $0x7, v26;
	v27 =	vand.u32 $0xFFFFFFF0, v27  }
0x215: {  	v26 =	vor.u32 v26, v27;
	v27 =	vlaneseq.u32 @p0  }
0x216: {  	v28 =	vperm.xlane v26, v12;
	v29 =	vand.u32 @p0 $0x7, v27  }
0x217: {  	v27 =	vshrl.u32 @p0 v27, $0x3;
	v30 =	vor.u32 @p0 $0x8, v29  }
0x218: {  	v27 =	vmul.u32 @p0 $0x8, v27;
	v28 =	vadd.s32 v1, v28;
	v31 =	vperm.xlane @p0 v26, v30;
	_ =	sdelay $0x1  }
0x219: {  	v31 =	vadd.s32 @p0 v27, v31;
	_ =	sdelay $0x1  }
0x21a: {  	vm1 =	vmmov @p0 $0xffff;
	s26 =	simm.s32 @p0 $0x0;
	s28 =	simm.s32 @p0 $0x3400  }
0x21b: {  	[tilespmem:s28], [sflag:$0x1] =	stream.indirect_vreg.gather @p0 [hbm4b:s4+s26], $0x80, v28, vm1, $0xb8;
	[tilespmem:$0x1B400] =	vst v63  }
0x21c: {  	s28 =	simm.s32 @p0 $0x3C00  }
0x21d: {  	[tilespmem:s28], [sflag:$0x1] =	stream.indirect_vreg.gather @p0 [hbm4b:s4+s26], $0x80, v31, vm1, $0xb8;
	[tilespmem:$0x1B400] =	vst v63  }
0x21e: {  	v31 =	vld @p0 [tilespmem:s22+$0xFFFFFFE0];
	_ =	sdelay $0x4  }
0x21f: {  	v32 =	vshll.u32 @p0 v31, $0x1  }
0x220: {  	v31 =	vand.u32 @p0 $0x7, v31;
	v32 =	vand.u32 @p0 $0xFFFFFFF0, v32  }
0x221: {  	v31 =	vor.u32 @p0 v31, v32  }
0x222: {  	v32 =	vperm.xlane @p0 v31, v29;
	_ =	sdelay $0x1  }
0x223: {  	v31 =	vperm.xlane @p0 v31, v30;
	v32 =	vadd.s32 @p0 v27, v32;
	_ =	sdelay $0x1  }
0x224: {  	v31 =	vadd.s32 @p0 v27, v31;
	_ =	sdelay $0x1  }
0x225: {  	s28 =	simm.s32 @p0 $0x4400  }
0x226: {  	[tilespmem:s28], [sflag:$0x1] =	stream.indirect_vreg.gather @p0 [hbm4b:s4+s26], $0x80, v32, vm1, $0xb8;
	[tilespmem:$0x1B400] =	vst v63  }
0x227: {  	s28 =	simm.s32 @p0 $0x4C00  }
0x228: {  	[tilespmem:s28], [sflag:$0x1] =	stream.indirect_vreg.gather @p0 [hbm4b:s4+s26], $0x80, v31, vm1, $0xb8;
	[tilespmem:$0x1B400] =	vst v63  }
0x229: {  	v31 =	vld @p0 [tilespmem:s22+$0xFFFFFFF0];
	_ =	sdelay $0x4  }
0x22a: {  	v32 =	vshll.u32 @p0 v31, $0x1  }
0x22b: {  	v31 =	vand.u32 @p0 $0x7, v31;
	v32 =	vand.u32 @p0 $0xFFFFFFF0, v32  }
0x22c: {  	v31 =	vor.u32 @p0 v31, v32  }
0x22d: {  	v32 =	vperm.xlane @p0 v31, v29;
	_ =	sdelay $0x1  }
0x22e: {  	v31 =	vperm.xlane @p0 v31, v30;
	v32 =	vadd.s32 @p0 v27, v32;
	_ =	sdelay $0x1  }
0x22f: {  	v31 =	vadd.s32 @p0 v27, v31;
	_ =	sdelay $0x1  }
0x230: {  	s28 =	simm.s32 @p0 $0x5400  }
0x231: {  	[tilespmem:s28], [sflag:$0x1] =	stream.indirect_vreg.gather @p0 [hbm4b:s4+s26], $0x80, v32, vm1, $0xb8;
	[tilespmem:$0x1B400] =	vst v63  }
0x232: {  	s28 =	simm.s32 @p0 $0x5C00  }
0x233: {  	[tilespmem:s28], [sflag:$0x1] =	stream.indirect_vreg.gather @p0 [hbm4b:s4+s26], $0x80, v31, vm1, $0xb8;
	[tilespmem:$0x1B400] =	vst v63  }
0x234: {  	v31 =	vld @p0 [tilespmem:s22+$0x0];
	_ =	sdelay $0x4  }
0x235: {  	v32 =	vshll.u32 @p0 v31, $0x1  }
0x236: {  	v31 =	vand.u32 @p0 $0x7, v31;
	v32 =	vand.u32 @p0 $0xFFFFFFF0, v32  }
0x237: {  	v31 =	vor.u32 @p0 v31, v32  }
0x238: {  	v29 =	vperm.xlane @p0 v31, v29;
	_ =	sdelay $0x1  }
0x239: {  	v30 =	vperm.xlane @p0 v31, v30;
	v29 =	vadd.s32 @p0 v27, v29  }
0x23a: {  	v31 =	vlaneseq.u32 @!p0  }
0x23b: {  	v27 =	vadd.s32 @p0 v27, v30;
	v30 =	vand.u32 @!p0 $0x7, v31  }
0x23c: {  	v31 =	vshrl.u32 @!p0 v31, $0x3;
	v32 =	vor.u32 @!p0 $0x8, v30  }
0x23d: {  	s28 =	simm.s32 @p0 $0x6400;
	v31 =	vmul.u32 @!p0 $0x8, v31;
	v26 =	vperm.xlane @!p0 v26, v32  }
0x23e: {  	[tilespmem:s28], [sflag:$0x1] =	stream.indirect_vreg.gather @p0 [hbm4b:s4+s26], $0x80, v29, vm1, $0xb8;
	[tilespmem:$0x1B400] =	vst v63  }
0x23f: {  	v26 =	vadd.s32 @!p0 v31, v26;
	s28 =	simm.s32 @p0 $0x6C00  }
0x240: {  	[tilespmem:s28], [sflag:$0x1] =	stream.indirect_vreg.gather @p0 [hbm4b:s4+s26], $0x80, v27, vm1, $0xb8;
	[tilespmem:$0x1B400] =	vst v63  }
0x241: {  	vm1 =	vmmov @!p0 $0xffff;
	s26 =	simm.s32 @!p0 $0x0;
	s28 =	simm.s32 @!p0 $0x7400  }
0x242: {  	[tilespmem:s28], [sflag:$0x2] =	stream.indirect_vreg.gather @!p0 [hbm4b:s4+s26], $0x80, v28, vm1, $0xb8;
	[tilespmem:$0x1B400] =	vst v63  }
0x243: {  	s28 =	simm.s32 @!p0 $0x7C00  }
0x244: {  	[tilespmem:s28], [sflag:$0x2] =	stream.indirect_vreg.gather @!p0 [hbm4b:s4+s26], $0x80, v26, vm1, $0xb8;
	[tilespmem:$0x1B400] =	vst v63  }
0x245: {  	v26 =	vld @!p0 [tilespmem:s22+$0xFFFFFFE0];
	_ =	sdelay $0x4  }
0x246: {  	v27 =	vshll.u32 @!p0 v26, $0x1  }
0x247: {  	v26 =	vand.u32 @!p0 $0x7, v26;
	v27 =	vand.u32 @!p0 $0xFFFFFFF0, v27  }
0x248: {  	v26 =	vor.u32 @!p0 v26, v27  }
0x249: {  	v27 =	vperm.xlane @!p0 v26, v30;
	_ =	sdelay $0x1  }
0x24a: {  	v26 =	vperm.xlane @!p0 v26, v32;
	v27 =	vadd.s32 @!p0 v31, v27;
	_ =	sdelay $0x1  }
0x24b: {  	v26 =	vadd.s32 @!p0 v31, v26;
	_ =	sdelay $0x1  }
0x24c: {  	s28 =	simm.s32 @!p0 $0x8400  }
0x24d: {  	[tilespmem:s28], [sflag:$0x2] =	stream.indirect_vreg.gather @!p0 [hbm4b:s4+s26], $0x80, v27, vm1, $0xb8;
	[tilespmem:$0x1B400] =	vst v63  }
0x24e: {  	s28 =	simm.s32 @!p0 $0x8C00  }
0x24f: {  	[tilespmem:s28], [sflag:$0x2] =	stream.indirect_vreg.gather @!p0 [hbm4b:s4+s26], $0x80, v26, vm1, $0xb8;
	[tilespmem:$0x1B400] =	vst v63  }
0x250: {  	v26 =	vld @!p0 [tilespmem:s22+$0xFFFFFFF0];
	_ =	sdelay $0x4  }
0x251: {  	v27 =	vshll.u32 @!p0 v26, $0x1  }
0x252: {  	v26 =	vand.u32 @!p0 $0x7, v26;
	v27 =	vand.u32 @!p0 $0xFFFFFFF0, v27  }
0x253: {  	v26 =	vor.u32 @!p0 v26, v27  }
0x254: {  	v27 =	vperm.xlane @!p0 v26, v30;
	_ =	sdelay $0x1  }
0x255: {  	v26 =	vperm.xlane @!p0 v26, v32;
	v27 =	vadd.s32 @!p0 v31, v27;
	_ =	sdelay $0x1  }
0x256: {  	v26 =	vadd.s32 @!p0 v31, v26;
	_ =	sdelay $0x1  }
0x257: {  	s28 =	simm.s32 @!p0 $0x9400  }
0x258: {  	[tilespmem:s28], [sflag:$0x2] =	stream.indirect_vreg.gather @!p0 [hbm4b:s4+s26], $0x80, v27, vm1, $0xb8;
	[tilespmem:$0x1B400] =	vst v63  }
0x259: {  	s28 =	simm.s32 @!p0 $0x9C00  }
0x25a: {  	[tilespmem:s28], [sflag:$0x2] =	stream.indirect_vreg.gather @!p0 [hbm4b:s4+s26], $0x80, v26, vm1, $0xb8;
	[tilespmem:$0x1B400] =	vst v63  }
0x25b: {  	v26 =	vld @!p0 [tilespmem:s22+$0x0];
	_ =	sdelay $0x4  }
0x25c: {  	v27 =	vshll.u32 @!p0 v26, $0x1  }
0x25d: {  	v26 =	vand.u32 @!p0 $0x7, v26;
	v27 =	vand.u32 @!p0 $0xFFFFFFF0, v27  }
0x25e: {  	v26 =	vor.u32 @!p0 v26, v27  }
0x25f: {  	v27 =	vperm.xlane @!p0 v26, v30;
	_ =	sdelay $0x1  }
0x260: {  	v26 =	vperm.xlane @!p0 v26, v32;
	v27 =	vadd.s32 @!p0 v31, v27;
	_ =	sdelay $0x1  }
0x261: {  	v26 =	vadd.s32 @!p0 v31, v26;
	_ =	sdelay $0x1  }
0x262: {  	s28 =	simm.s32 @!p0 $0xA400  }
0x263: {  	[tilespmem:s28], [sflag:$0x2] =	stream.indirect_vreg.gather @!p0 [hbm4b:s4+s26], $0x80, v27, vm1, $0xb8;
	[tilespmem:$0x1B400] =	vst v63  }
0x264: {  	s28 =	simm.s32 @!p0 $0xAC00  }
0x265: {  	[tilespmem:s28], [sflag:$0x2] =	stream.indirect_vreg.gather @!p0 [hbm4b:s4+s26], $0x80, v26, vm1, $0xb8;
	[tilespmem:$0x1B400] =	vst v63  }
0x266: {  	s26 =	simm.s32 @!p0 $0x1  }
0x267: {  	s26 =	simm.s32 @p0 $0x2  }
0x268: {  	_ =	swait.ge [sflag:s26], $0x4000  }
0x269: {  	[sflag:s26] =	ssyncset.done $0x0  }
0x26a: {  	[sflag:s26] =	ssyncadd.s32 $0xFFFFC000  }
0x26b: {  	v26 =	vld [tilespmem:s23+$0xFFFFFFE0];
	_ =	sdelay $0x1  }
0x26c: {  	v28 =	vor.u32 s21, v0  }
0x26d: {  	v29 =	vmulhi.u32 $0x4EC4EC4F, v28;
	_ =	sdelay $0x1  }
0x26e: {  	s25 =	sshll.u32 s25, $0xE;
	v27 =	vshrl.u32 v29, $0x3;
	v34 =	vshll.u32 v26, $0x3  }
0x26f: {  	v33 =	vmul.u32 $0xFFFFFE6, v27;
	v27 =	vor.u32 s25, v2;
	v31 =	vand.u32 $0xFFFFFC00, v34  }
0x270: {  	v30 =	vand.u32 $0x7F, v26;
	v31 =	vadd.s32 v27, v31  }
0x271: {  	v28 =	vadd.s32 v28, v33;
	v33 =	vshll.u32 v29, $0x6;
	v30 =	vor.u32 v30, v31  }
0x272: {  	v32 =	vshll.u32 v28, $0x4;
	v28 =	vshll.u32 v28, $0x7;
	v31 =	vor.u32 v13, v30  }
0x273: {  	v33 =	vand.u32 $0x7FFFF000, v33;
	v28 =	vand.u32 $0xFFFFFC00, v28;
	v34 =	vadd.s32 $0x10, v26  }
0x274: {  	v29 =	vshll.u32 v29, $0x4;
	v28 =	vadd.s32 v33, v28;
	v33 =	vshll.u32 v34, $0x3  }
0x275: {  	v29 =	vand.u32 $0x380, v29;
	v32 =	vand.u32 $0x70, v32;
	v33 =	vand.u32 $0xFFFFFC00, v33  }
0x276: {  	v29 =	vor.u32 v29, v32;
	v32 =	vand.u32 $0x7F, v34;
	v33 =	vadd.s32 v27, v33  }
0x277: {  	v28 =	vor.u32 v28, v29;
	v32 =	vor.u32 v32, v33;
	v31 =	vld.idx.msk [tilespmem:v31+s10+$0x0], $0xffff  }
0x278: {  	v29 =	vor.u32 v13, v32  }
0x279: {  	v32 =	vadd.s32 $0x20, v26  }
0x27a: {  	v33 =	vshll.u32 v32, $0x3  }
0x27b: {  	v33 =	vand.u32 $0xFFFFFC00, v33  }
0x27c: {  	[tilespmem:v28+s18+$0x0] =	vst.idx.msk $0xffff, v31;
	v31 =	vand.u32 $0x7F, v32;
	v32 =	vadd.s32 v27, v33  }
0x27d: {  	v33 =	vor.u32 $0x1, v28;
	v29 =	vld.idx.msk [tilespmem:v29+s10+$0x0], $0xffff;
	v31 =	vor.u32 v31, v32  }
0x27e: {  	v31 =	vor.u32 v13, v31  }
0x27f: {  	v32 =	vadd.s32 $0x30, v26  }
0x280: {  	v34 =	vshll.u32 v32, $0x3  }
0x281: {  	v34 =	vand.u32 $0xFFFFFC00, v34  }
0x282: {  	[tilespmem:v33+s18+$0x0] =	vst.idx.msk $0xffff, v29;
	v29 =	vand.u32 $0x7F, v32;
	v32 =	vadd.s32 v27, v34  }
0x283: {  	v33 =	vor.u32 $0x2, v28;
	v31 =	vld.idx.msk [tilespmem:v31+s10+$0x0], $0xffff;
	v29 =	vor.u32 v29, v32  }
0x284: {  	v29 =	vor.u32 v13, v29  }
0x285: {  	v32 =	vadd.s32 $0x40, v26  }
0x286: {  	v34 =	vshll.u32 v32, $0x3  }
0x287: {  	v34 =	vand.u32 $0xFFFFFC00, v34  }
0x288: {  	[tilespmem:v33+s18+$0x0] =	vst.idx.msk $0xffff, v31;
	v31 =	vand.u32 $0x7F, v32;
	v32 =	vadd.s32 v27, v34  }
0x289: {  	v33 =	vor.u32 $0x3, v28;
	v29 =	vld.idx.msk [tilespmem:v29+s10+$0x0], $0xffff;
	v31 =	vor.u32 v31, v32  }
0x28a: {  	v31 =	vor.u32 v13, v31  }
0x28b: {  	v32 =	vadd.s32 $0x50, v26  }
0x28c: {  	v34 =	vshll.u32 v32, $0x3  }
0x28d: {  	v34 =	vand.u32 $0xFFFFFC00, v34  }
0x28e: {  	[tilespmem:v33+s18+$0x0] =	vst.idx.msk $0xffff, v29;
	v29 =	vand.u32 $0x7F, v32;
	v32 =	vadd.s32 v27, v34  }
0x28f: {  	v33 =	vor.u32 $0x4, v28;
	v31 =	vld.idx.msk [tilespmem:v31+s10+$0x0], $0xffff;
	v29 =	vor.u32 v29, v32  }
0x290: {  	v29 =	vor.u32 v13, v29  }
0x291: {  	v32 =	vadd.s32 $0x60, v26  }
0x292: {  	v34 =	vshll.u32 v32, $0x3  }
0x293: {  	v34 =	vand.u32 $0xFFFFFC00, v34  }
0x294: {  	[tilespmem:v33+s18+$0x0] =	vst.idx.msk $0xffff, v31;
	v31 =	vand.u32 $0x7F, v32;
	v32 =	vadd.s32 v27, v34  }
0x295: {  	v33 =	vor.u32 $0x5, v28;
	v29 =	vld.idx.msk [tilespmem:v29+s10+$0x0], $0xffff;
	v31 =	vor.u32 v31, v32  }
0x296: {  	v31 =	vor.u32 v13, v31  }
0x297: {  	v32 =	vadd.s32 $0x70, v26  }
0x298: {  	v34 =	vshll.u32 v32, $0x3  }
0x299: {  	v34 =	vand.u32 $0xFFFFFC00, v34  }
0x29a: {  	[tilespmem:v33+s18+$0x0] =	vst.idx.msk $0xffff, v29;
	v29 =	vand.u32 $0x7F, v32;
	v32 =	vadd.s32 v27, v34  }
0x29b: {  	v33 =	vor.u32 $0x6, v28;
	v31 =	vld.idx.msk [tilespmem:v31+s10+$0x0], $0xffff;
	v29 =	vor.u32 v29, v32  }
0x29c: {  	v29 =	vor.u32 v13, v29;
	_ =	sdelay $0x3  }
0x29d: {  	[tilespmem:v33+s18+$0x0] =	vst.idx.msk $0xffff, v31  }
0x29e: {  	v31 =	vor.u32 $0x7, v28;
	v29 =	vld.idx.msk [tilespmem:v29+s10+$0x0], $0xffff  }
0x29f: {  	v30 =	vadd.s32 v18, v30  }
0x2a0: {  	v32 =	vadd.s32 $0x90, v26  }
0x2a1: {  	v33 =	vshll.u32 v32, $0x3  }
0x2a2: {  	v33 =	vand.u32 $0xFFFFFC00, v33  }
0x2a3: {  	[tilespmem:v31+s18+$0x0] =	vst.idx.msk $0xffff, v29;
	v29 =	vand.u32 $0x7F, v32;
	v31 =	vadd.s32 v27, v33  }
0x2a4: {  	v32 =	vor.u32 $0x8, v28;
	v30 =	vld.idx.msk [tilespmem:v30+s10+$0x0], $0xffff;
	v29 =	vor.u32 v29, v31  }
0x2a5: {  	v29 =	vor.u32 v13, v29  }
0x2a6: {  	v31 =	vadd.s32 $0xA0, v26  }
0x2a7: {  	v33 =	vshll.u32 v31, $0x3  }
0x2a8: {  	v33 =	vand.u32 $0xFFFFFC00, v33  }
0x2a9: {  	[tilespmem:v32+s18+$0x0] =	vst.idx.msk $0xffff, v30;
	v30 =	vand.u32 $0x7F, v31;
	v31 =	vadd.s32 v27, v33  }
0x2aa: {  	v32 =	vor.u32 $0x9, v28;
	v29 =	vld.idx.msk [tilespmem:v29+s10+$0x0], $0xffff;
	v30 =	vor.u32 v30, v31  }
0x2ab: {  	v30 =	vor.u32 v13, v30  }
0x2ac: {  	v31 =	vadd.s32 $0xB0, v26  }
0x2ad: {  	v33 =	vshll.u32 v31, $0x3  }
0x2ae: {  	v33 =	vand.u32 $0xFFFFFC00, v33  }
0x2af: {  	[tilespmem:v32+s18+$0x0] =	vst.idx.msk $0xffff, v29;
	v29 =	vand.u32 $0x7F, v31;
	v31 =	vadd.s32 v27, v33  }
0x2b0: {  	v32 =	vor.u32 $0xA, v28;
	v30 =	vld.idx.msk [tilespmem:v30+s10+$0x0], $0xffff;
	v29 =	vor.u32 v29, v31  }
0x2b1: {  	v29 =	vor.u32 v13, v29  }
0x2b2: {  	v31 =	vadd.s32 $0xC0, v26  }
0x2b3: {  	v33 =	vshll.u32 v31, $0x3  }
0x2b4: {  	v33 =	vand.u32 $0xFFFFFC00, v33  }
0x2b5: {  	[tilespmem:v32+s18+$0x0] =	vst.idx.msk $0xffff, v30;
	v30 =	vand.u32 $0x7F, v31;
	v31 =	vadd.s32 v27, v33  }
0x2b6: {  	v32 =	vor.u32 $0xB, v28;
	v29 =	vld.idx.msk [tilespmem:v29+s10+$0x0], $0xffff;
	v30 =	vor.u32 v30, v31  }
0x2b7: {  	v30 =	vor.u32 v13, v30  }
0x2b8: {  	v31 =	vadd.s32 $0xD0, v26  }
0x2b9: {  	v33 =	vshll.u32 v31, $0x3  }
0x2ba: {  	v33 =	vand.u32 $0xFFFFFC00, v33  }
0x2bb: {  	[tilespmem:v32+s18+$0x0] =	vst.idx.msk $0xffff, v29;
	v29 =	vand.u32 $0x7F, v31;
	v31 =	vadd.s32 v27, v33  }
0x2bc: {  	v32 =	vor.u32 $0xC, v28;
	v30 =	vld.idx.msk [tilespmem:v30+s10+$0x0], $0xffff;
	v29 =	vor.u32 v29, v31  }
0x2bd: {  	v29 =	vor.u32 v13, v29  }
0x2be: {  	v31 =	vadd.s32 $0xE0, v26  }
0x2bf: {  	v33 =	vshll.u32 v31, $0x3  }
0x2c0: {  	v33 =	vand.u32 $0xFFFFFC00, v33  }
0x2c1: {  	[tilespmem:v32+s18+$0x0] =	vst.idx.msk $0xffff, v30;
	v30 =	vand.u32 $0x7F, v31;
	v31 =	vadd.s32 v27, v33  }
0x2c2: {  	v32 =	vor.u32 $0xD, v28;
	v29 =	vld.idx.msk [tilespmem:v29+s10+$0x0], $0xffff;
	v30 =	vor.u32 v30, v31  }
0x2c3: {  	v30 =	vor.u32 v13, v30  }
0x2c4: {  	v26 =	vadd.s32 $0xF0, v26  }
0x2c5: {  	v33 =	vshll.u32 v26, $0x3  }
0x2c6: {  	v31 =	vand.u32 $0xFFFFFC00, v33  }
0x2c7: {  	v26 =	vand.u32 $0x7F, v26;
	v27 =	vadd.s32 v27, v31;
	[tilespmem:v32+s18+$0x0] =	vst.idx.msk $0xffff, v29  }
0x2c8: {  	v34 =	vor.u32 $0xE, v28;
	v26 =	vor.u32 v26, v27;
	v29 =	vld.idx.msk [tilespmem:v30+s10+$0x0], $0xffff  }
0x2c9: {  	v26 =	vor.u32 v13, v26;
	_ =	sdelay $0x3  }
0x2ca: {  	[tilespmem:v34+s18+$0x0] =	vst.idx.msk $0xffff, v29  }
0x2cb: {  	v27 =	vor.u32 $0xF, v28;
	v26 =	vld.idx.msk [tilespmem:v26+s10+$0x0], $0xffff;
	_ =	sdelay $0x4  }
0x2cc: {  	[tilespmem:v27+s18+$0x0] =	vst.idx.msk $0xffff, v26  }
0x2cd: {  	v26 =	vld [tilespmem:s23+$0xFFFFFFF0];
	_ =	sdelay $0x1  }
0x2ce: {  	v28 =	vor.u32 s21, v19  }
0x2cf: {  	v29 =	vmulhi.u32 $0x4EC4EC4F, v28;
	_ =	sdelay $0x1  }
0x2d0: {  	v27 =	vshrl.u32 v29, $0x3;
	v34 =	vshll.u32 v26, $0x3  }
0x2d1: {  	v33 =	vmul.u32 $0xFFFFFE6, v27;
	v27 =	vor.u32 s25, v20;
	v31 =	vand.u32 $0xFFFFFC00, v34  }
0x2d2: {  	v30 =	vand.u32 $0x7F, v26;
	v31 =	vadd.s32 v27, v31  }
0x2d3: {  	v28 =	vadd.s32 v28, v33;
	v33 =	vshll.u32 v29, $0x6;
	v30 =	vor.u32 v30, v31  }
0x2d4: {  	v32 =	vshll.u32 v28, $0x4;
	v28 =	vshll.u32 v28, $0x7;
	v31 =	vor.u32 v13, v30  }
0x2d5: {  	v33 =	vand.u32 $0x7FFFF000, v33;
	v28 =	vand.u32 $0xFFFFFC00, v28;
	v34 =	vadd.s32 $0x10, v26  }
0x2d6: {  	v29 =	vshll.u32 v29, $0x4;
	v28 =	vadd.s32 v33, v28;
	v33 =	vshll.u32 v34, $0x3  }
0x2d7: {  	v29 =	vand.u32 $0x380, v29;
	v32 =	vand.u32 $0x70, v32;
	v33 =	vand.u32 $0xFFFFFC00, v33  }
0x2d8: {  	v29 =	vor.u32 v29, v32;
	v32 =	vand.u32 $0x7F, v34;
	v33 =	vadd.s32 v27, v33  }
0x2d9: {  	v28 =	vor.u32 v28, v29;
	v32 =	vor.u32 v32, v33;
	v31 =	vld.idx.msk [tilespmem:v31+s10+$0x0], $0xffff  }
0x2da: {  	v29 =	vor.u32 v13, v32  }
0x2db: {  	v32 =	vadd.s32 $0x20, v26  }
0x2dc: {  	v33 =	vshll.u32 v32, $0x3  }
0x2dd: {  	v33 =	vand.u32 $0xFFFFFC00, v33  }
0x2de: {  	[tilespmem:v28+s18+$0x0] =	vst.idx.msk $0xffff, v31;
	v31 =	vand.u32 $0x7F, v32;
	v32 =	vadd.s32 v27, v33  }
0x2df: {  	v33 =	vor.u32 $0x1, v28;
	v29 =	vld.idx.msk [tilespmem:v29+s10+$0x0], $0xffff;
	v31 =	vor.u32 v31, v32  }
0x2e0: {  	v31 =	vor.u32 v13, v31  }
0x2e1: {  	v32 =	vadd.s32 $0x30, v26  }
0x2e2: {  	v34 =	vshll.u32 v32, $0x3  }
0x2e3: {  	v34 =	vand.u32 $0xFFFFFC00, v34  }
0x2e4: {  	[tilespmem:v33+s18+$0x0] =	vst.idx.msk $0xffff, v29;
	v29 =	vand.u32 $0x7F, v32;
	v32 =	vadd.s32 v27, v34  }
0x2e5: {  	v33 =	vor.u32 $0x2, v28;
	v31 =	vld.idx.msk [tilespmem:v31+s10+$0x0], $0xffff;
	v29 =	vor.u32 v29, v32  }
0x2e6: {  	v29 =	vor.u32 v13, v29  }
0x2e7: {  	v32 =	vadd.s32 $0x40, v26  }
0x2e8: {  	v34 =	vshll.u32 v32, $0x3  }
0x2e9: {  	v34 =	vand.u32 $0xFFFFFC00, v34  }
0x2ea: {  	[tilespmem:v33+s18+$0x0] =	vst.idx.msk $0xffff, v31;
	v31 =	vand.u32 $0x7F, v32;
	v32 =	vadd.s32 v27, v34  }
0x2eb: {  	v33 =	vor.u32 $0x3, v28;
	v29 =	vld.idx.msk [tilespmem:v29+s10+$0x0], $0xffff;
	v31 =	vor.u32 v31, v32  }
0x2ec: {  	v31 =	vor.u32 v13, v31  }
0x2ed: {  	v32 =	vadd.s32 $0x50, v26  }
0x2ee: {  	v34 =	vshll.u32 v32, $0x3  }
0x2ef: {  	v34 =	vand.u32 $0xFFFFFC00, v34  }
0x2f0: {  	[tilespmem:v33+s18+$0x0] =	vst.idx.msk $0xffff, v29;
	v29 =	vand.u32 $0x7F, v32;
	v32 =	vadd.s32 v27, v34  }
0x2f1: {  	v33 =	vor.u32 $0x4, v28;
	v31 =	vld.idx.msk [tilespmem:v31+s10+$0x0], $0xffff;
	v29 =	vor.u32 v29, v32  }
0x2f2: {  	v29 =	vor.u32 v13, v29  }
0x2f3: {  	v32 =	vadd.s32 $0x60, v26  }
0x2f4: {  	v34 =	vshll.u32 v32, $0x3  }
0x2f5: {  	v34 =	vand.u32 $0xFFFFFC00, v34  }
0x2f6: {  	[tilespmem:v33+s18+$0x0] =	vst.idx.msk $0xffff, v31;
	v31 =	vand.u32 $0x7F, v32;
	v32 =	vadd.s32 v27, v34  }
0x2f7: {  	v33 =	vor.u32 $0x5, v28;
	v29 =	vld.idx.msk [tilespmem:v29+s10+$0x0], $0xffff;
	v31 =	vor.u32 v31, v32  }
0x2f8: {  	v31 =	vor.u32 v13, v31  }
0x2f9: {  	v32 =	vadd.s32 $0x70, v26  }
0x2fa: {  	v34 =	vshll.u32 v32, $0x3  }
0x2fb: {  	v34 =	vand.u32 $0xFFFFFC00, v34  }
0x2fc: {  	[tilespmem:v33+s18+$0x0] =	vst.idx.msk $0xffff, v29;
	v29 =	vand.u32 $0x7F, v32;
	v32 =	vadd.s32 v27, v34  }
0x2fd: {  	v33 =	vor.u32 $0x6, v28;
	v31 =	vld.idx.msk [tilespmem:v31+s10+$0x0], $0xffff;
	v29 =	vor.u32 v29, v32  }
0x2fe: {  	v29 =	vor.u32 v13, v29;
	_ =	sdelay $0x3  }
0x2ff: {  	[tilespmem:v33+s18+$0x0] =	vst.idx.msk $0xffff, v31  }
0x300: {  	v31 =	vor.u32 $0x7, v28;
	v29 =	vld.idx.msk [tilespmem:v29+s10+$0x0], $0xffff  }
0x301: {  	v30 =	vadd.s32 v18, v30  }
0x302: {  	v32 =	vadd.s32 $0x90, v26  }
0x303: {  	v33 =	vshll.u32 v32, $0x3  }
0x304: {  	v33 =	vand.u32 $0xFFFFFC00, v33  }
0x305: {  	[tilespmem:v31+s18+$0x0] =	vst.idx.msk $0xffff, v29;
	v29 =	vand.u32 $0x7F, v32;
	v31 =	vadd.s32 v27, v33  }
0x306: {  	v32 =	vor.u32 $0x8, v28;
	v30 =	vld.idx.msk [tilespmem:v30+s10+$0x0], $0xffff;
	v29 =	vor.u32 v29, v31  }
0x307: {  	v29 =	vor.u32 v13, v29  }
0x308: {  	v31 =	vadd.s32 $0xA0, v26  }
0x309: {  	v33 =	vshll.u32 v31, $0x3  }
0x30a: {  	v33 =	vand.u32 $0xFFFFFC00, v33  }
0x30b: {  	[tilespmem:v32+s18+$0x0] =	vst.idx.msk $0xffff, v30;
	v30 =	vand.u32 $0x7F, v31;
	v31 =	vadd.s32 v27, v33  }
0x30c: {  	v32 =	vor.u32 $0x9, v28;
	v29 =	vld.idx.msk [tilespmem:v29+s10+$0x0], $0xffff;
	v30 =	vor.u32 v30, v31  }
0x30d: {  	v30 =	vor.u32 v13, v30  }
0x30e: {  	v31 =	vadd.s32 $0xB0, v26  }
0x30f: {  	v33 =	vshll.u32 v31, $0x3  }
0x310: {  	v33 =	vand.u32 $0xFFFFFC00, v33  }
0x311: {  	[tilespmem:v32+s18+$0x0] =	vst.idx.msk $0xffff, v29;
	v29 =	vand.u32 $0x7F, v31;
	v31 =	vadd.s32 v27, v33  }
0x312: {  	v32 =	vor.u32 $0xA, v28;
	v30 =	vld.idx.msk [tilespmem:v30+s10+$0x0], $0xffff;
	v29 =	vor.u32 v29, v31  }
0x313: {  	v29 =	vor.u32 v13, v29  }
0x314: {  	v31 =	vadd.s32 $0xC0, v26  }
0x315: {  	v33 =	vshll.u32 v31, $0x3  }
0x316: {  	v33 =	vand.u32 $0xFFFFFC00, v33  }
0x317: {  	[tilespmem:v32+s18+$0x0] =	vst.idx.msk $0xffff, v30;
	v30 =	vand.u32 $0x7F, v31;
	v31 =	vadd.s32 v27, v33  }
0x318: {  	v32 =	vor.u32 $0xB, v28;
	v29 =	vld.idx.msk [tilespmem:v29+s10+$0x0], $0xffff;
	v30 =	vor.u32 v30, v31  }
0x319: {  	v30 =	vor.u32 v13, v30  }
0x31a: {  	v31 =	vadd.s32 $0xD0, v26  }
0x31b: {  	v33 =	vshll.u32 v31, $0x3  }
0x31c: {  	v33 =	vand.u32 $0xFFFFFC00, v33  }
0x31d: {  	[tilespmem:v32+s18+$0x0] =	vst.idx.msk $0xffff, v29;
	v29 =	vand.u32 $0x7F, v31;
	v31 =	vadd.s32 v27, v33  }
0x31e: {  	v32 =	vor.u32 $0xC, v28;
	v30 =	vld.idx.msk [tilespmem:v30+s10+$0x0], $0xffff;
	v29 =	vor.u32 v29, v31  }
0x31f: {  	v29 =	vor.u32 v13, v29  }
0x320: {  	v31 =	vadd.s32 $0xE0, v26  }
0x321: {  	v33 =	vshll.u32 v31, $0x3  }
0x322: {  	v33 =	vand.u32 $0xFFFFFC00, v33  }
0x323: {  	[tilespmem:v32+s18+$0x0] =	vst.idx.msk $0xffff, v30;
	v30 =	vand.u32 $0x7F, v31;
	v31 =	vadd.s32 v27, v33  }
0x324: {  	v32 =	vor.u32 $0xD, v28;
	v29 =	vld.idx.msk [tilespmem:v29+s10+$0x0], $0xffff;
	v30 =	vor.u32 v30, v31  }
0x325: {  	v30 =	vor.u32 v13, v30  }
0x326: {  	v26 =	vadd.s32 $0xF0, v26  }
0x327: {  	v33 =	vshll.u32 v26, $0x3  }
0x328: {  	v31 =	vand.u32 $0xFFFFFC00, v33  }
0x329: {  	v26 =	vand.u32 $0x7F, v26;
	v27 =	vadd.s32 v27, v31;
	[tilespmem:v32+s18+$0x0] =	vst.idx.msk $0xffff, v29  }
0x32a: {  	v34 =	vor.u32 $0xE, v28;
	v26 =	vor.u32 v26, v27;
	v29 =	vld.idx.msk [tilespmem:v30+s10+$0x0], $0xffff  }
0x32b: {  	v26 =	vor.u32 v13, v26;
	_ =	sdelay $0x3  }
0x32c: {  	[tilespmem:v34+s18+$0x0] =	vst.idx.msk $0xffff, v29  }
0x32d: {  	v27 =	vor.u32 $0xF, v28;
	v26 =	vld.idx.msk [tilespmem:v26+s10+$0x0], $0xffff;
	_ =	sdelay $0x4  }
0x32e: {  	[tilespmem:v27+s18+$0x0] =	vst.idx.msk $0xffff, v26  }
0x32f: {  	v26 =	vld [tilespmem:s23+$0x0];
	_ =	sdelay $0x1  }
0x330: {  	v28 =	vor.u32 s21, v22  }
0x331: {  	v29 =	vmulhi.u32 $0x4EC4EC4F, v28;
	_ =	sdelay $0x1  }
0x332: {  	v27 =	vshrl.u32 v29, $0x3;
	v34 =	vshll.u32 v26, $0x3  }
0x333: {  	v33 =	vmul.u32 $0xFFFFFE6, v27;
	v27 =	vor.u32 s25, v23;
	v31 =	vand.u32 $0xFFFFFC00, v34  }
0x334: {  	v30 =	vand.u32 $0x7F, v26;
	v31 =	vadd.s32 v27, v31  }
0x335: {  	v28 =	vadd.s32 v28, v33;
	v33 =	vshll.u32 v29, $0x6;
	v30 =	vor.u32 v30, v31  }
0x336: {  	v32 =	vshll.u32 v28, $0x4;
	v28 =	vshll.u32 v28, $0x7;
	v31 =	vor.u32 v13, v30  }
0x337: {  	v33 =	vand.u32 $0x7FFFF000, v33;
	v28 =	vand.u32 $0xFFFFFC00, v28;
	v34 =	vadd.s32 $0x10, v26  }
0x338: {  	v29 =	vshll.u32 v29, $0x4;
	v28 =	vadd.s32 v33, v28;
	v33 =	vshll.u32 v34, $0x3  }
0x339: {  	v29 =	vand.u32 $0x380, v29;
	v32 =	vand.u32 $0x70, v32;
	v33 =	vand.u32 $0xFFFFFC00, v33  }
0x33a: {  	v29 =	vor.u32 v29, v32;
	v32 =	vand.u32 $0x7F, v34;
	v33 =	vadd.s32 v27, v33  }
0x33b: {  	v28 =	vor.u32 v28, v29;
	v32 =	vor.u32 v32, v33;
	v31 =	vld.idx.msk [tilespmem:v31+s10+$0x0], $0xffff  }
0x33c: {  	v29 =	vor.u32 v13, v32  }
0x33d: {  	v32 =	vadd.s32 $0x20, v26  }
0x33e: {  	v33 =	vshll.u32 v32, $0x3  }
0x33f: {  	v33 =	vand.u32 $0xFFFFFC00, v33  }
0x340: {  	[tilespmem:v28+s18+$0x0] =	vst.idx.msk $0xffff, v31;
	v31 =	vand.u32 $0x7F, v32;
	v32 =	vadd.s32 v27, v33  }
0x341: {  	v33 =	vor.u32 $0x1, v28;
	v29 =	vld.idx.msk [tilespmem:v29+s10+$0x0], $0xffff;
	v31 =	vor.u32 v31, v32  }
0x342: {  	v31 =	vor.u32 v13, v31  }
0x343: {  	v32 =	vadd.s32 $0x30, v26  }
0x344: {  	v34 =	vshll.u32 v32, $0x3  }
0x345: {  	v34 =	vand.u32 $0xFFFFFC00, v34  }
0x346: {  	[tilespmem:v33+s18+$0x0] =	vst.idx.msk $0xffff, v29;
	v29 =	vand.u32 $0x7F, v32;
	v32 =	vadd.s32 v27, v34  }
0x347: {  	v33 =	vor.u32 $0x2, v28;
	v31 =	vld.idx.msk [tilespmem:v31+s10+$0x0], $0xffff;
	v29 =	vor.u32 v29, v32  }
0x348: {  	v29 =	vor.u32 v13, v29  }
0x349: {  	v32 =	vadd.s32 $0x40, v26  }
0x34a: {  	v34 =	vshll.u32 v32, $0x3  }
0x34b: {  	v34 =	vand.u32 $0xFFFFFC00, v34  }
0x34c: {  	[tilespmem:v33+s18+$0x0] =	vst.idx.msk $0xffff, v31;
	v31 =	vand.u32 $0x7F, v32;
	v32 =	vadd.s32 v27, v34  }
0x34d: {  	v33 =	vor.u32 $0x3, v28;
	v29 =	vld.idx.msk [tilespmem:v29+s10+$0x0], $0xffff;
	v31 =	vor.u32 v31, v32  }
0x34e: {  	v31 =	vor.u32 v13, v31  }
0x34f: {  	v32 =	vadd.s32 $0x50, v26  }
0x350: {  	v34 =	vshll.u32 v32, $0x3  }
0x351: {  	v34 =	vand.u32 $0xFFFFFC00, v34  }
0x352: {  	[tilespmem:v33+s18+$0x0] =	vst.idx.msk $0xffff, v29;
	v29 =	vand.u32 $0x7F, v32;
	v32 =	vadd.s32 v27, v34  }
0x353: {  	v33 =	vor.u32 $0x4, v28;
	v31 =	vld.idx.msk [tilespmem:v31+s10+$0x0], $0xffff;
	v29 =	vor.u32 v29, v32  }
0x354: {  	v29 =	vor.u32 v13, v29  }
0x355: {  	v32 =	vadd.s32 $0x60, v26  }
0x356: {  	v34 =	vshll.u32 v32, $0x3  }
0x357: {  	v34 =	vand.u32 $0xFFFFFC00, v34  }
0x358: {  	[tilespmem:v33+s18+$0x0] =	vst.idx.msk $0xffff, v31;
	v31 =	vand.u32 $0x7F, v32;
	v32 =	vadd.s32 v27, v34  }
0x359: {  	v33 =	vor.u32 $0x5, v28;
	v29 =	vld.idx.msk [tilespmem:v29+s10+$0x0], $0xffff;
	v31 =	vor.u32 v31, v32  }
0x35a: {  	v31 =	vor.u32 v13, v31  }
0x35b: {  	v32 =	vadd.s32 $0x70, v26  }
0x35c: {  	v34 =	vshll.u32 v32, $0x3  }
0x35d: {  	v34 =	vand.u32 $0xFFFFFC00, v34  }
0x35e: {  	[tilespmem:v33+s18+$0x0] =	vst.idx.msk $0xffff, v29;
	v29 =	vand.u32 $0x7F, v32;
	v32 =	vadd.s32 v27, v34  }
0x35f: {  	v33 =	vor.u32 $0x6, v28;
	v31 =	vld.idx.msk [tilespmem:v31+s10+$0x0], $0xffff;
	v29 =	vor.u32 v29, v32  }
0x360: {  	v29 =	vor.u32 v13, v29;
	_ =	sdelay $0x3  }
0x361: {  	[tilespmem:v33+s18+$0x0] =	vst.idx.msk $0xffff, v31  }
0x362: {  	v31 =	vor.u32 $0x7, v28;
	v29 =	vld.idx.msk [tilespmem:v29+s10+$0x0], $0xffff  }
0x363: {  	v30 =	vadd.s32 v18, v30  }
0x364: {  	v32 =	vadd.s32 $0x90, v26  }
0x365: {  	v33 =	vshll.u32 v32, $0x3  }
0x366: {  	v33 =	vand.u32 $0xFFFFFC00, v33  }
0x367: {  	[tilespmem:v31+s18+$0x0] =	vst.idx.msk $0xffff, v29;
	v29 =	vand.u32 $0x7F, v32;
	v31 =	vadd.s32 v27, v33  }
0x368: {  	v32 =	vor.u32 $0x8, v28;
	v30 =	vld.idx.msk [tilespmem:v30+s10+$0x0], $0xffff;
	v29 =	vor.u32 v29, v31  }
0x369: {  	v29 =	vor.u32 v13, v29  }
0x36a: {  	v31 =	vadd.s32 $0xA0, v26  }
0x36b: {  	v33 =	vshll.u32 v31, $0x3  }
0x36c: {  	v33 =	vand.u32 $0xFFFFFC00, v33  }
0x36d: {  	[tilespmem:v32+s18+$0x0] =	vst.idx.msk $0xffff, v30;
	v30 =	vand.u32 $0x7F, v31;
	v31 =	vadd.s32 v27, v33  }
0x36e: {  	v32 =	vor.u32 $0x9, v28;
	v29 =	vld.idx.msk [tilespmem:v29+s10+$0x0], $0xffff;
	v30 =	vor.u32 v30, v31  }
0x36f: {  	v30 =	vor.u32 v13, v30  }
0x370: {  	v31 =	vadd.s32 $0xB0, v26  }
0x371: {  	v33 =	vshll.u32 v31, $0x3  }
0x372: {  	v33 =	vand.u32 $0xFFFFFC00, v33  }
0x373: {  	[tilespmem:v32+s18+$0x0] =	vst.idx.msk $0xffff, v29;
	v29 =	vand.u32 $0x7F, v31;
	v31 =	vadd.s32 v27, v33  }
0x374: {  	v32 =	vor.u32 $0xA, v28;
	v30 =	vld.idx.msk [tilespmem:v30+s10+$0x0], $0xffff;
	v29 =	vor.u32 v29, v31  }
0x375: {  	v29 =	vor.u32 v13, v29  }
0x376: {  	v31 =	vadd.s32 $0xC0, v26  }
0x377: {  	v33 =	vshll.u32 v31, $0x3  }
0x378: {  	v33 =	vand.u32 $0xFFFFFC00, v33  }
0x379: {  	[tilespmem:v32+s18+$0x0] =	vst.idx.msk $0xffff, v30;
	v30 =	vand.u32 $0x7F, v31;
	v31 =	vadd.s32 v27, v33  }
0x37a: {  	v32 =	vor.u32 $0xB, v28;
	v29 =	vld.idx.msk [tilespmem:v29+s10+$0x0], $0xffff;
	v30 =	vor.u32 v30, v31  }
0x37b: {  	v30 =	vor.u32 v13, v30  }
0x37c: {  	v31 =	vadd.s32 $0xD0, v26  }
0x37d: {  	v33 =	vshll.u32 v31, $0x3  }
0x37e: {  	v33 =	vand.u32 $0xFFFFFC00, v33  }
0x37f: {  	[tilespmem:v32+s18+$0x0] =	vst.idx.msk $0xffff, v29;
	v29 =	vand.u32 $0x7F, v31;
	v31 =	vadd.s32 v27, v33  }
0x380: {  	v32 =	vor.u32 $0xC, v28;
	v30 =	vld.idx.msk [tilespmem:v30+s10+$0x0], $0xffff;
	v29 =	vor.u32 v29, v31  }
0x381: {  	v29 =	vor.u32 v13, v29  }
0x382: {  	v31 =	vadd.s32 $0xE0, v26  }
0x383: {  	v33 =	vshll.u32 v31, $0x3  }
0x384: {  	v33 =	vand.u32 $0xFFFFFC00, v33  }
0x385: {  	[tilespmem:v32+s18+$0x0] =	vst.idx.msk $0xffff, v30;
	v30 =	vand.u32 $0x7F, v31;
	v31 =	vadd.s32 v27, v33  }
0x386: {  	v32 =	vor.u32 $0xD, v28;
	v29 =	vld.idx.msk [tilespmem:v29+s10+$0x0], $0xffff;
	v30 =	vor.u32 v30, v31  }
0x387: {  	v30 =	vor.u32 v13, v30  }
0x388: {  	v26 =	vadd.s32 $0xF0, v26  }
0x389: {  	v33 =	vshll.u32 v26, $0x3  }
0x38a: {  	v31 =	vand.u32 $0xFFFFFC00, v33  }
0x38b: {  	v26 =	vand.u32 $0x7F, v26;
	v27 =	vadd.s32 v27, v31;
	[tilespmem:v32+s18+$0x0] =	vst.idx.msk $0xffff, v29  }
0x38c: {  	v34 =	vor.u32 $0xE, v28;
	v26 =	vor.u32 v26, v27;
	v29 =	vld.idx.msk [tilespmem:v30+s10+$0x0], $0xffff  }
0x38d: {  	v26 =	vor.u32 v13, v26;
	_ =	sdelay $0x3  }
0x38e: {  	[tilespmem:v34+s18+$0x0] =	vst.idx.msk $0xffff, v29  }
0x38f: {  	v27 =	vor.u32 $0xF, v28;
	v26 =	vld.idx.msk [tilespmem:v26+s10+$0x0], $0xffff;
	_ =	sdelay $0x4  }
0x390: {  	[tilespmem:v27+s18+$0x0] =	vst.idx.msk $0xffff, v26  }
0x391: {  	v26 =	vld [tilespmem:s23+$0x10];
	_ =	sdelay $0x1  }
0x392: {  	v28 =	vor.u32 s21, v24  }
0x393: {  	v29 =	vmulhi.u32 $0x4EC4EC4F, v28;
	_ =	sdelay $0x1  }
0x394: {  	v27 =	vshrl.u32 v29, $0x3;
	v34 =	vshll.u32 v26, $0x3  }
0x395: {  	v33 =	vmul.u32 $0xFFFFFE6, v27;
	v27 =	vor.u32 s25, v25;
	v31 =	vand.u32 $0xFFFFFC00, v34  }
0x396: {  	v30 =	vand.u32 $0x7F, v26;
	v31 =	vadd.s32 v27, v31  }
0x397: {  	v28 =	vadd.s32 v28, v33;
	v33 =	vshll.u32 v29, $0x6;
	v30 =	vor.u32 v30, v31  }
0x398: {  	v32 =	vshll.u32 v28, $0x4;
	v28 =	vshll.u32 v28, $0x7;
	v31 =	vor.u32 v13, v30  }
0x399: {  	v33 =	vand.u32 $0x7FFFF000, v33;
	v28 =	vand.u32 $0xFFFFFC00, v28;
	v34 =	vadd.s32 $0x10, v26  }
0x39a: {  	v29 =	vshll.u32 v29, $0x4;
	v28 =	vadd.s32 v33, v28;
	v33 =	vshll.u32 v34, $0x3  }
0x39b: {  	v29 =	vand.u32 $0x380, v29;
	v32 =	vand.u32 $0x70, v32;
	v33 =	vand.u32 $0xFFFFFC00, v33  }
0x39c: {  	v29 =	vor.u32 v29, v32;
	v32 =	vand.u32 $0x7F, v34;
	v33 =	vadd.s32 v27, v33  }
0x39d: {  	v28 =	vor.u32 v28, v29;
	v32 =	vor.u32 v32, v33;
	v31 =	vld.idx.msk [tilespmem:v31+s10+$0x0], $0xffff  }
0x39e: {  	v29 =	vor.u32 v13, v32  }
0x39f: {  	v32 =	vadd.s32 $0x20, v26  }
0x3a0: {  	v33 =	vshll.u32 v32, $0x3  }
0x3a1: {  	v33 =	vand.u32 $0xFFFFFC00, v33  }
0x3a2: {  	[tilespmem:v28+s18+$0x0] =	vst.idx.msk $0xffff, v31;
	v31 =	vand.u32 $0x7F, v32;
	v32 =	vadd.s32 v27, v33  }
0x3a3: {  	v33 =	vor.u32 $0x1, v28;
	v29 =	vld.idx.msk [tilespmem:v29+s10+$0x0], $0xffff;
	v31 =	vor.u32 v31, v32  }
0x3a4: {  	v31 =	vor.u32 v13, v31  }
0x3a5: {  	v32 =	vadd.s32 $0x30, v26  }
0x3a6: {  	v34 =	vshll.u32 v32, $0x3  }
0x3a7: {  	v34 =	vand.u32 $0xFFFFFC00, v34  }
0x3a8: {  	[tilespmem:v33+s18+$0x0] =	vst.idx.msk $0xffff, v29;
	v29 =	vand.u32 $0x7F, v32;
	v32 =	vadd.s32 v27, v34  }
0x3a9: {  	v33 =	vor.u32 $0x2, v28;
	v31 =	vld.idx.msk [tilespmem:v31+s10+$0x0], $0xffff;
	v29 =	vor.u32 v29, v32  }
0x3aa: {  	v29 =	vor.u32 v13, v29  }
0x3ab: {  	v32 =	vadd.s32 $0x40, v26  }
0x3ac: {  	v34 =	vshll.u32 v32, $0x3  }
0x3ad: {  	v34 =	vand.u32 $0xFFFFFC00, v34  }
0x3ae: {  	[tilespmem:v33+s18+$0x0] =	vst.idx.msk $0xffff, v31;
	v31 =	vand.u32 $0x7F, v32;
	v32 =	vadd.s32 v27, v34  }
0x3af: {  	v33 =	vor.u32 $0x3, v28;
	v29 =	vld.idx.msk [tilespmem:v29+s10+$0x0], $0xffff;
	v31 =	vor.u32 v31, v32  }
0x3b0: {  	v31 =	vor.u32 v13, v31  }
0x3b1: {  	v32 =	vadd.s32 $0x50, v26  }
0x3b2: {  	v34 =	vshll.u32 v32, $0x3  }
0x3b3: {  	v34 =	vand.u32 $0xFFFFFC00, v34  }
0x3b4: {  	[tilespmem:v33+s18+$0x0] =	vst.idx.msk $0xffff, v29;
	v29 =	vand.u32 $0x7F, v32;
	v32 =	vadd.s32 v27, v34  }
0x3b5: {  	v33 =	vor.u32 $0x4, v28;
	v31 =	vld.idx.msk [tilespmem:v31+s10+$0x0], $0xffff;
	v29 =	vor.u32 v29, v32  }
0x3b6: {  	v29 =	vor.u32 v13, v29  }
0x3b7: {  	v32 =	vadd.s32 $0x60, v26  }
0x3b8: {  	v34 =	vshll.u32 v32, $0x3  }
0x3b9: {  	v34 =	vand.u32 $0xFFFFFC00, v34  }
0x3ba: {  	[tilespmem:v33+s18+$0x0] =	vst.idx.msk $0xffff, v31;
	v31 =	vand.u32 $0x7F, v32;
	v32 =	vadd.s32 v27, v34  }
0x3bb: {  	v33 =	vor.u32 $0x5, v28;
	v29 =	vld.idx.msk [tilespmem:v29+s10+$0x0], $0xffff;
	v31 =	vor.u32 v31, v32  }
0x3bc: {  	v31 =	vor.u32 v13, v31  }
0x3bd: {  	v32 =	vadd.s32 $0x70, v26  }
0x3be: {  	v34 =	vshll.u32 v32, $0x3  }
0x3bf: {  	v34 =	vand.u32 $0xFFFFFC00, v34  }
0x3c0: {  	[tilespmem:v33+s18+$0x0] =	vst.idx.msk $0xffff, v29;
	v29 =	vand.u32 $0x7F, v32;
	v32 =	vadd.s32 v27, v34  }
0x3c1: {  	v33 =	vor.u32 $0x6, v28;
	v31 =	vld.idx.msk [tilespmem:v31+s10+$0x0], $0xffff;
	v29 =	vor.u32 v29, v32  }
0x3c2: {  	v29 =	vor.u32 v13, v29;
	_ =	sdelay $0x3  }
0x3c3: {  	[tilespmem:v33+s18+$0x0] =	vst.idx.msk $0xffff, v31  }
0x3c4: {  	v31 =	vor.u32 $0x7, v28;
	v29 =	vld.idx.msk [tilespmem:v29+s10+$0x0], $0xffff  }
0x3c5: {  	v30 =	vadd.s32 v18, v30  }
0x3c6: {  	v32 =	vadd.s32 $0x90, v26  }
0x3c7: {  	v33 =	vshll.u32 v32, $0x3  }
0x3c8: {  	v33 =	vand.u32 $0xFFFFFC00, v33  }
0x3c9: {  	[tilespmem:v31+s18+$0x0] =	vst.idx.msk $0xffff, v29;
	v29 =	vand.u32 $0x7F, v32;
	v31 =	vadd.s32 v27, v33  }
0x3ca: {  	v32 =	vor.u32 $0x8, v28;
	v30 =	vld.idx.msk [tilespmem:v30+s10+$0x0], $0xffff;
	v29 =	vor.u32 v29, v31  }
0x3cb: {  	v29 =	vor.u32 v13, v29  }
0x3cc: {  	v31 =	vadd.s32 $0xA0, v26  }
0x3cd: {  	v33 =	vshll.u32 v31, $0x3  }
0x3ce: {  	v33 =	vand.u32 $0xFFFFFC00, v33  }
0x3cf: {  	[tilespmem:v32+s18+$0x0] =	vst.idx.msk $0xffff, v30;
	v30 =	vand.u32 $0x7F, v31;
	v31 =	vadd.s32 v27, v33  }
0x3d0: {  	v32 =	vor.u32 $0x9, v28;
	v29 =	vld.idx.msk [tilespmem:v29+s10+$0x0], $0xffff;
	v30 =	vor.u32 v30, v31  }
0x3d1: {  	v30 =	vor.u32 v13, v30  }
0x3d2: {  	v31 =	vadd.s32 $0xB0, v26  }
0x3d3: {  	v33 =	vshll.u32 v31, $0x3  }
0x3d4: {  	v33 =	vand.u32 $0xFFFFFC00, v33  }
0x3d5: {  	[tilespmem:v32+s18+$0x0] =	vst.idx.msk $0xffff, v29;
	v29 =	vand.u32 $0x7F, v31;
	v31 =	vadd.s32 v27, v33  }
0x3d6: {  	v32 =	vor.u32 $0xA, v28;
	v30 =	vld.idx.msk [tilespmem:v30+s10+$0x0], $0xffff;
	v29 =	vor.u32 v29, v31  }
0x3d7: {  	v29 =	vor.u32 v13, v29  }
0x3d8: {  	v31 =	vadd.s32 $0xC0, v26  }
0x3d9: {  	v33 =	vshll.u32 v31, $0x3  }
0x3da: {  	v33 =	vand.u32 $0xFFFFFC00, v33  }
0x3db: {  	[tilespmem:v32+s18+$0x0] =	vst.idx.msk $0xffff, v30;
	v30 =	vand.u32 $0x7F, v31;
	v31 =	vadd.s32 v27, v33  }
0x3dc: {  	v32 =	vor.u32 $0xB, v28;
	v29 =	vld.idx.msk [tilespmem:v29+s10+$0x0], $0xffff;
	v30 =	vor.u32 v30, v31  }
0x3dd: {  	v30 =	vor.u32 v13, v30  }
0x3de: {  	v31 =	vadd.s32 $0xD0, v26  }
0x3df: {  	v33 =	vshll.u32 v31, $0x3  }
0x3e0: {  	v33 =	vand.u32 $0xFFFFFC00, v33  }
0x3e1: {  	[tilespmem:v32+s18+$0x0] =	vst.idx.msk $0xffff, v29;
	v29 =	vand.u32 $0x7F, v31;
	v31 =	vadd.s32 v27, v33  }
0x3e2: {  	v32 =	vor.u32 $0xC, v28;
	v30 =	vld.idx.msk [tilespmem:v30+s10+$0x0], $0xffff;
	v29 =	vor.u32 v29, v31  }
0x3e3: {  	v29 =	vor.u32 v13, v29  }
0x3e4: {  	v31 =	vadd.s32 $0xE0, v26  }
0x3e5: {  	v33 =	vshll.u32 v31, $0x3  }
0x3e6: {  	v33 =	vand.u32 $0xFFFFFC00, v33  }
0x3e7: {  	[tilespmem:v32+s18+$0x0] =	vst.idx.msk $0xffff, v30;
	v30 =	vand.u32 $0x7F, v31;
	v31 =	vadd.s32 v27, v33  }
0x3e8: {  	v32 =	vor.u32 $0xD, v28;
	v29 =	vld.idx.msk [tilespmem:v29+s10+$0x0], $0xffff;
	v30 =	vor.u32 v30, v31  }
0x3e9: {  	v30 =	vor.u32 v13, v30  }
0x3ea: {  	v26 =	vadd.s32 $0xF0, v26  }
0x3eb: {  	v33 =	vshll.u32 v26, $0x3  }
0x3ec: {  	v31 =	vand.u32 $0xFFFFFC00, v33  }
0x3ed: {  	v26 =	vand.u32 $0x7F, v26;
	v27 =	vadd.s32 v27, v31;
	[tilespmem:v32+s18+$0x0] =	vst.idx.msk $0xffff, v29  }
0x3ee: {  	v34 =	vor.u32 $0xE, v28;
	v26 =	vor.u32 v26, v27;
	v29 =	vld.idx.msk [tilespmem:v30+s10+$0x0], $0xffff  }
0x3ef: {  	v26 =	vor.u32 v13, v26;
	_ =	sdelay $0x3  }
0x3f0: {  	s24 =	sadd.s32 $0x1, s24;
	[tilespmem:v34+s18+$0x0] =	vst.idx.msk $0xffff, v29  }
0x3f1: {  	p0 =	sne.s32 s24, $0x33;
	v27 =	vor.u32 $0xF, v28;
	v26 =	vld.idx.msk [tilespmem:v26+s10+$0x0], $0xffff  }
.Ltmp1:
0x3f2: {  	_ = 	snop;
	(pc) =	sbr.rel @p0 .LBB2_4-.Ltmp1, $2  }
0x3f3: {  	_ =	sdelay $0x2  }
0x3f4: {  	s22 =	sadd.s32 $0x40, s22;
	s21 =	sadd.s32 $0x40, s21;
	s23 =	sadd.s32 $0x40, s23;
	[tilespmem:v27+s18+$0x0] =	vst.idx.msk $0xffff, v26  }
0x3f5: {  	_ =	swait.ge [sflag:s19], $0x4000  }
0x3f6: {  	[sflag:s19] =	ssyncset.done $0x0  }
0x3f7: {  	[sflag:s19] =	ssyncadd.s32 $0xFFFFC000  }
0x3f8: {  	v26 =	vld [tilespmem:$0x33C0];
	_ =	sdelay $0x4  }
0x3f9: {  	v27 =	vshll.u32 v26, $0x3  }
0x3fa: {  	v28 =	vand.u32 $0x7F, v26;
	v27 =	vand.u32 $0xFFFFFC00, v27  }
0x3fb: {  	v27 =	vor.u32 v28, v27  }
0x3fc: {  	v28 =	vadd.s32 v3, v27;
	_ =	sdelay $0x1  }
0x3fd: {  	v32 =	vld [tilespmem:$0x1FD30];
	_ =	sdelay $0x1  }
0x3fe: {  	v29 =	vadd.s32 $0x10, v26  }
0x3ff: {  	v30 =	vshll.u32 v29, $0x3;
	v28 =	vld.idx.msk [tilespmem:v28+s10+$0x0], $0xffff  }
0x400: {  	v29 =	vand.u32 $0x7F, v29;
	v30 =	vand.u32 $0xFFFFFC00, v30  }
0x401: {  	v29 =	vor.u32 v29, v30  }
0x402: {  	v29 =	vadd.s32 v3, v29;
	_ =	sdelay $0x1  }
0x403: {  	[tilespmem:v32+s18+$0x0] =	vst.idx.msk $0xffff, v28;
	v32 =	vld [tilespmem:$0x1FD40];
	_ =	sdelay $0x1  }
0x404: {  	v30 =	vadd.s32 $0x20, v26  }
0x405: {  	v31 =	vshll.u32 v30, $0x3;
	v29 =	vld.idx.msk [tilespmem:v29+s10+$0x0], $0xffff  }
0x406: {  	v34 =	vand.u32 $0x7F, v30;
	v33 =	vand.u32 $0xFFFFFC00, v31  }
0x407: {  	v28 =	vor.u32 v34, v33  }
0x408: {  	v28 =	vadd.s32 v3, v28;
	_ =	sdelay $0x1  }
0x409: {  	[tilespmem:v32+s18+$0x0] =	vst.idx.msk $0xffff, v29;
	v32 =	vld [tilespmem:$0x1FD50];
	_ =	sdelay $0x1  }
0x40a: {  	v30 =	vadd.s32 $0x30, v26  }
0x40b: {  	v31 =	vshll.u32 v30, $0x3;
	v28 =	vld.idx.msk [tilespmem:v28+s10+$0x0], $0xffff  }
0x40c: {  	v34 =	vand.u32 $0x7F, v30;
	v33 =	vand.u32 $0xFFFFFC00, v31  }
0x40d: {  	v29 =	vor.u32 v34, v33  }
0x40e: {  	v29 =	vadd.s32 v3, v29;
	_ =	sdelay $0x1  }
0x40f: {  	[tilespmem:v32+s18+$0x0] =	vst.idx.msk $0xffff, v28;
	v32 =	vld [tilespmem:$0x1FD60];
	_ =	sdelay $0x1  }
0x410: {  	v30 =	vadd.s32 $0x40, v26  }
0x411: {  	v31 =	vshll.u32 v30, $0x3;
	v29 =	vld.idx.msk [tilespmem:v29+s10+$0x0], $0xffff  }
0x412: {  	v34 =	vand.u32 $0x7F, v30;
	v33 =	vand.u32 $0xFFFFFC00, v31  }
0x413: {  	v28 =	vor.u32 v34, v33  }
0x414: {  	v28 =	vadd.s32 v3, v28;
	_ =	sdelay $0x1  }
0x415: {  	[tilespmem:v32+s18+$0x0] =	vst.idx.msk $0xffff, v29;
	v32 =	vld [tilespmem:$0x1FD70];
	_ =	sdelay $0x1  }
0x416: {  	v30 =	vadd.s32 $0x50, v26  }
0x417: {  	v31 =	vshll.u32 v30, $0x3;
	v28 =	vld.idx.msk [tilespmem:v28+s10+$0x0], $0xffff  }
0x418: {  	v34 =	vand.u32 $0x7F, v30;
	v33 =	vand.u32 $0xFFFFFC00, v31  }
0x419: {  	v29 =	vor.u32 v34, v33  }
0x41a: {  	v29 =	vadd.s32 v3, v29;
	_ =	sdelay $0x1  }
0x41b: {  	[tilespmem:v32+s18+$0x0] =	vst.idx.msk $0xffff, v28;
	v32 =	vld [tilespmem:$0x1FD80];
	_ =	sdelay $0x1  }
0x41c: {  	v30 =	vadd.s32 $0x60, v26  }
0x41d: {  	v31 =	vshll.u32 v30, $0x3;
	v29 =	vld.idx.msk [tilespmem:v29+s10+$0x0], $0xffff  }
0x41e: {  	v34 =	vand.u32 $0x7F, v30;
	v33 =	vand.u32 $0xFFFFFC00, v31  }
0x41f: {  	v30 =	vadd.s32 $0x70, v26;
	v28 =	vor.u32 v34, v33  }
0x420: {  	v31 =	vshll.u32 v30, $0x3;
	v28 =	vadd.s32 v3, v28  }
0x421: {  	v34 =	vand.u32 $0x7F, v30;
	v33 =	vand.u32 $0xFFFFFC00, v31  }
0x422: {  	[tilespmem:v32+s18+$0x0] =	vst.idx.msk $0xffff, v29;
	v29 =	vor.u32 v34, v33;
	v34 =	vld [tilespmem:$0x1FD90]  }
0x423: {  	v33 =	vld [tilespmem:$0x1FDB0];
	_ =	sdelay $0x1  }
0x424: {  	v28 =	vld.idx.msk [tilespmem:v28+s10+$0x0], $0xffff  }
0x425: {  	v29 =	vadd.s32 v3, v29;
	_ =	sdelay $0x1  }
0x426: {  	v27 =	vadd.s32 v33, v27;
	v33 =	vld [tilespmem:$0x1FDA0];
	_ =	sdelay $0x1  }
0x427: {  	[tilespmem:v34+s18+$0x0] =	vst.idx.msk $0xffff, v28  }
0x428: {  	v28 =	vld.idx.msk [tilespmem:v29+s10+$0x0], $0xffff;
	_ =	sdelay $0x1  }
0x429: {  	v34 =	vadd.s32 $0x90, v26  }
0x42a: {  	v30 =	vshll.u32 v34, $0x3  }
0x42b: {  	v34 =	vand.u32 $0x7F, v34;
	v32 =	vand.u32 $0xFFFFFC00, v30  }
0x42c: {  	[tilespmem:v33+s18+$0x0] =	vst.idx.msk $0xffff, v28;
	v28 =	vor.u32 v34, v32;
	v34 =	vld [tilespmem:$0x1FDC0];
	_ =	sdelay $0x2  }
0x42d: {  	v27 =	vld.idx.msk [tilespmem:v27+s10+$0x0], $0xffff;
	_ =	sdelay $0x2  }
0x42e: {  	v29 =	vadd.s32 $0xA0, v26  }
0x42f: {  	v33 =	vshll.u32 v29, $0x3;
	v28 =	vadd.s32 v3, v28  }
0x430: {  	v33 =	vand.u32 $0xFFFFFC00, v33;
	[tilespmem:v34+s18+$0x0] =	vst.idx.msk $0xffff, v27;
	v27 =	vand.u32 $0x7F, v29  }
0x431: {  	v27 =	vor.u32 v27, v33;
	v33 =	vld [tilespmem:$0x1FDD0];
	_ =	sdelay $0x2  }
0x432: {  	v28 =	vld.idx.msk [tilespmem:v28+s10+$0x0], $0xffff;
	_ =	sdelay $0x1  }
0x433: {  	v34 =	vadd.s32 $0xB0, v26  }
0x434: {  	v30 =	vshll.u32 v34, $0x3;
	v27 =	vadd.s32 v3, v27  }
0x435: {  	v34 =	vand.u32 $0x7F, v34;
	v32 =	vand.u32 $0xFFFFFC00, v30  }
0x436: {  	[tilespmem:v33+s18+$0x0] =	vst.idx.msk $0xffff, v28;
	v28 =	vor.u32 v34, v32;
	v34 =	vld [tilespmem:$0x1FDE0];
	_ =	sdelay $0x2  }
0x437: {  	v27 =	vld.idx.msk [tilespmem:v27+s10+$0x0], $0xffff;
	_ =	sdelay $0x2  }
0x438: {  	v29 =	vadd.s32 $0xC0, v26  }
0x439: {  	v33 =	vshll.u32 v29, $0x3;
	v28 =	vadd.s32 v3, v28  }
0x43a: {  	v33 =	vand.u32 $0xFFFFFC00, v33;
	[tilespmem:v34+s18+$0x0] =	vst.idx.msk $0xffff, v27;
	v27 =	vand.u32 $0x7F, v29  }
0x43b: {  	v27 =	vor.u32 v27, v33;
	v33 =	vld [tilespmem:$0x1FDF0];
	_ =	sdelay $0x2  }
0x43c: {  	v28 =	vld.idx.msk [tilespmem:v28+s10+$0x0], $0xffff;
	_ =	sdelay $0x1  }
0x43d: {  	v34 =	vadd.s32 $0xD0, v26  }
0x43e: {  	v30 =	vshll.u32 v34, $0x3;
	v27 =	vadd.s32 v3, v27  }
0x43f: {  	v34 =	vand.u32 $0x7F, v34;
	v32 =	vand.u32 $0xFFFFFC00, v30  }
0x440: {  	[tilespmem:v33+s18+$0x0] =	vst.idx.msk $0xffff, v28;
	v28 =	vor.u32 v34, v32;
	v34 =	vld [tilespmem:$0x1FE00];
	_ =	sdelay $0x2  }
0x441: {  	v27 =	vld.idx.msk [tilespmem:v27+s10+$0x0], $0xffff;
	_ =	sdelay $0x2  }
0x442: {  	v29 =	vadd.s32 $0xE0, v26  }
0x443: {  	v33 =	vshll.u32 v29, $0x3;
	v28 =	vadd.s32 v3, v28  }
0x444: {  	v33 =	vand.u32 $0xFFFFFC00, v33;
	[tilespmem:v34+s18+$0x0] =	vst.idx.msk $0xffff, v27;
	v27 =	vand.u32 $0x7F, v29  }
0x445: {  	v27 =	vor.u32 v27, v33;
	v33 =	vld [tilespmem:$0x1FE10];
	_ =	sdelay $0x2  }
0x446: {  	v28 =	vld.idx.msk [tilespmem:v28+s10+$0x0], $0xffff  }
0x447: {  	v27 =	vadd.s32 v3, v27;
	_ =	sdelay $0x1  }
0x448: {  	v32 =	vld [tilespmem:$0x1FE20];
	_ =	sdelay $0x1  }
0x449: {  	v26 =	vadd.s32 $0xF0, v26;
	[tilespmem:v33+s18+$0x0] =	vst.idx.msk $0xffff, v28  }
0x44a: {  	v34 =	vshll.u32 v26, $0x3;
	v27 =	vld.idx.msk [tilespmem:v27+s10+$0x0], $0xffff  }
0x44b: {  	v26 =	vand.u32 $0x7F, v26;
	v34 =	vand.u32 $0xFFFFFC00, v34  }
0x44c: {  	v26 =	vor.u32 v26, v34  }
0x44d: {  	v26 =	vadd.s32 v3, v26;
	_ =	sdelay $0x1  }
0x44e: {  	[tilespmem:v32+s18+$0x0] =	vst.idx.msk $0xffff, v27;
	v27 =	vld [tilespmem:$0x1FE30];
	_ =	sdelay $0x2  }
0x44f: {  	v26 =	vld.idx.msk [tilespmem:v26+s10+$0x0], $0xffff;
	_ =	sdelay $0x4  }
0x450: {  	[tilespmem:v27+s18+$0x0] =	vst.idx.msk $0xffff, v26  }
0x451: {  	v26 =	vld [tilespmem:$0x33D0];
	_ =	sdelay $0x4  }
0x452: {  	v27 =	vshll.u32 v26, $0x3  }
0x453: {  	v33 =	vand.u32 $0x7F, v26;
	v27 =	vand.u32 $0xFFFFFC00, v27  }
0x454: {  	v27 =	vor.u32 v33, v27  }
0x455: {  	v28 =	vadd.s32 v21, v27;
	_ =	sdelay $0x1  }
0x456: {  	v32 =	vld [tilespmem:$0x1FE40];
	_ =	sdelay $0x1  }
0x457: {  	v34 =	vadd.s32 $0x10, v26  }
0x458: {  	v33 =	vshll.u32 v34, $0x3;
	v28 =	vld.idx.msk [tilespmem:v28+s10+$0x0], $0xffff  }
0x459: {  	v29 =	vand.u32 $0x7F, v34;
	v30 =	vand.u32 $0xFFFFFC00, v33  }
0x45a: {  	v29 =	vor.u32 v29, v30  }
0x45b: {  	v29 =	vadd.s32 v21, v29;
	_ =	sdelay $0x1  }
0x45c: {  	[tilespmem:v32+s18+$0x0] =	vst.idx.msk $0xffff, v28;
	v32 =	vld [tilespmem:$0x1FE50];
	_ =	sdelay $0x1  }
0x45d: {  	v30 =	vadd.s32 $0x20, v26  }
0x45e: {  	v31 =	vshll.u32 v30, $0x3;
	v29 =	vld.idx.msk [tilespmem:v29+s10+$0x0], $0xffff  }
0x45f: {  	v34 =	vand.u32 $0x7F, v30;
	v33 =	vand.u32 $0xFFFFFC00, v31  }
0x460: {  	v28 =	vor.u32 v34, v33  }
0x461: {  	v28 =	vadd.s32 v21, v28;
	_ =	sdelay $0x1  }
0x462: {  	[tilespmem:v32+s18+$0x0] =	vst.idx.msk $0xffff, v29;
	v32 =	vld [tilespmem:$0x1FE60];
	_ =	sdelay $0x1  }
0x463: {  	v30 =	vadd.s32 $0x30, v26  }
0x464: {  	v31 =	vshll.u32 v30, $0x3;
	v28 =	vld.idx.msk [tilespmem:v28+s10+$0x0], $0xffff  }
0x465: {  	v34 =	vand.u32 $0x7F, v30;
	v33 =	vand.u32 $0xFFFFFC00, v31  }
0x466: {  	v29 =	vor.u32 v34, v33  }
0x467: {  	v29 =	vadd.s32 v21, v29;
	_ =	sdelay $0x1  }
0x468: {  	[tilespmem:v32+s18+$0x0] =	vst.idx.msk $0xffff, v28;
	v32 =	vld [tilespmem:$0x1FE70];
	_ =	sdelay $0x1  }
0x469: {  	v30 =	vadd.s32 $0x40, v26  }
0x46a: {  	v31 =	vshll.u32 v30, $0x3;
	v29 =	vld.idx.msk [tilespmem:v29+s10+$0x0], $0xffff  }
0x46b: {  	v34 =	vand.u32 $0x7F, v30;
	v33 =	vand.u32 $0xFFFFFC00, v31  }
0x46c: {  	v28 =	vor.u32 v34, v33  }
0x46d: {  	v28 =	vadd.s32 v21, v28;
	_ =	sdelay $0x1  }
0x46e: {  	[tilespmem:v32+s18+$0x0] =	vst.idx.msk $0xffff, v29;
	v32 =	vld [tilespmem:$0x1FE80];
	_ =	sdelay $0x1  }
0x46f: {  	v30 =	vadd.s32 $0x50, v26  }
0x470: {  	v31 =	vshll.u32 v30, $0x3;
	v28 =	vld.idx.msk [tilespmem:v28+s10+$0x0], $0xffff  }
0x471: {  	v34 =	vand.u32 $0x7F, v30;
	v33 =	vand.u32 $0xFFFFFC00, v31  }
0x472: {  	v29 =	vor.u32 v34, v33  }
0x473: {  	v29 =	vadd.s32 v21, v29;
	_ =	sdelay $0x1  }
0x474: {  	[tilespmem:v32+s18+$0x0] =	vst.idx.msk $0xffff, v28;
	v32 =	vld [tilespmem:$0x1FE90];
	_ =	sdelay $0x1  }
0x475: {  	v30 =	vadd.s32 $0x60, v26  }
0x476: {  	v31 =	vshll.u32 v30, $0x3;
	v29 =	vld.idx.msk [tilespmem:v29+s10+$0x0], $0xffff  }
0x477: {  	v34 =	vand.u32 $0x7F, v30;
	v33 =	vand.u32 $0xFFFFFC00, v31  }
0x478: {  	v30 =	vadd.s32 $0x70, v26;
	v28 =	vor.u32 v34, v33  }
0x479: {  	v31 =	vshll.u32 v30, $0x3;
	v28 =	vadd.s32 v21, v28  }
0x47a: {  	v34 =	vand.u32 $0x7F, v30;
	v33 =	vand.u32 $0xFFFFFC00, v31  }
0x47b: {  	[tilespmem:v32+s18+$0x0] =	vst.idx.msk $0xffff, v29;
	v29 =	vor.u32 v34, v33;
	v34 =	vld [tilespmem:$0x1FEA0]  }
0x47c: {  	v33 =	vld [tilespmem:$0x1FEC0];
	_ =	sdelay $0x1  }
0x47d: {  	v28 =	vld.idx.msk [tilespmem:v28+s10+$0x0], $0xffff  }
0x47e: {  	v29 =	vadd.s32 v21, v29;
	_ =	sdelay $0x1  }
0x47f: {  	v27 =	vadd.s32 v33, v27;
	v33 =	vld [tilespmem:$0x1FEB0];
	_ =	sdelay $0x1  }
0x480: {  	[tilespmem:v34+s18+$0x0] =	vst.idx.msk $0xffff, v28  }
0x481: {  	v28 =	vld.idx.msk [tilespmem:v29+s10+$0x0], $0xffff;
	_ =	sdelay $0x1  }
0x482: {  	v34 =	vadd.s32 $0x90, v26  }
0x483: {  	v30 =	vshll.u32 v34, $0x3  }
0x484: {  	v34 =	vand.u32 $0x7F, v34;
	v32 =	vand.u32 $0xFFFFFC00, v30  }
0x485: {  	[tilespmem:v33+s18+$0x0] =	vst.idx.msk $0xffff, v28;
	v28 =	vor.u32 v34, v32;
	v34 =	vld [tilespmem:$0x1FED0];
	_ =	sdelay $0x2  }
0x486: {  	v27 =	vld.idx.msk [tilespmem:v27+s10+$0x0], $0xffff;
	_ =	sdelay $0x2  }
0x487: {  	v29 =	vadd.s32 $0xA0, v26  }
0x488: {  	v33 =	vshll.u32 v29, $0x3;
	v28 =	vadd.s32 v21, v28  }
0x489: {  	v33 =	vand.u32 $0xFFFFFC00, v33;
	[tilespmem:v34+s18+$0x0] =	vst.idx.msk $0xffff, v27;
	v27 =	vand.u32 $0x7F, v29  }
0x48a: {  	v27 =	vor.u32 v27, v33;
	v33 =	vld [tilespmem:$0x1FEE0];
	_ =	sdelay $0x2  }
0x48b: {  	v28 =	vld.idx.msk [tilespmem:v28+s10+$0x0], $0xffff;
	_ =	sdelay $0x1  }
0x48c: {  	v34 =	vadd.s32 $0xB0, v26  }
0x48d: {  	v30 =	vshll.u32 v34, $0x3;
	v27 =	vadd.s32 v21, v27  }
0x48e: {  	v34 =	vand.u32 $0x7F, v34;
	v32 =	vand.u32 $0xFFFFFC00, v30  }
0x48f: {  	[tilespmem:v33+s18+$0x0] =	vst.idx.msk $0xffff, v28;
	v28 =	vor.u32 v34, v32;
	v34 =	vld [tilespmem:$0x1FEF0];
	_ =	sdelay $0x2  }
0x490: {  	v27 =	vld.idx.msk [tilespmem:v27+s10+$0x0], $0xffff;
	_ =	sdelay $0x2  }
0x491: {  	v29 =	vadd.s32 $0xC0, v26  }
0x492: {  	v33 =	vshll.u32 v29, $0x3;
	v28 =	vadd.s32 v21, v28  }
0x493: {  	v33 =	vand.u32 $0xFFFFFC00, v33;
	[tilespmem:v34+s18+$0x0] =	vst.idx.msk $0xffff, v27;
	v27 =	vand.u32 $0x7F, v29  }
0x494: {  	v27 =	vor.u32 v27, v33;
	v33 =	vld [tilespmem:$0x1FF00];
	_ =	sdelay $0x2  }
0x495: {  	v28 =	vld.idx.msk [tilespmem:v28+s10+$0x0], $0xffff  }
0x496: {  	v27 =	vadd.s32 v21, v27;
	_ =	sdelay $0x1  }
0x497: {  	v34 =	vadd.s32 $0xD0, v26  }
0x498: {  	v30 =	vshll.u32 v34, $0x3  }
0x499: {  	v34 =	vand.u32 $0x7F, v34;
	v32 =	vand.u32 $0xFFFFFC00, v30;
	[tilespmem:v33+s18+$0x0] =	vst.idx.msk $0xffff, v28  }
0x49a: {  	v28 =	vor.u32 v34, v32;
	v27 =	vld.idx.msk [tilespmem:v27+s10+$0x0], $0xffff  }
0x49b: {  	v28 =	vadd.s32 v21, v28;
	_ =	sdelay $0x1  }
0x49c: {  	v33 =	vadd.s32 $0xE0, v26  }
0x49d: {  	v34 =	vshll.u32 v33, $0x3  }
0x49e: {  	[tilespmem:v35+s18+$0x0] =	vst.idx.msk $0xffff, v27;
	v27 =	vand.u32 $0x7F, v33;
	v33 =	vand.u32 $0xFFFFFC00, v34  }
0x49f: {  	v28 =	vld.idx.msk [tilespmem:v28+s10+$0x0], $0xffff;
	v27 =	vor.u32 v27, v33  }
0x4a0: {  	v27 =	vadd.s32 v21, v27;
	_ =	sdelay $0x1  }
0x4a1: {  	v26 =	vadd.s32 $0xF0, v26  }
0x4a2: {  	v34 =	vshll.u32 v26, $0x3  }
0x4a3: {  	v26 =	vand.u32 $0x7F, v26;
	v32 =	vand.u32 $0xFFFFFC00, v34;
	[tilespmem:v36+s18+$0x0] =	vst.idx.msk $0xffff, v28  }
0x4a4: {  	v26 =	vor.u32 v26, v32;
	v27 =	vld.idx.msk [tilespmem:v27+s10+$0x0], $0xffff  }
0x4a5: {  	v26 =	vadd.s32 v21, v26;
	_ =	sdelay $0x3  }
0x4a6: {  	[tilespmem:v37+s18+$0x0] =	vst.idx.msk $0xffff, v27  }
0x4a7: {  	v26 =	vld.idx.msk [tilespmem:v26+s10+$0x0], $0xffff;
	_ =	sdelay $0x4  }
0x4a8: {  	[tilespmem:v38+s18+$0x0] =	vst.idx.msk $0xffff, v26  }
0x4a9: {  	v26 =	vld [tilespmem:$0x33E0];
	_ =	sdelay $0x4  }
0x4aa: {  	v27 =	vshll.u32 v26, $0x3  }
0x4ab: {  	v33 =	vand.u32 $0x7F, v26;
	v27 =	vand.u32 $0xFFFFFC00, v27  }
0x4ac: {  	v27 =	vor.u32 v33, v27  }
0x4ad: {  	v28 =	vadd.s32 v39, v27;
	_ =	sdelay $0x1  }
0x4ae: {  	v34 =	vadd.s32 $0x10, v26  }
0x4af: {  	v33 =	vshll.u32 v34, $0x3  }
0x4b0: {  	v29 =	vand.u32 $0x7F, v34;
	v30 =	vand.u32 $0xFFFFFC00, v33  }
0x4b1: {  	v29 =	vor.u32 v29, v30;
	v28 =	vld.idx.msk [tilespmem:v28+s10+$0x0], $0xffff  }
0x4b2: {  	v29 =	vadd.s32 v39, v29;
	_ =	sdelay $0x1  }
0x4b3: {  	v34 =	vadd.s32 $0x20, v26  }
0x4b4: {  	v33 =	vshll.u32 v34, $0x3  }
0x4b5: {  	v34 =	vand.u32 $0x7F, v34;
	v33 =	vand.u32 $0xFFFFFC00, v33;
	[tilespmem:v40+s18+$0x0] =	vst.idx.msk $0xffff, v28  }
0x4b6: {  	v28 =	vor.u32 v34, v33;
	v29 =	vld.idx.msk [tilespmem:v29+s10+$0x0], $0xffff  }
0x4b7: {  	v28 =	vadd.s32 v39, v28;
	_ =	sdelay $0x1  }
0x4b8: {  	v34 =	vadd.s32 $0x30, v26  }
0x4b9: {  	v33 =	vshll.u32 v34, $0x3  }
0x4ba: {  	v34 =	vand.u32 $0x7F, v34;
	v33 =	vand.u32 $0xFFFFFC00, v33;
	[tilespmem:v41+s18+$0x0] =	vst.idx.msk $0xffff, v29  }
0x4bb: {  	v29 =	vor.u32 v34, v33;
	v28 =	vld.idx.msk [tilespmem:v28+s10+$0x0], $0xffff  }
0x4bc: {  	v29 =	vadd.s32 v39, v29;
	_ =	sdelay $0x1  }
0x4bd: {  	v34 =	vadd.s32 $0x40, v26  }
0x4be: {  	v33 =	vshll.u32 v34, $0x3  }
0x4bf: {  	v34 =	vand.u32 $0x7F, v34;
	v33 =	vand.u32 $0xFFFFFC00, v33;
	[tilespmem:v42+s18+$0x0] =	vst.idx.msk $0xffff, v28  }
0x4c0: {  	v28 =	vor.u32 v34, v33;
	v29 =	vld.idx.msk [tilespmem:v29+s10+$0x0], $0xffff  }
0x4c1: {  	v28 =	vadd.s32 v39, v28;
	_ =	sdelay $0x1  }
0x4c2: {  	v34 =	vadd.s32 $0x50, v26  }
0x4c3: {  	v33 =	vshll.u32 v34, $0x3  }
0x4c4: {  	v34 =	vand.u32 $0x7F, v34;
	v33 =	vand.u32 $0xFFFFFC00, v33;
	[tilespmem:v43+s18+$0x0] =	vst.idx.msk $0xffff, v29  }
0x4c5: {  	v29 =	vor.u32 v34, v33;
	v28 =	vld.idx.msk [tilespmem:v28+s10+$0x0], $0xffff  }
0x4c6: {  	v29 =	vadd.s32 v39, v29;
	_ =	sdelay $0x1  }
0x4c7: {  	v34 =	vadd.s32 $0x60, v26  }
0x4c8: {  	v33 =	vshll.u32 v34, $0x3  }
0x4c9: {  	v34 =	vand.u32 $0x7F, v34;
	v33 =	vand.u32 $0xFFFFFC00, v33;
	[tilespmem:v44+s18+$0x0] =	vst.idx.msk $0xffff, v28  }
0x4ca: {  	v28 =	vor.u32 v34, v33;
	v29 =	vld.idx.msk [tilespmem:v29+s10+$0x0], $0xffff  }
0x4cb: {  	v28 =	vadd.s32 v39, v28;
	_ =	sdelay $0x1  }
0x4cc: {  	v34 =	vadd.s32 $0x70, v26  }
0x4cd: {  	v33 =	vshll.u32 v34, $0x3  }
0x4ce: {  	v34 =	vand.u32 $0x7F, v34;
	v33 =	vand.u32 $0xFFFFFC00, v33;
	[tilespmem:v45+s18+$0x0] =	vst.idx.msk $0xffff, v29  }
0x4cf: {  	v29 =	vor.u32 v34, v33;
	v28 =	vld.idx.msk [tilespmem:v28+s10+$0x0], $0xffff  }
0x4d0: {  	v29 =	vadd.s32 v39, v29;
	_ =	sdelay $0x3  }
0x4d1: {  	[tilespmem:v46+s18+$0x0] =	vst.idx.msk $0xffff, v28  }
0x4d2: {  	v28 =	vld.idx.msk [tilespmem:v29+s10+$0x0], $0xffff  }
0x4d3: {  	v27 =	vadd.s32 v48, v27;
	_ =	sdelay $0x1  }
0x4d4: {  	v34 =	vadd.s32 $0x90, v26  }
0x4d5: {  	v33 =	vshll.u32 v34, $0x3  }
0x4d6: {  	v34 =	vand.u32 $0x7F, v34;
	v32 =	vand.u32 $0xFFFFFC00, v33;
	[tilespmem:v47+s18+$0x0] =	vst.idx.msk $0xffff, v28  }
0x4d7: {  	v28 =	vor.u32 v34, v32;
	v27 =	vld.idx.msk [tilespmem:v27+s10+$0x0], $0xffff  }
0x4d8: {  	v28 =	vadd.s32 v39, v28;
	_ =	sdelay $0x1  }
0x4d9: {  	v33 =	vadd.s32 $0xA0, v26  }
0x4da: {  	v34 =	vshll.u32 v33, $0x3  }
0x4db: {  	[tilespmem:v49+s18+$0x0] =	vst.idx.msk $0xffff, v27;
	v27 =	vand.u32 $0x7F, v33;
	v33 =	vand.u32 $0xFFFFFC00, v34  }
0x4dc: {  	v28 =	vld.idx.msk [tilespmem:v28+s10+$0x0], $0xffff;
	v27 =	vor.u32 v27, v33  }
0x4dd: {  	v27 =	vadd.s32 v39, v27;
	_ =	sdelay $0x1  }
0x4de: {  	v34 =	vadd.s32 $0xB0, v26  }
0x4df: {  	v33 =	vshll.u32 v34, $0x3  }
0x4e0: {  	v34 =	vand.u32 $0x7F, v34;
	v32 =	vand.u32 $0xFFFFFC00, v33;
	[tilespmem:v50+s18+$0x0] =	vst.idx.msk $0xffff, v28  }
0x4e1: {  	v28 =	vor.u32 v34, v32;
	v27 =	vld.idx.msk [tilespmem:v27+s10+$0x0], $0xffff  }
0x4e2: {  	v28 =	vadd.s32 v39, v28;
	_ =	sdelay $0x1  }
0x4e3: {  	v33 =	vadd.s32 $0xC0, v26  }
0x4e4: {  	v34 =	vshll.u32 v33, $0x3  }
0x4e5: {  	[tilespmem:v51+s18+$0x0] =	vst.idx.msk $0xffff, v27;
	v27 =	vand.u32 $0x7F, v33;
	v33 =	vand.u32 $0xFFFFFC00, v34  }
0x4e6: {  	v28 =	vld.idx.msk [tilespmem:v28+s10+$0x0], $0xffff;
	v27 =	vor.u32 v27, v33  }
0x4e7: {  	v27 =	vadd.s32 v39, v27;
	_ =	sdelay $0x1  }
0x4e8: {  	v34 =	vadd.s32 $0xD0, v26  }
0x4e9: {  	v33 =	vshll.u32 v34, $0x3  }
0x4ea: {  	v34 =	vand.u32 $0x7F, v34;
	v32 =	vand.u32 $0xFFFFFC00, v33;
	[tilespmem:v52+s18+$0x0] =	vst.idx.msk $0xffff, v28  }
0x4eb: {  	v28 =	vor.u32 v34, v32;
	v27 =	vld.idx.msk [tilespmem:v27+s10+$0x0], $0xffff  }
0x4ec: {  	v28 =	vadd.s32 v39, v28;
	_ =	sdelay $0x1  }
0x4ed: {  	v33 =	vadd.s32 $0xE0, v26  }
0x4ee: {  	v34 =	vshll.u32 v33, $0x3  }
0x4ef: {  	[tilespmem:v53+s18+$0x0] =	vst.idx.msk $0xffff, v27;
	v27 =	vand.u32 $0x7F, v33;
	v33 =	vand.u32 $0xFFFFFC00, v34  }
0x4f0: {  	v28 =	vld.idx.msk [tilespmem:v28+s10+$0x0], $0xffff;
	v27 =	vor.u32 v27, v33  }
0x4f1: {  	v27 =	vadd.s32 v39, v27;
	_ =	sdelay $0x1  }
0x4f2: {  	v26 =	vadd.s32 $0xF0, v26  }
0x4f3: {  	v34 =	vshll.u32 v26, $0x3  }
0x4f4: {  	v26 =	vand.u32 $0x7F, v26;
	v32 =	vand.u32 $0xFFFFFC00, v34;
	[tilespmem:v54+s18+$0x0] =	vst.idx.msk $0xffff, v28  }
0x4f5: {  	v26 =	vor.u32 v26, v32;
	v27 =	vld.idx.msk [tilespmem:v27+s10+$0x0], $0xffff  }
0x4f6: {  	v26 =	vadd.s32 v39, v26;
	_ =	sdelay $0x3  }
0x4f7: {  	[tilespmem:v55+s18+$0x0] =	vst.idx.msk $0xffff, v27  }
0x4f8: {  	v26 =	vld.idx.msk [tilespmem:v26+s10+$0x0], $0xffff;
	_ =	sdelay $0x4  }
0x4f9: {  	[tilespmem:v56+s18+$0x0] =	vst.idx.msk $0xffff, v26  }
0x4fa: {  	v26 =	vld [tilespmem:$0x33F0];
	_ =	sdelay $0x4  }
0x4fb: {  	v27 =	vshll.u32 v26, $0x3  }
0x4fc: {  	v33 =	vand.u32 $0x7F, v26;
	v27 =	vand.u32 $0xFFFFFC00, v27  }
0x4fd: {  	v27 =	vor.u32 v33, v27  }
0x4fe: {  	v28 =	vadd.s32 v57, v27;
	_ =	sdelay $0x1  }
0x4ff: {  	v34 =	vadd.s32 $0x10, v26  }
0x500: {  	v33 =	vshll.u32 v34, $0x3  }
0x501: {  	v29 =	vand.u32 $0x7F, v34;
	v30 =	vand.u32 $0xFFFFFC00, v33  }
0x502: {  	v29 =	vor.u32 v29, v30;
	v28 =	vld.idx.msk [tilespmem:v28+s10+$0x0], $0xffff  }
0x503: {  	v29 =	vadd.s32 v57, v29;
	_ =	sdelay $0x1  }
0x504: {  	v34 =	vadd.s32 $0x20, v26  }
0x505: {  	v33 =	vshll.u32 v34, $0x3  }
0x506: {  	v34 =	vand.u32 $0x7F, v34;
	v33 =	vand.u32 $0xFFFFFC00, v33;
	[tilespmem:v58+s18+$0x0] =	vst.idx.msk $0xffff, v28  }
0x507: {  	v28 =	vor.u32 v34, v33;
	v29 =	vld.idx.msk [tilespmem:v29+s10+$0x0], $0xffff  }
0x508: {  	v28 =	vadd.s32 v57, v28;
	_ =	sdelay $0x1  }
0x509: {  	v34 =	vadd.s32 $0x30, v26  }
0x50a: {  	v33 =	vshll.u32 v34, $0x3  }
0x50b: {  	v34 =	vand.u32 $0x7F, v34;
	v33 =	vand.u32 $0xFFFFFC00, v33;
	[tilespmem:v59+s18+$0x0] =	vst.idx.msk $0xffff, v29  }
0x50c: {  	v29 =	vor.u32 v34, v33;
	v28 =	vld.idx.msk [tilespmem:v28+s10+$0x0], $0xffff  }
0x50d: {  	v29 =	vadd.s32 v57, v29;
	_ =	sdelay $0x1  }
0x50e: {  	v34 =	vadd.s32 $0x40, v26  }
0x50f: {  	v33 =	vshll.u32 v34, $0x3  }
0x510: {  	v34 =	vand.u32 $0x7F, v34;
	v33 =	vand.u32 $0xFFFFFC00, v33;
	[tilespmem:v60+s18+$0x0] =	vst.idx.msk $0xffff, v28  }
0x511: {  	v28 =	vor.u32 v34, v33;
	v29 =	vld.idx.msk [tilespmem:v29+s10+$0x0], $0xffff  }
0x512: {  	v28 =	vadd.s32 v57, v28;
	_ =	sdelay $0x1  }
0x513: {  	v34 =	vadd.s32 $0x50, v26  }
0x514: {  	v33 =	vshll.u32 v34, $0x3  }
0x515: {  	v34 =	vand.u32 $0x7F, v34;
	v33 =	vand.u32 $0xFFFFFC00, v33;
	[tilespmem:v61+s18+$0x0] =	vst.idx.msk $0xffff, v29  }
0x516: {  	v29 =	vor.u32 v34, v33;
	v28 =	vld.idx.msk [tilespmem:v28+s10+$0x0], $0xffff  }
0x517: {  	v29 =	vadd.s32 v57, v29;
	_ =	sdelay $0x1  }
0x518: {  	v34 =	vadd.s32 $0x60, v26  }
0x519: {  	v33 =	vshll.u32 v34, $0x3  }
0x51a: {  	v34 =	vand.u32 $0x7F, v34;
	v33 =	vand.u32 $0xFFFFFC00, v33;
	[tilespmem:v62+s18+$0x0] =	vst.idx.msk $0xffff, v28  }
0x51b: {  	v28 =	vor.u32 v34, v33;
	v29 =	vld.idx.msk [tilespmem:v29+s10+$0x0], $0xffff  }
0x51c: {  	v28 =	vadd.s32 v57, v28;
	_ =	sdelay $0x1  }
0x51d: {  	v34 =	vadd.s32 $0x70, v26  }
0x51e: {  	v33 =	vshll.u32 v34, $0x3  }
0x51f: {  	v34 =	vand.u32 $0x7F, v34;
	v33 =	vand.u32 $0xFFFFFC00, v33;
	[tilespmem:v63+s18+$0x0] =	vst.idx.msk $0xffff, v29  }
0x520: {  	v29 =	vor.u32 v34, v33;
	v28 =	vld.idx.msk [tilespmem:v28+s10+$0x0], $0xffff  }
0x521: {  	v29 =	vadd.s32 v57, v29;
	_ =	sdelay $0x3  }
0x522: {  	[tilespmem:v4+s18+$0x0] =	vst.idx.msk $0xffff, v28  }
0x523: {  	v28 =	vld.idx.msk [tilespmem:v29+s10+$0x0], $0xffff  }
0x524: {  	v27 =	vadd.s32 v6, v27;
	_ =	sdelay $0x1  }
0x525: {  	v34 =	vadd.s32 $0x90, v26  }
0x526: {  	v33 =	vshll.u32 v34, $0x3  }
0x527: {  	v34 =	vand.u32 $0x7F, v34;
	v32 =	vand.u32 $0xFFFFFC00, v33;
	[tilespmem:v5+s18+$0x0] =	vst.idx.msk $0xffff, v28  }
0x528: {  	v28 =	vor.u32 v34, v32;
	v27 =	vld.idx.msk [tilespmem:v27+s10+$0x0], $0xffff  }
0x529: {  	v28 =	vadd.s32 v57, v28;
	_ =	sdelay $0x1  }
0x52a: {  	v33 =	vadd.s32 $0xA0, v26  }
0x52b: {  	v34 =	vshll.u32 v33, $0x3  }
0x52c: {  	[tilespmem:v7+s18+$0x0] =	vst.idx.msk $0xffff, v27;
	v27 =	vand.u32 $0x7F, v33;
	v33 =	vand.u32 $0xFFFFFC00, v34  }
0x52d: {  	v28 =	vld.idx.msk [tilespmem:v28+s10+$0x0], $0xffff;
	v27 =	vor.u32 v27, v33  }
0x52e: {  	v27 =	vadd.s32 v57, v27;
	_ =	sdelay $0x1  }
0x52f: {  	v34 =	vadd.s32 $0xB0, v26  }
0x530: {  	v33 =	vshll.u32 v34, $0x3  }
0x531: {  	v34 =	vand.u32 $0x7F, v34;
	v32 =	vand.u32 $0xFFFFFC00, v33;
	[tilespmem:v8+s18+$0x0] =	vst.idx.msk $0xffff, v28  }
0x532: {  	v28 =	vor.u32 v34, v32;
	v27 =	vld.idx.msk [tilespmem:v27+s10+$0x0], $0xffff  }
0x533: {  	v28 =	vadd.s32 v57, v28;
	_ =	sdelay $0x1  }
0x534: {  	v33 =	vadd.s32 $0xC0, v26  }
0x535: {  	v34 =	vshll.u32 v33, $0x3  }
0x536: {  	[tilespmem:v9+s18+$0x0] =	vst.idx.msk $0xffff, v27;
	v27 =	vand.u32 $0x7F, v33;
	v33 =	vand.u32 $0xFFFFFC00, v34  }
0x537: {  	v28 =	vld.idx.msk [tilespmem:v28+s10+$0x0], $0xffff;
	v27 =	vor.u32 v27, v33  }
0x538: {  	v27 =	vadd.s32 v57, v27;
	_ =	sdelay $0x1  }
0x539: {  	v34 =	vadd.s32 $0xD0, v26  }
0x53a: {  	v33 =	vshll.u32 v34, $0x3  }
0x53b: {  	v34 =	vand.u32 $0x7F, v34;
	v32 =	vand.u32 $0xFFFFFC00, v33;
	[tilespmem:v10+s18+$0x0] =	vst.idx.msk $0xffff, v28  }
0x53c: {  	v28 =	vor.u32 v34, v32;
	v27 =	vld.idx.msk [tilespmem:v27+s10+$0x0], $0xffff  }
0x53d: {  	v28 =	vadd.s32 v57, v28;
	_ =	sdelay $0x1  }
0x53e: {  	v33 =	vadd.s32 $0xE0, v26  }
0x53f: {  	v34 =	vshll.u32 v33, $0x3  }
0x540: {  	v32 =	vand.u32 $0xFFFFFC00, v34;
	[tilespmem:v11+s18+$0x0] =	vst.idx.msk $0xffff, v27;
	v27 =	vand.u32 $0x7F, v33  }
0x541: {  	v28 =	vld.idx.msk [tilespmem:v28+s10+$0x0], $0xffff;
	v27 =	vor.u32 v27, v32  }
0x542: {  	v27 =	vadd.s32 v57, v27;
	_ =	sdelay $0x1  }
0x543: {  	v26 =	vadd.s32 $0xF0, v26  }
0x544: {  	v33 =	vshll.u32 v26, $0x3  }
0x545: {  	v26 =	vand.u32 $0x7F, v26;
	v34 =	vand.u32 $0xFFFFFC00, v33;
	[tilespmem:v14+s18+$0x0] =	vst.idx.msk $0xffff, v28  }
0x546: {  	v26 =	vor.u32 v26, v34;
	v27 =	vld.idx.msk [tilespmem:v27+s10+$0x0], $0xffff  }
0x547: {  	v26 =	vadd.s32 v57, v26;
	_ =	sdelay $0x3  }
0x548: {  	[tilespmem:v15+s18+$0x0] =	vst.idx.msk $0xffff, v27  }
0x549: {  	v26 =	vld.idx.msk [tilespmem:v26+s10+$0x0], $0xffff;
	_ =	sdelay $0x2  }
0x54a: {  	s20 =	sadd.s32 $0x1, s20  }
0x54b: {  	p0 =	sne.s32 s20, s7  }
.Ltmp2:
0x54c: {  	[tilespmem:v16+s18+$0x0] =	vst.idx.msk $0xffff, v26;
	(pc) =	sbr.rel @p0 .LBB2_1-.Ltmp2, $4  }
0x54d: {  	[hbm4b:s6+s3] =	stream.linear.scatter [tilespmem:s18], [sflag:$0x3], $0x10000, $0x38;
	[tilespmem:$0x1B400] =	vst v63  }
0x54e: {  	_ =	swait.ge [sflag:s8], $0x10000  }
0x54f: {  	[sflag:s8] =	ssyncset.done $0x0  }
0x550: {  	[sflag:s8] =	ssyncadd.s32 $0xFFFF0000  }
0x551: {  	_ =	sfence.sel $0x180000  }
0x552: {  	[bflag:$0x0] =	sbarrier.arrive $0xFFFF  }
0x553: {  	p0 =	sne.s32 s0, $0x0;
	_ =	strace $0x9000004A  }
0x554: {  	s0 =	sadd.s32 @!p0 $0x100000, s1;
	[bflag:$0x2] =	sbarrier.arrive $0xFFFF  }
0x555: {  	[sflag:s0] =	ssyncadd.tile.s32 @!p0 $0x1;
	_ =	shalt  }
.Lfunc_end2:
_tile_overlayer_lowered:
.L_overlay_start_2:
0x556: {  	(tag) =	ssettag $0x2  }
0x557: {  	s0 =	rddreg [dreg:$0x0];
	s2 =	stileid.u32  }
0x558: {  	s1 =	rddreg [dreg:$0x1];
	p0 =	sne.s32 s2, $0x0  }
0x559: {  	s3 =	rddreg [dreg:$0x2];
	[bflag:$0x3] =	sbarrier.arrive $0xFFFF;
	s2 =	simm.s32 @!p0 $0x1C03  }
0x55a: {  	[timem:s3], [sflag:s2] =	dma.local @!p0 [hbm:s0], s1  }
0x55b: {  	s0 =	simm.s32 @!p0 $0x3  }
0x55c: {  	_ =	swait.ge @!p0 [sflag:s0], s1  }
0x55d: {  	s1 =	ssub.s32 @!p0 $0x0, s1;
	[sflag:s0] =	ssyncset.done @!p0 $0x0  }
0x55e: {  	[sflag:s0] =	ssyncadd.s32 @!p0 s1  }
0x55f: {  	[bflag:$0x3] =	sbarrier.arrive $0xFFFF  }
0x560: {  	_ =	shalt  }

// kernel: kernel.9.cloned.1.call-start
scs
__scs_entry_jumppad:
0x0: {  	(pc) =	sbr.rel $0x88, $3  }
0x1: {  	(tag) =	ssettag $0x0;
	lr =	simm.s32 $0x1  }
0x2: {  	[smem:$0x3F93] =	sst lr;
	_ =	strace $0xD0000000  }
0x3: {  	_ = 	snop  }
0x4: {  	_ = 	snop  }
0x5: {  	_ = 	snop  }
0x6: {  	_ = 	snop  }
0x7: {  	_ = 	snop  }
__scs_overlays_trampoline_lowered:
0x8: {  	[smem:$0x3FA2] =	sst s0  }
0x9: {  	[smem:$0x3FA3] =	sst s1  }
0xa: {  	[smem:$0x3FA4] =	sst s2  }
0xb: {  	[smem:$0x3FA5] =	sst s3  }
0xc: {  	[smem:$0x3FA6] =	sst s4  }
0xd: {  	[smem:$0x3FA7] =	sst s5  }
0xe: {  	[smem:$0x3FA8] =	sst s6  }
0xf: {  	[smem:$0x3FA9] =	sst s7  }
0x10: {  	[smem:$0x3FAA] =	sst s8  }
0x11: {  	[smem:$0x3FAB] =	sst s9;
	s0 =	simm.s32 @!p0 $0x0  }
0x12: {  	s1 =	sld [smem:$0x3F91];
	s0 =	simm.s32 @p0 $0x1  }
0x13: {  	[smem:$0x3FAC] =	sst s0;
	s0 =	simm.s32 @!p1 $0x0  }
0x14: {  	s2 =	sld [smem:$0x3F90];
	s0 =	simm.s32 @p1 $0x1  }
0x15: {  	[smem:$0x3FAD] =	sst s0;
	s0 =	simm.s32 @!p2 $0x0  }
0x16: {  	s3 =	sld [smem:$0x3FDB];
	s0 =	simm.s32 @p2 $0x1  }
0x17: {  	s4 =	simm.s32 $0x1BF5;
	[smem:$0x3FAF] =	sst s0  }
0x18: {  	s0 =	sld [smem:$0x3F92];
	_ =	swait.ge [sflag:s4], $0x0  }
0x19: {  	s7 =	sld [smem:$0x3F93]  }
0x1a: {  	s8 =	sadd.s32 $0xFFFFE003, lr  }
0x1b: {  	s9 =	sadd.s32 $0xFFFFFEF7, lr;
	s5 =	simm.s32 $0xFFFFFFFF;
	p2 =	slt.u32 s8, $0xFFFFF086  }
0x1c: {  	p1 =	slt.u32 s9, $0xF7A;
	s5 =	simm.s32 @!p2 $0x0  }
0x1d: {  	s5 =	simm.s32 @p1 $0x1;
	p0 =	seq.s32 s7, s2  }
0x1e: {  	s7 =	smul.u32 @!p0 $0xF7A, s2;
	p2 =	seq.s32 @!p0 s5, $0x0  }
0x1f: {  	s9 =	smul.u32 $0xF7A, s1;
	s8 =	simm.s32 @!p0 $0x1BF5;
	p2 =	por !p2, p0  }
0x20: {  	[sflag:s8] =	ssyncset.s32 @!p0 $0xFFFFF086;
	s6 =	sadd.s32 @!p0 s3, s7;
	s7 =	simm.s32 @!p0 $0x108  }
0x21: {  	s3 =	sadd.s32 s3, s9;
	s6 =	sadd.s32 @!p0 $0x88, s6;
	s7 =	simm.s32 @p2 $0x1082  }
0x22: {  	[simem:s7], [sflag:s8] =	dma.local @!p0 [hbm:s6], $0xF7A  }
0x23: {  	s9 =	sor.u32 $0xD0000000, s2;
	s6 =	simm.s32 $0x108;
	_ =	swait.ge @!p0 [sflag:s8], $0x0  }
0x24: {  	s3 =	sadd.s32 $0x88, s3;
	s6 =	simm.s32 @!p1 $0x1082;
	[sflag:s4] =	ssyncset.s32 $0xFFFFF086  }
0x25: {  	[simem:s6], [sflag:s4] =	dma.local [hbm:s3], $0xF7A  }
0x26: {  	[smem:$0x3F93] =	sst s1;
	(tag) =	ssettag s2;
	_ =	strace s9  }
0x27: {  	s1 =	sld [smem:$0x3FA3]  }
0x28: {  	s2 =	sld [smem:$0x3FA4]  }
0x29: {  	s4 =	sld [smem:$0x3FA6]  }
0x2a: {  	p0 =	seq.s32 s5, $0x0;
	s5 =	sld [smem:$0x3FA7]  }
0x2b: {  	s6 =	sld [smem:$0x3FA8]  }
0x2c: {  	s7 =	sld [smem:$0x3FA9]  }
0x2d: {  	s3 =	simm.s32 $0x108;
	s8 =	sld [smem:$0x3FAA]  }
0x2e: {  	s3 =	simm.s32 @!p0 $0x1082;
	s9 =	sld [smem:$0x3FAB]  }
0x2f: {  	lr =	sadd.s32 s0, s3;
	s0 =	sld [smem:$0x3FA2]  }
0x30: {  	s3 =	sld [smem:$0x3FA5]  }
0x31: {  	[smem:$0x3FAE] =	sst s10  }
0x32: {  	s10 =	sld [smem:$0x3FAC];
	_ =	sdelay $0x3  }
0x33: {  	p0 =	seq.s32 s10, $0x1;
	s10 =	sld [smem:$0x3FAE];
	_ =	sdelay $0x3  }
0x34: {  	[smem:$0x3FAE] =	sst s10  }
0x35: {  	s10 =	sld [smem:$0x3FAD];
	_ =	sdelay $0x3  }
0x36: {  	p1 =	seq.s32 s10, $0x1;
	s10 =	sld [smem:$0x3FAE];
	_ =	sdelay $0x3  }
0x37: {  	[smem:$0x3FAE] =	sst s10  }
0x38: {  	s10 =	sld [smem:$0x3FAF]  }
0x39: {  	_ = 	snop;
	(pc) =	sbr.ind lr, $3  }
0x3a: {  	_ = 	snop  }
0x3b: {  	_ = 	snop  }
0x3c: {  	p2 =	seq.s32 s10, $0x1;
	s10 =	sld [smem:$0x3FAE]  }
0x3d: {  	_ =	shalt  }
0x3e: {  	_ =	shalt  }
0x3f: {  	_ =	shalt  }
0x40: {  	_ =	shalt  }
0x41: {  	_ =	shalt  }
0x42: {  	_ =	shalt  }
0x43: {  	_ =	shalt  }
0x44: {  	_ =	shalt  }
0x45: {  	_ =	shalt  }
0x46: {  	_ =	shalt  }
0x47: {  	_ =	shalt  }
0x48: {  	_ =	shalt  }
0x49: {  	_ =	shalt  }
0x4a: {  	_ =	shalt  }
0x4b: {  	_ =	shalt  }
0x4c: {  	_ =	shalt  }
0x4d: {  	_ =	shalt  }
0x4e: {  	_ =	shalt  }
0x4f: {  	_ =	shalt  }
0x50: {  	_ =	shalt  }
0x51: {  	_ =	shalt  }
0x52: {  	_ =	shalt  }
0x53: {  	_ =	shalt  }
0x54: {  	_ =	shalt  }
0x55: {  	_ =	shalt  }
0x56: {  	_ =	shalt  }
0x57: {  	_ =	shalt  }
0x58: {  	_ =	shalt  }
0x59: {  	_ =	shalt  }
0x5a: {  	_ =	shalt  }
0x5b: {  	_ =	shalt  }
0x5c: {  	_ =	shalt  }
0x5d: {  	_ =	shalt  }
0x5e: {  	_ =	shalt  }
0x5f: {  	_ =	shalt  }
0x60: {  	_ =	shalt  }
0x61: {  	_ =	shalt  }
0x62: {  	_ =	shalt  }
0x63: {  	_ =	shalt  }
0x64: {  	_ =	shalt  }
0x65: {  	_ =	shalt  }
0x66: {  	_ =	shalt  }
0x67: {  	_ =	shalt  }
0x68: {  	_ =	shalt  }
0x69: {  	_ =	shalt  }
0x6a: {  	_ =	shalt  }
0x6b: {  	_ =	shalt  }
0x6c: {  	_ =	shalt  }
0x6d: {  	_ =	shalt  }
0x6e: {  	_ =	shalt  }
0x6f: {  	_ =	shalt  }
0x70: {  	_ =	shalt  }
0x71: {  	_ =	shalt  }
0x72: {  	_ =	shalt  }
0x73: {  	_ =	shalt  }
0x74: {  	_ =	shalt  }
0x75: {  	_ =	shalt  }
0x76: {  	_ =	shalt  }
0x77: {  	_ =	shalt  }
0x78: {  	_ =	shalt  }
0x79: {  	_ =	shalt  }
0x7a: {  	_ =	shalt  }
0x7b: {  	_ =	shalt  }
0x7c: {  	_ =	shalt  }
0x7d: {  	_ =	shalt  }
0x7e: {  	_ =	shalt  }
0x7f: {  	_ =	shalt  }
0x80: {  	_ =	shalt  }
0x81: {  	_ =	shalt  }
0x82: {  	_ =	shalt  }
0x83: {  	_ =	shalt  }
0x84: {  	_ =	shalt  }
0x85: {  	_ =	shalt  }
0x86: {  	_ =	shalt  }
0x87: {  	_ =	shalt  }
.Lfunc_end0:
.L_simem_size_0:
called_computation.1_lowered:
.L_overlay_start_0:
0x88: {  	s2 =	sld [smem:$0x3FD9]  }
0x89: {  	s3 =	sld [smem:$0x3FFE];
	_ =	sdelay $0x1  }
0x8a: {  	s1 =	srdreg.scid  }
0x8b: {  	s0 =	sand.u32 $0x1, s1  }
0x8c: {  	s16 =	sshll.u32 s0, $0xA;
	s2 =	sadd.s32 s3, s2  }
0x8d: {  	s2 =	sadd.s32 s2, s16  }
0x8e: {  	[smem:$0x3FBA] =	sst s2  }
0x8f: {  	_ = 	snop  }
0x90: {  	(tm) =	ssettm $0x1  }
0x91: {  	s17 =	sld [smem:$0x3FFB];
	_ =	sdelay $0x3  }
0x92: {  	_ =	strace s17  }
0x93: {  	s2 =	sld [smem:$0x3FFC];
	_ =	sdelay $0x3  }
0x94: {  	_ =	strace s2  }
0x95: {  	s2 =	sld [smem:$0x3FFD];
	_ =	sdelay $0x3  }
0x96: {  	_ =	strace s2  }
0x97: {  	_ =	strace $0x8FFFFFFF  }
0x98: {  	s18 =	sld [smem:$0x3FDB];
	_ =	sdelay $0x1  }
0x99: {  	s19 =	simm.s32 $_scs_section_size  }
0x9a: {  	s4 =	simm.s32 $_size__tile_overlayer_lowered;
	s5 =	simm.s32 $_tile_overlayer_lowered  }
0x9b: {  	s22 =	simm.s32 $0x1BFF;
	s21 =	sshll.u32 s5, $0x1;
	s2 =	sadd.s32 s19, s18  }
0x9c: {  	s6 =	simm.s32 $0x0;
	s20 =	sshll.u32 s4, $0x1;
	s4 =	sadd.s32 s21, s2  }
0x9d: {  	[timem:s6], [sflag:s22] =	dma.local [hbm:s4], s20  }
0x9e: {  	_ =	swait.ge [sflag:s22], s20  }
0x9f: {  	s3 =	ssub.s32 $0x0, s20;
	[sflag:s22] =	ssyncset.done $0x0  }
0xa0: {  	[sflag:s22] =	ssyncadd.s32 s3;
	_ =	sdelay $0x1  }
0xa1: {  	s23 =	simm.s32 $0x1B8B  }
0xa2: {  	_ =	swait.ge [sflag:s23], $0x1  }
0xa3: {  	[sflag:s23] =	ssyncset.done $0x0  }
0xa4: {  	s25 =	simm.s32 $0x1B8E;
	s24 =	sld [smem:$0x3FFE];
	[sflag:s23] =	ssyncadd.s32 $0xFFFFFFFF  }
0xa5: {  	s26 =	simm.s32 $execute0_lowered;
	[smem:$0x3FD2] =	sst s25  }
0xa6: {  	s4 =	sshll.u32 s26, $0x1;
	_ =	strace $0x80000046;
	[dreg:$0x1] =	wrdreg $0xFFFFFFFF  }
0xa7: {  	s28 =	simm.s32 $_size_execute0_lowered;
	s2 =	sadd.s32 s2, s4;
	[dreg:$0x0] =	wrdreg $0x0  }
0xa8: {  	s4 =	sshll.u32 s28, $0x1;
	[dreg:$0x2] =	wrdreg s2  }
0xa9: {  	[dreg:$0x3] =	wrdreg s4  }
0xaa: {  	[dreg:$0x4] =	wrdreg $0xC0  }
0xab: {  	_ =	task [dreg:s6], $0x5FFFF  }
0xac: {  	[dreg:$0x1] =	wrdreg $0xFFFFFFFF  }
0xad: {  	[dreg:$0x0] =	wrdreg $0x60  }
0xae: {  	[dreg:$0x2] =	wrdreg s24  }
0xaf: {  	[dreg:$0x3] =	wrdreg $0xA  }
0xb0: {  	_ =	task.clear_ibuf [dreg:s6], $0x4FFFF;
	_ =	strace $0x90000046  }
0xb1: {  	s29 =	simm.s32 $0xA;
	_ =	strace $0x80000048  }
0xb2: {  	_ =	swait.ge [sflag:s29], $0x1  }
0xb3: {  	[sflag:s29] =	ssyncadd.s32 $0xFFFFFFFF  }
0xb4: {  	_ =	strace $0x90000048  }
0xb5: {  	_ =	sfence  }
0xb6: {  	s30 =	sld [smem:$0x0];
	_ =	sdelay $0x2  }
0xb7: {  	s31 =	sshll.u32 s1, $0xD;
	s1 =	sshrl.u32 s1, $0x2  }
0xb8: {  	s3 =	sand.u32 $0x4000, s31;
	s1 =	sadd.s32 s1, s30  }
0xb9: {  	s0 =	sor.u32 s3, s0;
	s1 =	sshll.u32 s1, $0x11  }
0xba: {  	s0 =	sor.u32 s1, s0  }
0xbb: {  	s0 =	sadd.s32 $0x8F2B, s0  }
0xbc: {  	[sflag:s0] =	ssyncadd.remote.s32 $0x1  }
0xbd: {  	_ =	sfence.sel $0xFFFF  }
0xbe: {  	[dreg:$0x0] =	wrdreg $0xFFFFFFFF;
	(pc) =	sbr.abs _section_cstart, $3  }
0xbf: {  	[dreg:$0x1] =	wrdreg $0xFFFFFFFF  }
0xc0: {  	_ =	task.clear_ibuf [dreg:s6], $0x2FFFF;
	_ =	strace $0x9FFFFFFF  }
0xc1: {  	(tm) =	ssettm $0x7FFFFFFF  }
tec
execute0_lowered:
.L_overlay_start_1:
0x0: {  	(tag) =	ssettag $0x1  }
0x1: {  	s1 =	srdreg.scid  }
0x2: {  	s0 =	stileid.u32;
	s5 =	rddreg [dreg:$0x0];
	s2 =	simm.s32 $0x0  }
0x3: {  	s8 =	simm.s32 $0x2;
	s9 =	simm.s32 $0xD00;
	s10 =	simm.s32 $0x80  }
0x4: {  	s11 =	simm.s32 $0x1A00;
	s12 =	simm.s32 $0x3400;
	s13 =	simm.s32 $0x1  }
0x5: {  	s14 =	simm.s32 $0x10400;
	s4 =	sand.u32 $0x1, s1;
	s3 =	sshll.u32 s0, $0x1  }
0x6: {  	s15 =	simm.s32 $0x0;
	s1 =	rddreg [dreg:$0x1];
	s3 =	sor.u32 s4, s3  }
0x7: {  	[smem:$0x7FF] =	sst s2;
	s7 =	ssub.s32 $0x2, s4;
	s6 =	smul.u32 $0x1A0, s3  }
0x8: {  	_ =	strace $0x80000047;
	s4 =	sadd.s32 $0x4A00, s5;
	s31 =	sshrl.u32 s7, $0x1  }
0x9: {  	v0 =	vlaneseq.u32;
	s3 =	sadd.s32 $0x54000, s5;
	s7 =	ssub.s32 s7, s31;
	s6 =	sadd.s32 s6, s5  }
0xa: {  	v0 =	vmul.u32 $0x10, v0;
	s7 =	smax.u32 s7, $0x1;
	s5 =	sadd.s32 $0x1600, s6;
	s6 =	sadd.s32 $0x54200, s6  }
.LBB2_1:
0xb: {  	[tilespmem:s2], [sflag:$0x2] =	stream.linear.gather [hbm4b:s5+s2], $0xD00, $0x38;
	[tilespmem:$0x11100] =	vst v63  }
0xc: {  	_ =	swait.ge [sflag:s8], $0xD00  }
0xd: {  	[sflag:s8] =	ssyncset.done $0x0  }
0xe: {  	[sflag:s8] =	ssyncadd.s32 $0xFFFFF300  }
0xf: {  	[tilespmem:s9], [sflag:$0x2] =	stream.linear.gather [hbm4b:s3+s2], $0xD00, $0x38;
	[tilespmem:$0x11100] =	vst v63  }
0x10: {  	_ =	swait.ge [sflag:s8], $0xD00  }
0x11: {  	[sflag:s8] =	ssyncset.done $0x0  }
0x12: {  	s16 =	simm.s32 $0x0;
	[sflag:s8] =	ssyncadd.s32 $0xFFFFF300  }
0x13: {  	v1 =	vld [tilespmem:s16+$0x0]  }
0x14: {  	v2 =	vld [tilespmem:s16+$0xD00];
	_ =	sdelay $0x1  }
0x15: {  	s17 =	simm.s32 $0x40  }
.LBB2_2:
0x16: {  	p0 =	sne.s32 s17, $0x33C0  }
.Ltmp0:
0x17: {  	s18 =	sshra.s32 s17, $0x2;
	(pc) =	sbr.rel @p0 .LBB2_2-.Ltmp0, $4  }
0x18: {  	s17 =	sadd.s32 $0x40, s17;
	v3 =	vadd.s32 v1, v2;
	v1 =	vld [tilespmem:s18+$0x0]  }
0x19: {  	v2 =	vld [tilespmem:s18+$0xD00];
	v4 =	vshrl.u32 v3, $0x4;
	v3 =	vand.u32 $0xF, v3  }
0x1a: {  	[tilespmem:s16+$0x2700] =	vst v3  }
0x1b: {  	[tilespmem:s16+$0x1A00] =	vst v4;
	s16 =	smov.u32 s18  }
0x1c: {  	_ =	sdelay $0x1  }
0x1d: {  	v1 =	vadd.s32 v1, v2  }
0x1e: {  	v2 =	vand.u32 $0xF, v1  }
0x1f: {  	v1 =	vshrl.u32 v1, $0x4;
	[tilespmem:s16+$0x2700] =	vst v2  }
0x20: {  	[tilespmem:s16+$0x1A00] =	vst v1  }
0x21: {  	[tilespmem:s12], [sflag:$0x1] =	stream.indirect.gather [hbm4b:s4+s10], $0x10, s11, s10, $0xb8;
	[tilespmem:$0x11100] =	vst v63  }
0x22: {  	s17 =	simm.s32 $0x1A80;
	s16 =	simm.s32 $0x3C00  }
0x23: {  	[tilespmem:s16], [sflag:$0x1] =	stream.indirect.gather [hbm4b:s4+s10], $0x10, s17, s10, $0xb8;
	[tilespmem:$0x11100] =	vst v63  }
0x24: {  	s17 =	simm.s32 $0x400;
	_ =	swait.ge [sflag:s13], $0x800  }
.LBB2_4:
0x25: {  	s18 =	sshra.s32 s17, $0x2  }
0x26: {  	[sflag:s13] =	ssyncset.done $0x0;
	s16 =	sadd.s32 $0x800, s16;
	p0 =	sne.s32 s17, $0x3200  }
.Ltmp1:
0x27: {  	s18 =	sadd.s32 $0x1A00, s18;
	[sflag:s13] =	ssyncadd.s32 $0xFFFFF800;
	(pc) =	sbr.rel @p0 .LBB2_4-.Ltmp1, $3  }
0x28: {  	[tilespmem:s16], [sflag:$0x1] =	stream.indirect.gather [hbm4b:s4+s10], $0x10, s18, s10, $0xb8;
	[tilespmem:$0x11100] =	vst v63  }
0x29: {  	s17 =	sadd.s32 $0x200, s17;
	_ =	sdelay $0x1  }
0x2a: {  	_ =	swait.ge [sflag:s13], $0x800  }
0x2b: {  	[sflag:s13] =	ssyncset.done $0x0  }
0x2c: {  	[sflag:s13] =	ssyncadd.s32 $0xFFFFF800  }
0x2d: {  	_ =	swait.ge [sflag:s13], $0x800  }
0x2e: {  	[sflag:s13] =	ssyncset.done $0x0  }
0x2f: {  	s16 =	simm.s32 $0x2700;
	[sflag:s13] =	ssyncadd.s32 $0xFFFFF800  }
0x30: {  	v1 =	vld [tilespmem:s16+$0x0];
	_ =	sdelay $0x1  }
0x31: {  	s31 =	simm.s32 $0x0  }
0x32: {  	v2 =	vmov s31  }
0x33: {  	v2 =	vshll.u32 v2, $0x4  }
0x34: {  	v2 =	vor.u32 v0, v2;
	v3 =	vand.u32 $0xFFFFFFF8, v1  }
0x35: {  	v1 =	vand.u32 $0x7, v1;
	v2 =	vadd.s32 v2, v3  }
0x36: {  	v1 =	vor.u32 v1, v2;
	_ =	sdelay $0x4  }
0x37: {  	v1 =	vld.idx.msk [tilespmem:v1+s12+$0x0], $0xffff;
	_ =	sdelay $0x3  }
0x38: {  	s16 =	simm.s32 $0x10400  }
0x39: {  	s17 =	simm.s32 $0x2710;
	[tilespmem:s16+$0x0] =	vst v1  }
0x3a: {  	s18 =	simm.s32 $0x10;
	s19 =	simm.s32 $0x20;
	v1 =	vld [tilespmem:s17+$0x0]  }
.LBB2_6:
0x3b: {  	p0 =	sne.s32 s19, $0xCF0;
	_ =	sdelay $0x1  }
0x3c: {  	v2 =	vmov s18;
	s18 =	smov.u32 s19  }
0x3d: {  	v2 =	vshll.u32 v2, $0x4  }
0x3e: {  	v2 =	vor.u32 v0, v2;
	v3 =	vand.u32 $0xFFFFFFF8, v1  }
0x3f: {  	v1 =	vand.u32 $0x7, v1;
	v2 =	vadd.s32 v2, v3  }
0x40: {  	v1 =	vor.u32 v1, v2;
	_ =	sdelay $0x4  }
0x41: {  	v1 =	vld.idx.msk [tilespmem:v1+s12+$0x0], $0xffff;
	_ =	sdelay $0x2  }
.Ltmp2:
0x42: {  	(pc) =	sbr.rel @p0 .LBB2_6-.Ltmp2, $4  }
0x43: {  	_ = 	snop  }
0x44: {  	s16 =	sadd.s32 $0x10, s16  }
0x45: {  	s17 =	sadd.s32 $0x10, s17;
	[tilespmem:s16+$0x0] =	vst v1  }
0x46: {  	s19 =	sadd.s32 $0x10, s19;
	v1 =	vld [tilespmem:s17+$0x0]  }
0x47: {  	_ =	sdelay $0x1  }
0x48: {  	v2 =	vmov s18  }
0x49: {  	v2 =	vshll.u32 v2, $0x4  }
0x4a: {  	v2 =	vor.u32 v0, v2;
	v3 =	vand.u32 $0xFFFFFFF8, v1  }
0x4b: {  	v1 =	vand.u32 $0x7, v1;
	v2 =	vadd.s32 v2, v3  }
0x4c: {  	v1 =	vor.u32 v1, v2;
	_ =	sdelay $0x4  }
0x4d: {  	v1 =	vld.idx.msk [tilespmem:v1+s12+$0x0], $0xffff;
	_ =	sdelay $0x2  }
0x4e: {  	s15 =	sadd.s32 $0x1, s15  }
0x4f: {  	s16 =	sadd.s32 $0x10, s16;
	p0 =	sne.s32 s15, s7  }
.Ltmp3:
0x50: {  	[tilespmem:s16+$0x0] =	vst v1;
	(pc) =	sbr.rel @p0 .LBB2_1-.Ltmp3, $4  }
0x51: {  	[hbm4b:s6+s2] =	stream.linear.scatter [tilespmem:s14], [sflag:$0x2], $0xD00, $0x38;
	[tilespmem:$0x11100] =	vst v63  }
0x52: {  	_ =	swait.ge [sflag:s8], $0xD00  }
0x53: {  	[sflag:s8] =	ssyncset.done $0x0  }
0x54: {  	[sflag:s8] =	ssyncadd.s32 $0xFFFFF300  }
0x55: {  	_ =	sfence.sel $0x180000  }
0x56: {  	[bflag:$0x0] =	sbarrier.arrive $0xFFFF  }
0x57: {  	p0 =	sne.s32 s0, $0x0;
	_ =	strace $0x90000047  }
0x58: {  	s0 =	sadd.s32 @!p0 $0x100000, s1;
	[bflag:$0x2] =	sbarrier.arrive $0xFFFF  }
0x59: {  	[sflag:s0] =	ssyncadd.tile.s32 @!p0 $0x1;
	_ =	shalt  }
.Lfunc_end2:
_tile_overlayer_lowered:
.L_overlay_start_2:
0x5a: {  	(tag) =	ssettag $0x2  }
0x5b: {  	s0 =	rddreg [dreg:$0x0];
	s2 =	stileid.u32  }
0x5c: {  	s1 =	rddreg [dreg:$0x1];
	p0 =	sne.s32 s2, $0x0  }
0x5d: {  	s3 =	rddreg [dreg:$0x2];
	[bflag:$0x3] =	sbarrier.arrive $0xFFFF;
	s2 =	simm.s32 @!p0 $0x1C02  }
0x5e: {  	[timem:s3], [sflag:s2] =	dma.local @!p0 [hbm:s0], s1  }
0x5f: {  	s0 =	simm.s32 @!p0 $0x2  }
0x60: {  	_ =	swait.ge @!p0 [sflag:s0], s1  }
0x61: {  	s1 =	ssub.s32 @!p0 $0x0, s1;
	[sflag:s0] =	ssyncset.done @!p0 $0x0  }
0x62: {  	[sflag:s0] =	ssyncadd.s32 @!p0 s1  }
0x63: {  	[bflag:$0x3] =	sbarrier.arrive $0xFFFF  }
0x64: {  	_ =	shalt  }

</sc_bundles>
